<compile_context>
chip_gen: v7x
topology: tpu7x:2x2x1
jax: 0.10.2.dev20260603
libtpu: 0.0.44.dev20260713+nightly
codegen_flags: <defaults>
</compile_context>

<pallas_src>
import functools

import jax
import jax.numpy as jnp
from jax import lax
from jax.experimental import pallas as pl
from jax.experimental.pallas import tpu as pltpu
from jax.experimental.pallas import tpu_sc as plsc

D = 16
X = 3
IDXW = 128
SUB = 4
CHUNK = SUB * IDXW
ZROWS = 448


def _sc_edge_kernel(n_pad, e_pad, n_nodes):
    n_tiles = 16
    rows_per_tile = n_pad // n_tiles
    ept = e_pad // n_tiles
    n_chunks = ept // CHUNK
    n_pairs = n_chunks // 2
    assert n_pad % (n_tiles * ZROWS) == 0
    assert ept % (2 * CHUNK) == 0 and CHUNK % IDXW == 0

    mesh = plsc.VectorSubcoreMesh(core_axis_name="c", subcore_axis_name="s")

    @functools.partial(
        pl.kernel,
        out_type=jax.ShapeDtypeStruct((4, n_pad, D), jnp.float32),
        mesh=mesh,
        compiler_params=pltpu.CompilerParams(use_tc_tiling_on_sc=False),
        scratch_types=[
            pltpu.VMEM((SUB, IDXW), jnp.int32),
            pltpu.VMEM((SUB, IDXW), jnp.int32),
            pltpu.VMEM((SUB, IDXW), jnp.int32),
            pltpu.VMEM((SUB, IDXW), jnp.int32),
            pltpu.VMEM((CHUNK, D), jnp.float32),
            pltpu.VMEM((CHUNK, D), jnp.float32),
            pltpu.VMEM_SHARED((n_pad, D), jnp.float32),
            pltpu.SemaphoreType.DMA,
            pltpu.SemaphoreType.DMA,
            pltpu.SemaphoreType.DMA,
        ],
    )
    def body(ii2, jj2, px_tf, sp,
             ibA, ibB, jbA, jbB, rowsA, rowsB, acc, semA, semB, semF):
        c = lax.axis_index("c")
        t = lax.axis_index("s")

        def fill_rows(ref, count, value):
            row = jnp.full((D,), value, dtype=jnp.float32)

            def fill(i, _):
                ref[i, :] = row
                return 0

            lax.fori_loop(0, count, fill, 0)

        tile_row0 = t * rows_per_tile
        idx_row0 = t * (ept // IDXW)

        def load_idx(k, ib, jb, with_j):
            r0 = idx_row0 + k * SUB
            pltpu.sync_copy(ii2.at[pl.ds(r0, SUB)], ib)
            if with_j:
                pltpu.sync_copy(jj2.at[pl.ds(r0, SUB)], jb)

        def zero_acc():
            fill_rows(rowsA, ZROWS, 0.0)
            zsrc = rowsA.at[pl.ds(0, ZROWS), :]
            for z in range(rows_per_tile // ZROWS):
                pltpu.sync_copy(
                    zsrc, acc.at[pl.ds(tile_row0 + z * ZROWS, ZROWS), :])

        def flush(out_idx):
            stages = (rowsA, rowsB)
            nz = rows_per_tile // ZROWS
            for z in range(nz):
                r0 = tile_row0 + z * ZROWS
                stage = stages[z % 2].at[pl.ds(0, ZROWS), :]
                if z >= 2:
                    pltpu.make_async_copy(
                        stage, sp.at[out_idx, pl.ds(r0, ZROWS), :], semF).wait()
                pltpu.sync_copy(acc.at[pl.ds(r0, ZROWS), :], stage)
                pltpu.async_copy(
                    stage, sp.at[out_idx, pl.ds(r0, ZROWS), :], semF)
            for z in range(nz - 2, nz):
                r0 = tile_row0 + z * ZROWS
                stage = stages[z % 2].at[pl.ds(0, ZROWS), :]
                pltpu.make_async_copy(
                    stage, sp.at[out_idx, pl.ds(r0, ZROWS), :], semF).wait()

        def slice_pass(tidx):
            table = px_tf.at[pl.ds(tidx * n_nodes, n_nodes), :]

            def gathers(jb, rows, sem):
                for r in range(SUB):
                    dst = rows.at[pl.ds(r * IDXW, IDXW), :]
                    pltpu.async_copy(table.at[jb.at[r]], dst, sem)

            def drain(jb, rows, sem):
                for r in range(SUB):
                    dst = rows.at[pl.ds(r * IDXW, IDXW), :]
                    pltpu.make_async_copy(table.at[jb.at[r]], dst, sem).wait()

            def scatters(ib, rows):
                for r in range(SUB):
                    src = rows.at[pl.ds(r * IDXW, IDXW), :]
                    pltpu.sync_copy(src, acc.at[ib.at[r]], add=True)

            load_idx(0, ibA, jbA, True)
            gathers(jbA, rowsA, semA)

            def pair(q, _):
                load_idx(2 * q + 1, ibB, jbB, True)
                gathers(jbB, rowsB, semB)
                drain(jbA, rowsA, semA)
                scatters(ibA, rowsA)

                @pl.when(q < n_pairs - 1)
                def _():
                    load_idx(2 * q + 2, ibA, jbA, True)
                    gathers(jbA, rowsA, semA)

                drain(jbB, rowsB, semB)
                scatters(ibB, rowsB)
                return 0

            lax.fori_loop(0, n_pairs, pair, 0)

        def deg_pass():
            ones_src = (rowsA.at[pl.ds(0, IDXW), :], rowsB.at[pl.ds(0, IDXW), :])

            def scatters(ib, src):
                for r in range(SUB):
                    pltpu.sync_copy(src, acc.at[ib.at[r]], add=True)

            load_idx(0, ibA, jbA, False)

            def pair3(q, _):
                load_idx(2 * q + 1, ibB, jbB, False)
                scatters(ibA, ones_src[0])

                @pl.when(q < n_pairs - 1)
                def _():
                    load_idx(2 * q + 2, ibA, jbA, False)

                scatters(ibB, ones_src[1])
                return 0

            lax.fori_loop(0, n_pairs, pair3, 0)

        zero_acc()
        plsc.subcore_barrier()
        slice_pass(2 * c)
        plsc.subcore_barrier()
        flush(2 * c)

        zero_acc()

        @pl.when(c == 1)
        def _():
            fill_rows(rowsA, IDXW, 1.0)
            fill_rows(rowsB, IDXW, 1.0)

        plsc.subcore_barrier()

        @pl.when(c == 0)
        def _():
            slice_pass(jnp.int32(1))

        @pl.when(c == 1)
        def _():
            deg_pass()

        plsc.subcore_barrier()
        flush(2 * c + 1)

    return body


def _tc_combine(px_tf, sp, Wi, Wj, Wff, n, n_pad, block_r):
    rows_per_plane = n_pad * D // 128
    assert rows_per_plane % block_r == 0
    nb = rows_per_plane // block_r
    px_v = px_tf.reshape(X * rows_per_plane, 128)
    sp_v = sp.reshape(4, rows_per_plane, 128)

    def body(px_ref, sps_ref, spd_ref, wi_ref, wj_ref, wff_ref, out_ref):
        eye8 = jnp.eye(8, dtype=jnp.float32)
        a = jnp.dot(wi_ref[...], wff_ref[...], preferred_element_type=jnp.float32)
        b = jnp.dot(wj_ref[...], wff_ref[...], preferred_element_type=jnp.float32)
        ka = jnp.kron(eye8, a)
        kb = jnp.kron(eye8, b)
        out_ref[...] = spd_ref[0] * jnp.dot(
            px_ref[...], ka, preferred_element_type=jnp.float32
        ) + jnp.dot(sps_ref[0], kb, preferred_element_type=jnp.float32)

    outf = pl.pallas_call(
        body,
        grid=(X, nb),
        in_specs=[
            pl.BlockSpec((block_r, 128), lambda p, i: (p * nb + i, 0)),
            pl.BlockSpec((1, block_r, 128), lambda p, i: (p, i, 0)),
            pl.BlockSpec((1, block_r, 128), lambda p, i: (3, i, 0)),
            pl.BlockSpec((D, D), lambda p, i: (0, 0)),
            pl.BlockSpec((D, D), lambda p, i: (0, 0)),
            pl.BlockSpec((D, D), lambda p, i: (0, 0)),
        ],
        out_specs=pl.BlockSpec((block_r, 128), lambda p, i: (p * nb + i, 0)),
        out_shape=jax.ShapeDtypeStruct((X * rows_per_plane, 128), jnp.float32),
    )(px_v, sp_v, sp_v, Wi, Wj, Wff)

    return jnp.transpose(outf.reshape(X, n_pad, D)[:, :n, :], (1, 0, 2))


def kernel(ind_2, px, Wi, Wj, Wff):
    e = ind_2.shape[0]
    n = px.shape[0]

    ept = -(-e // (16 * 2 * CHUNK)) * (2 * CHUNK)
    e_pad = 16 * ept
    n_pad = -(-(n + 1) // (16 * ZROWS)) * (16 * ZROWS)

    assert e % IDXW == 0
    pad_rows = (e_pad - e) // IDXW
    ii2 = jnp.concatenate(
        [ind_2[:, 0].reshape(e // IDXW, IDXW),
         jnp.full((pad_rows, IDXW), n, jnp.int32)])
    jj2 = jnp.concatenate(
        [ind_2[:, 1].reshape(e // IDXW, IDXW),
         jnp.zeros((pad_rows, IDXW), jnp.int32)])

    px_t = lax.pad(jnp.transpose(px, (1, 0, 2)),
                   jnp.float32(0), ((0, 0, 0), (0, n_pad - n, 0), (0, 0, 0)))
    px_tf = px_t.reshape(X * n_pad, D)
    sc = _sc_edge_kernel(n_pad, e_pad, n_pad)
    sp = sc(ii2, jj2, px_tf)

    return _tc_combine(px_tf, sp, Wi, Wj, Wff, n, n_pad, block_r=1568)

# --- scband reference (transcript-rebuilt; emitter-appended) ---
"""Pipeline reference for scband-pi-net2-p5-dot-i-8186207667018 (READ-ONLY COPY).

The authoritative reference and input builder live on the scoring server;
editing this copy changes nothing except your own understanding.
"""

import jax, jax.numpy as jnp
import numpy as np

N_NODES = 100000
N_EDGES = 1600000
D = 16
X = 3

def setup_inputs(seed: int = 0) -> dict:
    key = jax.random.key(seed)
    k1, k2, k3, k4, k5 = jax.random.split(key, 5)
    ind_2 = jax.random.randint(k1, (N_EDGES, 2), 0, N_NODES, dtype=jnp.int32)
    px = jax.random.normal(k2, (N_NODES, X, D), dtype=jnp.float32)
    # learned params: PIXLayer.wi / PIXLayer.wj (Dense, no bias) and FFLayer weight (no bias)
    Wi = jax.random.normal(k3, (D, D), dtype=jnp.float32) * (1.0 / np.sqrt(D))
    Wj = jax.random.normal(k4, (D, D), dtype=jnp.float32) * (1.0 / np.sqrt(D))
    Wff = jax.random.normal(k5, (D, D), dtype=jnp.float32) * (1.0 / np.sqrt(D))
    return {"ind_2": ind_2, "px": px, "Wi": Wi, "Wj": Wj, "Wff": Wff}

def reference(ind_2, px, Wi, Wj, Wff):
    # Weighted PIXLayer: I_ijxg = W'_zg * gather_i(P)_ixz + W''_zg * gather_j(P)_jxz,
    # followed by the (linear, bias-free) FFLayer, then IPLayer scatter-add back to atoms.
    ind_i = ind_2[:, 0]
    ind_j = ind_2[:, 1]
    px_i = jnp.take(px, ind_i, axis=0)            # (E, x, D) gather
    px_j = jnp.take(px, ind_j, axis=0)            # (E, x, D) gather
    inter = jnp.einsum('exd,df->exf', px_i, Wi) + jnp.einsum('exd,df->exf', px_j, Wj)
    inter = jnp.einsum('exd,df->exf', inter, Wff)  # FFLayer (activation=None, no bias)
    # IPLayer: unsorted segment sum of pair interactions onto center atoms
    p_out = jax.ops.segment_sum(inter, ind_i, num_segments=N_NODES)  # (N, x, D)
    return p_out

if __name__ == "__main__":
    import jax
    _d = setup_inputs()
    print(jax.jit(kernel)(*tuple(_d.values())))

</pallas_src>

<mosaic_0001>
#map = affine_map<(d0, d1) -> (0, 0)>
#map1 = affine_map<(d0, d1) -> (0, 0, 0)>
module attributes {stable_mosaic.version = 14 : i64} {
  func.func @body(%arg0: i32, %arg1: i32, %arg2: memref<12544x128xi32, #tpu.memory_space<hbm>>, %arg3: memref<12544x128xi32, #tpu.memory_space<hbm>>, %arg4: memref<301056x16xf32, #tpu.memory_space<hbm>>, %arg5: memref<4x100352x16xf32, #tpu.memory_space<hbm>>, %arg6: memref<4x128xi32, #tpu.memory_space<vmem>>, %arg7: memref<4x128xi32, #tpu.memory_space<vmem>>, %arg8: memref<4x128xi32, #tpu.memory_space<vmem>>, %arg9: memref<4x128xi32, #tpu.memory_space<vmem>>, %arg10: memref<512x16xf32, #tpu.memory_space<vmem>>, %arg11: memref<512x16xf32, #tpu.memory_space<vmem>>, %arg12: memref<100352x16xf32, #tpu.memory_space<vmem_shared>>, %arg13: memref<!tpu.dma_semaphore, #tpu.memory_space<semaphore_mem>>, %arg14: memref<!tpu.dma_semaphore, #tpu.memory_space<semaphore_mem>>, %arg15: memref<!tpu.dma_semaphore, #tpu.memory_space<semaphore_mem>>) attributes {dimension_semantics = [#tpu.dimension_semantics<core_parallel>, #tpu.dimension_semantics<subcore_parallel>], iteration_bounds = array<i64: 2, 16>, scalar_prefetch = 0 : i64, scratch_operands = 10 : i64, tpu.core_type = #tpu.core_type<sc_vector_subcore>, window_params = [{transform_indices = #map}, {transform_indices = #map}, {transform_indices = #map}, {transform_indices = #map1}]} {
    %mul3A = arith.constant 6272 : i32
    %mul3A_0 = arith.muli %arg1, %mul3A : i32
    %mul3A_1 = arith.constant 784 : i32
    %mul3A_2 = arith.muli %arg1, %mul3A_1 : i32
    %broadcast_in_dim3A = arith.constant 0.000000e+00 : f32
    %broadcast_in_dim3A_3 = vector.broadcast %broadcast_in_dim3A : f32 to vector<16xf32>
    %scan3A = arith.constant 0 : i32
    %scan3A_4 = arith.constant 0 : i32
    %scan3A_5 = arith.constant 448 : i32
    %scan3A_6 = arith.addi %scan3A_4, %scan3A_5 : i32
    %scan3A_7 = arith.constant 1 : i32
    %scan3A_8 = scf.for %scan3A_890 = %scan3A_4 to %scan3A_6 step %scan3A_7 iter_args(%scan3A_891 = %scan3A) -> (i32)  : i32 {
      %swap3A = arith.index_cast %scan3A_890 : i32 to index
      %swap3A_892 = arith.constant 0 : index
      %swap3A_893 = tpu.vector_load %arg10[%swap3A, %swap3A_892] {strides = array<i32>} : memref<512x16xf32, #tpu.memory_space<vmem>>, vector<1x16xf32>,
      %swap3A_894 = vector.shape_cast %swap3A_893 : vector<1x16xf32> to vector<16xf32>
      %swap3A_895 = vector.shape_cast %broadcast_in_dim3A_3 : vector<16xf32> to vector<1x16xf32>
      tpu.vector_store %arg10[%swap3A, %swap3A_892], %swap3A_895 {strides = array<i32>} : memref<512x16xf32, #tpu.memory_space<vmem>>, vector<1x16xf32>,
      %scan3A_896 = arith.constant 0 : i32
      scf.yield %scan3A_896 : i32
    }
    %scan3A_9 = arith.constant 448 : i32
    %add3A = arith.constant 0 : i32
    %add3A_10 = arith.addi %mul3A_0, %add3A : i32
    "tpu.region"() ({
      %run_scoped3A = tpu.sem_alloc : memref<!tpu.dma_semaphore, #tpu.memory_space<semaphore_mem>>
      %dma_start3A_890 = arith.constant 0 : i32
      %dma_start3A_891 = arith.constant 0 : i32
      %dma_start3A_892 = tpu.memref_slice %arg10[%dma_start3A_890, %dma_start3A_891] : memref<512x16xf32, #tpu.memory_space<vmem>> -> memref<448x16xf32, #tpu.memory_space<vmem>>
      %dma_start3A_893 = arith.constant 0 : i32
      %dma_start3A_894 = tpu.memref_slice %arg12[%add3A_10, %dma_start3A_893] : memref<100352x16xf32, #tpu.memory_space<vmem_shared>> -> memref<448x16xf32, #tpu.memory_space<vmem_shared>>
      %dma_start3A_895 = arith.constant 0 : i32
      %dma_start3A_896 = tpu.memref_slice %arg12[%add3A_10, %dma_start3A_895] : memref<100352x16xf32, #tpu.memory_space<vmem_shared>> -> memref<448x16xf32, #tpu.memory_space<vmem_shared>>
      %dma_start3A_897 = arith.constant 0 : i32
      %dma_start3A_898 = arith.constant 0 : i32
      %dma_start3A_899 = tpu.memref_slice %arg10[%dma_start3A_897, %dma_start3A_898] : memref<512x16xf32, #tpu.memory_space<vmem>> -> memref<448x16xf32, #tpu.memory_space<vmem>>
      tpu.enqueue_dma source(%dma_start3A_899 : memref<448x16xf32, #tpu.memory_space<vmem>>) target(%dma_start3A_896 : memref<448x16xf32, #tpu.memory_space<vmem_shared>>) target_semaphore(%run_scoped3A : memref<!tpu.dma_semaphore, #tpu.memory_space<semaphore_mem>>)
      %dma_wait3A_900 = arith.constant 0 : i32
      %dma_wait3A_901 = arith.constant 0 : i32
      %dma_wait3A_902 = tpu.memref_slice %arg10[%dma_wait3A_900, %dma_wait3A_901] : memref<512x16xf32, #tpu.memory_space<vmem>> -> memref<448x16xf32, #tpu.memory_space<vmem>>
      %dma_wait3A_903 = arith.constant 0 : i32
      %dma_wait3A_904 = tpu.memref_slice %arg12[%add3A_10, %dma_wait3A_903] : memref<100352x16xf32, #tpu.memory_space<vmem_shared>> -> memref<448x16xf32, #tpu.memory_space<vmem_shared>>
      %dma_wait3A_905 = arith.constant 0 : i32
      %dma_wait3A_906 = tpu.memref_slice %arg12[%add3A_10, %dma_wait3A_905] : memref<100352x16xf32, #tpu.memory_space<vmem_shared>> -> memref<448x16xf32, #tpu.memory_space<vmem_shared>>
      %dma_wait3A_907 = arith.constant 0 : i32
      %dma_wait3A_908 = arith.constant 0 : i32
      %dma_wait3A_909 = tpu.memref_slice %arg10[%dma_wait3A_907, %dma_wait3A_908] : memref<512x16xf32, #tpu.memory_space<vmem>> -> memref<448x16xf32, #tpu.memory_space<vmem>>
      tpu.wait_dma2 semaphore(%run_scoped3A : memref<!tpu.dma_semaphore, #tpu.memory_space<semaphore_mem>>) src(%dma_wait3A_909 : memref<448x16xf32, #tpu.memory_space<vmem>>) dst(%dma_wait3A_906 : memref<448x16xf32, #tpu.memory_space<vmem_shared>>)
      tpu.yield
    }) : () -> ()
    %add3A_11 = arith.constant 448 : i32
    %add3A_12 = arith.addi %mul3A_0, %add3A_11 : i32
    "tpu.region"() ({
      %run_scoped3A = tpu.sem_alloc : memref<!tpu.dma_semaphore, #tpu.memory_space<semaphore_mem>>
      %dma_start3A_890 = arith.constant 0 : i32
      %dma_start3A_891 = arith.constant 0 : i32
      %dma_start3A_892 = tpu.memref_slice %arg10[%dma_start3A_890, %dma_start3A_891] : memref<512x16xf32, #tpu.memory_space<vmem>> -> memref<448x16xf32, #tpu.memory_space<vmem>>
      %dma_start3A_893 = arith.constant 0 : i32
      %dma_start3A_894 = tpu.memref_slice %arg12[%add3A_12, %dma_start3A_893] : memref<100352x16xf32, #tpu.memory_space<vmem_shared>> -> memref<448x16xf32, #tpu.memory_space<vmem_shared>>
      %dma_start3A_895 = arith.constant 0 : i32
      %dma_start3A_896 = tpu.memref_slice %arg12[%add3A_12, %dma_start3A_895] : memref<100352x16xf32, #tpu.memory_space<vmem_shared>> -> memref<448x16xf32, #tpu.memory_space<vmem_shared>>
      %dma_start3A_897 = arith.constant 0 : i32
      %dma_start3A_898 = arith.constant 0 : i32
      %dma_start3A_899 = tpu.memref_slice %arg10[%dma_start3A_897, %dma_start3A_898] : memref<512x16xf32, #tpu.memory_space<vmem>> -> memref<448x16xf32, #tpu.memory_space<vmem>>
      tpu.enqueue_dma source(%dma_start3A_899 : memref<448x16xf32, #tpu.memory_space<vmem>>) target(%dma_start3A_896 : memref<448x16xf32, #tpu.memory_space<vmem_shared>>) target_semaphore(%run_scoped3A : memref<!tpu.dma_semaphore, #tpu.memory_space<semaphore_mem>>)
      %dma_wait3A_900 = arith.constant 0 : i32
      %dma_wait3A_901 = arith.constant 0 : i32
      %dma_wait3A_902 = tpu.memref_slice %arg10[%dma_wait3A_900, %dma_wait3A_901] : memref<512x16xf32, #tpu.memory_space<vmem>> -> memref<448x16xf32, #tpu.memory_space<vmem>>
      %dma_wait3A_903 = arith.constant 0 : i32
      %dma_wait3A_904 = tpu.memref_slice %arg12[%add3A_12, %dma_wait3A_903] : memref<100352x16xf32, #tpu.memory_space<vmem_shared>> -> memref<448x16xf32, #tpu.memory_space<vmem_shared>>
      %dma_wait3A_905 = arith.constant 0 : i32
      %dma_wait3A_906 = tpu.memref_slice %arg12[%add3A_12, %dma_wait3A_905] : memref<100352x16xf32, #tpu.memory_space<vmem_shared>> -> memref<448x16xf32, #tpu.memory_space<vmem_shared>>
      %dma_wait3A_907 = arith.constant 0 : i32
      %dma_wait3A_908 = arith.constant 0 : i32
      %dma_wait3A_909 = tpu.memref_slice %arg10[%dma_wait3A_907, %dma_wait3A_908] : memref<512x16xf32, #tpu.memory_space<vmem>> -> memref<448x16xf32, #tpu.memory_space<vmem>>
      tpu.wait_dma2 semaphore(%run_scoped3A : memref<!tpu.dma_semaphore, #tpu.memory_space<semaphore_mem>>) src(%dma_wait3A_909 : memref<448x16xf32, #tpu.memory_space<vmem>>) dst(%dma_wait3A_906 : memref<448x16xf32, #tpu.memory_space<vmem_shared>>)
      tpu.yield
    }) : () -> ()
    %add3A_13 = arith.constant 896 : i32
    %add3A_14 = arith.addi %mul3A_0, %add3A_13 : i32
    "tpu.region"() ({
      %run_scoped3A = tpu.sem_alloc : memref<!tpu.dma_semaphore, #tpu.memory_space<semaphore_mem>>
      %dma_start3A_890 = arith.constant 0 : i32
      %dma_start3A_891 = arith.constant 0 : i32
      %dma_start3A_892 = tpu.memref_slice %arg10[%dma_start3A_890, %dma_start3A_891] : memref<512x16xf32, #tpu.memory_space<vmem>> -> memref<448x16xf32, #tpu.memory_space<vmem>>
      %dma_start3A_893 = arith.constant 0 : i32
      %dma_start3A_894 = tpu.memref_slice %arg12[%add3A_14, %dma_start3A_893] : memref<100352x16xf32, #tpu.memory_space<vmem_shared>> -> memref<448x16xf32, #tpu.memory_space<vmem_shared>>
      %dma_start3A_895 = arith.constant 0 : i32
      %dma_start3A_896 = tpu.memref_slice %arg12[%add3A_14, %dma_start3A_895] : memref<100352x16xf32, #tpu.memory_space<vmem_shared>> -> memref<448x16xf32, #tpu.memory_space<vmem_shared>>
      %dma_start3A_897 = arith.constant 0 : i32
      %dma_start3A_898 = arith.constant 0 : i32
      %dma_start3A_899 = tpu.memref_slice %arg10[%dma_start3A_897, %dma_start3A_898] : memref<512x16xf32, #tpu.memory_space<vmem>> -> memref<448x16xf32, #tpu.memory_space<vmem>>
      tpu.enqueue_dma source(%dma_start3A_899 : memref<448x16xf32, #tpu.memory_space<vmem>>) target(%dma_start3A_896 : memref<448x16xf32, #tpu.memory_space<vmem_shared>>) target_semaphore(%run_scoped3A : memref<!tpu.dma_semaphore, #tpu.memory_space<semaphore_mem>>)
      %dma_wait3A_900 = arith.constant 0 : i32
      %dma_wait3A_901 = arith.constant 0 : i32
      %dma_wait3A_902 = tpu.memref_slice %arg10[%dma_wait3A_900, %dma_wait3A_901] : memref<512x16xf32, #tpu.memory_space<vmem>> -> memref<448x16xf32, #tpu.memory_space<vmem>>
      %dma_wait3A_903 = arith.constant 0 : i32
      %dma_wait3A_904 = tpu.memref_slice %arg12[%add3A_14, %dma_wait3A_903] : memref<100352x16xf32, #tpu.memory_space<vmem_shared>> -> memref<448x16xf32, #tpu.memory_space<vmem_shared>>
      %dma_wait3A_905 = arith.constant 0 : i32
      %dma_wait3A_906 = tpu.memref_slice %arg12[%add3A_14, %dma_wait3A_905] : memref<100352x16xf32, #tpu.memory_space<vmem_shared>> -> memref<448x16xf32, #tpu.memory_space<vmem_shared>>
      %dma_wait3A_907 = arith.constant 0 : i32
      %dma_wait3A_908 = arith.constant 0 : i32
      %dma_wait3A_909 = tpu.memref_slice %arg10[%dma_wait3A_907, %dma_wait3A_908] : memref<512x16xf32, #tpu.memory_space<vmem>> -> memref<448x16xf32, #tpu.memory_space<vmem>>
      tpu.wait_dma2 semaphore(%run_scoped3A : memref<!tpu.dma_semaphore, #tpu.memory_space<semaphore_mem>>) src(%dma_wait3A_909 : memref<448x16xf32, #tpu.memory_space<vmem>>) dst(%dma_wait3A_906 : memref<448x16xf32, #tpu.memory_space<vmem_shared>>)
      tpu.yield
    }) : () -> ()
    %add3A_15 = arith.constant 1344 : i32
    %add3A_16 = arith.addi %mul3A_0, %add3A_15 : i32
    "tpu.region"() ({
      %run_scoped3A = tpu.sem_alloc : memref<!tpu.dma_semaphore, #tpu.memory_space<semaphore_mem>>
      %dma_start3A_890 = arith.constant 0 : i32
      %dma_start3A_891 = arith.constant 0 : i32
      %dma_start3A_892 = tpu.memref_slice %arg10[%dma_start3A_890, %dma_start3A_891] : memref<512x16xf32, #tpu.memory_space<vmem>> -> memref<448x16xf32, #tpu.memory_space<vmem>>
      %dma_start3A_893 = arith.constant 0 : i32
      %dma_start3A_894 = tpu.memref_slice %arg12[%add3A_16, %dma_start3A_893] : memref<100352x16xf32, #tpu.memory_space<vmem_shared>> -> memref<448x16xf32, #tpu.memory_space<vmem_shared>>
      %dma_start3A_895 = arith.constant 0 : i32
      %dma_start3A_896 = tpu.memref_slice %arg12[%add3A_16, %dma_start3A_895] : memref<100352x16xf32, #tpu.memory_space<vmem_shared>> -> memref<448x16xf32, #tpu.memory_space<vmem_shared>>
      %dma_start3A_897 = arith.constant 0 : i32
      %dma_start3A_898 = arith.constant 0 : i32
      %dma_start3A_899 = tpu.memref_slice %arg10[%dma_start3A_897, %dma_start3A_898] : memref<512x16xf32, #tpu.memory_space<vmem>> -> memref<448x16xf32, #tpu.memory_space<vmem>>
      tpu.enqueue_dma source(%dma_start3A_899 : memref<448x16xf32, #tpu.memory_space<vmem>>) target(%dma_start3A_896 : memref<448x16xf32, #tpu.memory_space<vmem_shared>>) target_semaphore(%run_scoped3A : memref<!tpu.dma_semaphore, #tpu.memory_space<semaphore_mem>>)
      %dma_wait3A_900 = arith.constant 0 : i32
      %dma_wait3A_901 = arith.constant 0 : i32
      %dma_wait3A_902 = tpu.memref_slice %arg10[%dma_wait3A_900, %dma_wait3A_901] : memref<512x16xf32, #tpu.memory_space<vmem>> -> memref<448x16xf32, #tpu.memory_space<vmem>>
      %dma_wait3A_903 = arith.constant 0 : i32
      %dma_wait3A_904 = tpu.memref_slice %arg12[%add3A_16, %dma_wait3A_903] : memref<100352x16xf32, #tpu.memory_space<vmem_shared>> -> memref<448x16xf32, #tpu.memory_space<vmem_shared>>
      %dma_wait3A_905 = arith.constant 0 : i32
      %dma_wait3A_906 = tpu.memref_slice %arg12[%add3A_16, %dma_wait3A_905] : memref<100352x16xf32, #tpu.memory_space<vmem_shared>> -> memref<448x16xf32, #tpu.memory_space<vmem_shared>>
      %dma_wait3A_907 = arith.constant 0 : i32
      %dma_wait3A_908 = arith.constant 0 : i32
      %dma_wait3A_909 = tpu.memref_slice %arg10[%dma_wait3A_907, %dma_wait3A_908] : memref<512x16xf32, #tpu.memory_space<vmem>> -> memref<448x16xf32, #tpu.memory_space<vmem>>
      tpu.wait_dma2 semaphore(%run_scoped3A : memref<!tpu.dma_semaphore, #tpu.memory_space<semaphore_mem>>) src(%dma_wait3A_909 : memref<448x16xf32, #tpu.memory_space<vmem>>) dst(%dma_wait3A_906 : memref<448x16xf32, #tpu.memory_space<vmem_shared>>)
      tpu.yield
    }) : () -> ()
    %add3A_17 = arith.constant 1792 : i32
    %add3A_18 = arith.addi %mul3A_0, %add3A_17 : i32
    "tpu.region"() ({
      %run_scoped3A = tpu.sem_alloc : memref<!tpu.dma_semaphore, #tpu.memory_space<semaphore_mem>>
      %dma_start3A_890 = arith.constant 0 : i32
      %dma_start3A_891 = arith.constant 0 : i32
      %dma_start3A_892 = tpu.memref_slice %arg10[%dma_start3A_890, %dma_start3A_891] : memref<512x16xf32, #tpu.memory_space<vmem>> -> memref<448x16xf32, #tpu.memory_space<vmem>>
      %dma_start3A_893 = arith.constant 0 : i32
      %dma_start3A_894 = tpu.memref_slice %arg12[%add3A_18, %dma_start3A_893] : memref<100352x16xf32, #tpu.memory_space<vmem_shared>> -> memref<448x16xf32, #tpu.memory_space<vmem_shared>>
      %dma_start3A_895 = arith.constant 0 : i32
      %dma_start3A_896 = tpu.memref_slice %arg12[%add3A_18, %dma_start3A_895] : memref<100352x16xf32, #tpu.memory_space<vmem_shared>> -> memref<448x16xf32, #tpu.memory_space<vmem_shared>>
      %dma_start3A_897 = arith.constant 0 : i32
      %dma_start3A_898 = arith.constant 0 : i32
      %dma_start3A_899 = tpu.memref_slice %arg10[%dma_start3A_897, %dma_start3A_898] : memref<512x16xf32, #tpu.memory_space<vmem>> -> memref<448x16xf32, #tpu.memory_space<vmem>>
      tpu.enqueue_dma source(%dma_start3A_899 : memref<448x16xf32, #tpu.memory_space<vmem>>) target(%dma_start3A_896 : memref<448x16xf32, #tpu.memory_space<vmem_shared>>) target_semaphore(%run_scoped3A : memref<!tpu.dma_semaphore, #tpu.memory_space<semaphore_mem>>)
      %dma_wait3A_900 = arith.constant 0 : i32
      %dma_wait3A_901 = arith.constant 0 : i32
      %dma_wait3A_902 = tpu.memref_slice %arg10[%dma_wait3A_900, %dma_wait3A_901] : memref<512x16xf32, #tpu.memory_space<vmem>> -> memref<448x16xf32, #tpu.memory_space<vmem>>
      %dma_wait3A_903 = arith.constant 0 : i32
      %dma_wait3A_904 = tpu.memref_slice %arg12[%add3A_18, %dma_wait3A_903] : memref<100352x16xf32, #tpu.memory_space<vmem_shared>> -> memref<448x16xf32, #tpu.memory_space<vmem_shared>>
      %dma_wait3A_905 = arith.constant 0 : i32
      %dma_wait3A_906 = tpu.memref_slice %arg12[%add3A_18, %dma_wait3A_905] : memref<100352x16xf32, #tpu.memory_space<vmem_shared>> -> memref<448x16xf32, #tpu.memory_space<vmem_shared>>
      %dma_wait3A_907 = arith.constant 0 : i32
      %dma_wait3A_908 = arith.constant 0 : i32
      %dma_wait3A_909 = tpu.memref_slice %arg10[%dma_wait3A_907, %dma_wait3A_908] : memref<512x16xf32, #tpu.memory_space<vmem>> -> memref<448x16xf32, #tpu.memory_space<vmem>>
      tpu.wait_dma2 semaphore(%run_scoped3A : memref<!tpu.dma_semaphore, #tpu.memory_space<semaphore_mem>>) src(%dma_wait3A_909 : memref<448x16xf32, #tpu.memory_space<vmem>>) dst(%dma_wait3A_906 : memref<448x16xf32, #tpu.memory_space<vmem_shared>>)
      tpu.yield
    }) : () -> ()
    %add3A_19 = arith.constant 2240 : i32
    %add3A_20 = arith.addi %mul3A_0, %add3A_19 : i32
    "tpu.region"() ({
      %run_scoped3A = tpu.sem_alloc : memref<!tpu.dma_semaphore, #tpu.memory_space<semaphore_mem>>
      %dma_start3A_890 = arith.constant 0 : i32
      %dma_start3A_891 = arith.constant 0 : i32
      %dma_start3A_892 = tpu.memref_slice %arg10[%dma_start3A_890, %dma_start3A_891] : memref<512x16xf32, #tpu.memory_space<vmem>> -> memref<448x16xf32, #tpu.memory_space<vmem>>
      %dma_start3A_893 = arith.constant 0 : i32
      %dma_start3A_894 = tpu.memref_slice %arg12[%add3A_20, %dma_start3A_893] : memref<100352x16xf32, #tpu.memory_space<vmem_shared>> -> memref<448x16xf32, #tpu.memory_space<vmem_shared>>
      %dma_start3A_895 = arith.constant 0 : i32
      %dma_start3A_896 = tpu.memref_slice %arg12[%add3A_20, %dma_start3A_895] : memref<100352x16xf32, #tpu.memory_space<vmem_shared>> -> memref<448x16xf32, #tpu.memory_space<vmem_shared>>
      %dma_start3A_897 = arith.constant 0 : i32
      %dma_start3A_898 = arith.constant 0 : i32
      %dma_start3A_899 = tpu.memref_slice %arg10[%dma_start3A_897, %dma_start3A_898] : memref<512x16xf32, #tpu.memory_space<vmem>> -> memref<448x16xf32, #tpu.memory_space<vmem>>
      tpu.enqueue_dma source(%dma_start3A_899 : memref<448x16xf32, #tpu.memory_space<vmem>>) target(%dma_start3A_896 : memref<448x16xf32, #tpu.memory_space<vmem_shared>>) target_semaphore(%run_scoped3A : memref<!tpu.dma_semaphore, #tpu.memory_space<semaphore_mem>>)
      %dma_wait3A_900 = arith.constant 0 : i32
      %dma_wait3A_901 = arith.constant 0 : i32
      %dma_wait3A_902 = tpu.memref_slice %arg10[%dma_wait3A_900, %dma_wait3A_901] : memref<512x16xf32, #tpu.memory_space<vmem>> -> memref<448x16xf32, #tpu.memory_space<vmem>>
      %dma_wait3A_903 = arith.constant 0 : i32
      %dma_wait3A_904 = tpu.memref_slice %arg12[%add3A_20, %dma_wait3A_903] : memref<100352x16xf32, #tpu.memory_space<vmem_shared>> -> memref<448x16xf32, #tpu.memory_space<vmem_shared>>
      %dma_wait3A_905 = arith.constant 0 : i32
      %dma_wait3A_906 = tpu.memref_slice %arg12[%add3A_20, %dma_wait3A_905] : memref<100352x16xf32, #tpu.memory_space<vmem_shared>> -> memref<448x16xf32, #tpu.memory_space<vmem_shared>>
      %dma_wait3A_907 = arith.constant 0 : i32
      %dma_wait3A_908 = arith.constant 0 : i32
      %dma_wait3A_909 = tpu.memref_slice %arg10[%dma_wait3A_907, %dma_wait3A_908] : memref<512x16xf32, #tpu.memory_space<vmem>> -> memref<448x16xf32, #tpu.memory_space<vmem>>
      tpu.wait_dma2 semaphore(%run_scoped3A : memref<!tpu.dma_semaphore, #tpu.memory_space<semaphore_mem>>) src(%dma_wait3A_909 : memref<448x16xf32, #tpu.memory_space<vmem>>) dst(%dma_wait3A_906 : memref<448x16xf32, #tpu.memory_space<vmem_shared>>)
      tpu.yield
    }) : () -> ()
    %add3A_21 = arith.constant 2688 : i32
    %add3A_22 = arith.addi %mul3A_0, %add3A_21 : i32
    "tpu.region"() ({
      %run_scoped3A = tpu.sem_alloc : memref<!tpu.dma_semaphore, #tpu.memory_space<semaphore_mem>>
      %dma_start3A_890 = arith.constant 0 : i32
      %dma_start3A_891 = arith.constant 0 : i32
      %dma_start3A_892 = tpu.memref_slice %arg10[%dma_start3A_890, %dma_start3A_891] : memref<512x16xf32, #tpu.memory_space<vmem>> -> memref<448x16xf32, #tpu.memory_space<vmem>>
      %dma_start3A_893 = arith.constant 0 : i32
      %dma_start3A_894 = tpu.memref_slice %arg12[%add3A_22, %dma_start3A_893] : memref<100352x16xf32, #tpu.memory_space<vmem_shared>> -> memref<448x16xf32, #tpu.memory_space<vmem_shared>>
      %dma_start3A_895 = arith.constant 0 : i32
      %dma_start3A_896 = tpu.memref_slice %arg12[%add3A_22, %dma_start3A_895] : memref<100352x16xf32, #tpu.memory_space<vmem_shared>> -> memref<448x16xf32, #tpu.memory_space<vmem_shared>>
      %dma_start3A_897 = arith.constant 0 : i32
      %dma_start3A_898 = arith.constant 0 : i32
      %dma_start3A_899 = tpu.memref_slice %arg10[%dma_start3A_897, %dma_start3A_898] : memref<512x16xf32, #tpu.memory_space<vmem>> -> memref<448x16xf32, #tpu.memory_space<vmem>>
      tpu.enqueue_dma source(%dma_start3A_899 : memref<448x16xf32, #tpu.memory_space<vmem>>) target(%dma_start3A_896 : memref<448x16xf32, #tpu.memory_space<vmem_shared>>) target_semaphore(%run_scoped3A : memref<!tpu.dma_semaphore, #tpu.memory_space<semaphore_mem>>)
      %dma_wait3A_900 = arith.constant 0 : i32
      %dma_wait3A_901 = arith.constant 0 : i32
      %dma_wait3A_902 = tpu.memref_slice %arg10[%dma_wait3A_900, %dma_wait3A_901] : memref<512x16xf32, #tpu.memory_space<vmem>> -> memref<448x16xf32, #tpu.memory_space<vmem>>
      %dma_wait3A_903 = arith.constant 0 : i32
      %dma_wait3A_904 = tpu.memref_slice %arg12[%add3A_22, %dma_wait3A_903] : memref<100352x16xf32, #tpu.memory_space<vmem_shared>> -> memref<448x16xf32, #tpu.memory_space<vmem_shared>>
      %dma_wait3A_905 = arith.constant 0 : i32
      %dma_wait3A_906 = tpu.memref_slice %arg12[%add3A_22, %dma_wait3A_905] : memref<100352x16xf32, #tpu.memory_space<vmem_shared>> -> memref<448x16xf32, #tpu.memory_space<vmem_shared>>
      %dma_wait3A_907 = arith.constant 0 : i32
      %dma_wait3A_908 = arith.constant 0 : i32
      %dma_wait3A_909 = tpu.memref_slice %arg10[%dma_wait3A_907, %dma_wait3A_908] : memref<512x16xf32, #tpu.memory_space<vmem>> -> memref<448x16xf32, #tpu.memory_space<vmem>>
      tpu.wait_dma2 semaphore(%run_scoped3A : memref<!tpu.dma_semaphore, #tpu.memory_space<semaphore_mem>>) src(%dma_wait3A_909 : memref<448x16xf32, #tpu.memory_space<vmem>>) dst(%dma_wait3A_906 : memref<448x16xf32, #tpu.memory_space<vmem_shared>>)
      tpu.yield
    }) : () -> ()
    %add3A_23 = arith.constant 3136 : i32
    %add3A_24 = arith.addi %mul3A_0, %add3A_23 : i32
    "tpu.region"() ({
      %run_scoped3A = tpu.sem_alloc : memref<!tpu.dma_semaphore, #tpu.memory_space<semaphore_mem>>
      %dma_start3A_890 = arith.constant 0 : i32
      %dma_start3A_891 = arith.constant 0 : i32
      %dma_start3A_892 = tpu.memref_slice %arg10[%dma_start3A_890, %dma_start3A_891] : memref<512x16xf32, #tpu.memory_space<vmem>> -> memref<448x16xf32, #tpu.memory_space<vmem>>
      %dma_start3A_893 = arith.constant 0 : i32
      %dma_start3A_894 = tpu.memref_slice %arg12[%add3A_24, %dma_start3A_893] : memref<100352x16xf32, #tpu.memory_space<vmem_shared>> -> memref<448x16xf32, #tpu.memory_space<vmem_shared>>
      %dma_start3A_895 = arith.constant 0 : i32
      %dma_start3A_896 = tpu.memref_slice %arg12[%add3A_24, %dma_start3A_895] : memref<100352x16xf32, #tpu.memory_space<vmem_shared>> -> memref<448x16xf32, #tpu.memory_space<vmem_shared>>
      %dma_start3A_897 = arith.constant 0 : i32
      %dma_start3A_898 = arith.constant 0 : i32
      %dma_start3A_899 = tpu.memref_slice %arg10[%dma_start3A_897, %dma_start3A_898] : memref<512x16xf32, #tpu.memory_space<vmem>> -> memref<448x16xf32, #tpu.memory_space<vmem>>
      tpu.enqueue_dma source(%dma_start3A_899 : memref<448x16xf32, #tpu.memory_space<vmem>>) target(%dma_start3A_896 : memref<448x16xf32, #tpu.memory_space<vmem_shared>>) target_semaphore(%run_scoped3A : memref<!tpu.dma_semaphore, #tpu.memory_space<semaphore_mem>>)
      %dma_wait3A_900 = arith.constant 0 : i32
      %dma_wait3A_901 = arith.constant 0 : i32
      %dma_wait3A_902 = tpu.memref_slice %arg10[%dma_wait3A_900, %dma_wait3A_901] : memref<512x16xf32, #tpu.memory_space<vmem>> -> memref<448x16xf32, #tpu.memory_space<vmem>>
      %dma_wait3A_903 = arith.constant 0 : i32
      %dma_wait3A_904 = tpu.memref_slice %arg12[%add3A_24, %dma_wait3A_903] : memref<100352x16xf32, #tpu.memory_space<vmem_shared>> -> memref<448x16xf32, #tpu.memory_space<vmem_shared>>
      %dma_wait3A_905 = arith.constant 0 : i32
      %dma_wait3A_906 = tpu.memref_slice %arg12[%add3A_24, %dma_wait3A_905] : memref<100352x16xf32, #tpu.memory_space<vmem_shared>> -> memref<448x16xf32, #tpu.memory_space<vmem_shared>>
      %dma_wait3A_907 = arith.constant 0 : i32
      %dma_wait3A_908 = arith.constant 0 : i32
      %dma_wait3A_909 = tpu.memref_slice %arg10[%dma_wait3A_907, %dma_wait3A_908] : memref<512x16xf32, #tpu.memory_space<vmem>> -> memref<448x16xf32, #tpu.memory_space<vmem>>
      tpu.wait_dma2 semaphore(%run_scoped3A : memref<!tpu.dma_semaphore, #tpu.memory_space<semaphore_mem>>) src(%dma_wait3A_909 : memref<448x16xf32, #tpu.memory_space<vmem>>) dst(%dma_wait3A_906 : memref<448x16xf32, #tpu.memory_space<vmem_shared>>)
      tpu.yield
    }) : () -> ()
    %add3A_25 = arith.constant 3584 : i32
    %add3A_26 = arith.addi %mul3A_0, %add3A_25 : i32
    "tpu.region"() ({
      %run_scoped3A = tpu.sem_alloc : memref<!tpu.dma_semaphore, #tpu.memory_space<semaphore_mem>>
      %dma_start3A_890 = arith.constant 0 : i32
      %dma_start3A_891 = arith.constant 0 : i32
      %dma_start3A_892 = tpu.memref_slice %arg10[%dma_start3A_890, %dma_start3A_891] : memref<512x16xf32, #tpu.memory_space<vmem>> -> memref<448x16xf32, #tpu.memory_space<vmem>>
      %dma_start3A_893 = arith.constant 0 : i32
      %dma_start3A_894 = tpu.memref_slice %arg12[%add3A_26, %dma_start3A_893] : memref<100352x16xf32, #tpu.memory_space<vmem_shared>> -> memref<448x16xf32, #tpu.memory_space<vmem_shared>>
      %dma_start3A_895 = arith.constant 0 : i32
      %dma_start3A_896 = tpu.memref_slice %arg12[%add3A_26, %dma_start3A_895] : memref<100352x16xf32, #tpu.memory_space<vmem_shared>> -> memref<448x16xf32, #tpu.memory_space<vmem_shared>>
      %dma_start3A_897 = arith.constant 0 : i32
      %dma_start3A_898 = arith.constant 0 : i32
      %dma_start3A_899 = tpu.memref_slice %arg10[%dma_start3A_897, %dma_start3A_898] : memref<512x16xf32, #tpu.memory_space<vmem>> -> memref<448x16xf32, #tpu.memory_space<vmem>>
      tpu.enqueue_dma source(%dma_start3A_899 : memref<448x16xf32, #tpu.memory_space<vmem>>) target(%dma_start3A_896 : memref<448x16xf32, #tpu.memory_space<vmem_shared>>) target_semaphore(%run_scoped3A : memref<!tpu.dma_semaphore, #tpu.memory_space<semaphore_mem>>)
      %dma_wait3A_900 = arith.constant 0 : i32
      %dma_wait3A_901 = arith.constant 0 : i32
      %dma_wait3A_902 = tpu.memref_slice %arg10[%dma_wait3A_900, %dma_wait3A_901] : memref<512x16xf32, #tpu.memory_space<vmem>> -> memref<448x16xf32, #tpu.memory_space<vmem>>
      %dma_wait3A_903 = arith.constant 0 : i32
      %dma_wait3A_904 = tpu.memref_slice %arg12[%add3A_26, %dma_wait3A_903] : memref<100352x16xf32, #tpu.memory_space<vmem_shared>> -> memref<448x16xf32, #tpu.memory_space<vmem_shared>>
      %dma_wait3A_905 = arith.constant 0 : i32
      %dma_wait3A_906 = tpu.memref_slice %arg12[%add3A_26, %dma_wait3A_905] : memref<100352x16xf32, #tpu.memory_space<vmem_shared>> -> memref<448x16xf32, #tpu.memory_space<vmem_shared>>
      %dma_wait3A_907 = arith.constant 0 : i32
      %dma_wait3A_908 = arith.constant 0 : i32
      %dma_wait3A_909 = tpu.memref_slice %arg10[%dma_wait3A_907, %dma_wait3A_908] : memref<512x16xf32, #tpu.memory_space<vmem>> -> memref<448x16xf32, #tpu.memory_space<vmem>>
      tpu.wait_dma2 semaphore(%run_scoped3A : memref<!tpu.dma_semaphore, #tpu.memory_space<semaphore_mem>>) src(%dma_wait3A_909 : memref<448x16xf32, #tpu.memory_space<vmem>>) dst(%dma_wait3A_906 : memref<448x16xf32, #tpu.memory_space<vmem_shared>>)
      tpu.yield
    }) : () -> ()
    %add3A_27 = arith.constant 4032 : i32
    %add3A_28 = arith.addi %mul3A_0, %add3A_27 : i32
    "tpu.region"() ({
      %run_scoped3A = tpu.sem_alloc : memref<!tpu.dma_semaphore, #tpu.memory_space<semaphore_mem>>
      %dma_start3A_890 = arith.constant 0 : i32
      %dma_start3A_891 = arith.constant 0 : i32
      %dma_start3A_892 = tpu.memref_slice %arg10[%dma_start3A_890, %dma_start3A_891] : memref<512x16xf32, #tpu.memory_space<vmem>> -> memref<448x16xf32, #tpu.memory_space<vmem>>
      %dma_start3A_893 = arith.constant 0 : i32
      %dma_start3A_894 = tpu.memref_slice %arg12[%add3A_28, %dma_start3A_893] : memref<100352x16xf32, #tpu.memory_space<vmem_shared>> -> memref<448x16xf32, #tpu.memory_space<vmem_shared>>
      %dma_start3A_895 = arith.constant 0 : i32
      %dma_start3A_896 = tpu.memref_slice %arg12[%add3A_28, %dma_start3A_895] : memref<100352x16xf32, #tpu.memory_space<vmem_shared>> -> memref<448x16xf32, #tpu.memory_space<vmem_shared>>
      %dma_start3A_897 = arith.constant 0 : i32
      %dma_start3A_898 = arith.constant 0 : i32
      %dma_start3A_899 = tpu.memref_slice %arg10[%dma_start3A_897, %dma_start3A_898] : memref<512x16xf32, #tpu.memory_space<vmem>> -> memref<448x16xf32, #tpu.memory_space<vmem>>
      tpu.enqueue_dma source(%dma_start3A_899 : memref<448x16xf32, #tpu.memory_space<vmem>>) target(%dma_start3A_896 : memref<448x16xf32, #tpu.memory_space<vmem_shared>>) target_semaphore(%run_scoped3A : memref<!tpu.dma_semaphore, #tpu.memory_space<semaphore_mem>>)
      %dma_wait3A_900 = arith.constant 0 : i32
      %dma_wait3A_901 = arith.constant 0 : i32
      %dma_wait3A_902 = tpu.memref_slice %arg10[%dma_wait3A_900, %dma_wait3A_901] : memref<512x16xf32, #tpu.memory_space<vmem>> -> memref<448x16xf32, #tpu.memory_space<vmem>>
      %dma_wait3A_903 = arith.constant 0 : i32
      %dma_wait3A_904 = tpu.memref_slice %arg12[%add3A_28, %dma_wait3A_903] : memref<100352x16xf32, #tpu.memory_space<vmem_shared>> -> memref<448x16xf32, #tpu.memory_space<vmem_shared>>
      %dma_wait3A_905 = arith.constant 0 : i32
      %dma_wait3A_906 = tpu.memref_slice %arg12[%add3A_28, %dma_wait3A_905] : memref<100352x16xf32, #tpu.memory_space<vmem_shared>> -> memref<448x16xf32, #tpu.memory_space<vmem_shared>>
      %dma_wait3A_907 = arith.constant 0 : i32
      %dma_wait3A_908 = arith.constant 0 : i32
      %dma_wait3A_909 = tpu.memref_slice %arg10[%dma_wait3A_907, %dma_wait3A_908] : memref<512x16xf32, #tpu.memory_space<vmem>> -> memref<448x16xf32, #tpu.memory_space<vmem>>
      tpu.wait_dma2 semaphore(%run_scoped3A : memref<!tpu.dma_semaphore, #tpu.memory_space<semaphore_mem>>) src(%dma_wait3A_909 : memref<448x16xf32, #tpu.memory_space<vmem>>) dst(%dma_wait3A_906 : memref<448x16xf32, #tpu.memory_space<vmem_shared>>)
      tpu.yield
    }) : () -> ()
    %add3A_29 = arith.constant 4480 : i32
    %add3A_30 = arith.addi %mul3A_0, %add3A_29 : i32
    "tpu.region"() ({
      %run_scoped3A = tpu.sem_alloc : memref<!tpu.dma_semaphore, #tpu.memory_space<semaphore_mem>>
      %dma_start3A_890 = arith.constant 0 : i32
      %dma_start3A_891 = arith.constant 0 : i32
      %dma_start3A_892 = tpu.memref_slice %arg10[%dma_start3A_890, %dma_start3A_891] : memref<512x16xf32, #tpu.memory_space<vmem>> -> memref<448x16xf32, #tpu.memory_space<vmem>>
      %dma_start3A_893 = arith.constant 0 : i32
      %dma_start3A_894 = tpu.memref_slice %arg12[%add3A_30, %dma_start3A_893] : memref<100352x16xf32, #tpu.memory_space<vmem_shared>> -> memref<448x16xf32, #tpu.memory_space<vmem_shared>>
      %dma_start3A_895 = arith.constant 0 : i32
      %dma_start3A_896 = tpu.memref_slice %arg12[%add3A_30, %dma_start3A_895] : memref<100352x16xf32, #tpu.memory_space<vmem_shared>> -> memref<448x16xf32, #tpu.memory_space<vmem_shared>>
      %dma_start3A_897 = arith.constant 0 : i32
      %dma_start3A_898 = arith.constant 0 : i32
      %dma_start3A_899 = tpu.memref_slice %arg10[%dma_start3A_897, %dma_start3A_898] : memref<512x16xf32, #tpu.memory_space<vmem>> -> memref<448x16xf32, #tpu.memory_space<vmem>>
      tpu.enqueue_dma source(%dma_start3A_899 : memref<448x16xf32, #tpu.memory_space<vmem>>) target(%dma_start3A_896 : memref<448x16xf32, #tpu.memory_space<vmem_shared>>) target_semaphore(%run_scoped3A : memref<!tpu.dma_semaphore, #tpu.memory_space<semaphore_mem>>)
      %dma_wait3A_900 = arith.constant 0 : i32
      %dma_wait3A_901 = arith.constant 0 : i32
      %dma_wait3A_902 = tpu.memref_slice %arg10[%dma_wait3A_900, %dma_wait3A_901] : memref<512x16xf32, #tpu.memory_space<vmem>> -> memref<448x16xf32, #tpu.memory_space<vmem>>
      %dma_wait3A_903 = arith.constant 0 : i32
      %dma_wait3A_904 = tpu.memref_slice %arg12[%add3A_30, %dma_wait3A_903] : memref<100352x16xf32, #tpu.memory_space<vmem_shared>> -> memref<448x16xf32, #tpu.memory_space<vmem_shared>>
      %dma_wait3A_905 = arith.constant 0 : i32
      %dma_wait3A_906 = tpu.memref_slice %arg12[%add3A_30, %dma_wait3A_905] : memref<100352x16xf32, #tpu.memory_space<vmem_shared>> -> memref<448x16xf32, #tpu.memory_space<vmem_shared>>
      %dma_wait3A_907 = arith.constant 0 : i32
      %dma_wait3A_908 = arith.constant 0 : i32
      %dma_wait3A_909 = tpu.memref_slice %arg10[%dma_wait3A_907, %dma_wait3A_908] : memref<512x16xf32, #tpu.memory_space<vmem>> -> memref<448x16xf32, #tpu.memory_space<vmem>>
      tpu.wait_dma2 semaphore(%run_scoped3A : memref<!tpu.dma_semaphore, #tpu.memory_space<semaphore_mem>>) src(%dma_wait3A_909 : memref<448x16xf32, #tpu.memory_space<vmem>>) dst(%dma_wait3A_906 : memref<448x16xf32, #tpu.memory_space<vmem_shared>>)
      tpu.yield
    }) : () -> ()
    %add3A_31 = arith.constant 4928 : i32
    %add3A_32 = arith.addi %mul3A_0, %add3A_31 : i32
    "tpu.region"() ({
      %run_scoped3A = tpu.sem_alloc : memref<!tpu.dma_semaphore, #tpu.memory_space<semaphore_mem>>
      %dma_start3A_890 = arith.constant 0 : i32
      %dma_start3A_891 = arith.constant 0 : i32
      %dma_start3A_892 = tpu.memref_slice %arg10[%dma_start3A_890, %dma_start3A_891] : memref<512x16xf32, #tpu.memory_space<vmem>> -> memref<448x16xf32, #tpu.memory_space<vmem>>
      %dma_start3A_893 = arith.constant 0 : i32
      %dma_start3A_894 = tpu.memref_slice %arg12[%add3A_32, %dma_start3A_893] : memref<100352x16xf32, #tpu.memory_space<vmem_shared>> -> memref<448x16xf32, #tpu.memory_space<vmem_shared>>
      %dma_start3A_895 = arith.constant 0 : i32
      %dma_start3A_896 = tpu.memref_slice %arg12[%add3A_32, %dma_start3A_895] : memref<100352x16xf32, #tpu.memory_space<vmem_shared>> -> memref<448x16xf32, #tpu.memory_space<vmem_shared>>
      %dma_start3A_897 = arith.constant 0 : i32
      %dma_start3A_898 = arith.constant 0 : i32
      %dma_start3A_899 = tpu.memref_slice %arg10[%dma_start3A_897, %dma_start3A_898] : memref<512x16xf32, #tpu.memory_space<vmem>> -> memref<448x16xf32, #tpu.memory_space<vmem>>
      tpu.enqueue_dma source(%dma_start3A_899 : memref<448x16xf32, #tpu.memory_space<vmem>>) target(%dma_start3A_896 : memref<448x16xf32, #tpu.memory_space<vmem_shared>>) target_semaphore(%run_scoped3A : memref<!tpu.dma_semaphore, #tpu.memory_space<semaphore_mem>>)
      %dma_wait3A_900 = arith.constant 0 : i32
      %dma_wait3A_901 = arith.constant 0 : i32
      %dma_wait3A_902 = tpu.memref_slice %arg10[%dma_wait3A_900, %dma_wait3A_901] : memref<512x16xf32, #tpu.memory_space<vmem>> -> memref<448x16xf32, #tpu.memory_space<vmem>>
      %dma_wait3A_903 = arith.constant 0 : i32
      %dma_wait3A_904 = tpu.memref_slice %arg12[%add3A_32, %dma_wait3A_903] : memref<100352x16xf32, #tpu.memory_space<vmem_shared>> -> memref<448x16xf32, #tpu.memory_space<vmem_shared>>
      %dma_wait3A_905 = arith.constant 0 : i32
      %dma_wait3A_906 = tpu.memref_slice %arg12[%add3A_32, %dma_wait3A_905] : memref<100352x16xf32, #tpu.memory_space<vmem_shared>> -> memref<448x16xf32, #tpu.memory_space<vmem_shared>>
      %dma_wait3A_907 = arith.constant 0 : i32
      %dma_wait3A_908 = arith.constant 0 : i32
      %dma_wait3A_909 = tpu.memref_slice %arg10[%dma_wait3A_907, %dma_wait3A_908] : memref<512x16xf32, #tpu.memory_space<vmem>> -> memref<448x16xf32, #tpu.memory_space<vmem>>
      tpu.wait_dma2 semaphore(%run_scoped3A : memref<!tpu.dma_semaphore, #tpu.memory_space<semaphore_mem>>) src(%dma_wait3A_909 : memref<448x16xf32, #tpu.memory_space<vmem>>) dst(%dma_wait3A_906 : memref<448x16xf32, #tpu.memory_space<vmem_shared>>)
      tpu.yield
    }) : () -> ()
    %add3A_33 = arith.constant 5376 : i32
    %add3A_34 = arith.addi %mul3A_0, %add3A_33 : i32
    "tpu.region"() ({
      %run_scoped3A = tpu.sem_alloc : memref<!tpu.dma_semaphore, #tpu.memory_space<semaphore_mem>>
      %dma_start3A_890 = arith.constant 0 : i32
      %dma_start3A_891 = arith.constant 0 : i32
      %dma_start3A_892 = tpu.memref_slice %arg10[%dma_start3A_890, %dma_start3A_891] : memref<512x16xf32, #tpu.memory_space<vmem>> -> memref<448x16xf32, #tpu.memory_space<vmem>>
      %dma_start3A_893 = arith.constant 0 : i32
      %dma_start3A_894 = tpu.memref_slice %arg12[%add3A_34, %dma_start3A_893] : memref<100352x16xf32, #tpu.memory_space<vmem_shared>> -> memref<448x16xf32, #tpu.memory_space<vmem_shared>>
      %dma_start3A_895 = arith.constant 0 : i32
      %dma_start3A_896 = tpu.memref_slice %arg12[%add3A_34, %dma_start3A_895] : memref<100352x16xf32, #tpu.memory_space<vmem_shared>> -> memref<448x16xf32, #tpu.memory_space<vmem_shared>>
      %dma_start3A_897 = arith.constant 0 : i32
      %dma_start3A_898 = arith.constant 0 : i32
      %dma_start3A_899 = tpu.memref_slice %arg10[%dma_start3A_897, %dma_start3A_898] : memref<512x16xf32, #tpu.memory_space<vmem>> -> memref<448x16xf32, #tpu.memory_space<vmem>>
      tpu.enqueue_dma source(%dma_start3A_899 : memref<448x16xf32, #tpu.memory_space<vmem>>) target(%dma_start3A_896 : memref<448x16xf32, #tpu.memory_space<vmem_shared>>) target_semaphore(%run_scoped3A : memref<!tpu.dma_semaphore, #tpu.memory_space<semaphore_mem>>)
      %dma_wait3A_900 = arith.constant 0 : i32
      %dma_wait3A_901 = arith.constant 0 : i32
      %dma_wait3A_902 = tpu.memref_slice %arg10[%dma_wait3A_900, %dma_wait3A_901] : memref<512x16xf32, #tpu.memory_space<vmem>> -> memref<448x16xf32, #tpu.memory_space<vmem>>
      %dma_wait3A_903 = arith.constant 0 : i32
      %dma_wait3A_904 = tpu.memref_slice %arg12[%add3A_34, %dma_wait3A_903] : memref<100352x16xf32, #tpu.memory_space<vmem_shared>> -> memref<448x16xf32, #tpu.memory_space<vmem_shared>>
      %dma_wait3A_905 = arith.constant 0 : i32
      %dma_wait3A_906 = tpu.memref_slice %arg12[%add3A_34, %dma_wait3A_905] : memref<100352x16xf32, #tpu.memory_space<vmem_shared>> -> memref<448x16xf32, #tpu.memory_space<vmem_shared>>
      %dma_wait3A_907 = arith.constant 0 : i32
      %dma_wait3A_908 = arith.constant 0 : i32
      %dma_wait3A_909 = tpu.memref_slice %arg10[%dma_wait3A_907, %dma_wait3A_908] : memref<512x16xf32, #tpu.memory_space<vmem>> -> memref<448x16xf32, #tpu.memory_space<vmem>>
      tpu.wait_dma2 semaphore(%run_scoped3A : memref<!tpu.dma_semaphore, #tpu.memory_space<semaphore_mem>>) src(%dma_wait3A_909 : memref<448x16xf32, #tpu.memory_space<vmem>>) dst(%dma_wait3A_906 : memref<448x16xf32, #tpu.memory_space<vmem_shared>>)
      tpu.yield
    }) : () -> ()
    %add3A_35 = arith.constant 5824 : i32
    %add3A_36 = arith.addi %mul3A_0, %add3A_35 : i32
    "tpu.region"() ({
      %run_scoped3A = tpu.sem_alloc : memref<!tpu.dma_semaphore, #tpu.memory_space<semaphore_mem>>
      %dma_start3A_890 = arith.constant 0 : i32
      %dma_start3A_891 = arith.constant 0 : i32
      %dma_start3A_892 = tpu.memref_slice %arg10[%dma_start3A_890, %dma_start3A_891] : memref<512x16xf32, #tpu.memory_space<vmem>> -> memref<448x16xf32, #tpu.memory_space<vmem>>
      %dma_start3A_893 = arith.constant 0 : i32
      %dma_start3A_894 = tpu.memref_slice %arg12[%add3A_36, %dma_start3A_893] : memref<100352x16xf32, #tpu.memory_space<vmem_shared>> -> memref<448x16xf32, #tpu.memory_space<vmem_shared>>
      %dma_start3A_895 = arith.constant 0 : i32
      %dma_start3A_896 = tpu.memref_slice %arg12[%add3A_36, %dma_start3A_895] : memref<100352x16xf32, #tpu.memory_space<vmem_shared>> -> memref<448x16xf32, #tpu.memory_space<vmem_shared>>
      %dma_start3A_897 = arith.constant 0 : i32
      %dma_start3A_898 = arith.constant 0 : i32
      %dma_start3A_899 = tpu.memref_slice %arg10[%dma_start3A_897, %dma_start3A_898] : memref<512x16xf32, #tpu.memory_space<vmem>> -> memref<448x16xf32, #tpu.memory_space<vmem>>
      tpu.enqueue_dma source(%dma_start3A_899 : memref<448x16xf32, #tpu.memory_space<vmem>>) target(%dma_start3A_896 : memref<448x16xf32, #tpu.memory_space<vmem_shared>>) target_semaphore(%run_scoped3A : memref<!tpu.dma_semaphore, #tpu.memory_space<semaphore_mem>>)
      %dma_wait3A_900 = arith.constant 0 : i32
      %dma_wait3A_901 = arith.constant 0 : i32
      %dma_wait3A_902 = tpu.memref_slice %arg10[%dma_wait3A_900, %dma_wait3A_901] : memref<512x16xf32, #tpu.memory_space<vmem>> -> memref<448x16xf32, #tpu.memory_space<vmem>>
      %dma_wait3A_903 = arith.constant 0 : i32
      %dma_wait3A_904 = tpu.memref_slice %arg12[%add3A_36, %dma_wait3A_903] : memref<100352x16xf32, #tpu.memory_space<vmem_shared>> -> memref<448x16xf32, #tpu.memory_space<vmem_shared>>
      %dma_wait3A_905 = arith.constant 0 : i32
      %dma_wait3A_906 = tpu.memref_slice %arg12[%add3A_36, %dma_wait3A_905] : memref<100352x16xf32, #tpu.memory_space<vmem_shared>> -> memref<448x16xf32, #tpu.memory_space<vmem_shared>>
      %dma_wait3A_907 = arith.constant 0 : i32
      %dma_wait3A_908 = arith.constant 0 : i32
      %dma_wait3A_909 = tpu.memref_slice %arg10[%dma_wait3A_907, %dma_wait3A_908] : memref<512x16xf32, #tpu.memory_space<vmem>> -> memref<448x16xf32, #tpu.memory_space<vmem>>
      tpu.wait_dma2 semaphore(%run_scoped3A : memref<!tpu.dma_semaphore, #tpu.memory_space<semaphore_mem>>) src(%dma_wait3A_909 : memref<448x16xf32, #tpu.memory_space<vmem>>) dst(%dma_wait3A_906 : memref<448x16xf32, #tpu.memory_space<vmem_shared>>)
      tpu.yield
    }) : () -> ()
    %barrier3A = arith.constant 0 : index
    tpu.barrier barrier_id(%barrier3A)
    %mul3A_37 = arith.constant 2 : i32
    %mul3A_38 = arith.muli %mul3A_37, %arg0 : i32
    %mul3A_39 = arith.constant 100352 : i32
    %mul3A_40 = arith.muli %mul3A_38, %mul3A_39 : i32
    %add3A_41 = arith.constant 0 : i32
    %add3A_42 = arith.addi %mul3A_2, %add3A_41 : i32
    "tpu.region"() ({
      %run_scoped3A = tpu.sem_alloc : memref<!tpu.dma_semaphore, #tpu.memory_space<semaphore_mem>>
      %dma_start3A_890 = arith.constant 0 : i32
      %dma_start3A_891 = tpu.memref_slice %arg2[%add3A_42, %dma_start3A_890] : memref<12544x128xi32, #tpu.memory_space<hbm>> -> memref<4x128xi32, #tpu.memory_space<hbm>>
      %dma_start3A_892 = arith.constant 0 : i32
      %dma_start3A_893 = tpu.memref_slice %arg2[%add3A_42, %dma_start3A_892] : memref<12544x128xi32, #tpu.memory_space<hbm>> -> memref<4x128xi32, #tpu.memory_space<hbm>>
      tpu.enqueue_dma source(%dma_start3A_893 : memref<4x128xi32, #tpu.memory_space<hbm>>) target(%arg6 : memref<4x128xi32, #tpu.memory_space<vmem>>) target_semaphore(%run_scoped3A : memref<!tpu.dma_semaphore, #tpu.memory_space<semaphore_mem>>)
      %dma_wait3A_894 = arith.constant 0 : i32
      %dma_wait3A_895 = tpu.memref_slice %arg2[%add3A_42, %dma_wait3A_894] : memref<12544x128xi32, #tpu.memory_space<hbm>> -> memref<4x128xi32, #tpu.memory_space<hbm>>
      %dma_wait3A_896 = arith.constant 0 : i32
      %dma_wait3A_897 = tpu.memref_slice %arg2[%add3A_42, %dma_wait3A_896] : memref<12544x128xi32, #tpu.memory_space<hbm>> -> memref<4x128xi32, #tpu.memory_space<hbm>>
      tpu.wait_dma2 semaphore(%run_scoped3A : memref<!tpu.dma_semaphore, #tpu.memory_space<semaphore_mem>>) src(%dma_wait3A_897 : memref<4x128xi32, #tpu.memory_space<hbm>>) dst(%arg6 : memref<4x128xi32, #tpu.memory_space<vmem>>)
      tpu.yield
    }) : () -> ()
    "tpu.region"() ({
      %run_scoped3A = tpu.sem_alloc : memref<!tpu.dma_semaphore, #tpu.memory_space<semaphore_mem>>
      %dma_start3A_890 = arith.constant 0 : i32
      %dma_start3A_891 = tpu.memref_slice %arg3[%add3A_42, %dma_start3A_890] : memref<12544x128xi32, #tpu.memory_space<hbm>> -> memref<4x128xi32, #tpu.memory_space<hbm>>
      %dma_start3A_892 = arith.constant 0 : i32
      %dma_start3A_893 = tpu.memref_slice %arg3[%add3A_42, %dma_start3A_892] : memref<12544x128xi32, #tpu.memory_space<hbm>> -> memref<4x128xi32, #tpu.memory_space<hbm>>
      tpu.enqueue_dma source(%dma_start3A_893 : memref<4x128xi32, #tpu.memory_space<hbm>>) target(%arg8 : memref<4x128xi32, #tpu.memory_space<vmem>>) target_semaphore(%run_scoped3A : memref<!tpu.dma_semaphore, #tpu.memory_space<semaphore_mem>>)
      %dma_wait3A_894 = arith.constant 0 : i32
      %dma_wait3A_895 = tpu.memref_slice %arg3[%add3A_42, %dma_wait3A_894] : memref<12544x128xi32, #tpu.memory_space<hbm>> -> memref<4x128xi32, #tpu.memory_space<hbm>>
      %dma_wait3A_896 = arith.constant 0 : i32
      %dma_wait3A_897 = tpu.memref_slice %arg3[%add3A_42, %dma_wait3A_896] : memref<12544x128xi32, #tpu.memory_space<hbm>> -> memref<4x128xi32, #tpu.memory_space<hbm>>
      tpu.wait_dma2 semaphore(%run_scoped3A : memref<!tpu.dma_semaphore, #tpu.memory_space<semaphore_mem>>) src(%dma_wait3A_897 : memref<4x128xi32, #tpu.memory_space<hbm>>) dst(%arg8 : memref<4x128xi32, #tpu.memory_space<vmem>>)
      tpu.yield
    }) : () -> ()
    %dma_start3A = arith.constant 0 : i32
    %dma_start3A_43 = arith.constant 0 : i32
    %dma_start3A_44 = arith.constant 0 : i32
    %dma_start3A_45 = tpu.memref_slice %arg10[%dma_start3A_43, %dma_start3A_44] : memref<512x16xf32, #tpu.memory_space<vmem>> -> memref<128x16xf32, #tpu.memory_space<vmem>>
    %dma_start3A_46 = arith.constant 0 : i32
    %dma_start3A_47 = tpu.memref_slice %arg8[%dma_start3A, %dma_start3A_46] : memref<4x128xi32, #tpu.memory_space<vmem>> -> memref<1x128xi32, #tpu.memory_space<vmem>>
    %dma_start3A_48 = tpu.memref_squeeze %dma_start3A_47 : memref<1x128xi32, #tpu.memory_space<vmem>> -> memref<128xi32, #tpu.memory_space<vmem>>
    %dma_start3A_49 = arith.constant 0 : i32
    %dma_start3A_50 = tpu.memref_slice %arg4[%mul3A_40, %dma_start3A_49] : memref<301056x16xf32, #tpu.memory_space<hbm>> -> memref<100352x16xf32, #tpu.memory_space<hbm>>
    %dma_start3A_51 = arith.constant 0 : i32
    %dma_start3A_52 = arith.constant 0 : i32
    %dma_start3A_53 = tpu.memref_slice %dma_start3A_50[%dma_start3A_51, %dma_start3A_52] : memref<100352x16xf32, #tpu.memory_space<hbm>> -> memref<100352x16xf32, #tpu.memory_space<hbm>>
    tpu.enqueue_indirect_dma source(%dma_start3A_53 : memref<100352x16xf32, #tpu.memory_space<hbm>>) target(%dma_start3A_45 : memref<128x16xf32, #tpu.memory_space<vmem>>) offsets(%dma_start3A_48 : memref<128xi32, #tpu.memory_space<vmem>>) semaphore(%arg13 : memref<!tpu.dma_semaphore, #tpu.memory_space<semaphore_mem>>)
    %dma_start3A_54 = arith.constant 1 : i32
    %dma_start3A_55 = arith.constant 128 : i32
    %dma_start3A_56 = arith.constant 0 : i32
    %dma_start3A_57 = tpu.memref_slice %arg10[%dma_start3A_55, %dma_start3A_56] : memref<512x16xf32, #tpu.memory_space<vmem>> -> memref<128x16xf32, #tpu.memory_space<vmem>>
    %dma_start3A_58 = arith.constant 0 : i32
    %dma_start3A_59 = tpu.memref_slice %arg8[%dma_start3A_54, %dma_start3A_58] : memref<4x128xi32, #tpu.memory_space<vmem>> -> memref<1x128xi32, #tpu.memory_space<vmem>>
    %dma_start3A_60 = tpu.memref_squeeze %dma_start3A_59 : memref<1x128xi32, #tpu.memory_space<vmem>> -> memref<128xi32, #tpu.memory_space<vmem>>
    %dma_start3A_61 = arith.constant 0 : i32
    %dma_start3A_62 = tpu.memref_slice %arg4[%mul3A_40, %dma_start3A_61] : memref<301056x16xf32, #tpu.memory_space<hbm>> -> memref<100352x16xf32, #tpu.memory_space<hbm>>
    %dma_start3A_63 = arith.constant 0 : i32
    %dma_start3A_64 = arith.constant 0 : i32
    %dma_start3A_65 = tpu.memref_slice %dma_start3A_62[%dma_start3A_63, %dma_start3A_64] : memref<100352x16xf32, #tpu.memory_space<hbm>> -> memref<100352x16xf32, #tpu.memory_space<hbm>>
    tpu.enqueue_indirect_dma source(%dma_start3A_65 : memref<100352x16xf32, #tpu.memory_space<hbm>>) target(%dma_start3A_57 : memref<128x16xf32, #tpu.memory_space<vmem>>) offsets(%dma_start3A_60 : memref<128xi32, #tpu.memory_space<vmem>>) semaphore(%arg13 : memref<!tpu.dma_semaphore, #tpu.memory_space<semaphore_mem>>)
    %dma_start3A_66 = arith.constant 2 : i32
    %dma_start3A_67 = arith.constant 256 : i32
    %dma_start3A_68 = arith.constant 0 : i32
    %dma_start3A_69 = tpu.memref_slice %arg10[%dma_start3A_67, %dma_start3A_68] : memref<512x16xf32, #tpu.memory_space<vmem>> -> memref<128x16xf32, #tpu.memory_space<vmem>>
    %dma_start3A_70 = arith.constant 0 : i32
    %dma_start3A_71 = tpu.memref_slice %arg8[%dma_start3A_66, %dma_start3A_70] : memref<4x128xi32, #tpu.memory_space<vmem>> -> memref<1x128xi32, #tpu.memory_space<vmem>>
    %dma_start3A_72 = tpu.memref_squeeze %dma_start3A_71 : memref<1x128xi32, #tpu.memory_space<vmem>> -> memref<128xi32, #tpu.memory_space<vmem>>
    %dma_start3A_73 = arith.constant 0 : i32
    %dma_start3A_74 = tpu.memref_slice %arg4[%mul3A_40, %dma_start3A_73] : memref<301056x16xf32, #tpu.memory_space<hbm>> -> memref<100352x16xf32, #tpu.memory_space<hbm>>
    %dma_start3A_75 = arith.constant 0 : i32
    %dma_start3A_76 = arith.constant 0 : i32
    %dma_start3A_77 = tpu.memref_slice %dma_start3A_74[%dma_start3A_75, %dma_start3A_76] : memref<100352x16xf32, #tpu.memory_space<hbm>> -> memref<100352x16xf32, #tpu.memory_space<hbm>>
    tpu.enqueue_indirect_dma source(%dma_start3A_77 : memref<100352x16xf32, #tpu.memory_space<hbm>>) target(%dma_start3A_69 : memref<128x16xf32, #tpu.memory_space<vmem>>) offsets(%dma_start3A_72 : memref<128xi32, #tpu.memory_space<vmem>>) semaphore(%arg13 : memref<!tpu.dma_semaphore, #tpu.memory_space<semaphore_mem>>)
    %dma_start3A_78 = arith.constant 3 : i32
    %dma_start3A_79 = arith.constant 384 : i32
    %dma_start3A_80 = arith.constant 0 : i32
    %dma_start3A_81 = tpu.memref_slice %arg10[%dma_start3A_79, %dma_start3A_80] : memref<512x16xf32, #tpu.memory_space<vmem>> -> memref<128x16xf32, #tpu.memory_space<vmem>>
    %dma_start3A_82 = arith.constant 0 : i32
    %dma_start3A_83 = tpu.memref_slice %arg8[%dma_start3A_78, %dma_start3A_82] : memref<4x128xi32, #tpu.memory_space<vmem>> -> memref<1x128xi32, #tpu.memory_space<vmem>>
    %dma_start3A_84 = tpu.memref_squeeze %dma_start3A_83 : memref<1x128xi32, #tpu.memory_space<vmem>> -> memref<128xi32, #tpu.memory_space<vmem>>
    %dma_start3A_85 = arith.constant 0 : i32
    %dma_start3A_86 = tpu.memref_slice %arg4[%mul3A_40, %dma_start3A_85] : memref<301056x16xf32, #tpu.memory_space<hbm>> -> memref<100352x16xf32, #tpu.memory_space<hbm>>
    %dma_start3A_87 = arith.constant 0 : i32
    %dma_start3A_88 = arith.constant 0 : i32
    %dma_start3A_89 = tpu.memref_slice %dma_start3A_86[%dma_start3A_87, %dma_start3A_88] : memref<100352x16xf32, #tpu.memory_space<hbm>> -> memref<100352x16xf32, #tpu.memory_space<hbm>>
    tpu.enqueue_indirect_dma source(%dma_start3A_89 : memref<100352x16xf32, #tpu.memory_space<hbm>>) target(%dma_start3A_81 : memref<128x16xf32, #tpu.memory_space<vmem>>) offsets(%dma_start3A_84 : memref<128xi32, #tpu.memory_space<vmem>>) semaphore(%arg13 : memref<!tpu.dma_semaphore, #tpu.memory_space<semaphore_mem>>)
    %scan3A_90 = arith.constant 0 : i32
    %scan3A_91 = arith.constant 0 : i32
    %scan3A_92 = arith.constant 98 : i32
    %scan3A_93 = arith.addi %scan3A_91, %scan3A_92 : i32
    %scan3A_94 = arith.constant 1 : i32
    %scan3A_95 = scf.for %scan3A_890 = %scan3A_91 to %scan3A_93 step %scan3A_94 iter_args(%scan3A_891 = %scan3A_90) -> (i32)  : i32 {
      %mul3A_892 = arith.constant 2 : i32
      %mul3A_893 = arith.muli %mul3A_892, %scan3A_890 : i32
      %add3A_894 = arith.constant 1 : i32
      %add3A_895 = arith.addi %mul3A_893, %add3A_894 : i32
      %mul3A_896 = arith.constant 4 : i32
      %mul3A_897 = arith.muli %add3A_895, %mul3A_896 : i32
      %add3A_898 = arith.addi %mul3A_2, %mul3A_897 : i32
      "tpu.region"() ({
        %run_scoped3A_1055 = tpu.sem_alloc : memref<!tpu.dma_semaphore, #tpu.memory_space<semaphore_mem>>
        %dma_start3A_1056 = arith.constant 0 : i32
        %dma_start3A_1057 = tpu.memref_slice %arg2[%add3A_898, %dma_start3A_1056] : memref<12544x128xi32, #tpu.memory_space<hbm>> -> memref<4x128xi32, #tpu.memory_space<hbm>>
        %dma_start3A_1058 = arith.constant 0 : i32
        %dma_start3A_1059 = tpu.memref_slice %arg2[%add3A_898, %dma_start3A_1058] : memref<12544x128xi32, #tpu.memory_space<hbm>> -> memref<4x128xi32, #tpu.memory_space<hbm>>
        tpu.enqueue_dma source(%dma_start3A_1059 : memref<4x128xi32, #tpu.memory_space<hbm>>) target(%arg7 : memref<4x128xi32, #tpu.memory_space<vmem>>) target_semaphore(%run_scoped3A_1055 : memref<!tpu.dma_semaphore, #tpu.memory_space<semaphore_mem>>)
        %dma_wait3A_1060 = arith.constant 0 : i32
        %dma_wait3A_1061 = tpu.memref_slice %arg2[%add3A_898, %dma_wait3A_1060] : memref<12544x128xi32, #tpu.memory_space<hbm>> -> memref<4x128xi32, #tpu.memory_space<hbm>>
        %dma_wait3A_1062 = arith.constant 0 : i32
        %dma_wait3A_1063 = tpu.memref_slice %arg2[%add3A_898, %dma_wait3A_1062] : memref<12544x128xi32, #tpu.memory_space<hbm>> -> memref<4x128xi32, #tpu.memory_space<hbm>>
        tpu.wait_dma2 semaphore(%run_scoped3A_1055 : memref<!tpu.dma_semaphore, #tpu.memory_space<semaphore_mem>>) src(%dma_wait3A_1063 : memref<4x128xi32, #tpu.memory_space<hbm>>) dst(%arg7 : memref<4x128xi32, #tpu.memory_space<vmem>>)
        tpu.yield
      }) : () -> ()
      "tpu.region"() ({
        %run_scoped3A_1055 = tpu.sem_alloc : memref<!tpu.dma_semaphore, #tpu.memory_space<semaphore_mem>>
        %dma_start3A_1056 = arith.constant 0 : i32
        %dma_start3A_1057 = tpu.memref_slice %arg3[%add3A_898, %dma_start3A_1056] : memref<12544x128xi32, #tpu.memory_space<hbm>> -> memref<4x128xi32, #tpu.memory_space<hbm>>
        %dma_start3A_1058 = arith.constant 0 : i32
        %dma_start3A_1059 = tpu.memref_slice %arg3[%add3A_898, %dma_start3A_1058] : memref<12544x128xi32, #tpu.memory_space<hbm>> -> memref<4x128xi32, #tpu.memory_space<hbm>>
        tpu.enqueue_dma source(%dma_start3A_1059 : memref<4x128xi32, #tpu.memory_space<hbm>>) target(%arg9 : memref<4x128xi32, #tpu.memory_space<vmem>>) target_semaphore(%run_scoped3A_1055 : memref<!tpu.dma_semaphore, #tpu.memory_space<semaphore_mem>>)
        %dma_wait3A_1060 = arith.constant 0 : i32
        %dma_wait3A_1061 = tpu.memref_slice %arg3[%add3A_898, %dma_wait3A_1060] : memref<12544x128xi32, #tpu.memory_space<hbm>> -> memref<4x128xi32, #tpu.memory_space<hbm>>
        %dma_wait3A_1062 = arith.constant 0 : i32
        %dma_wait3A_1063 = tpu.memref_slice %arg3[%add3A_898, %dma_wait3A_1062] : memref<12544x128xi32, #tpu.memory_space<hbm>> -> memref<4x128xi32, #tpu.memory_space<hbm>>
        tpu.wait_dma2 semaphore(%run_scoped3A_1055 : memref<!tpu.dma_semaphore, #tpu.memory_space<semaphore_mem>>) src(%dma_wait3A_1063 : memref<4x128xi32, #tpu.memory_space<hbm>>) dst(%arg9 : memref<4x128xi32, #tpu.memory_space<vmem>>)
        tpu.yield
      }) : () -> ()
      %dma_start3A_899 = arith.constant 0 : i32
      %dma_start3A_900 = arith.constant 0 : i32
      %dma_start3A_901 = arith.constant 0 : i32
      %dma_start3A_902 = tpu.memref_slice %arg11[%dma_start3A_900, %dma_start3A_901] : memref<512x16xf32, #tpu.memory_space<vmem>> -> memref<128x16xf32, #tpu.memory_space<vmem>>
      %dma_start3A_903 = arith.constant 0 : i32
      %dma_start3A_904 = tpu.memref_slice %arg9[%dma_start3A_899, %dma_start3A_903] : memref<4x128xi32, #tpu.memory_space<vmem>> -> memref<1x128xi32, #tpu.memory_space<vmem>>
      %dma_start3A_905 = tpu.memref_squeeze %dma_start3A_904 : memref<1x128xi32, #tpu.memory_space<vmem>> -> memref<128xi32, #tpu.memory_space<vmem>>
      %dma_start3A_906 = arith.constant 0 : i32
      %dma_start3A_907 = tpu.memref_slice %arg4[%mul3A_40, %dma_start3A_906] : memref<301056x16xf32, #tpu.memory_space<hbm>> -> memref<100352x16xf32, #tpu.memory_space<hbm>>
      %dma_start3A_908 = arith.constant 0 : i32
      %dma_start3A_909 = arith.constant 0 : i32
      %dma_start3A_910 = tpu.memref_slice %dma_start3A_907[%dma_start3A_908, %dma_start3A_909] : memref<100352x16xf32, #tpu.memory_space<hbm>> -> memref<100352x16xf32, #tpu.memory_space<hbm>>
      tpu.enqueue_indirect_dma source(%dma_start3A_910 : memref<100352x16xf32, #tpu.memory_space<hbm>>) target(%dma_start3A_902 : memref<128x16xf32, #tpu.memory_space<vmem>>) offsets(%dma_start3A_905 : memref<128xi32, #tpu.memory_space<vmem>>) semaphore(%arg14 : memref<!tpu.dma_semaphore, #tpu.memory_space<semaphore_mem>>)
      %dma_start3A_911 = arith.constant 1 : i32
      %dma_start3A_912 = arith.constant 128 : i32
      %dma_start3A_913 = arith.constant 0 : i32
      %dma_start3A_914 = tpu.memref_slice %arg11[%dma_start3A_912, %dma_start3A_913] : memref<512x16xf32, #tpu.memory_space<vmem>> -> memref<128x16xf32, #tpu.memory_space<vmem>>
      %dma_start3A_915 = arith.constant 0 : i32
      %dma_start3A_916 = tpu.memref_slice %arg9[%dma_start3A_911, %dma_start3A_915] : memref<4x128xi32, #tpu.memory_space<vmem>> -> memref<1x128xi32, #tpu.memory_space<vmem>>
      %dma_start3A_917 = tpu.memref_squeeze %dma_start3A_916 : memref<1x128xi32, #tpu.memory_space<vmem>> -> memref<128xi32, #tpu.memory_space<vmem>>
      %dma_start3A_918 = arith.constant 0 : i32
      %dma_start3A_919 = tpu.memref_slice %arg4[%mul3A_40, %dma_start3A_918] : memref<301056x16xf32, #tpu.memory_space<hbm>> -> memref<100352x16xf32, #tpu.memory_space<hbm>>
      %dma_start3A_920 = arith.constant 0 : i32
      %dma_start3A_921 = arith.constant 0 : i32
      %dma_start3A_922 = tpu.memref_slice %dma_start3A_919[%dma_start3A_920, %dma_start3A_921] : memref<100352x16xf32, #tpu.memory_space<hbm>> -> memref<100352x16xf32, #tpu.memory_space<hbm>>
      tpu.enqueue_indirect_dma source(%dma_start3A_922 : memref<100352x16xf32, #tpu.memory_space<hbm>>) target(%dma_start3A_914 : memref<128x16xf32, #tpu.memory_space<vmem>>) offsets(%dma_start3A_917 : memref<128xi32, #tpu.memory_space<vmem>>) semaphore(%arg14 : memref<!tpu.dma_semaphore, #tpu.memory_space<semaphore_mem>>)
      %dma_start3A_923 = arith.constant 2 : i32
      %dma_start3A_924 = arith.constant 256 : i32
      %dma_start3A_925 = arith.constant 0 : i32
      %dma_start3A_926 = tpu.memref_slice %arg11[%dma_start3A_924, %dma_start3A_925] : memref<512x16xf32, #tpu.memory_space<vmem>> -> memref<128x16xf32, #tpu.memory_space<vmem>>
      %dma_start3A_927 = arith.constant 0 : i32
      %dma_start3A_928 = tpu.memref_slice %arg9[%dma_start3A_923, %dma_start3A_927] : memref<4x128xi32, #tpu.memory_space<vmem>> -> memref<1x128xi32, #tpu.memory_space<vmem>>
      %dma_start3A_929 = tpu.memref_squeeze %dma_start3A_928 : memref<1x128xi32, #tpu.memory_space<vmem>> -> memref<128xi32, #tpu.memory_space<vmem>>
      %dma_start3A_930 = arith.constant 0 : i32
      %dma_start3A_931 = tpu.memref_slice %arg4[%mul3A_40, %dma_start3A_930] : memref<301056x16xf32, #tpu.memory_space<hbm>> -> memref<100352x16xf32, #tpu.memory_space<hbm>>
      %dma_start3A_932 = arith.constant 0 : i32
      %dma_start3A_933 = arith.constant 0 : i32
      %dma_start3A_934 = tpu.memref_slice %dma_start3A_931[%dma_start3A_932, %dma_start3A_933] : memref<100352x16xf32, #tpu.memory_space<hbm>> -> memref<100352x16xf32, #tpu.memory_space<hbm>>
      tpu.enqueue_indirect_dma source(%dma_start3A_934 : memref<100352x16xf32, #tpu.memory_space<hbm>>) target(%dma_start3A_926 : memref<128x16xf32, #tpu.memory_space<vmem>>) offsets(%dma_start3A_929 : memref<128xi32, #tpu.memory_space<vmem>>) semaphore(%arg14 : memref<!tpu.dma_semaphore, #tpu.memory_space<semaphore_mem>>)
      %dma_start3A_935 = arith.constant 3 : i32
      %dma_start3A_936 = arith.constant 384 : i32
      %dma_start3A_937 = arith.constant 0 : i32
      %dma_start3A_938 = tpu.memref_slice %arg11[%dma_start3A_936, %dma_start3A_937] : memref<512x16xf32, #tpu.memory_space<vmem>> -> memref<128x16xf32, #tpu.memory_space<vmem>>
      %dma_start3A_939 = arith.constant 0 : i32
      %dma_start3A_940 = tpu.memref_slice %arg9[%dma_start3A_935, %dma_start3A_939] : memref<4x128xi32, #tpu.memory_space<vmem>> -> memref<1x128xi32, #tpu.memory_space<vmem>>
      %dma_start3A_941 = tpu.memref_squeeze %dma_start3A_940 : memref<1x128xi32, #tpu.memory_space<vmem>> -> memref<128xi32, #tpu.memory_space<vmem>>
      %dma_start3A_942 = arith.constant 0 : i32
      %dma_start3A_943 = tpu.memref_slice %arg4[%mul3A_40, %dma_start3A_942] : memref<301056x16xf32, #tpu.memory_space<hbm>> -> memref<100352x16xf32, #tpu.memory_space<hbm>>
      %dma_start3A_944 = arith.constant 0 : i32
      %dma_start3A_945 = arith.constant 0 : i32
      %dma_start3A_946 = tpu.memref_slice %dma_start3A_943[%dma_start3A_944, %dma_start3A_945] : memref<100352x16xf32, #tpu.memory_space<hbm>> -> memref<100352x16xf32, #tpu.memory_space<hbm>>
      tpu.enqueue_indirect_dma source(%dma_start3A_946 : memref<100352x16xf32, #tpu.memory_space<hbm>>) target(%dma_start3A_938 : memref<128x16xf32, #tpu.memory_space<vmem>>) offsets(%dma_start3A_941 : memref<128xi32, #tpu.memory_space<vmem>>) semaphore(%arg14 : memref<!tpu.dma_semaphore, #tpu.memory_space<semaphore_mem>>)
      %dma_wait3A_947 = arith.constant 0 : i32
      %dma_wait3A_948 = arith.constant 0 : i32
      %dma_wait3A_949 = arith.constant 0 : i32
      %dma_wait3A_950 = tpu.memref_slice %arg10[%dma_wait3A_948, %dma_wait3A_949] : memref<512x16xf32, #tpu.memory_space<vmem>> -> memref<128x16xf32, #tpu.memory_space<vmem>>
      %dma_wait3A_951 = arith.constant 0 : i32
      %dma_wait3A_952 = tpu.memref_slice %arg8[%dma_wait3A_947, %dma_wait3A_951] : memref<4x128xi32, #tpu.memory_space<vmem>> -> memref<1x128xi32, #tpu.memory_space<vmem>>
      %dma_wait3A_953 = tpu.memref_squeeze %dma_wait3A_952 : memref<1x128xi32, #tpu.memory_space<vmem>> -> memref<128xi32, #tpu.memory_space<vmem>>
      %dma_wait3A_954 = arith.constant 0 : i32
      %dma_wait3A_955 = tpu.memref_slice %arg4[%mul3A_40, %dma_wait3A_954] : memref<301056x16xf32, #tpu.memory_space<hbm>> -> memref<100352x16xf32, #tpu.memory_space<hbm>>
      %dma_wait3A_956 = arith.constant 0 : i32
      %dma_wait3A_957 = arith.constant 0 : i32
      %dma_wait3A_958 = tpu.memref_slice %dma_wait3A_955[%dma_wait3A_956, %dma_wait3A_957] : memref<100352x16xf32, #tpu.memory_space<hbm>> -> memref<100352x16xf32, #tpu.memory_space<hbm>>
      tpu.wait_indirect_dma semaphore(%arg13 : memref<!tpu.dma_semaphore, #tpu.memory_space<semaphore_mem>>) src(%dma_wait3A_958 : memref<100352x16xf32, #tpu.memory_space<hbm>>) dst(%dma_wait3A_950 : memref<128x16xf32, #tpu.memory_space<vmem>>)
      %dma_wait3A_959 = arith.constant 1 : i32
      %dma_wait3A_960 = arith.constant 128 : i32
      %dma_wait3A_961 = arith.constant 0 : i32
      %dma_wait3A_962 = tpu.memref_slice %arg10[%dma_wait3A_960, %dma_wait3A_961] : memref<512x16xf32, #tpu.memory_space<vmem>> -> memref<128x16xf32, #tpu.memory_space<vmem>>
      %dma_wait3A_963 = arith.constant 0 : i32
      %dma_wait3A_964 = tpu.memref_slice %arg8[%dma_wait3A_959, %dma_wait3A_963] : memref<4x128xi32, #tpu.memory_space<vmem>> -> memref<1x128xi32, #tpu.memory_space<vmem>>
      %dma_wait3A_965 = tpu.memref_squeeze %dma_wait3A_964 : memref<1x128xi32, #tpu.memory_space<vmem>> -> memref<128xi32, #tpu.memory_space<vmem>>
      %dma_wait3A_966 = arith.constant 0 : i32
      %dma_wait3A_967 = tpu.memref_slice %arg4[%mul3A_40, %dma_wait3A_966] : memref<301056x16xf32, #tpu.memory_space<hbm>> -> memref<100352x16xf32, #tpu.memory_space<hbm>>
      %dma_wait3A_968 = arith.constant 0 : i32
      %dma_wait3A_969 = arith.constant 0 : i32
      %dma_wait3A_970 = tpu.memref_slice %dma_wait3A_967[%dma_wait3A_968, %dma_wait3A_969] : memref<100352x16xf32, #tpu.memory_space<hbm>> -> memref<100352x16xf32, #tpu.memory_space<hbm>>
      tpu.wait_indirect_dma semaphore(%arg13 : memref<!tpu.dma_semaphore, #tpu.memory_space<semaphore_mem>>) src(%dma_wait3A_970 : memref<100352x16xf32, #tpu.memory_space<hbm>>) dst(%dma_wait3A_962 : memref<128x16xf32, #tpu.memory_space<vmem>>)
      %dma_wait3A_971 = arith.constant 2 : i32
      %dma_wait3A_972 = arith.constant 256 : i32
      %dma_wait3A_973 = arith.constant 0 : i32
      %dma_wait3A_974 = tpu.memref_slice %arg10[%dma_wait3A_972, %dma_wait3A_973] : memref<512x16xf32, #tpu.memory_space<vmem>> -> memref<128x16xf32, #tpu.memory_space<vmem>>
      %dma_wait3A_975 = arith.constant 0 : i32
      %dma_wait3A_976 = tpu.memref_slice %arg8[%dma_wait3A_971, %dma_wait3A_975] : memref<4x128xi32, #tpu.memory_space<vmem>> -> memref<1x128xi32, #tpu.memory_space<vmem>>
      %dma_wait3A_977 = tpu.memref_squeeze %dma_wait3A_976 : memref<1x128xi32, #tpu.memory_space<vmem>> -> memref<128xi32, #tpu.memory_space<vmem>>
      %dma_wait3A_978 = arith.constant 0 : i32
      %dma_wait3A_979 = tpu.memref_slice %arg4[%mul3A_40, %dma_wait3A_978] : memref<301056x16xf32, #tpu.memory_space<hbm>> -> memref<100352x16xf32, #tpu.memory_space<hbm>>
      %dma_wait3A_980 = arith.constant 0 : i32
      %dma_wait3A_981 = arith.constant 0 : i32
      %dma_wait3A_982 = tpu.memref_slice %dma_wait3A_979[%dma_wait3A_980, %dma_wait3A_981] : memref<100352x16xf32, #tpu.memory_space<hbm>> -> memref<100352x16xf32, #tpu.memory_space<hbm>>
      tpu.wait_indirect_dma semaphore(%arg13 : memref<!tpu.dma_semaphore, #tpu.memory_space<semaphore_mem>>) src(%dma_wait3A_982 : memref<100352x16xf32, #tpu.memory_space<hbm>>) dst(%dma_wait3A_974 : memref<128x16xf32, #tpu.memory_space<vmem>>)
      %dma_wait3A_983 = arith.constant 3 : i32
      %dma_wait3A_984 = arith.constant 384 : i32
      %dma_wait3A_985 = arith.constant 0 : i32
      %dma_wait3A_986 = tpu.memref_slice %arg10[%dma_wait3A_984, %dma_wait3A_985] : memref<512x16xf32, #tpu.memory_space<vmem>> -> memref<128x16xf32, #tpu.memory_space<vmem>>
      %dma_wait3A_987 = arith.constant 0 : i32
      %dma_wait3A_988 = tpu.memref_slice %arg8[%dma_wait3A_983, %dma_wait3A_987] : memref<4x128xi32, #tpu.memory_space<vmem>> -> memref<1x128xi32, #tpu.memory_space<vmem>>
      %dma_wait3A_989 = tpu.memref_squeeze %dma_wait3A_988 : memref<1x128xi32, #tpu.memory_space<vmem>> -> memref<128xi32, #tpu.memory_space<vmem>>
      %dma_wait3A_990 = arith.constant 0 : i32
      %dma_wait3A_991 = tpu.memref_slice %arg4[%mul3A_40, %dma_wait3A_990] : memref<301056x16xf32, #tpu.memory_space<hbm>> -> memref<100352x16xf32, #tpu.memory_space<hbm>>
      %dma_wait3A_992 = arith.constant 0 : i32
      %dma_wait3A_993 = arith.constant 0 : i32
      %dma_wait3A_994 = tpu.memref_slice %dma_wait3A_991[%dma_wait3A_992, %dma_wait3A_993] : memref<100352x16xf32, #tpu.memory_space<hbm>> -> memref<100352x16xf32, #tpu.memory_space<hbm>>
      tpu.wait_indirect_dma semaphore(%arg13 : memref<!tpu.dma_semaphore, #tpu.memory_space<semaphore_mem>>) src(%dma_wait3A_994 : memref<100352x16xf32, #tpu.memory_space<hbm>>) dst(%dma_wait3A_986 : memref<128x16xf32, #tpu.memory_space<vmem>>)
      %run_scoped3A = arith.constant 0 : i32
      "tpu.region"() ({
        %run_scoped3A_1055 = tpu.sem_alloc : memref<!tpu.dma_semaphore, #tpu.memory_space<semaphore_mem>>
        %dma_start3A_1056 = arith.constant 0 : i32
        %dma_start3A_1057 = arith.constant 0 : i32
        %dma_start3A_1058 = tpu.memref_slice %arg10[%dma_start3A_1056, %dma_start3A_1057] : memref<512x16xf32, #tpu.memory_space<vmem>> -> memref<128x16xf32, #tpu.memory_space<vmem>>
        %dma_start3A_1059 = arith.constant 0 : i32
        %dma_start3A_1060 = tpu.memref_slice %arg6[%run_scoped3A, %dma_start3A_1059] : memref<4x128xi32, #tpu.memory_space<vmem>> -> memref<1x128xi32, #tpu.memory_space<vmem>>
        %dma_start3A_1061 = tpu.memref_squeeze %dma_start3A_1060 : memref<1x128xi32, #tpu.memory_space<vmem>> -> memref<128xi32, #tpu.memory_space<vmem>>
        %dma_start3A_1062 = arith.constant 0 : i32
        %dma_start3A_1063 = arith.constant 0 : i32
        %dma_start3A_1064 = tpu.memref_slice %arg12[%dma_start3A_1062, %dma_start3A_1063] : memref<100352x16xf32, #tpu.memory_space<vmem_shared>> -> memref<100352x16xf32, #tpu.memory_space<vmem_shared>>
        tpu.enqueue_indirect_dma source(%dma_start3A_1058 : memref<128x16xf32, #tpu.memory_space<vmem>>) target(%dma_start3A_1064 : memref<100352x16xf32, #tpu.memory_space<vmem_shared>>) offsets(%dma_start3A_1061 : memref<128xi32, #tpu.memory_space<vmem>>) semaphore(%run_scoped3A_1055 : memref<!tpu.dma_semaphore, #tpu.memory_space<semaphore_mem>>) {add = true}
        %dma_wait3A_1065 = arith.constant 0 : i32
        %dma_wait3A_1066 = arith.constant 0 : i32
        %dma_wait3A_1067 = tpu.memref_slice %arg10[%dma_wait3A_1065, %dma_wait3A_1066] : memref<512x16xf32, #tpu.memory_space<vmem>> -> memref<128x16xf32, #tpu.memory_space<vmem>>
        %dma_wait3A_1068 = arith.constant 0 : i32
        %dma_wait3A_1069 = tpu.memref_slice %arg6[%run_scoped3A, %dma_wait3A_1068] : memref<4x128xi32, #tpu.memory_space<vmem>> -> memref<1x128xi32, #tpu.memory_space<vmem>>
        %dma_wait3A_1070 = tpu.memref_squeeze %dma_wait3A_1069 : memref<1x128xi32, #tpu.memory_space<vmem>> -> memref<128xi32, #tpu.memory_space<vmem>>
        %dma_wait3A_1071 = arith.constant 0 : i32
        %dma_wait3A_1072 = arith.constant 0 : i32
        %dma_wait3A_1073 = tpu.memref_slice %arg12[%dma_wait3A_1071, %dma_wait3A_1072] : memref<100352x16xf32, #tpu.memory_space<vmem_shared>> -> memref<100352x16xf32, #tpu.memory_space<vmem_shared>>
        tpu.wait_indirect_dma semaphore(%run_scoped3A_1055 : memref<!tpu.dma_semaphore, #tpu.memory_space<semaphore_mem>>) src(%dma_wait3A_1067 : memref<128x16xf32, #tpu.memory_space<vmem>>) dst(%dma_wait3A_1073 : memref<100352x16xf32, #tpu.memory_space<vmem_shared>>)
        tpu.yield
      }) : () -> ()
      %run_scoped3A_995 = arith.constant 1 : i32
      "tpu.region"() ({
        %run_scoped3A_1055 = tpu.sem_alloc : memref<!tpu.dma_semaphore, #tpu.memory_space<semaphore_mem>>
        %dma_start3A_1056 = arith.constant 128 : i32
        %dma_start3A_1057 = arith.constant 0 : i32
        %dma_start3A_1058 = tpu.memref_slice %arg10[%dma_start3A_1056, %dma_start3A_1057] : memref<512x16xf32, #tpu.memory_space<vmem>> -> memref<128x16xf32, #tpu.memory_space<vmem>>
        %dma_start3A_1059 = arith.constant 0 : i32
        %dma_start3A_1060 = tpu.memref_slice %arg6[%run_scoped3A_995, %dma_start3A_1059] : memref<4x128xi32, #tpu.memory_space<vmem>> -> memref<1x128xi32, #tpu.memory_space<vmem>>
        %dma_start3A_1061 = tpu.memref_squeeze %dma_start3A_1060 : memref<1x128xi32, #tpu.memory_space<vmem>> -> memref<128xi32, #tpu.memory_space<vmem>>
        %dma_start3A_1062 = arith.constant 0 : i32
        %dma_start3A_1063 = arith.constant 0 : i32
        %dma_start3A_1064 = tpu.memref_slice %arg12[%dma_start3A_1062, %dma_start3A_1063] : memref<100352x16xf32, #tpu.memory_space<vmem_shared>> -> memref<100352x16xf32, #tpu.memory_space<vmem_shared>>
        tpu.enqueue_indirect_dma source(%dma_start3A_1058 : memref<128x16xf32, #tpu.memory_space<vmem>>) target(%dma_start3A_1064 : memref<100352x16xf32, #tpu.memory_space<vmem_shared>>) offsets(%dma_start3A_1061 : memref<128xi32, #tpu.memory_space<vmem>>) semaphore(%run_scoped3A_1055 : memref<!tpu.dma_semaphore, #tpu.memory_space<semaphore_mem>>) {add = true}
        %dma_wait3A_1065 = arith.constant 128 : i32
        %dma_wait3A_1066 = arith.constant 0 : i32
        %dma_wait3A_1067 = tpu.memref_slice %arg10[%dma_wait3A_1065, %dma_wait3A_1066] : memref<512x16xf32, #tpu.memory_space<vmem>> -> memref<128x16xf32, #tpu.memory_space<vmem>>
        %dma_wait3A_1068 = arith.constant 0 : i32
        %dma_wait3A_1069 = tpu.memref_slice %arg6[%run_scoped3A_995, %dma_wait3A_1068] : memref<4x128xi32, #tpu.memory_space<vmem>> -> memref<1x128xi32, #tpu.memory_space<vmem>>
        %dma_wait3A_1070 = tpu.memref_squeeze %dma_wait3A_1069 : memref<1x128xi32, #tpu.memory_space<vmem>> -> memref<128xi32, #tpu.memory_space<vmem>>
        %dma_wait3A_1071 = arith.constant 0 : i32
        %dma_wait3A_1072 = arith.constant 0 : i32
        %dma_wait3A_1073 = tpu.memref_slice %arg12[%dma_wait3A_1071, %dma_wait3A_1072] : memref<100352x16xf32, #tpu.memory_space<vmem_shared>> -> memref<100352x16xf32, #tpu.memory_space<vmem_shared>>
        tpu.wait_indirect_dma semaphore(%run_scoped3A_1055 : memref<!tpu.dma_semaphore, #tpu.memory_space<semaphore_mem>>) src(%dma_wait3A_1067 : memref<128x16xf32, #tpu.memory_space<vmem>>) dst(%dma_wait3A_1073 : memref<100352x16xf32, #tpu.memory_space<vmem_shared>>)
        tpu.yield
      }) : () -> ()
      %run_scoped3A_996 = arith.constant 2 : i32
      "tpu.region"() ({
        %run_scoped3A_1055 = tpu.sem_alloc : memref<!tpu.dma_semaphore, #tpu.memory_space<semaphore_mem>>
        %dma_start3A_1056 = arith.constant 256 : i32
        %dma_start3A_1057 = arith.constant 0 : i32
        %dma_start3A_1058 = tpu.memref_slice %arg10[%dma_start3A_1056, %dma_start3A_1057] : memref<512x16xf32, #tpu.memory_space<vmem>> -> memref<128x16xf32, #tpu.memory_space<vmem>>
        %dma_start3A_1059 = arith.constant 0 : i32
        %dma_start3A_1060 = tpu.memref_slice %arg6[%run_scoped3A_996, %dma_start3A_1059] : memref<4x128xi32, #tpu.memory_space<vmem>> -> memref<1x128xi32, #tpu.memory_space<vmem>>
        %dma_start3A_1061 = tpu.memref_squeeze %dma_start3A_1060 : memref<1x128xi32, #tpu.memory_space<vmem>> -> memref<128xi32, #tpu.memory_space<vmem>>
        %dma_start3A_1062 = arith.constant 0 : i32
        %dma_start3A_1063 = arith.constant 0 : i32
        %dma_start3A_1064 = tpu.memref_slice %arg12[%dma_start3A_1062, %dma_start3A_1063] : memref<100352x16xf32, #tpu.memory_space<vmem_shared>> -> memref<100352x16xf32, #tpu.memory_space<vmem_shared>>
        tpu.enqueue_indirect_dma source(%dma_start3A_1058 : memref<128x16xf32, #tpu.memory_space<vmem>>) target(%dma_start3A_1064 : memref<100352x16xf32, #tpu.memory_space<vmem_shared>>) offsets(%dma_start3A_1061 : memref<128xi32, #tpu.memory_space<vmem>>) semaphore(%run_scoped3A_1055 : memref<!tpu.dma_semaphore, #tpu.memory_space<semaphore_mem>>) {add = true}
        %dma_wait3A_1065 = arith.constant 256 : i32
        %dma_wait3A_1066 = arith.constant 0 : i32
        %dma_wait3A_1067 = tpu.memref_slice %arg10[%dma_wait3A_1065, %dma_wait3A_1066] : memref<512x16xf32, #tpu.memory_space<vmem>> -> memref<128x16xf32, #tpu.memory_space<vmem>>
        %dma_wait3A_1068 = arith.constant 0 : i32
        %dma_wait3A_1069 = tpu.memref_slice %arg6[%run_scoped3A_996, %dma_wait3A_1068] : memref<4x128xi32, #tpu.memory_space<vmem>> -> memref<1x128xi32, #tpu.memory_space<vmem>>
        %dma_wait3A_1070 = tpu.memref_squeeze %dma_wait3A_1069 : memref<1x128xi32, #tpu.memory_space<vmem>> -> memref<128xi32, #tpu.memory_space<vmem>>
        %dma_wait3A_1071 = arith.constant 0 : i32
        %dma_wait3A_1072 = arith.constant 0 : i32
        %dma_wait3A_1073 = tpu.memref_slice %arg12[%dma_wait3A_1071, %dma_wait3A_1072] : memref<100352x16xf32, #tpu.memory_space<vmem_shared>> -> memref<100352x16xf32, #tpu.memory_space<vmem_shared>>
        tpu.wait_indirect_dma semaphore(%run_scoped3A_1055 : memref<!tpu.dma_semaphore, #tpu.memory_space<semaphore_mem>>) src(%dma_wait3A_1067 : memref<128x16xf32, #tpu.memory_space<vmem>>) dst(%dma_wait3A_1073 : memref<100352x16xf32, #tpu.memory_space<vmem_shared>>)
        tpu.yield
      }) : () -> ()
      %run_scoped3A_997 = arith.constant 3 : i32
      "tpu.region"() ({
        %run_scoped3A_1055 = tpu.sem_alloc : memref<!tpu.dma_semaphore, #tpu.memory_space<semaphore_mem>>
        %dma_start3A_1056 = arith.constant 384 : i32
        %dma_start3A_1057 = arith.constant 0 : i32
        %dma_start3A_1058 = tpu.memref_slice %arg10[%dma_start3A_1056, %dma_start3A_1057] : memref<512x16xf32, #tpu.memory_space<vmem>> -> memref<128x16xf32, #tpu.memory_space<vmem>>
        %dma_start3A_1059 = arith.constant 0 : i32
        %dma_start3A_1060 = tpu.memref_slice %arg6[%run_scoped3A_997, %dma_start3A_1059] : memref<4x128xi32, #tpu.memory_space<vmem>> -> memref<1x128xi32, #tpu.memory_space<vmem>>
        %dma_start3A_1061 = tpu.memref_squeeze %dma_start3A_1060 : memref<1x128xi32, #tpu.memory_space<vmem>> -> memref<128xi32, #tpu.memory_space<vmem>>
        %dma_start3A_1062 = arith.constant 0 : i32
        %dma_start3A_1063 = arith.constant 0 : i32
        %dma_start3A_1064 = tpu.memref_slice %arg12[%dma_start3A_1062, %dma_start3A_1063] : memref<100352x16xf32, #tpu.memory_space<vmem_shared>> -> memref<100352x16xf32, #tpu.memory_space<vmem_shared>>
        tpu.enqueue_indirect_dma source(%dma_start3A_1058 : memref<128x16xf32, #tpu.memory_space<vmem>>) target(%dma_start3A_1064 : memref<100352x16xf32, #tpu.memory_space<vmem_shared>>) offsets(%dma_start3A_1061 : memref<128xi32, #tpu.memory_space<vmem>>) semaphore(%run_scoped3A_1055 : memref<!tpu.dma_semaphore, #tpu.memory_space<semaphore_mem>>) {add = true}
        %dma_wait3A_1065 = arith.constant 384 : i32
        %dma_wait3A_1066 = arith.constant 0 : i32
        %dma_wait3A_1067 = tpu.memref_slice %arg10[%dma_wait3A_1065, %dma_wait3A_1066] : memref<512x16xf32, #tpu.memory_space<vmem>> -> memref<128x16xf32, #tpu.memory_space<vmem>>
        %dma_wait3A_1068 = arith.constant 0 : i32
        %dma_wait3A_1069 = tpu.memref_slice %arg6[%run_scoped3A_997, %dma_wait3A_1068] : memref<4x128xi32, #tpu.memory_space<vmem>> -> memref<1x128xi32, #tpu.memory_space<vmem>>
        %dma_wait3A_1070 = tpu.memref_squeeze %dma_wait3A_1069 : memref<1x128xi32, #tpu.memory_space<vmem>> -> memref<128xi32, #tpu.memory_space<vmem>>
        %dma_wait3A_1071 = arith.constant 0 : i32
        %dma_wait3A_1072 = arith.constant 0 : i32
        %dma_wait3A_1073 = tpu.memref_slice %arg12[%dma_wait3A_1071, %dma_wait3A_1072] : memref<100352x16xf32, #tpu.memory_space<vmem_shared>> -> memref<100352x16xf32, #tpu.memory_space<vmem_shared>>
        tpu.wait_indirect_dma semaphore(%run_scoped3A_1055 : memref<!tpu.dma_semaphore, #tpu.memory_space<semaphore_mem>>) src(%dma_wait3A_1067 : memref<128x16xf32, #tpu.memory_space<vmem>>) dst(%dma_wait3A_1073 : memref<100352x16xf32, #tpu.memory_space<vmem_shared>>)
        tpu.yield
      }) : () -> ()
      %lt3A = arith.constant 97 : i32
      %lt3A_998 = arith.cmpi slt, %scan3A_890, %lt3A : i32
      %convert_element_type3A_999 = arith.extui %lt3A_998 : i1 to i32
      %cond3A_1000 = arith.constant 0 : i32
      %cond3A_1001 = arith.cmpi ne, %convert_element_type3A_999, %cond3A_1000 : i32
      scf.if %cond3A_1001 {
        %mul3A_1055 = arith.constant 2 : i32
        %mul3A_1056 = arith.muli %mul3A_1055, %scan3A_890 : i32
        %add3A_1057 = arith.constant 2 : i32
        %add3A_1058 = arith.addi %mul3A_1056, %add3A_1057 : i32
        %mul3A_1059 = arith.constant 4 : i32
        %mul3A_1060 = arith.muli %add3A_1058, %mul3A_1059 : i32
        %add3A_1061 = arith.addi %mul3A_2, %mul3A_1060 : i32
        "tpu.region"() ({
          %run_scoped3A_1110 = tpu.sem_alloc : memref<!tpu.dma_semaphore, #tpu.memory_space<semaphore_mem>>
          %dma_start3A_1111 = arith.constant 0 : i32
          %dma_start3A_1112 = tpu.memref_slice %arg2[%add3A_1061, %dma_start3A_1111] : memref<12544x128xi32, #tpu.memory_space<hbm>> -> memref<4x128xi32, #tpu.memory_space<hbm>>
          %dma_start3A_1113 = arith.constant 0 : i32
          %dma_start3A_1114 = tpu.memref_slice %arg2[%add3A_1061, %dma_start3A_1113] : memref<12544x128xi32, #tpu.memory_space<hbm>> -> memref<4x128xi32, #tpu.memory_space<hbm>>
          tpu.enqueue_dma source(%dma_start3A_1114 : memref<4x128xi32, #tpu.memory_space<hbm>>) target(%arg6 : memref<4x128xi32, #tpu.memory_space<vmem>>) target_semaphore(%run_scoped3A_1110 : memref<!tpu.dma_semaphore, #tpu.memory_space<semaphore_mem>>)
          %dma_wait3A_1115 = arith.constant 0 : i32
          %dma_wait3A_1116 = tpu.memref_slice %arg2[%add3A_1061, %dma_wait3A_1115] : memref<12544x128xi32, #tpu.memory_space<hbm>> -> memref<4x128xi32, #tpu.memory_space<hbm>>
          %dma_wait3A_1117 = arith.constant 0 : i32
          %dma_wait3A_1118 = tpu.memref_slice %arg2[%add3A_1061, %dma_wait3A_1117] : memref<12544x128xi32, #tpu.memory_space<hbm>> -> memref<4x128xi32, #tpu.memory_space<hbm>>
          tpu.wait_dma2 semaphore(%run_scoped3A_1110 : memref<!tpu.dma_semaphore, #tpu.memory_space<semaphore_mem>>) src(%dma_wait3A_1118 : memref<4x128xi32, #tpu.memory_space<hbm>>) dst(%arg6 : memref<4x128xi32, #tpu.memory_space<vmem>>)
          tpu.yield
        }) : () -> ()
        "tpu.region"() ({
          %run_scoped3A_1110 = tpu.sem_alloc : memref<!tpu.dma_semaphore, #tpu.memory_space<semaphore_mem>>
          %dma_start3A_1111 = arith.constant 0 : i32
          %dma_start3A_1112 = tpu.memref_slice %arg3[%add3A_1061, %dma_start3A_1111] : memref<12544x128xi32, #tpu.memory_space<hbm>> -> memref<4x128xi32, #tpu.memory_space<hbm>>
          %dma_start3A_1113 = arith.constant 0 : i32
          %dma_start3A_1114 = tpu.memref_slice %arg3[%add3A_1061, %dma_start3A_1113] : memref<12544x128xi32, #tpu.memory_space<hbm>> -> memref<4x128xi32, #tpu.memory_space<hbm>>
          tpu.enqueue_dma source(%dma_start3A_1114 : memref<4x128xi32, #tpu.memory_space<hbm>>) target(%arg8 : memref<4x128xi32, #tpu.memory_space<vmem>>) target_semaphore(%run_scoped3A_1110 : memref<!tpu.dma_semaphore, #tpu.memory_space<semaphore_mem>>)
          %dma_wait3A_1115 = arith.constant 0 : i32
          %dma_wait3A_1116 = tpu.memref_slice %arg3[%add3A_1061, %dma_wait3A_1115] : memref<12544x128xi32, #tpu.memory_space<hbm>> -> memref<4x128xi32, #tpu.memory_space<hbm>>
          %dma_wait3A_1117 = arith.constant 0 : i32
          %dma_wait3A_1118 = tpu.memref_slice %arg3[%add3A_1061, %dma_wait3A_1117] : memref<12544x128xi32, #tpu.memory_space<hbm>> -> memref<4x128xi32, #tpu.memory_space<hbm>>
          tpu.wait_dma2 semaphore(%run_scoped3A_1110 : memref<!tpu.dma_semaphore, #tpu.memory_space<semaphore_mem>>) src(%dma_wait3A_1118 : memref<4x128xi32, #tpu.memory_space<hbm>>) dst(%arg8 : memref<4x128xi32, #tpu.memory_space<vmem>>)
          tpu.yield
        }) : () -> ()
        %dma_start3A_1062 = arith.constant 0 : i32
        %dma_start3A_1063 = arith.constant 0 : i32
        %dma_start3A_1064 = arith.constant 0 : i32
        %dma_start3A_1065 = tpu.memref_slice %arg10[%dma_start3A_1063, %dma_start3A_1064] : memref<512x16xf32, #tpu.memory_space<vmem>> -> memref<128x16xf32, #tpu.memory_space<vmem>>
        %dma_start3A_1066 = arith.constant 0 : i32
        %dma_start3A_1067 = tpu.memref_slice %arg8[%dma_start3A_1062, %dma_start3A_1066] : memref<4x128xi32, #tpu.memory_space<vmem>> -> memref<1x128xi32, #tpu.memory_space<vmem>>
        %dma_start3A_1068 = tpu.memref_squeeze %dma_start3A_1067 : memref<1x128xi32, #tpu.memory_space<vmem>> -> memref<128xi32, #tpu.memory_space<vmem>>
        %dma_start3A_1069 = arith.constant 0 : i32
        %dma_start3A_1070 = tpu.memref_slice %arg4[%mul3A_40, %dma_start3A_1069] : memref<301056x16xf32, #tpu.memory_space<hbm>> -> memref<100352x16xf32, #tpu.memory_space<hbm>>
        %dma_start3A_1071 = arith.constant 0 : i32
        %dma_start3A_1072 = arith.constant 0 : i32
        %dma_start3A_1073 = tpu.memref_slice %dma_start3A_1070[%dma_start3A_1071, %dma_start3A_1072] : memref<100352x16xf32, #tpu.memory_space<hbm>> -> memref<100352x16xf32, #tpu.memory_space<hbm>>
        tpu.enqueue_indirect_dma source(%dma_start3A_1073 : memref<100352x16xf32, #tpu.memory_space<hbm>>) target(%dma_start3A_1065 : memref<128x16xf32, #tpu.memory_space<vmem>>) offsets(%dma_start3A_1068 : memref<128xi32, #tpu.memory_space<vmem>>) semaphore(%arg13 : memref<!tpu.dma_semaphore, #tpu.memory_space<semaphore_mem>>)
        %dma_start3A_1074 = arith.constant 1 : i32
        %dma_start3A_1075 = arith.constant 128 : i32
        %dma_start3A_1076 = arith.constant 0 : i32
        %dma_start3A_1077 = tpu.memref_slice %arg10[%dma_start3A_1075, %dma_start3A_1076] : memref<512x16xf32, #tpu.memory_space<vmem>> -> memref<128x16xf32, #tpu.memory_space<vmem>>
        %dma_start3A_1078 = arith.constant 0 : i32
        %dma_start3A_1079 = tpu.memref_slice %arg8[%dma_start3A_1074, %dma_start3A_1078] : memref<4x128xi32, #tpu.memory_space<vmem>> -> memref<1x128xi32, #tpu.memory_space<vmem>>
        %dma_start3A_1080 = tpu.memref_squeeze %dma_start3A_1079 : memref<1x128xi32, #tpu.memory_space<vmem>> -> memref<128xi32, #tpu.memory_space<vmem>>
        %dma_start3A_1081 = arith.constant 0 : i32
        %dma_start3A_1082 = tpu.memref_slice %arg4[%mul3A_40, %dma_start3A_1081] : memref<301056x16xf32, #tpu.memory_space<hbm>> -> memref<100352x16xf32, #tpu.memory_space<hbm>>
        %dma_start3A_1083 = arith.constant 0 : i32
        %dma_start3A_1084 = arith.constant 0 : i32
        %dma_start3A_1085 = tpu.memref_slice %dma_start3A_1082[%dma_start3A_1083, %dma_start3A_1084] : memref<100352x16xf32, #tpu.memory_space<hbm>> -> memref<100352x16xf32, #tpu.memory_space<hbm>>
        tpu.enqueue_indirect_dma source(%dma_start3A_1085 : memref<100352x16xf32, #tpu.memory_space<hbm>>) target(%dma_start3A_1077 : memref<128x16xf32, #tpu.memory_space<vmem>>) offsets(%dma_start3A_1080 : memref<128xi32, #tpu.memory_space<vmem>>) semaphore(%arg13 : memref<!tpu.dma_semaphore, #tpu.memory_space<semaphore_mem>>)
        %dma_start3A_1086 = arith.constant 2 : i32
        %dma_start3A_1087 = arith.constant 256 : i32
        %dma_start3A_1088 = arith.constant 0 : i32
        %dma_start3A_1089 = tpu.memref_slice %arg10[%dma_start3A_1087, %dma_start3A_1088] : memref<512x16xf32, #tpu.memory_space<vmem>> -> memref<128x16xf32, #tpu.memory_space<vmem>>
        %dma_start3A_1090 = arith.constant 0 : i32
        %dma_start3A_1091 = tpu.memref_slice %arg8[%dma_start3A_1086, %dma_start3A_1090] : memref<4x128xi32, #tpu.memory_space<vmem>> -> memref<1x128xi32, #tpu.memory_space<vmem>>
        %dma_start3A_1092 = tpu.memref_squeeze %dma_start3A_1091 : memref<1x128xi32, #tpu.memory_space<vmem>> -> memref<128xi32, #tpu.memory_space<vmem>>
        %dma_start3A_1093 = arith.constant 0 : i32
        %dma_start3A_1094 = tpu.memref_slice %arg4[%mul3A_40, %dma_start3A_1093] : memref<301056x16xf32, #tpu.memory_space<hbm>> -> memref<100352x16xf32, #tpu.memory_space<hbm>>
        %dma_start3A_1095 = arith.constant 0 : i32
        %dma_start3A_1096 = arith.constant 0 : i32
        %dma_start3A_1097 = tpu.memref_slice %dma_start3A_1094[%dma_start3A_1095, %dma_start3A_1096] : memref<100352x16xf32, #tpu.memory_space<hbm>> -> memref<100352x16xf32, #tpu.memory_space<hbm>>
        tpu.enqueue_indirect_dma source(%dma_start3A_1097 : memref<100352x16xf32, #tpu.memory_space<hbm>>) target(%dma_start3A_1089 : memref<128x16xf32, #tpu.memory_space<vmem>>) offsets(%dma_start3A_1092 : memref<128xi32, #tpu.memory_space<vmem>>) semaphore(%arg13 : memref<!tpu.dma_semaphore, #tpu.memory_space<semaphore_mem>>)
        %dma_start3A_1098 = arith.constant 3 : i32
        %dma_start3A_1099 = arith.constant 384 : i32
        %dma_start3A_1100 = arith.constant 0 : i32
        %dma_start3A_1101 = tpu.memref_slice %arg10[%dma_start3A_1099, %dma_start3A_1100] : memref<512x16xf32, #tpu.memory_space<vmem>> -> memref<128x16xf32, #tpu.memory_space<vmem>>
        %dma_start3A_1102 = arith.constant 0 : i32
        %dma_start3A_1103 = tpu.memref_slice %arg8[%dma_start3A_1098, %dma_start3A_1102] : memref<4x128xi32, #tpu.memory_space<vmem>> -> memref<1x128xi32, #tpu.memory_space<vmem>>
        %dma_start3A_1104 = tpu.memref_squeeze %dma_start3A_1103 : memref<1x128xi32, #tpu.memory_space<vmem>> -> memref<128xi32, #tpu.memory_space<vmem>>
        %dma_start3A_1105 = arith.constant 0 : i32
        %dma_start3A_1106 = tpu.memref_slice %arg4[%mul3A_40, %dma_start3A_1105] : memref<301056x16xf32, #tpu.memory_space<hbm>> -> memref<100352x16xf32, #tpu.memory_space<hbm>>
        %dma_start3A_1107 = arith.constant 0 : i32
        %dma_start3A_1108 = arith.constant 0 : i32
        %dma_start3A_1109 = tpu.memref_slice %dma_start3A_1106[%dma_start3A_1107, %dma_start3A_1108] : memref<100352x16xf32, #tpu.memory_space<hbm>> -> memref<100352x16xf32, #tpu.memory_space<hbm>>
        tpu.enqueue_indirect_dma source(%dma_start3A_1109 : memref<100352x16xf32, #tpu.memory_space<hbm>>) target(%dma_start3A_1101 : memref<128x16xf32, #tpu.memory_space<vmem>>) offsets(%dma_start3A_1104 : memref<128xi32, #tpu.memory_space<vmem>>) semaphore(%arg13 : memref<!tpu.dma_semaphore, #tpu.memory_space<semaphore_mem>>)
      } else {
      }
      %dma_wait3A_1002 = arith.constant 0 : i32
      %dma_wait3A_1003 = arith.constant 0 : i32
      %dma_wait3A_1004 = arith.constant 0 : i32
      %dma_wait3A_1005 = tpu.memref_slice %arg11[%dma_wait3A_1003, %dma_wait3A_1004] : memref<512x16xf32, #tpu.memory_space<vmem>> -> memref<128x16xf32, #tpu.memory_space<vmem>>
      %dma_wait3A_1006 = arith.constant 0 : i32
      %dma_wait3A_1007 = tpu.memref_slice %arg9[%dma_wait3A_1002, %dma_wait3A_1006] : memref<4x128xi32, #tpu.memory_space<vmem>> -> memref<1x128xi32, #tpu.memory_space<vmem>>
      %dma_wait3A_1008 = tpu.memref_squeeze %dma_wait3A_1007 : memref<1x128xi32, #tpu.memory_space<vmem>> -> memref<128xi32, #tpu.memory_space<vmem>>
      %dma_wait3A_1009 = arith.constant 0 : i32
      %dma_wait3A_1010 = tpu.memref_slice %arg4[%mul3A_40, %dma_wait3A_1009] : memref<301056x16xf32, #tpu.memory_space<hbm>> -> memref<100352x16xf32, #tpu.memory_space<hbm>>
      %dma_wait3A_1011 = arith.constant 0 : i32
      %dma_wait3A_1012 = arith.constant 0 : i32
      %dma_wait3A_1013 = tpu.memref_slice %dma_wait3A_1010[%dma_wait3A_1011, %dma_wait3A_1012] : memref<100352x16xf32, #tpu.memory_space<hbm>> -> memref<100352x16xf32, #tpu.memory_space<hbm>>
      tpu.wait_indirect_dma semaphore(%arg14 : memref<!tpu.dma_semaphore, #tpu.memory_space<semaphore_mem>>) src(%dma_wait3A_1013 : memref<100352x16xf32, #tpu.memory_space<hbm>>) dst(%dma_wait3A_1005 : memref<128x16xf32, #tpu.memory_space<vmem>>)
      %dma_wait3A_1014 = arith.constant 1 : i32
      %dma_wait3A_1015 = arith.constant 128 : i32
      %dma_wait3A_1016 = arith.constant 0 : i32
      %dma_wait3A_1017 = tpu.memref_slice %arg11[%dma_wait3A_1015, %dma_wait3A_1016] : memref<512x16xf32, #tpu.memory_space<vmem>> -> memref<128x16xf32, #tpu.memory_space<vmem>>
      %dma_wait3A_1018 = arith.constant 0 : i32
      %dma_wait3A_1019 = tpu.memref_slice %arg9[%dma_wait3A_1014, %dma_wait3A_1018] : memref<4x128xi32, #tpu.memory_space<vmem>> -> memref<1x128xi32, #tpu.memory_space<vmem>>
      %dma_wait3A_1020 = tpu.memref_squeeze %dma_wait3A_1019 : memref<1x128xi32, #tpu.memory_space<vmem>> -> memref<128xi32, #tpu.memory_space<vmem>>
      %dma_wait3A_1021 = arith.constant 0 : i32
      %dma_wait3A_1022 = tpu.memref_slice %arg4[%mul3A_40, %dma_wait3A_1021] : memref<301056x16xf32, #tpu.memory_space<hbm>> -> memref<100352x16xf32, #tpu.memory_space<hbm>>
      %dma_wait3A_1023 = arith.constant 0 : i32
      %dma_wait3A_1024 = arith.constant 0 : i32
      %dma_wait3A_1025 = tpu.memref_slice %dma_wait3A_1022[%dma_wait3A_1023, %dma_wait3A_1024] : memref<100352x16xf32, #tpu.memory_space<hbm>> -> memref<100352x16xf32, #tpu.memory_space<hbm>>
      tpu.wait_indirect_dma semaphore(%arg14 : memref<!tpu.dma_semaphore, #tpu.memory_space<semaphore_mem>>) src(%dma_wait3A_1025 : memref<100352x16xf32, #tpu.memory_space<hbm>>) dst(%dma_wait3A_1017 : memref<128x16xf32, #tpu.memory_space<vmem>>)
      %dma_wait3A_1026 = arith.constant 2 : i32
      %dma_wait3A_1027 = arith.constant 256 : i32
      %dma_wait3A_1028 = arith.constant 0 : i32
      %dma_wait3A_1029 = tpu.memref_slice %arg11[%dma_wait3A_1027, %dma_wait3A_1028] : memref<512x16xf32, #tpu.memory_space<vmem>> -> memref<128x16xf32, #tpu.memory_space<vmem>>
      %dma_wait3A_1030 = arith.constant 0 : i32
      %dma_wait3A_1031 = tpu.memref_slice %arg9[%dma_wait3A_1026, %dma_wait3A_1030] : memref<4x128xi32, #tpu.memory_space<vmem>> -> memref<1x128xi32, #tpu.memory_space<vmem>>
      %dma_wait3A_1032 = tpu.memref_squeeze %dma_wait3A_1031 : memref<1x128xi32, #tpu.memory_space<vmem>> -> memref<128xi32, #tpu.memory_space<vmem>>
      %dma_wait3A_1033 = arith.constant 0 : i32
      %dma_wait3A_1034 = tpu.memref_slice %arg4[%mul3A_40, %dma_wait3A_1033] : memref<301056x16xf32, #tpu.memory_space<hbm>> -> memref<100352x16xf32, #tpu.memory_space<hbm>>
      %dma_wait3A_1035 = arith.constant 0 : i32
      %dma_wait3A_1036 = arith.constant 0 : i32
      %dma_wait3A_1037 = tpu.memref_slice %dma_wait3A_1034[%dma_wait3A_1035, %dma_wait3A_1036] : memref<100352x16xf32, #tpu.memory_space<hbm>> -> memref<100352x16xf32, #tpu.memory_space<hbm>>
      tpu.wait_indirect_dma semaphore(%arg14 : memref<!tpu.dma_semaphore, #tpu.memory_space<semaphore_mem>>) src(%dma_wait3A_1037 : memref<100352x16xf32, #tpu.memory_space<hbm>>) dst(%dma_wait3A_1029 : memref<128x16xf32, #tpu.memory_space<vmem>>)
      %dma_wait3A_1038 = arith.constant 3 : i32
      %dma_wait3A_1039 = arith.constant 384 : i32
      %dma_wait3A_1040 = arith.constant 0 : i32
      %dma_wait3A_1041 = tpu.memref_slice %arg11[%dma_wait3A_1039, %dma_wait3A_1040] : memref<512x16xf32, #tpu.memory_space<vmem>> -> memref<128x16xf32, #tpu.memory_space<vmem>>
      %dma_wait3A_1042 = arith.constant 0 : i32
      %dma_wait3A_1043 = tpu.memref_slice %arg9[%dma_wait3A_1038, %dma_wait3A_1042] : memref<4x128xi32, #tpu.memory_space<vmem>> -> memref<1x128xi32, #tpu.memory_space<vmem>>
      %dma_wait3A_1044 = tpu.memref_squeeze %dma_wait3A_1043 : memref<1x128xi32, #tpu.memory_space<vmem>> -> memref<128xi32, #tpu.memory_space<vmem>>
      %dma_wait3A_1045 = arith.constant 0 : i32
      %dma_wait3A_1046 = tpu.memref_slice %arg4[%mul3A_40, %dma_wait3A_1045] : memref<301056x16xf32, #tpu.memory_space<hbm>> -> memref<100352x16xf32, #tpu.memory_space<hbm>>
      %dma_wait3A_1047 = arith.constant 0 : i32
      %dma_wait3A_1048 = arith.constant 0 : i32
      %dma_wait3A_1049 = tpu.memref_slice %dma_wait3A_1046[%dma_wait3A_1047, %dma_wait3A_1048] : memref<100352x16xf32, #tpu.memory_space<hbm>> -> memref<100352x16xf32, #tpu.memory_space<hbm>>
      tpu.wait_indirect_dma semaphore(%arg14 : memref<!tpu.dma_semaphore, #tpu.memory_space<semaphore_mem>>) src(%dma_wait3A_1049 : memref<100352x16xf32, #tpu.memory_space<hbm>>) dst(%dma_wait3A_1041 : memref<128x16xf32, #tpu.memory_space<vmem>>)
      %run_scoped3A_1050 = arith.constant 0 : i32
      "tpu.region"() ({
        %run_scoped3A_1055 = tpu.sem_alloc : memref<!tpu.dma_semaphore, #tpu.memory_space<semaphore_mem>>
        %dma_start3A_1056 = arith.constant 0 : i32
        %dma_start3A_1057 = arith.constant 0 : i32
        %dma_start3A_1058 = tpu.memref_slice %arg11[%dma_start3A_1056, %dma_start3A_1057] : memref<512x16xf32, #tpu.memory_space<vmem>> -> memref<128x16xf32, #tpu.memory_space<vmem>>
        %dma_start3A_1059 = arith.constant 0 : i32
        %dma_start3A_1060 = tpu.memref_slice %arg7[%run_scoped3A_1050, %dma_start3A_1059] : memref<4x128xi32, #tpu.memory_space<vmem>> -> memref<1x128xi32, #tpu.memory_space<vmem>>
        %dma_start3A_1061 = tpu.memref_squeeze %dma_start3A_1060 : memref<1x128xi32, #tpu.memory_space<vmem>> -> memref<128xi32, #tpu.memory_space<vmem>>
        %dma_start3A_1062 = arith.constant 0 : i32
        %dma_start3A_1063 = arith.constant 0 : i32
        %dma_start3A_1064 = tpu.memref_slice %arg12[%dma_start3A_1062, %dma_start3A_1063] : memref<100352x16xf32, #tpu.memory_space<vmem_shared>> -> memref<100352x16xf32, #tpu.memory_space<vmem_shared>>
        tpu.enqueue_indirect_dma source(%dma_start3A_1058 : memref<128x16xf32, #tpu.memory_space<vmem>>) target(%dma_start3A_1064 : memref<100352x16xf32, #tpu.memory_space<vmem_shared>>) offsets(%dma_start3A_1061 : memref<128xi32, #tpu.memory_space<vmem>>) semaphore(%run_scoped3A_1055 : memref<!tpu.dma_semaphore, #tpu.memory_space<semaphore_mem>>) {add = true}
        %dma_wait3A_1065 = arith.constant 0 : i32
        %dma_wait3A_1066 = arith.constant 0 : i32
        %dma_wait3A_1067 = tpu.memref_slice %arg11[%dma_wait3A_1065, %dma_wait3A_1066] : memref<512x16xf32, #tpu.memory_space<vmem>> -> memref<128x16xf32, #tpu.memory_space<vmem>>
        %dma_wait3A_1068 = arith.constant 0 : i32
        %dma_wait3A_1069 = tpu.memref_slice %arg7[%run_scoped3A_1050, %dma_wait3A_1068] : memref<4x128xi32, #tpu.memory_space<vmem>> -> memref<1x128xi32, #tpu.memory_space<vmem>>
        %dma_wait3A_1070 = tpu.memref_squeeze %dma_wait3A_1069 : memref<1x128xi32, #tpu.memory_space<vmem>> -> memref<128xi32, #tpu.memory_space<vmem>>
        %dma_wait3A_1071 = arith.constant 0 : i32
        %dma_wait3A_1072 = arith.constant 0 : i32
        %dma_wait3A_1073 = tpu.memref_slice %arg12[%dma_wait3A_1071, %dma_wait3A_1072] : memref<100352x16xf32, #tpu.memory_space<vmem_shared>> -> memref<100352x16xf32, #tpu.memory_space<vmem_shared>>
        tpu.wait_indirect_dma semaphore(%run_scoped3A_1055 : memref<!tpu.dma_semaphore, #tpu.memory_space<semaphore_mem>>) src(%dma_wait3A_1067 : memref<128x16xf32, #tpu.memory_space<vmem>>) dst(%dma_wait3A_1073 : memref<100352x16xf32, #tpu.memory_space<vmem_shared>>)
        tpu.yield
      }) : () -> ()
      %run_scoped3A_1051 = arith.constant 1 : i32
      "tpu.region"() ({
        %run_scoped3A_1055 = tpu.sem_alloc : memref<!tpu.dma_semaphore, #tpu.memory_space<semaphore_mem>>
        %dma_start3A_1056 = arith.constant 128 : i32
        %dma_start3A_1057 = arith.constant 0 : i32
        %dma_start3A_1058 = tpu.memref_slice %arg11[%dma_start3A_1056, %dma_start3A_1057] : memref<512x16xf32, #tpu.memory_space<vmem>> -> memref<128x16xf32, #tpu.memory_space<vmem>>
        %dma_start3A_1059 = arith.constant 0 : i32
        %dma_start3A_1060 = tpu.memref_slice %arg7[%run_scoped3A_1051, %dma_start3A_1059] : memref<4x128xi32, #tpu.memory_space<vmem>> -> memref<1x128xi32, #tpu.memory_space<vmem>>
        %dma_start3A_1061 = tpu.memref_squeeze %dma_start3A_1060 : memref<1x128xi32, #tpu.memory_space<vmem>> -> memref<128xi32, #tpu.memory_space<vmem>>
        %dma_start3A_1062 = arith.constant 0 : i32
        %dma_start3A_1063 = arith.constant 0 : i32
        %dma_start3A_1064 = tpu.memref_slice %arg12[%dma_start3A_1062, %dma_start3A_1063] : memref<100352x16xf32, #tpu.memory_space<vmem_shared>> -> memref<100352x16xf32, #tpu.memory_space<vmem_shared>>
        tpu.enqueue_indirect_dma source(%dma_start3A_1058 : memref<128x16xf32, #tpu.memory_space<vmem>>) target(%dma_start3A_1064 : memref<100352x16xf32, #tpu.memory_space<vmem_shared>>) offsets(%dma_start3A_1061 : memref<128xi32, #tpu.memory_space<vmem>>) semaphore(%run_scoped3A_1055 : memref<!tpu.dma_semaphore, #tpu.memory_space<semaphore_mem>>) {add = true}
        %dma_wait3A_1065 = arith.constant 128 : i32
        %dma_wait3A_1066 = arith.constant 0 : i32
        %dma_wait3A_1067 = tpu.memref_slice %arg11[%dma_wait3A_1065, %dma_wait3A_1066] : memref<512x16xf32, #tpu.memory_space<vmem>> -> memref<128x16xf32, #tpu.memory_space<vmem>>
        %dma_wait3A_1068 = arith.constant 0 : i32
        %dma_wait3A_1069 = tpu.memref_slice %arg7[%run_scoped3A_1051, %dma_wait3A_1068] : memref<4x128xi32, #tpu.memory_space<vmem>> -> memref<1x128xi32, #tpu.memory_space<vmem>>
        %dma_wait3A_1070 = tpu.memref_squeeze %dma_wait3A_1069 : memref<1x128xi32, #tpu.memory_space<vmem>> -> memref<128xi32, #tpu.memory_space<vmem>>
        %dma_wait3A_1071 = arith.constant 0 : i32
        %dma_wait3A_1072 = arith.constant 0 : i32
        %dma_wait3A_1073 = tpu.memref_slice %arg12[%dma_wait3A_1071, %dma_wait3A_1072] : memref<100352x16xf32, #tpu.memory_space<vmem_shared>> -> memref<100352x16xf32, #tpu.memory_space<vmem_shared>>
        tpu.wait_indirect_dma semaphore(%run_scoped3A_1055 : memref<!tpu.dma_semaphore, #tpu.memory_space<semaphore_mem>>) src(%dma_wait3A_1067 : memref<128x16xf32, #tpu.memory_space<vmem>>) dst(%dma_wait3A_1073 : memref<100352x16xf32, #tpu.memory_space<vmem_shared>>)
        tpu.yield
      }) : () -> ()
      %run_scoped3A_1052 = arith.constant 2 : i32
      "tpu.region"() ({
        %run_scoped3A_1055 = tpu.sem_alloc : memref<!tpu.dma_semaphore, #tpu.memory_space<semaphore_mem>>
        %dma_start3A_1056 = arith.constant 256 : i32
        %dma_start3A_1057 = arith.constant 0 : i32
        %dma_start3A_1058 = tpu.memref_slice %arg11[%dma_start3A_1056, %dma_start3A_1057] : memref<512x16xf32, #tpu.memory_space<vmem>> -> memref<128x16xf32, #tpu.memory_space<vmem>>
        %dma_start3A_1059 = arith.constant 0 : i32
        %dma_start3A_1060 = tpu.memref_slice %arg7[%run_scoped3A_1052, %dma_start3A_1059] : memref<4x128xi32, #tpu.memory_space<vmem>> -> memref<1x128xi32, #tpu.memory_space<vmem>>
        %dma_start3A_1061 = tpu.memref_squeeze %dma_start3A_1060 : memref<1x128xi32, #tpu.memory_space<vmem>> -> memref<128xi32, #tpu.memory_space<vmem>>
        %dma_start3A_1062 = arith.constant 0 : i32
        %dma_start3A_1063 = arith.constant 0 : i32
        %dma_start3A_1064 = tpu.memref_slice %arg12[%dma_start3A_1062, %dma_start3A_1063] : memref<100352x16xf32, #tpu.memory_space<vmem_shared>> -> memref<100352x16xf32, #tpu.memory_space<vmem_shared>>
        tpu.enqueue_indirect_dma source(%dma_start3A_1058 : memref<128x16xf32, #tpu.memory_space<vmem>>) target(%dma_start3A_1064 : memref<100352x16xf32, #tpu.memory_space<vmem_shared>>) offsets(%dma_start3A_1061 : memref<128xi32, #tpu.memory_space<vmem>>) semaphore(%run_scoped3A_1055 : memref<!tpu.dma_semaphore, #tpu.memory_space<semaphore_mem>>) {add = true}
        %dma_wait3A_1065 = arith.constant 256 : i32
        %dma_wait3A_1066 = arith.constant 0 : i32
        %dma_wait3A_1067 = tpu.memref_slice %arg11[%dma_wait3A_1065, %dma_wait3A_1066] : memref<512x16xf32, #tpu.memory_space<vmem>> -> memref<128x16xf32, #tpu.memory_space<vmem>>
        %dma_wait3A_1068 = arith.constant 0 : i32
        %dma_wait3A_1069 = tpu.memref_slice %arg7[%run_scoped3A_1052, %dma_wait3A_1068] : memref<4x128xi32, #tpu.memory_space<vmem>> -> memref<1x128xi32, #tpu.memory_space<vmem>>
        %dma_wait3A_1070 = tpu.memref_squeeze %dma_wait3A_1069 : memref<1x128xi32, #tpu.memory_space<vmem>> -> memref<128xi32, #tpu.memory_space<vmem>>
        %dma_wait3A_1071 = arith.constant 0 : i32
        %dma_wait3A_1072 = arith.constant 0 : i32
        %dma_wait3A_1073 = tpu.memref_slice %arg12[%dma_wait3A_1071, %dma_wait3A_1072] : memref<100352x16xf32, #tpu.memory_space<vmem_shared>> -> memref<100352x16xf32, #tpu.memory_space<vmem_shared>>
        tpu.wait_indirect_dma semaphore(%run_scoped3A_1055 : memref<!tpu.dma_semaphore, #tpu.memory_space<semaphore_mem>>) src(%dma_wait3A_1067 : memref<128x16xf32, #tpu.memory_space<vmem>>) dst(%dma_wait3A_1073 : memref<100352x16xf32, #tpu.memory_space<vmem_shared>>)
        tpu.yield
      }) : () -> ()
      %run_scoped3A_1053 = arith.constant 3 : i32
      "tpu.region"() ({
        %run_scoped3A_1055 = tpu.sem_alloc : memref<!tpu.dma_semaphore, #tpu.memory_space<semaphore_mem>>
        %dma_start3A_1056 = arith.constant 384 : i32
        %dma_start3A_1057 = arith.constant 0 : i32
        %dma_start3A_1058 = tpu.memref_slice %arg11[%dma_start3A_1056, %dma_start3A_1057] : memref<512x16xf32, #tpu.memory_space<vmem>> -> memref<128x16xf32, #tpu.memory_space<vmem>>
        %dma_start3A_1059 = arith.constant 0 : i32
        %dma_start3A_1060 = tpu.memref_slice %arg7[%run_scoped3A_1053, %dma_start3A_1059] : memref<4x128xi32, #tpu.memory_space<vmem>> -> memref<1x128xi32, #tpu.memory_space<vmem>>
        %dma_start3A_1061 = tpu.memref_squeeze %dma_start3A_1060 : memref<1x128xi32, #tpu.memory_space<vmem>> -> memref<128xi32, #tpu.memory_space<vmem>>
        %dma_start3A_1062 = arith.constant 0 : i32
        %dma_start3A_1063 = arith.constant 0 : i32
        %dma_start3A_1064 = tpu.memref_slice %arg12[%dma_start3A_1062, %dma_start3A_1063] : memref<100352x16xf32, #tpu.memory_space<vmem_shared>> -> memref<100352x16xf32, #tpu.memory_space<vmem_shared>>
        tpu.enqueue_indirect_dma source(%dma_start3A_1058 : memref<128x16xf32, #tpu.memory_space<vmem>>) target(%dma_start3A_1064 : memref<100352x16xf32, #tpu.memory_space<vmem_shared>>) offsets(%dma_start3A_1061 : memref<128xi32, #tpu.memory_space<vmem>>) semaphore(%run_scoped3A_1055 : memref<!tpu.dma_semaphore, #tpu.memory_space<semaphore_mem>>) {add = true}
        %dma_wait3A_1065 = arith.constant 384 : i32
        %dma_wait3A_1066 = arith.constant 0 : i32
        %dma_wait3A_1067 = tpu.memref_slice %arg11[%dma_wait3A_1065, %dma_wait3A_1066] : memref<512x16xf32, #tpu.memory_space<vmem>> -> memref<128x16xf32, #tpu.memory_space<vmem>>
        %dma_wait3A_1068 = arith.constant 0 : i32
        %dma_wait3A_1069 = tpu.memref_slice %arg7[%run_scoped3A_1053, %dma_wait3A_1068] : memref<4x128xi32, #tpu.memory_space<vmem>> -> memref<1x128xi32, #tpu.memory_space<vmem>>
        %dma_wait3A_1070 = tpu.memref_squeeze %dma_wait3A_1069 : memref<1x128xi32, #tpu.memory_space<vmem>> -> memref<128xi32, #tpu.memory_space<vmem>>
        %dma_wait3A_1071 = arith.constant 0 : i32
        %dma_wait3A_1072 = arith.constant 0 : i32
        %dma_wait3A_1073 = tpu.memref_slice %arg12[%dma_wait3A_1071, %dma_wait3A_1072] : memref<100352x16xf32, #tpu.memory_space<vmem_shared>> -> memref<100352x16xf32, #tpu.memory_space<vmem_shared>>
        tpu.wait_indirect_dma semaphore(%run_scoped3A_1055 : memref<!tpu.dma_semaphore, #tpu.memory_space<semaphore_mem>>) src(%dma_wait3A_1067 : memref<128x16xf32, #tpu.memory_space<vmem>>) dst(%dma_wait3A_1073 : memref<100352x16xf32, #tpu.memory_space<vmem_shared>>)
        tpu.yield
      }) : () -> ()
      %scan3A_1054 = arith.constant 0 : i32
      scf.yield %scan3A_1054 : i32
    }
    %scan3A_96 = arith.constant 98 : i32
    %barrier3A_97 = arith.constant 0 : index
    tpu.barrier barrier_id(%barrier3A_97)
    %mul3A_98 = arith.constant 2 : i32
    %mul3A_99 = arith.muli %mul3A_98, %arg0 : i32
    %add3A_100 = arith.constant 0 : i32
    %add3A_101 = arith.addi %mul3A_0, %add3A_100 : i32
    "tpu.region"() ({
      %run_scoped3A = tpu.sem_alloc : memref<!tpu.dma_semaphore, #tpu.memory_space<semaphore_mem>>
      %dma_start3A_890 = arith.constant 0 : i32
      %dma_start3A_891 = arith.constant 0 : i32
      %dma_start3A_892 = tpu.memref_slice %arg10[%dma_start3A_890, %dma_start3A_891] : memref<512x16xf32, #tpu.memory_space<vmem>> -> memref<448x16xf32, #tpu.memory_space<vmem>>
      %dma_start3A_893 = arith.constant 0 : i32
      %dma_start3A_894 = tpu.memref_slice %arg12[%add3A_101, %dma_start3A_893] : memref<100352x16xf32, #tpu.memory_space<vmem_shared>> -> memref<448x16xf32, #tpu.memory_space<vmem_shared>>
      %dma_start3A_895 = arith.constant 0 : i32
      %dma_start3A_896 = arith.constant 0 : i32
      %dma_start3A_897 = tpu.memref_slice %arg10[%dma_start3A_895, %dma_start3A_896] : memref<512x16xf32, #tpu.memory_space<vmem>> -> memref<448x16xf32, #tpu.memory_space<vmem>>
      %dma_start3A_898 = arith.constant 0 : i32
      %dma_start3A_899 = tpu.memref_slice %arg12[%add3A_101, %dma_start3A_898] : memref<100352x16xf32, #tpu.memory_space<vmem_shared>> -> memref<448x16xf32, #tpu.memory_space<vmem_shared>>
      tpu.enqueue_dma source(%dma_start3A_899 : memref<448x16xf32, #tpu.memory_space<vmem_shared>>) target(%dma_start3A_897 : memref<448x16xf32, #tpu.memory_space<vmem>>) target_semaphore(%run_scoped3A : memref<!tpu.dma_semaphore, #tpu.memory_space<semaphore_mem>>)
      %dma_wait3A_900 = arith.constant 0 : i32
      %dma_wait3A_901 = arith.constant 0 : i32
      %dma_wait3A_902 = tpu.memref_slice %arg10[%dma_wait3A_900, %dma_wait3A_901] : memref<512x16xf32, #tpu.memory_space<vmem>> -> memref<448x16xf32, #tpu.memory_space<vmem>>
      %dma_wait3A_903 = arith.constant 0 : i32
      %dma_wait3A_904 = tpu.memref_slice %arg12[%add3A_101, %dma_wait3A_903] : memref<100352x16xf32, #tpu.memory_space<vmem_shared>> -> memref<448x16xf32, #tpu.memory_space<vmem_shared>>
      %dma_wait3A_905 = arith.constant 0 : i32
      %dma_wait3A_906 = arith.constant 0 : i32
      %dma_wait3A_907 = tpu.memref_slice %arg10[%dma_wait3A_905, %dma_wait3A_906] : memref<512x16xf32, #tpu.memory_space<vmem>> -> memref<448x16xf32, #tpu.memory_space<vmem>>
      %dma_wait3A_908 = arith.constant 0 : i32
      %dma_wait3A_909 = tpu.memref_slice %arg12[%add3A_101, %dma_wait3A_908] : memref<100352x16xf32, #tpu.memory_space<vmem_shared>> -> memref<448x16xf32, #tpu.memory_space<vmem_shared>>
      tpu.wait_dma2 semaphore(%run_scoped3A : memref<!tpu.dma_semaphore, #tpu.memory_space<semaphore_mem>>) src(%dma_wait3A_909 : memref<448x16xf32, #tpu.memory_space<vmem_shared>>) dst(%dma_wait3A_907 : memref<448x16xf32, #tpu.memory_space<vmem>>)
      tpu.yield
    }) : () -> ()
    %dma_start3A_102 = arith.constant 0 : i32
    %dma_start3A_103 = arith.constant 0 : i32
    %dma_start3A_104 = tpu.memref_slice %arg10[%dma_start3A_102, %dma_start3A_103] : memref<512x16xf32, #tpu.memory_space<vmem>> -> memref<448x16xf32, #tpu.memory_space<vmem>>
    %dma_start3A_105 = arith.constant 0 : i32
    %dma_start3A_106 = tpu.memref_slice %arg5[%mul3A_99, %add3A_101, %dma_start3A_105] : memref<4x100352x16xf32, #tpu.memory_space<hbm>> -> memref<1x448x16xf32, #tpu.memory_space<hbm>>
    %dma_start3A_107 = tpu.memref_squeeze %dma_start3A_106 : memref<1x448x16xf32, #tpu.memory_space<hbm>> -> memref<448x16xf32, #tpu.memory_space<hbm>>
    %dma_start3A_108 = arith.constant 0 : i32
    %dma_start3A_109 = tpu.memref_slice %arg5[%mul3A_99, %add3A_101, %dma_start3A_108] : memref<4x100352x16xf32, #tpu.memory_space<hbm>> -> memref<1x448x16xf32, #tpu.memory_space<hbm>>
    %dma_start3A_110 = tpu.memref_squeeze %dma_start3A_109 : memref<1x448x16xf32, #tpu.memory_space<hbm>> -> memref<448x16xf32, #tpu.memory_space<hbm>>
    %dma_start3A_111 = arith.constant 0 : i32
    %dma_start3A_112 = arith.constant 0 : i32
    %dma_start3A_113 = tpu.memref_slice %arg10[%dma_start3A_111, %dma_start3A_112] : memref<512x16xf32, #tpu.memory_space<vmem>> -> memref<448x16xf32, #tpu.memory_space<vmem>>
    tpu.enqueue_dma source(%dma_start3A_113 : memref<448x16xf32, #tpu.memory_space<vmem>>) target(%dma_start3A_110 : memref<448x16xf32, #tpu.memory_space<hbm>>) target_semaphore(%arg15 : memref<!tpu.dma_semaphore, #tpu.memory_space<semaphore_mem>>)
    %add3A_114 = arith.constant 448 : i32
    %add3A_115 = arith.addi %mul3A_0, %add3A_114 : i32
    "tpu.region"() ({
      %run_scoped3A = tpu.sem_alloc : memref<!tpu.dma_semaphore, #tpu.memory_space<semaphore_mem>>
      %dma_start3A_890 = arith.constant 0 : i32
      %dma_start3A_891 = arith.constant 0 : i32
      %dma_start3A_892 = tpu.memref_slice %arg11[%dma_start3A_890, %dma_start3A_891] : memref<512x16xf32, #tpu.memory_space<vmem>> -> memref<448x16xf32, #tpu.memory_space<vmem>>
      %dma_start3A_893 = arith.constant 0 : i32
      %dma_start3A_894 = tpu.memref_slice %arg12[%add3A_115, %dma_start3A_893] : memref<100352x16xf32, #tpu.memory_space<vmem_shared>> -> memref<448x16xf32, #tpu.memory_space<vmem_shared>>
      %dma_start3A_895 = arith.constant 0 : i32
      %dma_start3A_896 = arith.constant 0 : i32
      %dma_start3A_897 = tpu.memref_slice %arg11[%dma_start3A_895, %dma_start3A_896] : memref<512x16xf32, #tpu.memory_space<vmem>> -> memref<448x16xf32, #tpu.memory_space<vmem>>
      %dma_start3A_898 = arith.constant 0 : i32
      %dma_start3A_899 = tpu.memref_slice %arg12[%add3A_115, %dma_start3A_898] : memref<100352x16xf32, #tpu.memory_space<vmem_shared>> -> memref<448x16xf32, #tpu.memory_space<vmem_shared>>
      tpu.enqueue_dma source(%dma_start3A_899 : memref<448x16xf32, #tpu.memory_space<vmem_shared>>) target(%dma_start3A_897 : memref<448x16xf32, #tpu.memory_space<vmem>>) target_semaphore(%run_scoped3A : memref<!tpu.dma_semaphore, #tpu.memory_space<semaphore_mem>>)
      %dma_wait3A_900 = arith.constant 0 : i32
      %dma_wait3A_901 = arith.constant 0 : i32
      %dma_wait3A_902 = tpu.memref_slice %arg11[%dma_wait3A_900, %dma_wait3A_901] : memref<512x16xf32, #tpu.memory_space<vmem>> -> memref<448x16xf32, #tpu.memory_space<vmem>>
      %dma_wait3A_903 = arith.constant 0 : i32
      %dma_wait3A_904 = tpu.memref_slice %arg12[%add3A_115, %dma_wait3A_903] : memref<100352x16xf32, #tpu.memory_space<vmem_shared>> -> memref<448x16xf32, #tpu.memory_space<vmem_shared>>
      %dma_wait3A_905 = arith.constant 0 : i32
      %dma_wait3A_906 = arith.constant 0 : i32
      %dma_wait3A_907 = tpu.memref_slice %arg11[%dma_wait3A_905, %dma_wait3A_906] : memref<512x16xf32, #tpu.memory_space<vmem>> -> memref<448x16xf32, #tpu.memory_space<vmem>>
      %dma_wait3A_908 = arith.constant 0 : i32
      %dma_wait3A_909 = tpu.memref_slice %arg12[%add3A_115, %dma_wait3A_908] : memref<100352x16xf32, #tpu.memory_space<vmem_shared>> -> memref<448x16xf32, #tpu.memory_space<vmem_shared>>
      tpu.wait_dma2 semaphore(%run_scoped3A : memref<!tpu.dma_semaphore, #tpu.memory_space<semaphore_mem>>) src(%dma_wait3A_909 : memref<448x16xf32, #tpu.memory_space<vmem_shared>>) dst(%dma_wait3A_907 : memref<448x16xf32, #tpu.memory_space<vmem>>)
      tpu.yield
    }) : () -> ()
    %dma_start3A_116 = arith.constant 0 : i32
    %dma_start3A_117 = arith.constant 0 : i32
    %dma_start3A_118 = tpu.memref_slice %arg11[%dma_start3A_116, %dma_start3A_117] : memref<512x16xf32, #tpu.memory_space<vmem>> -> memref<448x16xf32, #tpu.memory_space<vmem>>
    %dma_start3A_119 = arith.constant 0 : i32
    %dma_start3A_120 = tpu.memref_slice %arg5[%mul3A_99, %add3A_115, %dma_start3A_119] : memref<4x100352x16xf32, #tpu.memory_space<hbm>> -> memref<1x448x16xf32, #tpu.memory_space<hbm>>
    %dma_start3A_121 = tpu.memref_squeeze %dma_start3A_120 : memref<1x448x16xf32, #tpu.memory_space<hbm>> -> memref<448x16xf32, #tpu.memory_space<hbm>>
    %dma_start3A_122 = arith.constant 0 : i32
    %dma_start3A_123 = tpu.memref_slice %arg5[%mul3A_99, %add3A_115, %dma_start3A_122] : memref<4x100352x16xf32, #tpu.memory_space<hbm>> -> memref<1x448x16xf32, #tpu.memory_space<hbm>>
    %dma_start3A_124 = tpu.memref_squeeze %dma_start3A_123 : memref<1x448x16xf32, #tpu.memory_space<hbm>> -> memref<448x16xf32, #tpu.memory_space<hbm>>
    %dma_start3A_125 = arith.constant 0 : i32
    %dma_start3A_126 = arith.constant 0 : i32
    %dma_start3A_127 = tpu.memref_slice %arg11[%dma_start3A_125, %dma_start3A_126] : memref<512x16xf32, #tpu.memory_space<vmem>> -> memref<448x16xf32, #tpu.memory_space<vmem>>
    tpu.enqueue_dma source(%dma_start3A_127 : memref<448x16xf32, #tpu.memory_space<vmem>>) target(%dma_start3A_124 : memref<448x16xf32, #tpu.memory_space<hbm>>) target_semaphore(%arg15 : memref<!tpu.dma_semaphore, #tpu.memory_space<semaphore_mem>>)
    %add3A_128 = arith.constant 896 : i32
    %add3A_129 = arith.addi %mul3A_0, %add3A_128 : i32
    %dma_wait3A = arith.constant 0 : i32
    %dma_wait3A_130 = arith.constant 0 : i32
    %dma_wait3A_131 = tpu.memref_slice %arg10[%dma_wait3A, %dma_wait3A_130] : memref<512x16xf32, #tpu.memory_space<vmem>> -> memref<448x16xf32, #tpu.memory_space<vmem>>
    %dma_wait3A_132 = arith.constant 0 : i32
    %dma_wait3A_133 = tpu.memref_slice %arg5[%mul3A_99, %add3A_129, %dma_wait3A_132] : memref<4x100352x16xf32, #tpu.memory_space<hbm>> -> memref<1x448x16xf32, #tpu.memory_space<hbm>>
    %dma_wait3A_134 = tpu.memref_squeeze %dma_wait3A_133 : memref<1x448x16xf32, #tpu.memory_space<hbm>> -> memref<448x16xf32, #tpu.memory_space<hbm>>
    %dma_wait3A_135 = arith.constant 0 : i32
    %dma_wait3A_136 = tpu.memref_slice %arg5[%mul3A_99, %add3A_129, %dma_wait3A_135] : memref<4x100352x16xf32, #tpu.memory_space<hbm>> -> memref<1x448x16xf32, #tpu.memory_space<hbm>>
    %dma_wait3A_137 = tpu.memref_squeeze %dma_wait3A_136 : memref<1x448x16xf32, #tpu.memory_space<hbm>> -> memref<448x16xf32, #tpu.memory_space<hbm>>
    %dma_wait3A_138 = arith.constant 0 : i32
    %dma_wait3A_139 = arith.constant 0 : i32
    %dma_wait3A_140 = tpu.memref_slice %arg10[%dma_wait3A_138, %dma_wait3A_139] : memref<512x16xf32, #tpu.memory_space<vmem>> -> memref<448x16xf32, #tpu.memory_space<vmem>>
    tpu.wait_dma2 semaphore(%arg15 : memref<!tpu.dma_semaphore, #tpu.memory_space<semaphore_mem>>) src(%dma_wait3A_140 : memref<448x16xf32, #tpu.memory_space<vmem>>) dst(%dma_wait3A_137 : memref<448x16xf32, #tpu.memory_space<hbm>>)
    "tpu.region"() ({
      %run_scoped3A = tpu.sem_alloc : memref<!tpu.dma_semaphore, #tpu.memory_space<semaphore_mem>>
      %dma_start3A_890 = arith.constant 0 : i32
      %dma_start3A_891 = arith.constant 0 : i32
      %dma_start3A_892 = tpu.memref_slice %arg10[%dma_start3A_890, %dma_start3A_891] : memref<512x16xf32, #tpu.memory_space<vmem>> -> memref<448x16xf32, #tpu.memory_space<vmem>>
      %dma_start3A_893 = arith.constant 0 : i32
      %dma_start3A_894 = tpu.memref_slice %arg12[%add3A_129, %dma_start3A_893] : memref<100352x16xf32, #tpu.memory_space<vmem_shared>> -> memref<448x16xf32, #tpu.memory_space<vmem_shared>>
      %dma_start3A_895 = arith.constant 0 : i32
      %dma_start3A_896 = arith.constant 0 : i32
      %dma_start3A_897 = tpu.memref_slice %arg10[%dma_start3A_895, %dma_start3A_896] : memref<512x16xf32, #tpu.memory_space<vmem>> -> memref<448x16xf32, #tpu.memory_space<vmem>>
      %dma_start3A_898 = arith.constant 0 : i32
      %dma_start3A_899 = tpu.memref_slice %arg12[%add3A_129, %dma_start3A_898] : memref<100352x16xf32, #tpu.memory_space<vmem_shared>> -> memref<448x16xf32, #tpu.memory_space<vmem_shared>>
      tpu.enqueue_dma source(%dma_start3A_899 : memref<448x16xf32, #tpu.memory_space<vmem_shared>>) target(%dma_start3A_897 : memref<448x16xf32, #tpu.memory_space<vmem>>) target_semaphore(%run_scoped3A : memref<!tpu.dma_semaphore, #tpu.memory_space<semaphore_mem>>)
      %dma_wait3A_900 = arith.constant 0 : i32
      %dma_wait3A_901 = arith.constant 0 : i32
      %dma_wait3A_902 = tpu.memref_slice %arg10[%dma_wait3A_900, %dma_wait3A_901] : memref<512x16xf32, #tpu.memory_space<vmem>> -> memref<448x16xf32, #tpu.memory_space<vmem>>
      %dma_wait3A_903 = arith.constant 0 : i32
      %dma_wait3A_904 = tpu.memref_slice %arg12[%add3A_129, %dma_wait3A_903] : memref<100352x16xf32, #tpu.memory_space<vmem_shared>> -> memref<448x16xf32, #tpu.memory_space<vmem_shared>>
      %dma_wait3A_905 = arith.constant 0 : i32
      %dma_wait3A_906 = arith.constant 0 : i32
      %dma_wait3A_907 = tpu.memref_slice %arg10[%dma_wait3A_905, %dma_wait3A_906] : memref<512x16xf32, #tpu.memory_space<vmem>> -> memref<448x16xf32, #tpu.memory_space<vmem>>
      %dma_wait3A_908 = arith.constant 0 : i32
      %dma_wait3A_909 = tpu.memref_slice %arg12[%add3A_129, %dma_wait3A_908] : memref<100352x16xf32, #tpu.memory_space<vmem_shared>> -> memref<448x16xf32, #tpu.memory_space<vmem_shared>>
      tpu.wait_dma2 semaphore(%run_scoped3A : memref<!tpu.dma_semaphore, #tpu.memory_space<semaphore_mem>>) src(%dma_wait3A_909 : memref<448x16xf32, #tpu.memory_space<vmem_shared>>) dst(%dma_wait3A_907 : memref<448x16xf32, #tpu.memory_space<vmem>>)
      tpu.yield
    }) : () -> ()
    %dma_start3A_141 = arith.constant 0 : i32
    %dma_start3A_142 = arith.constant 0 : i32
    %dma_start3A_143 = tpu.memref_slice %arg10[%dma_start3A_141, %dma_start3A_142] : memref<512x16xf32, #tpu.memory_space<vmem>> -> memref<448x16xf32, #tpu.memory_space<vmem>>
    %dma_start3A_144 = arith.constant 0 : i32
    %dma_start3A_145 = tpu.memref_slice %arg5[%mul3A_99, %add3A_129, %dma_start3A_144] : memref<4x100352x16xf32, #tpu.memory_space<hbm>> -> memref<1x448x16xf32, #tpu.memory_space<hbm>>
    %dma_start3A_146 = tpu.memref_squeeze %dma_start3A_145 : memref<1x448x16xf32, #tpu.memory_space<hbm>> -> memref<448x16xf32, #tpu.memory_space<hbm>>
    %dma_start3A_147 = arith.constant 0 : i32
    %dma_start3A_148 = tpu.memref_slice %arg5[%mul3A_99, %add3A_129, %dma_start3A_147] : memref<4x100352x16xf32, #tpu.memory_space<hbm>> -> memref<1x448x16xf32, #tpu.memory_space<hbm>>
    %dma_start3A_149 = tpu.memref_squeeze %dma_start3A_148 : memref<1x448x16xf32, #tpu.memory_space<hbm>> -> memref<448x16xf32, #tpu.memory_space<hbm>>
    %dma_start3A_150 = arith.constant 0 : i32
    %dma_start3A_151 = arith.constant 0 : i32
    %dma_start3A_152 = tpu.memref_slice %arg10[%dma_start3A_150, %dma_start3A_151] : memref<512x16xf32, #tpu.memory_space<vmem>> -> memref<448x16xf32, #tpu.memory_space<vmem>>
    tpu.enqueue_dma source(%dma_start3A_152 : memref<448x16xf32, #tpu.memory_space<vmem>>) target(%dma_start3A_149 : memref<448x16xf32, #tpu.memory_space<hbm>>) target_semaphore(%arg15 : memref<!tpu.dma_semaphore, #tpu.memory_space<semaphore_mem>>)
    %add3A_153 = arith.constant 1344 : i32
    %add3A_154 = arith.addi %mul3A_0, %add3A_153 : i32
    %dma_wait3A_155 = arith.constant 0 : i32
    %dma_wait3A_156 = arith.constant 0 : i32
    %dma_wait3A_157 = tpu.memref_slice %arg11[%dma_wait3A_155, %dma_wait3A_156] : memref<512x16xf32, #tpu.memory_space<vmem>> -> memref<448x16xf32, #tpu.memory_space<vmem>>
    %dma_wait3A_158 = arith.constant 0 : i32
    %dma_wait3A_159 = tpu.memref_slice %arg5[%mul3A_99, %add3A_154, %dma_wait3A_158] : memref<4x100352x16xf32, #tpu.memory_space<hbm>> -> memref<1x448x16xf32, #tpu.memory_space<hbm>>
    %dma_wait3A_160 = tpu.memref_squeeze %dma_wait3A_159 : memref<1x448x16xf32, #tpu.memory_space<hbm>> -> memref<448x16xf32, #tpu.memory_space<hbm>>
    %dma_wait3A_161 = arith.constant 0 : i32
    %dma_wait3A_162 = tpu.memref_slice %arg5[%mul3A_99, %add3A_154, %dma_wait3A_161] : memref<4x100352x16xf32, #tpu.memory_space<hbm>> -> memref<1x448x16xf32, #tpu.memory_space<hbm>>
    %dma_wait3A_163 = tpu.memref_squeeze %dma_wait3A_162 : memref<1x448x16xf32, #tpu.memory_space<hbm>> -> memref<448x16xf32, #tpu.memory_space<hbm>>
    %dma_wait3A_164 = arith.constant 0 : i32
    %dma_wait3A_165 = arith.constant 0 : i32
    %dma_wait3A_166 = tpu.memref_slice %arg11[%dma_wait3A_164, %dma_wait3A_165] : memref<512x16xf32, #tpu.memory_space<vmem>> -> memref<448x16xf32, #tpu.memory_space<vmem>>
    tpu.wait_dma2 semaphore(%arg15 : memref<!tpu.dma_semaphore, #tpu.memory_space<semaphore_mem>>) src(%dma_wait3A_166 : memref<448x16xf32, #tpu.memory_space<vmem>>) dst(%dma_wait3A_163 : memref<448x16xf32, #tpu.memory_space<hbm>>)
    "tpu.region"() ({
      %run_scoped3A = tpu.sem_alloc : memref<!tpu.dma_semaphore, #tpu.memory_space<semaphore_mem>>
      %dma_start3A_890 = arith.constant 0 : i32
      %dma_start3A_891 = arith.constant 0 : i32
      %dma_start3A_892 = tpu.memref_slice %arg11[%dma_start3A_890, %dma_start3A_891] : memref<512x16xf32, #tpu.memory_space<vmem>> -> memref<448x16xf32, #tpu.memory_space<vmem>>
      %dma_start3A_893 = arith.constant 0 : i32
      %dma_start3A_894 = tpu.memref_slice %arg12[%add3A_154, %dma_start3A_893] : memref<100352x16xf32, #tpu.memory_space<vmem_shared>> -> memref<448x16xf32, #tpu.memory_space<vmem_shared>>
      %dma_start3A_895 = arith.constant 0 : i32
      %dma_start3A_896 = arith.constant 0 : i32
      %dma_start3A_897 = tpu.memref_slice %arg11[%dma_start3A_895, %dma_start3A_896] : memref<512x16xf32, #tpu.memory_space<vmem>> -> memref<448x16xf32, #tpu.memory_space<vmem>>
      %dma_start3A_898 = arith.constant 0 : i32
      %dma_start3A_899 = tpu.memref_slice %arg12[%add3A_154, %dma_start3A_898] : memref<100352x16xf32, #tpu.memory_space<vmem_shared>> -> memref<448x16xf32, #tpu.memory_space<vmem_shared>>
      tpu.enqueue_dma source(%dma_start3A_899 : memref<448x16xf32, #tpu.memory_space<vmem_shared>>) target(%dma_start3A_897 : memref<448x16xf32, #tpu.memory_space<vmem>>) target_semaphore(%run_scoped3A : memref<!tpu.dma_semaphore, #tpu.memory_space<semaphore_mem>>)
      %dma_wait3A_900 = arith.constant 0 : i32
      %dma_wait3A_901 = arith.constant 0 : i32
      %dma_wait3A_902 = tpu.memref_slice %arg11[%dma_wait3A_900, %dma_wait3A_901] : memref<512x16xf32, #tpu.memory_space<vmem>> -> memref<448x16xf32, #tpu.memory_space<vmem>>
      %dma_wait3A_903 = arith.constant 0 : i32
      %dma_wait3A_904 = tpu.memref_slice %arg12[%add3A_154, %dma_wait3A_903] : memref<100352x16xf32, #tpu.memory_space<vmem_shared>> -> memref<448x16xf32, #tpu.memory_space<vmem_shared>>
      %dma_wait3A_905 = arith.constant 0 : i32
      %dma_wait3A_906 = arith.constant 0 : i32
      %dma_wait3A_907 = tpu.memref_slice %arg11[%dma_wait3A_905, %dma_wait3A_906] : memref<512x16xf32, #tpu.memory_space<vmem>> -> memref<448x16xf32, #tpu.memory_space<vmem>>
      %dma_wait3A_908 = arith.constant 0 : i32
      %dma_wait3A_909 = tpu.memref_slice %arg12[%add3A_154, %dma_wait3A_908] : memref<100352x16xf32, #tpu.memory_space<vmem_shared>> -> memref<448x16xf32, #tpu.memory_space<vmem_shared>>
      tpu.wait_dma2 semaphore(%run_scoped3A : memref<!tpu.dma_semaphore, #tpu.memory_space<semaphore_mem>>) src(%dma_wait3A_909 : memref<448x16xf32, #tpu.memory_space<vmem_shared>>) dst(%dma_wait3A_907 : memref<448x16xf32, #tpu.memory_space<vmem>>)
      tpu.yield
    }) : () -> ()
    %dma_start3A_167 = arith.constant 0 : i32
    %dma_start3A_168 = arith.constant 0 : i32
    %dma_start3A_169 = tpu.memref_slice %arg11[%dma_start3A_167, %dma_start3A_168] : memref<512x16xf32, #tpu.memory_space<vmem>> -> memref<448x16xf32, #tpu.memory_space<vmem>>
    %dma_start3A_170 = arith.constant 0 : i32
    %dma_start3A_171 = tpu.memref_slice %arg5[%mul3A_99, %add3A_154, %dma_start3A_170] : memref<4x100352x16xf32, #tpu.memory_space<hbm>> -> memref<1x448x16xf32, #tpu.memory_space<hbm>>
    %dma_start3A_172 = tpu.memref_squeeze %dma_start3A_171 : memref<1x448x16xf32, #tpu.memory_space<hbm>> -> memref<448x16xf32, #tpu.memory_space<hbm>>
    %dma_start3A_173 = arith.constant 0 : i32
    %dma_start3A_174 = tpu.memref_slice %arg5[%mul3A_99, %add3A_154, %dma_start3A_173] : memref<4x100352x16xf32, #tpu.memory_space<hbm>> -> memref<1x448x16xf32, #tpu.memory_space<hbm>>
    %dma_start3A_175 = tpu.memref_squeeze %dma_start3A_174 : memref<1x448x16xf32, #tpu.memory_space<hbm>> -> memref<448x16xf32, #tpu.memory_space<hbm>>
    %dma_start3A_176 = arith.constant 0 : i32
    %dma_start3A_177 = arith.constant 0 : i32
    %dma_start3A_178 = tpu.memref_slice %arg11[%dma_start3A_176, %dma_start3A_177] : memref<512x16xf32, #tpu.memory_space<vmem>> -> memref<448x16xf32, #tpu.memory_space<vmem>>
    tpu.enqueue_dma source(%dma_start3A_178 : memref<448x16xf32, #tpu.memory_space<vmem>>) target(%dma_start3A_175 : memref<448x16xf32, #tpu.memory_space<hbm>>) target_semaphore(%arg15 : memref<!tpu.dma_semaphore, #tpu.memory_space<semaphore_mem>>)
    %add3A_179 = arith.constant 1792 : i32
    %add3A_180 = arith.addi %mul3A_0, %add3A_179 : i32
    %dma_wait3A_181 = arith.constant 0 : i32
    %dma_wait3A_182 = arith.constant 0 : i32
    %dma_wait3A_183 = tpu.memref_slice %arg10[%dma_wait3A_181, %dma_wait3A_182] : memref<512x16xf32, #tpu.memory_space<vmem>> -> memref<448x16xf32, #tpu.memory_space<vmem>>
    %dma_wait3A_184 = arith.constant 0 : i32
    %dma_wait3A_185 = tpu.memref_slice %arg5[%mul3A_99, %add3A_180, %dma_wait3A_184] : memref<4x100352x16xf32, #tpu.memory_space<hbm>> -> memref<1x448x16xf32, #tpu.memory_space<hbm>>
    %dma_wait3A_186 = tpu.memref_squeeze %dma_wait3A_185 : memref<1x448x16xf32, #tpu.memory_space<hbm>> -> memref<448x16xf32, #tpu.memory_space<hbm>>
    %dma_wait3A_187 = arith.constant 0 : i32
    %dma_wait3A_188 = tpu.memref_slice %arg5[%mul3A_99, %add3A_180, %dma_wait3A_187] : memref<4x100352x16xf32, #tpu.memory_space<hbm>> -> memref<1x448x16xf32, #tpu.memory_space<hbm>>
    %dma_wait3A_189 = tpu.memref_squeeze %dma_wait3A_188 : memref<1x448x16xf32, #tpu.memory_space<hbm>> -> memref<448x16xf32, #tpu.memory_space<hbm>>
    %dma_wait3A_190 = arith.constant 0 : i32
    %dma_wait3A_191 = arith.constant 0 : i32
    %dma_wait3A_192 = tpu.memref_slice %arg10[%dma_wait3A_190, %dma_wait3A_191] : memref<512x16xf32, #tpu.memory_space<vmem>> -> memref<448x16xf32, #tpu.memory_space<vmem>>
    tpu.wait_dma2 semaphore(%arg15 : memref<!tpu.dma_semaphore, #tpu.memory_space<semaphore_mem>>) src(%dma_wait3A_192 : memref<448x16xf32, #tpu.memory_space<vmem>>) dst(%dma_wait3A_189 : memref<448x16xf32, #tpu.memory_space<hbm>>)
    "tpu.region"() ({
      %run_scoped3A = tpu.sem_alloc : memref<!tpu.dma_semaphore, #tpu.memory_space<semaphore_mem>>
      %dma_start3A_890 = arith.constant 0 : i32
      %dma_start3A_891 = arith.constant 0 : i32
      %dma_start3A_892 = tpu.memref_slice %arg10[%dma_start3A_890, %dma_start3A_891] : memref<512x16xf32, #tpu.memory_space<vmem>> -> memref<448x16xf32, #tpu.memory_space<vmem>>
      %dma_start3A_893 = arith.constant 0 : i32
      %dma_start3A_894 = tpu.memref_slice %arg12[%add3A_180, %dma_start3A_893] : memref<100352x16xf32, #tpu.memory_space<vmem_shared>> -> memref<448x16xf32, #tpu.memory_space<vmem_shared>>
      %dma_start3A_895 = arith.constant 0 : i32
      %dma_start3A_896 = arith.constant 0 : i32
      %dma_start3A_897 = tpu.memref_slice %arg10[%dma_start3A_895, %dma_start3A_896] : memref<512x16xf32, #tpu.memory_space<vmem>> -> memref<448x16xf32, #tpu.memory_space<vmem>>
      %dma_start3A_898 = arith.constant 0 : i32
      %dma_start3A_899 = tpu.memref_slice %arg12[%add3A_180, %dma_start3A_898] : memref<100352x16xf32, #tpu.memory_space<vmem_shared>> -> memref<448x16xf32, #tpu.memory_space<vmem_shared>>
      tpu.enqueue_dma source(%dma_start3A_899 : memref<448x16xf32, #tpu.memory_space<vmem_shared>>) target(%dma_start3A_897 : memref<448x16xf32, #tpu.memory_space<vmem>>) target_semaphore(%run_scoped3A : memref<!tpu.dma_semaphore, #tpu.memory_space<semaphore_mem>>)
      %dma_wait3A_900 = arith.constant 0 : i32
      %dma_wait3A_901 = arith.constant 0 : i32
      %dma_wait3A_902 = tpu.memref_slice %arg10[%dma_wait3A_900, %dma_wait3A_901] : memref<512x16xf32, #tpu.memory_space<vmem>> -> memref<448x16xf32, #tpu.memory_space<vmem>>
      %dma_wait3A_903 = arith.constant 0 : i32
      %dma_wait3A_904 = tpu.memref_slice %arg12[%add3A_180, %dma_wait3A_903] : memref<100352x16xf32, #tpu.memory_space<vmem_shared>> -> memref<448x16xf32, #tpu.memory_space<vmem_shared>>
      %dma_wait3A_905 = arith.constant 0 : i32
      %dma_wait3A_906 = arith.constant 0 : i32
      %dma_wait3A_907 = tpu.memref_slice %arg10[%dma_wait3A_905, %dma_wait3A_906] : memref<512x16xf32, #tpu.memory_space<vmem>> -> memref<448x16xf32, #tpu.memory_space<vmem>>
      %dma_wait3A_908 = arith.constant 0 : i32
      %dma_wait3A_909 = tpu.memref_slice %arg12[%add3A_180, %dma_wait3A_908] : memref<100352x16xf32, #tpu.memory_space<vmem_shared>> -> memref<448x16xf32, #tpu.memory_space<vmem_shared>>
      tpu.wait_dma2 semaphore(%run_scoped3A : memref<!tpu.dma_semaphore, #tpu.memory_space<semaphore_mem>>) src(%dma_wait3A_909 : memref<448x16xf32, #tpu.memory_space<vmem_shared>>) dst(%dma_wait3A_907 : memref<448x16xf32, #tpu.memory_space<vmem>>)
      tpu.yield
    }) : () -> ()
    %dma_start3A_193 = arith.constant 0 : i32
    %dma_start3A_194 = arith.constant 0 : i32
    %dma_start3A_195 = tpu.memref_slice %arg10[%dma_start3A_193, %dma_start3A_194] : memref<512x16xf32, #tpu.memory_space<vmem>> -> memref<448x16xf32, #tpu.memory_space<vmem>>
    %dma_start3A_196 = arith.constant 0 : i32
    %dma_start3A_197 = tpu.memref_slice %arg5[%mul3A_99, %add3A_180, %dma_start3A_196] : memref<4x100352x16xf32, #tpu.memory_space<hbm>> -> memref<1x448x16xf32, #tpu.memory_space<hbm>>
    %dma_start3A_198 = tpu.memref_squeeze %dma_start3A_197 : memref<1x448x16xf32, #tpu.memory_space<hbm>> -> memref<448x16xf32, #tpu.memory_space<hbm>>
    %dma_start3A_199 = arith.constant 0 : i32
    %dma_start3A_200 = tpu.memref_slice %arg5[%mul3A_99, %add3A_180, %dma_start3A_199] : memref<4x100352x16xf32, #tpu.memory_space<hbm>> -> memref<1x448x16xf32, #tpu.memory_space<hbm>>
    %dma_start3A_201 = tpu.memref_squeeze %dma_start3A_200 : memref<1x448x16xf32, #tpu.memory_space<hbm>> -> memref<448x16xf32, #tpu.memory_space<hbm>>
    %dma_start3A_202 = arith.constant 0 : i32
    %dma_start3A_203 = arith.constant 0 : i32
    %dma_start3A_204 = tpu.memref_slice %arg10[%dma_start3A_202, %dma_start3A_203] : memref<512x16xf32, #tpu.memory_space<vmem>> -> memref<448x16xf32, #tpu.memory_space<vmem>>
    tpu.enqueue_dma source(%dma_start3A_204 : memref<448x16xf32, #tpu.memory_space<vmem>>) target(%dma_start3A_201 : memref<448x16xf32, #tpu.memory_space<hbm>>) target_semaphore(%arg15 : memref<!tpu.dma_semaphore, #tpu.memory_space<semaphore_mem>>)
    %add3A_205 = arith.constant 2240 : i32
    %add3A_206 = arith.addi %mul3A_0, %add3A_205 : i32
    %dma_wait3A_207 = arith.constant 0 : i32
    %dma_wait3A_208 = arith.constant 0 : i32
    %dma_wait3A_209 = tpu.memref_slice %arg11[%dma_wait3A_207, %dma_wait3A_208] : memref<512x16xf32, #tpu.memory_space<vmem>> -> memref<448x16xf32, #tpu.memory_space<vmem>>
    %dma_wait3A_210 = arith.constant 0 : i32
    %dma_wait3A_211 = tpu.memref_slice %arg5[%mul3A_99, %add3A_206, %dma_wait3A_210] : memref<4x100352x16xf32, #tpu.memory_space<hbm>> -> memref<1x448x16xf32, #tpu.memory_space<hbm>>
    %dma_wait3A_212 = tpu.memref_squeeze %dma_wait3A_211 : memref<1x448x16xf32, #tpu.memory_space<hbm>> -> memref<448x16xf32, #tpu.memory_space<hbm>>
    %dma_wait3A_213 = arith.constant 0 : i32
    %dma_wait3A_214 = tpu.memref_slice %arg5[%mul3A_99, %add3A_206, %dma_wait3A_213] : memref<4x100352x16xf32, #tpu.memory_space<hbm>> -> memref<1x448x16xf32, #tpu.memory_space<hbm>>
    %dma_wait3A_215 = tpu.memref_squeeze %dma_wait3A_214 : memref<1x448x16xf32, #tpu.memory_space<hbm>> -> memref<448x16xf32, #tpu.memory_space<hbm>>
    %dma_wait3A_216 = arith.constant 0 : i32
    %dma_wait3A_217 = arith.constant 0 : i32
    %dma_wait3A_218 = tpu.memref_slice %arg11[%dma_wait3A_216, %dma_wait3A_217] : memref<512x16xf32, #tpu.memory_space<vmem>> -> memref<448x16xf32, #tpu.memory_space<vmem>>
    tpu.wait_dma2 semaphore(%arg15 : memref<!tpu.dma_semaphore, #tpu.memory_space<semaphore_mem>>) src(%dma_wait3A_218 : memref<448x16xf32, #tpu.memory_space<vmem>>) dst(%dma_wait3A_215 : memref<448x16xf32, #tpu.memory_space<hbm>>)
    "tpu.region"() ({
      %run_scoped3A = tpu.sem_alloc : memref<!tpu.dma_semaphore, #tpu.memory_space<semaphore_mem>>
      %dma_start3A_890 = arith.constant 0 : i32
      %dma_start3A_891 = arith.constant 0 : i32
      %dma_start3A_892 = tpu.memref_slice %arg11[%dma_start3A_890, %dma_start3A_891] : memref<512x16xf32, #tpu.memory_space<vmem>> -> memref<448x16xf32, #tpu.memory_space<vmem>>
      %dma_start3A_893 = arith.constant 0 : i32
      %dma_start3A_894 = tpu.memref_slice %arg12[%add3A_206, %dma_start3A_893] : memref<100352x16xf32, #tpu.memory_space<vmem_shared>> -> memref<448x16xf32, #tpu.memory_space<vmem_shared>>
      %dma_start3A_895 = arith.constant 0 : i32
      %dma_start3A_896 = arith.constant 0 : i32
      %dma_start3A_897 = tpu.memref_slice %arg11[%dma_start3A_895, %dma_start3A_896] : memref<512x16xf32, #tpu.memory_space<vmem>> -> memref<448x16xf32, #tpu.memory_space<vmem>>
      %dma_start3A_898 = arith.constant 0 : i32
      %dma_start3A_899 = tpu.memref_slice %arg12[%add3A_206, %dma_start3A_898] : memref<100352x16xf32, #tpu.memory_space<vmem_shared>> -> memref<448x16xf32, #tpu.memory_space<vmem_shared>>
      tpu.enqueue_dma source(%dma_start3A_899 : memref<448x16xf32, #tpu.memory_space<vmem_shared>>) target(%dma_start3A_897 : memref<448x16xf32, #tpu.memory_space<vmem>>) target_semaphore(%run_scoped3A : memref<!tpu.dma_semaphore, #tpu.memory_space<semaphore_mem>>)
      %dma_wait3A_900 = arith.constant 0 : i32
      %dma_wait3A_901 = arith.constant 0 : i32
      %dma_wait3A_902 = tpu.memref_slice %arg11[%dma_wait3A_900, %dma_wait3A_901] : memref<512x16xf32, #tpu.memory_space<vmem>> -> memref<448x16xf32, #tpu.memory_space<vmem>>
      %dma_wait3A_903 = arith.constant 0 : i32
      %dma_wait3A_904 = tpu.memref_slice %arg12[%add3A_206, %dma_wait3A_903] : memref<100352x16xf32, #tpu.memory_space<vmem_shared>> -> memref<448x16xf32, #tpu.memory_space<vmem_shared>>
      %dma_wait3A_905 = arith.constant 0 : i32
      %dma_wait3A_906 = arith.constant 0 : i32
      %dma_wait3A_907 = tpu.memref_slice %arg11[%dma_wait3A_905, %dma_wait3A_906] : memref<512x16xf32, #tpu.memory_space<vmem>> -> memref<448x16xf32, #tpu.memory_space<vmem>>
      %dma_wait3A_908 = arith.constant 0 : i32
      %dma_wait3A_909 = tpu.memref_slice %arg12[%add3A_206, %dma_wait3A_908] : memref<100352x16xf32, #tpu.memory_space<vmem_shared>> -> memref<448x16xf32, #tpu.memory_space<vmem_shared>>
      tpu.wait_dma2 semaphore(%run_scoped3A : memref<!tpu.dma_semaphore, #tpu.memory_space<semaphore_mem>>) src(%dma_wait3A_909 : memref<448x16xf32, #tpu.memory_space<vmem_shared>>) dst(%dma_wait3A_907 : memref<448x16xf32, #tpu.memory_space<vmem>>)
      tpu.yield
    }) : () -> ()
    %dma_start3A_219 = arith.constant 0 : i32
    %dma_start3A_220 = arith.constant 0 : i32
    %dma_start3A_221 = tpu.memref_slice %arg11[%dma_start3A_219, %dma_start3A_220] : memref<512x16xf32, #tpu.memory_space<vmem>> -> memref<448x16xf32, #tpu.memory_space<vmem>>
    %dma_start3A_222 = arith.constant 0 : i32
    %dma_start3A_223 = tpu.memref_slice %arg5[%mul3A_99, %add3A_206, %dma_start3A_222] : memref<4x100352x16xf32, #tpu.memory_space<hbm>> -> memref<1x448x16xf32, #tpu.memory_space<hbm>>
    %dma_start3A_224 = tpu.memref_squeeze %dma_start3A_223 : memref<1x448x16xf32, #tpu.memory_space<hbm>> -> memref<448x16xf32, #tpu.memory_space<hbm>>
    %dma_start3A_225 = arith.constant 0 : i32
    %dma_start3A_226 = tpu.memref_slice %arg5[%mul3A_99, %add3A_206, %dma_start3A_225] : memref<4x100352x16xf32, #tpu.memory_space<hbm>> -> memref<1x448x16xf32, #tpu.memory_space<hbm>>
    %dma_start3A_227 = tpu.memref_squeeze %dma_start3A_226 : memref<1x448x16xf32, #tpu.memory_space<hbm>> -> memref<448x16xf32, #tpu.memory_space<hbm>>
    %dma_start3A_228 = arith.constant 0 : i32
    %dma_start3A_229 = arith.constant 0 : i32
    %dma_start3A_230 = tpu.memref_slice %arg11[%dma_start3A_228, %dma_start3A_229] : memref<512x16xf32, #tpu.memory_space<vmem>> -> memref<448x16xf32, #tpu.memory_space<vmem>>
    tpu.enqueue_dma source(%dma_start3A_230 : memref<448x16xf32, #tpu.memory_space<vmem>>) target(%dma_start3A_227 : memref<448x16xf32, #tpu.memory_space<hbm>>) target_semaphore(%arg15 : memref<!tpu.dma_semaphore, #tpu.memory_space<semaphore_mem>>)
    %add3A_231 = arith.constant 2688 : i32
    %add3A_232 = arith.addi %mul3A_0, %add3A_231 : i32
    %dma_wait3A_233 = arith.constant 0 : i32
    %dma_wait3A_234 = arith.constant 0 : i32
    %dma_wait3A_235 = tpu.memref_slice %arg10[%dma_wait3A_233, %dma_wait3A_234] : memref<512x16xf32, #tpu.memory_space<vmem>> -> memref<448x16xf32, #tpu.memory_space<vmem>>
    %dma_wait3A_236 = arith.constant 0 : i32
    %dma_wait3A_237 = tpu.memref_slice %arg5[%mul3A_99, %add3A_232, %dma_wait3A_236] : memref<4x100352x16xf32, #tpu.memory_space<hbm>> -> memref<1x448x16xf32, #tpu.memory_space<hbm>>
    %dma_wait3A_238 = tpu.memref_squeeze %dma_wait3A_237 : memref<1x448x16xf32, #tpu.memory_space<hbm>> -> memref<448x16xf32, #tpu.memory_space<hbm>>
    %dma_wait3A_239 = arith.constant 0 : i32
    %dma_wait3A_240 = tpu.memref_slice %arg5[%mul3A_99, %add3A_232, %dma_wait3A_239] : memref<4x100352x16xf32, #tpu.memory_space<hbm>> -> memref<1x448x16xf32, #tpu.memory_space<hbm>>
    %dma_wait3A_241 = tpu.memref_squeeze %dma_wait3A_240 : memref<1x448x16xf32, #tpu.memory_space<hbm>> -> memref<448x16xf32, #tpu.memory_space<hbm>>
    %dma_wait3A_242 = arith.constant 0 : i32
    %dma_wait3A_243 = arith.constant 0 : i32
    %dma_wait3A_244 = tpu.memref_slice %arg10[%dma_wait3A_242, %dma_wait3A_243] : memref<512x16xf32, #tpu.memory_space<vmem>> -> memref<448x16xf32, #tpu.memory_space<vmem>>
    tpu.wait_dma2 semaphore(%arg15 : memref<!tpu.dma_semaphore, #tpu.memory_space<semaphore_mem>>) src(%dma_wait3A_244 : memref<448x16xf32, #tpu.memory_space<vmem>>) dst(%dma_wait3A_241 : memref<448x16xf32, #tpu.memory_space<hbm>>)
    "tpu.region"() ({
      %run_scoped3A = tpu.sem_alloc : memref<!tpu.dma_semaphore, #tpu.memory_space<semaphore_mem>>
      %dma_start3A_890 = arith.constant 0 : i32
      %dma_start3A_891 = arith.constant 0 : i32
      %dma_start3A_892 = tpu.memref_slice %arg10[%dma_start3A_890, %dma_start3A_891] : memref<512x16xf32, #tpu.memory_space<vmem>> -> memref<448x16xf32, #tpu.memory_space<vmem>>
      %dma_start3A_893 = arith.constant 0 : i32
      %dma_start3A_894 = tpu.memref_slice %arg12[%add3A_232, %dma_start3A_893] : memref<100352x16xf32, #tpu.memory_space<vmem_shared>> -> memref<448x16xf32, #tpu.memory_space<vmem_shared>>
      %dma_start3A_895 = arith.constant 0 : i32
      %dma_start3A_896 = arith.constant 0 : i32
      %dma_start3A_897 = tpu.memref_slice %arg10[%dma_start3A_895, %dma_start3A_896] : memref<512x16xf32, #tpu.memory_space<vmem>> -> memref<448x16xf32, #tpu.memory_space<vmem>>
      %dma_start3A_898 = arith.constant 0 : i32
      %dma_start3A_899 = tpu.memref_slice %arg12[%add3A_232, %dma_start3A_898] : memref<100352x16xf32, #tpu.memory_space<vmem_shared>> -> memref<448x16xf32, #tpu.memory_space<vmem_shared>>
      tpu.enqueue_dma source(%dma_start3A_899 : memref<448x16xf32, #tpu.memory_space<vmem_shared>>) target(%dma_start3A_897 : memref<448x16xf32, #tpu.memory_space<vmem>>) target_semaphore(%run_scoped3A : memref<!tpu.dma_semaphore, #tpu.memory_space<semaphore_mem>>)
      %dma_wait3A_900 = arith.constant 0 : i32
      %dma_wait3A_901 = arith.constant 0 : i32
      %dma_wait3A_902 = tpu.memref_slice %arg10[%dma_wait3A_900, %dma_wait3A_901] : memref<512x16xf32, #tpu.memory_space<vmem>> -> memref<448x16xf32, #tpu.memory_space<vmem>>
      %dma_wait3A_903 = arith.constant 0 : i32
      %dma_wait3A_904 = tpu.memref_slice %arg12[%add3A_232, %dma_wait3A_903] : memref<100352x16xf32, #tpu.memory_space<vmem_shared>> -> memref<448x16xf32, #tpu.memory_space<vmem_shared>>
      %dma_wait3A_905 = arith.constant 0 : i32
      %dma_wait3A_906 = arith.constant 0 : i32
      %dma_wait3A_907 = tpu.memref_slice %arg10[%dma_wait3A_905, %dma_wait3A_906] : memref<512x16xf32, #tpu.memory_space<vmem>> -> memref<448x16xf32, #tpu.memory_space<vmem>>
      %dma_wait3A_908 = arith.constant 0 : i32
      %dma_wait3A_909 = tpu.memref_slice %arg12[%add3A_232, %dma_wait3A_908] : memref<100352x16xf32, #tpu.memory_space<vmem_shared>> -> memref<448x16xf32, #tpu.memory_space<vmem_shared>>
      tpu.wait_dma2 semaphore(%run_scoped3A : memref<!tpu.dma_semaphore, #tpu.memory_space<semaphore_mem>>) src(%dma_wait3A_909 : memref<448x16xf32, #tpu.memory_space<vmem_shared>>) dst(%dma_wait3A_907 : memref<448x16xf32, #tpu.memory_space<vmem>>)
      tpu.yield
    }) : () -> ()
    %dma_start3A_245 = arith.constant 0 : i32
    %dma_start3A_246 = arith.constant 0 : i32
    %dma_start3A_247 = tpu.memref_slice %arg10[%dma_start3A_245, %dma_start3A_246] : memref<512x16xf32, #tpu.memory_space<vmem>> -> memref<448x16xf32, #tpu.memory_space<vmem>>
    %dma_start3A_248 = arith.constant 0 : i32
    %dma_start3A_249 = tpu.memref_slice %arg5[%mul3A_99, %add3A_232, %dma_start3A_248] : memref<4x100352x16xf32, #tpu.memory_space<hbm>> -> memref<1x448x16xf32, #tpu.memory_space<hbm>>
    %dma_start3A_250 = tpu.memref_squeeze %dma_start3A_249 : memref<1x448x16xf32, #tpu.memory_space<hbm>> -> memref<448x16xf32, #tpu.memory_space<hbm>>
    %dma_start3A_251 = arith.constant 0 : i32
    %dma_start3A_252 = tpu.memref_slice %arg5[%mul3A_99, %add3A_232, %dma_start3A_251] : memref<4x100352x16xf32, #tpu.memory_space<hbm>> -> memref<1x448x16xf32, #tpu.memory_space<hbm>>
    %dma_start3A_253 = tpu.memref_squeeze %dma_start3A_252 : memref<1x448x16xf32, #tpu.memory_space<hbm>> -> memref<448x16xf32, #tpu.memory_space<hbm>>
    %dma_start3A_254 = arith.constant 0 : i32
    %dma_start3A_255 = arith.constant 0 : i32
    %dma_start3A_256 = tpu.memref_slice %arg10[%dma_start3A_254, %dma_start3A_255] : memref<512x16xf32, #tpu.memory_space<vmem>> -> memref<448x16xf32, #tpu.memory_space<vmem>>
    tpu.enqueue_dma source(%dma_start3A_256 : memref<448x16xf32, #tpu.memory_space<vmem>>) target(%dma_start3A_253 : memref<448x16xf32, #tpu.memory_space<hbm>>) target_semaphore(%arg15 : memref<!tpu.dma_semaphore, #tpu.memory_space<semaphore_mem>>)
    %add3A_257 = arith.constant 3136 : i32
    %add3A_258 = arith.addi %mul3A_0, %add3A_257 : i32
    %dma_wait3A_259 = arith.constant 0 : i32
    %dma_wait3A_260 = arith.constant 0 : i32
    %dma_wait3A_261 = tpu.memref_slice %arg11[%dma_wait3A_259, %dma_wait3A_260] : memref<512x16xf32, #tpu.memory_space<vmem>> -> memref<448x16xf32, #tpu.memory_space<vmem>>
    %dma_wait3A_262 = arith.constant 0 : i32
    %dma_wait3A_263 = tpu.memref_slice %arg5[%mul3A_99, %add3A_258, %dma_wait3A_262] : memref<4x100352x16xf32, #tpu.memory_space<hbm>> -> memref<1x448x16xf32, #tpu.memory_space<hbm>>
    %dma_wait3A_264 = tpu.memref_squeeze %dma_wait3A_263 : memref<1x448x16xf32, #tpu.memory_space<hbm>> -> memref<448x16xf32, #tpu.memory_space<hbm>>
    %dma_wait3A_265 = arith.constant 0 : i32
    %dma_wait3A_266 = tpu.memref_slice %arg5[%mul3A_99, %add3A_258, %dma_wait3A_265] : memref<4x100352x16xf32, #tpu.memory_space<hbm>> -> memref<1x448x16xf32, #tpu.memory_space<hbm>>
    %dma_wait3A_267 = tpu.memref_squeeze %dma_wait3A_266 : memref<1x448x16xf32, #tpu.memory_space<hbm>> -> memref<448x16xf32, #tpu.memory_space<hbm>>
    %dma_wait3A_268 = arith.constant 0 : i32
    %dma_wait3A_269 = arith.constant 0 : i32
    %dma_wait3A_270 = tpu.memref_slice %arg11[%dma_wait3A_268, %dma_wait3A_269] : memref<512x16xf32, #tpu.memory_space<vmem>> -> memref<448x16xf32, #tpu.memory_space<vmem>>
    tpu.wait_dma2 semaphore(%arg15 : memref<!tpu.dma_semaphore, #tpu.memory_space<semaphore_mem>>) src(%dma_wait3A_270 : memref<448x16xf32, #tpu.memory_space<vmem>>) dst(%dma_wait3A_267 : memref<448x16xf32, #tpu.memory_space<hbm>>)
    "tpu.region"() ({
      %run_scoped3A = tpu.sem_alloc : memref<!tpu.dma_semaphore, #tpu.memory_space<semaphore_mem>>
      %dma_start3A_890 = arith.constant 0 : i32
      %dma_start3A_891 = arith.constant 0 : i32
      %dma_start3A_892 = tpu.memref_slice %arg11[%dma_start3A_890, %dma_start3A_891] : memref<512x16xf32, #tpu.memory_space<vmem>> -> memref<448x16xf32, #tpu.memory_space<vmem>>
      %dma_start3A_893 = arith.constant 0 : i32
      %dma_start3A_894 = tpu.memref_slice %arg12[%add3A_258, %dma_start3A_893] : memref<100352x16xf32, #tpu.memory_space<vmem_shared>> -> memref<448x16xf32, #tpu.memory_space<vmem_shared>>
      %dma_start3A_895 = arith.constant 0 : i32
      %dma_start3A_896 = arith.constant 0 : i32
      %dma_start3A_897 = tpu.memref_slice %arg11[%dma_start3A_895, %dma_start3A_896] : memref<512x16xf32, #tpu.memory_space<vmem>> -> memref<448x16xf32, #tpu.memory_space<vmem>>
      %dma_start3A_898 = arith.constant 0 : i32
      %dma_start3A_899 = tpu.memref_slice %arg12[%add3A_258, %dma_start3A_898] : memref<100352x16xf32, #tpu.memory_space<vmem_shared>> -> memref<448x16xf32, #tpu.memory_space<vmem_shared>>
      tpu.enqueue_dma source(%dma_start3A_899 : memref<448x16xf32, #tpu.memory_space<vmem_shared>>) target(%dma_start3A_897 : memref<448x16xf32, #tpu.memory_space<vmem>>) target_semaphore(%run_scoped3A : memref<!tpu.dma_semaphore, #tpu.memory_space<semaphore_mem>>)
      %dma_wait3A_900 = arith.constant 0 : i32
      %dma_wait3A_901 = arith.constant 0 : i32
      %dma_wait3A_902 = tpu.memref_slice %arg11[%dma_wait3A_900, %dma_wait3A_901] : memref<512x16xf32, #tpu.memory_space<vmem>> -> memref<448x16xf32, #tpu.memory_space<vmem>>
      %dma_wait3A_903 = arith.constant 0 : i32
      %dma_wait3A_904 = tpu.memref_slice %arg12[%add3A_258, %dma_wait3A_903] : memref<100352x16xf32, #tpu.memory_space<vmem_shared>> -> memref<448x16xf32, #tpu.memory_space<vmem_shared>>
      %dma_wait3A_905 = arith.constant 0 : i32
      %dma_wait3A_906 = arith.constant 0 : i32
      %dma_wait3A_907 = tpu.memref_slice %arg11[%dma_wait3A_905, %dma_wait3A_906] : memref<512x16xf32, #tpu.memory_space<vmem>> -> memref<448x16xf32, #tpu.memory_space<vmem>>
      %dma_wait3A_908 = arith.constant 0 : i32
      %dma_wait3A_909 = tpu.memref_slice %arg12[%add3A_258, %dma_wait3A_908] : memref<100352x16xf32, #tpu.memory_space<vmem_shared>> -> memref<448x16xf32, #tpu.memory_space<vmem_shared>>
      tpu.wait_dma2 semaphore(%run_scoped3A : memref<!tpu.dma_semaphore, #tpu.memory_space<semaphore_mem>>) src(%dma_wait3A_909 : memref<448x16xf32, #tpu.memory_space<vmem_shared>>) dst(%dma_wait3A_907 : memref<448x16xf32, #tpu.memory_space<vmem>>)
      tpu.yield
    }) : () -> ()
    %dma_start3A_271 = arith.constant 0 : i32
    %dma_start3A_272 = arith.constant 0 : i32
    %dma_start3A_273 = tpu.memref_slice %arg11[%dma_start3A_271, %dma_start3A_272] : memref<512x16xf32, #tpu.memory_space<vmem>> -> memref<448x16xf32, #tpu.memory_space<vmem>>
    %dma_start3A_274 = arith.constant 0 : i32
    %dma_start3A_275 = tpu.memref_slice %arg5[%mul3A_99, %add3A_258, %dma_start3A_274] : memref<4x100352x16xf32, #tpu.memory_space<hbm>> -> memref<1x448x16xf32, #tpu.memory_space<hbm>>
    %dma_start3A_276 = tpu.memref_squeeze %dma_start3A_275 : memref<1x448x16xf32, #tpu.memory_space<hbm>> -> memref<448x16xf32, #tpu.memory_space<hbm>>
    %dma_start3A_277 = arith.constant 0 : i32
    %dma_start3A_278 = tpu.memref_slice %arg5[%mul3A_99, %add3A_258, %dma_start3A_277] : memref<4x100352x16xf32, #tpu.memory_space<hbm>> -> memref<1x448x16xf32, #tpu.memory_space<hbm>>
    %dma_start3A_279 = tpu.memref_squeeze %dma_start3A_278 : memref<1x448x16xf32, #tpu.memory_space<hbm>> -> memref<448x16xf32, #tpu.memory_space<hbm>>
    %dma_start3A_280 = arith.constant 0 : i32
    %dma_start3A_281 = arith.constant 0 : i32
    %dma_start3A_282 = tpu.memref_slice %arg11[%dma_start3A_280, %dma_start3A_281] : memref<512x16xf32, #tpu.memory_space<vmem>> -> memref<448x16xf32, #tpu.memory_space<vmem>>
    tpu.enqueue_dma source(%dma_start3A_282 : memref<448x16xf32, #tpu.memory_space<vmem>>) target(%dma_start3A_279 : memref<448x16xf32, #tpu.memory_space<hbm>>) target_semaphore(%arg15 : memref<!tpu.dma_semaphore, #tpu.memory_space<semaphore_mem>>)
    %add3A_283 = arith.constant 3584 : i32
    %add3A_284 = arith.addi %mul3A_0, %add3A_283 : i32
    %dma_wait3A_285 = arith.constant 0 : i32
    %dma_wait3A_286 = arith.constant 0 : i32
    %dma_wait3A_287 = tpu.memref_slice %arg10[%dma_wait3A_285, %dma_wait3A_286] : memref<512x16xf32, #tpu.memory_space<vmem>> -> memref<448x16xf32, #tpu.memory_space<vmem>>
    %dma_wait3A_288 = arith.constant 0 : i32
    %dma_wait3A_289 = tpu.memref_slice %arg5[%mul3A_99, %add3A_284, %dma_wait3A_288] : memref<4x100352x16xf32, #tpu.memory_space<hbm>> -> memref<1x448x16xf32, #tpu.memory_space<hbm>>
    %dma_wait3A_290 = tpu.memref_squeeze %dma_wait3A_289 : memref<1x448x16xf32, #tpu.memory_space<hbm>> -> memref<448x16xf32, #tpu.memory_space<hbm>>
    %dma_wait3A_291 = arith.constant 0 : i32
    %dma_wait3A_292 = tpu.memref_slice %arg5[%mul3A_99, %add3A_284, %dma_wait3A_291] : memref<4x100352x16xf32, #tpu.memory_space<hbm>> -> memref<1x448x16xf32, #tpu.memory_space<hbm>>
    %dma_wait3A_293 = tpu.memref_squeeze %dma_wait3A_292 : memref<1x448x16xf32, #tpu.memory_space<hbm>> -> memref<448x16xf32, #tpu.memory_space<hbm>>
    %dma_wait3A_294 = arith.constant 0 : i32
    %dma_wait3A_295 = arith.constant 0 : i32
    %dma_wait3A_296 = tpu.memref_slice %arg10[%dma_wait3A_294, %dma_wait3A_295] : memref<512x16xf32, #tpu.memory_space<vmem>> -> memref<448x16xf32, #tpu.memory_space<vmem>>
    tpu.wait_dma2 semaphore(%arg15 : memref<!tpu.dma_semaphore, #tpu.memory_space<semaphore_mem>>) src(%dma_wait3A_296 : memref<448x16xf32, #tpu.memory_space<vmem>>) dst(%dma_wait3A_293 : memref<448x16xf32, #tpu.memory_space<hbm>>)
    "tpu.region"() ({
      %run_scoped3A = tpu.sem_alloc : memref<!tpu.dma_semaphore, #tpu.memory_space<semaphore_mem>>
      %dma_start3A_890 = arith.constant 0 : i32
      %dma_start3A_891 = arith.constant 0 : i32
      %dma_start3A_892 = tpu.memref_slice %arg10[%dma_start3A_890, %dma_start3A_891] : memref<512x16xf32, #tpu.memory_space<vmem>> -> memref<448x16xf32, #tpu.memory_space<vmem>>
      %dma_start3A_893 = arith.constant 0 : i32
      %dma_start3A_894 = tpu.memref_slice %arg12[%add3A_284, %dma_start3A_893] : memref<100352x16xf32, #tpu.memory_space<vmem_shared>> -> memref<448x16xf32, #tpu.memory_space<vmem_shared>>
      %dma_start3A_895 = arith.constant 0 : i32
      %dma_start3A_896 = arith.constant 0 : i32
      %dma_start3A_897 = tpu.memref_slice %arg10[%dma_start3A_895, %dma_start3A_896] : memref<512x16xf32, #tpu.memory_space<vmem>> -> memref<448x16xf32, #tpu.memory_space<vmem>>
      %dma_start3A_898 = arith.constant 0 : i32
      %dma_start3A_899 = tpu.memref_slice %arg12[%add3A_284, %dma_start3A_898] : memref<100352x16xf32, #tpu.memory_space<vmem_shared>> -> memref<448x16xf32, #tpu.memory_space<vmem_shared>>
      tpu.enqueue_dma source(%dma_start3A_899 : memref<448x16xf32, #tpu.memory_space<vmem_shared>>) target(%dma_start3A_897 : memref<448x16xf32, #tpu.memory_space<vmem>>) target_semaphore(%run_scoped3A : memref<!tpu.dma_semaphore, #tpu.memory_space<semaphore_mem>>)
      %dma_wait3A_900 = arith.constant 0 : i32
      %dma_wait3A_901 = arith.constant 0 : i32
      %dma_wait3A_902 = tpu.memref_slice %arg10[%dma_wait3A_900, %dma_wait3A_901] : memref<512x16xf32, #tpu.memory_space<vmem>> -> memref<448x16xf32, #tpu.memory_space<vmem>>
      %dma_wait3A_903 = arith.constant 0 : i32
      %dma_wait3A_904 = tpu.memref_slice %arg12[%add3A_284, %dma_wait3A_903] : memref<100352x16xf32, #tpu.memory_space<vmem_shared>> -> memref<448x16xf32, #tpu.memory_space<vmem_shared>>
      %dma_wait3A_905 = arith.constant 0 : i32
      %dma_wait3A_906 = arith.constant 0 : i32
      %dma_wait3A_907 = tpu.memref_slice %arg10[%dma_wait3A_905, %dma_wait3A_906] : memref<512x16xf32, #tpu.memory_space<vmem>> -> memref<448x16xf32, #tpu.memory_space<vmem>>
      %dma_wait3A_908 = arith.constant 0 : i32
      %dma_wait3A_909 = tpu.memref_slice %arg12[%add3A_284, %dma_wait3A_908] : memref<100352x16xf32, #tpu.memory_space<vmem_shared>> -> memref<448x16xf32, #tpu.memory_space<vmem_shared>>
      tpu.wait_dma2 semaphore(%run_scoped3A : memref<!tpu.dma_semaphore, #tpu.memory_space<semaphore_mem>>) src(%dma_wait3A_909 : memref<448x16xf32, #tpu.memory_space<vmem_shared>>) dst(%dma_wait3A_907 : memref<448x16xf32, #tpu.memory_space<vmem>>)
      tpu.yield
    }) : () -> ()
    %dma_start3A_297 = arith.constant 0 : i32
    %dma_start3A_298 = arith.constant 0 : i32
    %dma_start3A_299 = tpu.memref_slice %arg10[%dma_start3A_297, %dma_start3A_298] : memref<512x16xf32, #tpu.memory_space<vmem>> -> memref<448x16xf32, #tpu.memory_space<vmem>>
    %dma_start3A_300 = arith.constant 0 : i32
    %dma_start3A_301 = tpu.memref_slice %arg5[%mul3A_99, %add3A_284, %dma_start3A_300] : memref<4x100352x16xf32, #tpu.memory_space<hbm>> -> memref<1x448x16xf32, #tpu.memory_space<hbm>>
    %dma_start3A_302 = tpu.memref_squeeze %dma_start3A_301 : memref<1x448x16xf32, #tpu.memory_space<hbm>> -> memref<448x16xf32, #tpu.memory_space<hbm>>
    %dma_start3A_303 = arith.constant 0 : i32
    %dma_start3A_304 = tpu.memref_slice %arg5[%mul3A_99, %add3A_284, %dma_start3A_303] : memref<4x100352x16xf32, #tpu.memory_space<hbm>> -> memref<1x448x16xf32, #tpu.memory_space<hbm>>
    %dma_start3A_305 = tpu.memref_squeeze %dma_start3A_304 : memref<1x448x16xf32, #tpu.memory_space<hbm>> -> memref<448x16xf32, #tpu.memory_space<hbm>>
    %dma_start3A_306 = arith.constant 0 : i32
    %dma_start3A_307 = arith.constant 0 : i32
    %dma_start3A_308 = tpu.memref_slice %arg10[%dma_start3A_306, %dma_start3A_307] : memref<512x16xf32, #tpu.memory_space<vmem>> -> memref<448x16xf32, #tpu.memory_space<vmem>>
    tpu.enqueue_dma source(%dma_start3A_308 : memref<448x16xf32, #tpu.memory_space<vmem>>) target(%dma_start3A_305 : memref<448x16xf32, #tpu.memory_space<hbm>>) target_semaphore(%arg15 : memref<!tpu.dma_semaphore, #tpu.memory_space<semaphore_mem>>)
    %add3A_309 = arith.constant 4032 : i32
    %add3A_310 = arith.addi %mul3A_0, %add3A_309 : i32
    %dma_wait3A_311 = arith.constant 0 : i32
    %dma_wait3A_312 = arith.constant 0 : i32
    %dma_wait3A_313 = tpu.memref_slice %arg11[%dma_wait3A_311, %dma_wait3A_312] : memref<512x16xf32, #tpu.memory_space<vmem>> -> memref<448x16xf32, #tpu.memory_space<vmem>>
    %dma_wait3A_314 = arith.constant 0 : i32
    %dma_wait3A_315 = tpu.memref_slice %arg5[%mul3A_99, %add3A_310, %dma_wait3A_314] : memref<4x100352x16xf32, #tpu.memory_space<hbm>> -> memref<1x448x16xf32, #tpu.memory_space<hbm>>
    %dma_wait3A_316 = tpu.memref_squeeze %dma_wait3A_315 : memref<1x448x16xf32, #tpu.memory_space<hbm>> -> memref<448x16xf32, #tpu.memory_space<hbm>>
    %dma_wait3A_317 = arith.constant 0 : i32
    %dma_wait3A_318 = tpu.memref_slice %arg5[%mul3A_99, %add3A_310, %dma_wait3A_317] : memref<4x100352x16xf32, #tpu.memory_space<hbm>> -> memref<1x448x16xf32, #tpu.memory_space<hbm>>
    %dma_wait3A_319 = tpu.memref_squeeze %dma_wait3A_318 : memref<1x448x16xf32, #tpu.memory_space<hbm>> -> memref<448x16xf32, #tpu.memory_space<hbm>>
    %dma_wait3A_320 = arith.constant 0 : i32
    %dma_wait3A_321 = arith.constant 0 : i32
    %dma_wait3A_322 = tpu.memref_slice %arg11[%dma_wait3A_320, %dma_wait3A_321] : memref<512x16xf32, #tpu.memory_space<vmem>> -> memref<448x16xf32, #tpu.memory_space<vmem>>
    tpu.wait_dma2 semaphore(%arg15 : memref<!tpu.dma_semaphore, #tpu.memory_space<semaphore_mem>>) src(%dma_wait3A_322 : memref<448x16xf32, #tpu.memory_space<vmem>>) dst(%dma_wait3A_319 : memref<448x16xf32, #tpu.memory_space<hbm>>)
    "tpu.region"() ({
      %run_scoped3A = tpu.sem_alloc : memref<!tpu.dma_semaphore, #tpu.memory_space<semaphore_mem>>
      %dma_start3A_890 = arith.constant 0 : i32
      %dma_start3A_891 = arith.constant 0 : i32
      %dma_start3A_892 = tpu.memref_slice %arg11[%dma_start3A_890, %dma_start3A_891] : memref<512x16xf32, #tpu.memory_space<vmem>> -> memref<448x16xf32, #tpu.memory_space<vmem>>
      %dma_start3A_893 = arith.constant 0 : i32
      %dma_start3A_894 = tpu.memref_slice %arg12[%add3A_310, %dma_start3A_893] : memref<100352x16xf32, #tpu.memory_space<vmem_shared>> -> memref<448x16xf32, #tpu.memory_space<vmem_shared>>
      %dma_start3A_895 = arith.constant 0 : i32
      %dma_start3A_896 = arith.constant 0 : i32
      %dma_start3A_897 = tpu.memref_slice %arg11[%dma_start3A_895, %dma_start3A_896] : memref<512x16xf32, #tpu.memory_space<vmem>> -> memref<448x16xf32, #tpu.memory_space<vmem>>
      %dma_start3A_898 = arith.constant 0 : i32
      %dma_start3A_899 = tpu.memref_slice %arg12[%add3A_310, %dma_start3A_898] : memref<100352x16xf32, #tpu.memory_space<vmem_shared>> -> memref<448x16xf32, #tpu.memory_space<vmem_shared>>
      tpu.enqueue_dma source(%dma_start3A_899 : memref<448x16xf32, #tpu.memory_space<vmem_shared>>) target(%dma_start3A_897 : memref<448x16xf32, #tpu.memory_space<vmem>>) target_semaphore(%run_scoped3A : memref<!tpu.dma_semaphore, #tpu.memory_space<semaphore_mem>>)
      %dma_wait3A_900 = arith.constant 0 : i32
      %dma_wait3A_901 = arith.constant 0 : i32
      %dma_wait3A_902 = tpu.memref_slice %arg11[%dma_wait3A_900, %dma_wait3A_901] : memref<512x16xf32, #tpu.memory_space<vmem>> -> memref<448x16xf32, #tpu.memory_space<vmem>>
      %dma_wait3A_903 = arith.constant 0 : i32
      %dma_wait3A_904 = tpu.memref_slice %arg12[%add3A_310, %dma_wait3A_903] : memref<100352x16xf32, #tpu.memory_space<vmem_shared>> -> memref<448x16xf32, #tpu.memory_space<vmem_shared>>
      %dma_wait3A_905 = arith.constant 0 : i32
      %dma_wait3A_906 = arith.constant 0 : i32
      %dma_wait3A_907 = tpu.memref_slice %arg11[%dma_wait3A_905, %dma_wait3A_906] : memref<512x16xf32, #tpu.memory_space<vmem>> -> memref<448x16xf32, #tpu.memory_space<vmem>>
      %dma_wait3A_908 = arith.constant 0 : i32
      %dma_wait3A_909 = tpu.memref_slice %arg12[%add3A_310, %dma_wait3A_908] : memref<100352x16xf32, #tpu.memory_space<vmem_shared>> -> memref<448x16xf32, #tpu.memory_space<vmem_shared>>
      tpu.wait_dma2 semaphore(%run_scoped3A : memref<!tpu.dma_semaphore, #tpu.memory_space<semaphore_mem>>) src(%dma_wait3A_909 : memref<448x16xf32, #tpu.memory_space<vmem_shared>>) dst(%dma_wait3A_907 : memref<448x16xf32, #tpu.memory_space<vmem>>)
      tpu.yield
    }) : () -> ()
    %dma_start3A_323 = arith.constant 0 : i32
    %dma_start3A_324 = arith.constant 0 : i32
    %dma_start3A_325 = tpu.memref_slice %arg11[%dma_start3A_323, %dma_start3A_324] : memref<512x16xf32, #tpu.memory_space<vmem>> -> memref<448x16xf32, #tpu.memory_space<vmem>>
    %dma_start3A_326 = arith.constant 0 : i32
    %dma_start3A_327 = tpu.memref_slice %arg5[%mul3A_99, %add3A_310, %dma_start3A_326] : memref<4x100352x16xf32, #tpu.memory_space<hbm>> -> memref<1x448x16xf32, #tpu.memory_space<hbm>>
    %dma_start3A_328 = tpu.memref_squeeze %dma_start3A_327 : memref<1x448x16xf32, #tpu.memory_space<hbm>> -> memref<448x16xf32, #tpu.memory_space<hbm>>
    %dma_start3A_329 = arith.constant 0 : i32
    %dma_start3A_330 = tpu.memref_slice %arg5[%mul3A_99, %add3A_310, %dma_start3A_329] : memref<4x100352x16xf32, #tpu.memory_space<hbm>> -> memref<1x448x16xf32, #tpu.memory_space<hbm>>
    %dma_start3A_331 = tpu.memref_squeeze %dma_start3A_330 : memref<1x448x16xf32, #tpu.memory_space<hbm>> -> memref<448x16xf32, #tpu.memory_space<hbm>>
    %dma_start3A_332 = arith.constant 0 : i32
    %dma_start3A_333 = arith.constant 0 : i32
    %dma_start3A_334 = tpu.memref_slice %arg11[%dma_start3A_332, %dma_start3A_333] : memref<512x16xf32, #tpu.memory_space<vmem>> -> memref<448x16xf32, #tpu.memory_space<vmem>>
    tpu.enqueue_dma source(%dma_start3A_334 : memref<448x16xf32, #tpu.memory_space<vmem>>) target(%dma_start3A_331 : memref<448x16xf32, #tpu.memory_space<hbm>>) target_semaphore(%arg15 : memref<!tpu.dma_semaphore, #tpu.memory_space<semaphore_mem>>)
    %add3A_335 = arith.constant 4480 : i32
    %add3A_336 = arith.addi %mul3A_0, %add3A_335 : i32
    %dma_wait3A_337 = arith.constant 0 : i32
    %dma_wait3A_338 = arith.constant 0 : i32
    %dma_wait3A_339 = tpu.memref_slice %arg10[%dma_wait3A_337, %dma_wait3A_338] : memref<512x16xf32, #tpu.memory_space<vmem>> -> memref<448x16xf32, #tpu.memory_space<vmem>>
    %dma_wait3A_340 = arith.constant 0 : i32
    %dma_wait3A_341 = tpu.memref_slice %arg5[%mul3A_99, %add3A_336, %dma_wait3A_340] : memref<4x100352x16xf32, #tpu.memory_space<hbm>> -> memref<1x448x16xf32, #tpu.memory_space<hbm>>
    %dma_wait3A_342 = tpu.memref_squeeze %dma_wait3A_341 : memref<1x448x16xf32, #tpu.memory_space<hbm>> -> memref<448x16xf32, #tpu.memory_space<hbm>>
    %dma_wait3A_343 = arith.constant 0 : i32
    %dma_wait3A_344 = tpu.memref_slice %arg5[%mul3A_99, %add3A_336, %dma_wait3A_343] : memref<4x100352x16xf32, #tpu.memory_space<hbm>> -> memref<1x448x16xf32, #tpu.memory_space<hbm>>
    %dma_wait3A_345 = tpu.memref_squeeze %dma_wait3A_344 : memref<1x448x16xf32, #tpu.memory_space<hbm>> -> memref<448x16xf32, #tpu.memory_space<hbm>>
    %dma_wait3A_346 = arith.constant 0 : i32
    %dma_wait3A_347 = arith.constant 0 : i32
    %dma_wait3A_348 = tpu.memref_slice %arg10[%dma_wait3A_346, %dma_wait3A_347] : memref<512x16xf32, #tpu.memory_space<vmem>> -> memref<448x16xf32, #tpu.memory_space<vmem>>
    tpu.wait_dma2 semaphore(%arg15 : memref<!tpu.dma_semaphore, #tpu.memory_space<semaphore_mem>>) src(%dma_wait3A_348 : memref<448x16xf32, #tpu.memory_space<vmem>>) dst(%dma_wait3A_345 : memref<448x16xf32, #tpu.memory_space<hbm>>)
    "tpu.region"() ({
      %run_scoped3A = tpu.sem_alloc : memref<!tpu.dma_semaphore, #tpu.memory_space<semaphore_mem>>
      %dma_start3A_890 = arith.constant 0 : i32
      %dma_start3A_891 = arith.constant 0 : i32
      %dma_start3A_892 = tpu.memref_slice %arg10[%dma_start3A_890, %dma_start3A_891] : memref<512x16xf32, #tpu.memory_space<vmem>> -> memref<448x16xf32, #tpu.memory_space<vmem>>
      %dma_start3A_893 = arith.constant 0 : i32
      %dma_start3A_894 = tpu.memref_slice %arg12[%add3A_336, %dma_start3A_893] : memref<100352x16xf32, #tpu.memory_space<vmem_shared>> -> memref<448x16xf32, #tpu.memory_space<vmem_shared>>
      %dma_start3A_895 = arith.constant 0 : i32
      %dma_start3A_896 = arith.constant 0 : i32
      %dma_start3A_897 = tpu.memref_slice %arg10[%dma_start3A_895, %dma_start3A_896] : memref<512x16xf32, #tpu.memory_space<vmem>> -> memref<448x16xf32, #tpu.memory_space<vmem>>
      %dma_start3A_898 = arith.constant 0 : i32
      %dma_start3A_899 = tpu.memref_slice %arg12[%add3A_336, %dma_start3A_898] : memref<100352x16xf32, #tpu.memory_space<vmem_shared>> -> memref<448x16xf32, #tpu.memory_space<vmem_shared>>
      tpu.enqueue_dma source(%dma_start3A_899 : memref<448x16xf32, #tpu.memory_space<vmem_shared>>) target(%dma_start3A_897 : memref<448x16xf32, #tpu.memory_space<vmem>>) target_semaphore(%run_scoped3A : memref<!tpu.dma_semaphore, #tpu.memory_space<semaphore_mem>>)
      %dma_wait3A_900 = arith.constant 0 : i32
      %dma_wait3A_901 = arith.constant 0 : i32
      %dma_wait3A_902 = tpu.memref_slice %arg10[%dma_wait3A_900, %dma_wait3A_901] : memref<512x16xf32, #tpu.memory_space<vmem>> -> memref<448x16xf32, #tpu.memory_space<vmem>>
      %dma_wait3A_903 = arith.constant 0 : i32
      %dma_wait3A_904 = tpu.memref_slice %arg12[%add3A_336, %dma_wait3A_903] : memref<100352x16xf32, #tpu.memory_space<vmem_shared>> -> memref<448x16xf32, #tpu.memory_space<vmem_shared>>
      %dma_wait3A_905 = arith.constant 0 : i32
      %dma_wait3A_906 = arith.constant 0 : i32
      %dma_wait3A_907 = tpu.memref_slice %arg10[%dma_wait3A_905, %dma_wait3A_906] : memref<512x16xf32, #tpu.memory_space<vmem>> -> memref<448x16xf32, #tpu.memory_space<vmem>>
      %dma_wait3A_908 = arith.constant 0 : i32
      %dma_wait3A_909 = tpu.memref_slice %arg12[%add3A_336, %dma_wait3A_908] : memref<100352x16xf32, #tpu.memory_space<vmem_shared>> -> memref<448x16xf32, #tpu.memory_space<vmem_shared>>
      tpu.wait_dma2 semaphore(%run_scoped3A : memref<!tpu.dma_semaphore, #tpu.memory_space<semaphore_mem>>) src(%dma_wait3A_909 : memref<448x16xf32, #tpu.memory_space<vmem_shared>>) dst(%dma_wait3A_907 : memref<448x16xf32, #tpu.memory_space<vmem>>)
      tpu.yield
    }) : () -> ()
    %dma_start3A_349 = arith.constant 0 : i32
    %dma_start3A_350 = arith.constant 0 : i32
    %dma_start3A_351 = tpu.memref_slice %arg10[%dma_start3A_349, %dma_start3A_350] : memref<512x16xf32, #tpu.memory_space<vmem>> -> memref<448x16xf32, #tpu.memory_space<vmem>>
    %dma_start3A_352 = arith.constant 0 : i32
    %dma_start3A_353 = tpu.memref_slice %arg5[%mul3A_99, %add3A_336, %dma_start3A_352] : memref<4x100352x16xf32, #tpu.memory_space<hbm>> -> memref<1x448x16xf32, #tpu.memory_space<hbm>>
    %dma_start3A_354 = tpu.memref_squeeze %dma_start3A_353 : memref<1x448x16xf32, #tpu.memory_space<hbm>> -> memref<448x16xf32, #tpu.memory_space<hbm>>
    %dma_start3A_355 = arith.constant 0 : i32
    %dma_start3A_356 = tpu.memref_slice %arg5[%mul3A_99, %add3A_336, %dma_start3A_355] : memref<4x100352x16xf32, #tpu.memory_space<hbm>> -> memref<1x448x16xf32, #tpu.memory_space<hbm>>
    %dma_start3A_357 = tpu.memref_squeeze %dma_start3A_356 : memref<1x448x16xf32, #tpu.memory_space<hbm>> -> memref<448x16xf32, #tpu.memory_space<hbm>>
    %dma_start3A_358 = arith.constant 0 : i32
    %dma_start3A_359 = arith.constant 0 : i32
    %dma_start3A_360 = tpu.memref_slice %arg10[%dma_start3A_358, %dma_start3A_359] : memref<512x16xf32, #tpu.memory_space<vmem>> -> memref<448x16xf32, #tpu.memory_space<vmem>>
    tpu.enqueue_dma source(%dma_start3A_360 : memref<448x16xf32, #tpu.memory_space<vmem>>) target(%dma_start3A_357 : memref<448x16xf32, #tpu.memory_space<hbm>>) target_semaphore(%arg15 : memref<!tpu.dma_semaphore, #tpu.memory_space<semaphore_mem>>)
    %add3A_361 = arith.constant 4928 : i32
    %add3A_362 = arith.addi %mul3A_0, %add3A_361 : i32
    %dma_wait3A_363 = arith.constant 0 : i32
    %dma_wait3A_364 = arith.constant 0 : i32
    %dma_wait3A_365 = tpu.memref_slice %arg11[%dma_wait3A_363, %dma_wait3A_364] : memref<512x16xf32, #tpu.memory_space<vmem>> -> memref<448x16xf32, #tpu.memory_space<vmem>>
    %dma_wait3A_366 = arith.constant 0 : i32
    %dma_wait3A_367 = tpu.memref_slice %arg5[%mul3A_99, %add3A_362, %dma_wait3A_366] : memref<4x100352x16xf32, #tpu.memory_space<hbm>> -> memref<1x448x16xf32, #tpu.memory_space<hbm>>
    %dma_wait3A_368 = tpu.memref_squeeze %dma_wait3A_367 : memref<1x448x16xf32, #tpu.memory_space<hbm>> -> memref<448x16xf32, #tpu.memory_space<hbm>>
    %dma_wait3A_369 = arith.constant 0 : i32
    %dma_wait3A_370 = tpu.memref_slice %arg5[%mul3A_99, %add3A_362, %dma_wait3A_369] : memref<4x100352x16xf32, #tpu.memory_space<hbm>> -> memref<1x448x16xf32, #tpu.memory_space<hbm>>
    %dma_wait3A_371 = tpu.memref_squeeze %dma_wait3A_370 : memref<1x448x16xf32, #tpu.memory_space<hbm>> -> memref<448x16xf32, #tpu.memory_space<hbm>>
    %dma_wait3A_372 = arith.constant 0 : i32
    %dma_wait3A_373 = arith.constant 0 : i32
    %dma_wait3A_374 = tpu.memref_slice %arg11[%dma_wait3A_372, %dma_wait3A_373] : memref<512x16xf32, #tpu.memory_space<vmem>> -> memref<448x16xf32, #tpu.memory_space<vmem>>
    tpu.wait_dma2 semaphore(%arg15 : memref<!tpu.dma_semaphore, #tpu.memory_space<semaphore_mem>>) src(%dma_wait3A_374 : memref<448x16xf32, #tpu.memory_space<vmem>>) dst(%dma_wait3A_371 : memref<448x16xf32, #tpu.memory_space<hbm>>)
    "tpu.region"() ({
      %run_scoped3A = tpu.sem_alloc : memref<!tpu.dma_semaphore, #tpu.memory_space<semaphore_mem>>
      %dma_start3A_890 = arith.constant 0 : i32
      %dma_start3A_891 = arith.constant 0 : i32
      %dma_start3A_892 = tpu.memref_slice %arg11[%dma_start3A_890, %dma_start3A_891] : memref<512x16xf32, #tpu.memory_space<vmem>> -> memref<448x16xf32, #tpu.memory_space<vmem>>
      %dma_start3A_893 = arith.constant 0 : i32
      %dma_start3A_894 = tpu.memref_slice %arg12[%add3A_362, %dma_start3A_893] : memref<100352x16xf32, #tpu.memory_space<vmem_shared>> -> memref<448x16xf32, #tpu.memory_space<vmem_shared>>
      %dma_start3A_895 = arith.constant 0 : i32
      %dma_start3A_896 = arith.constant 0 : i32
      %dma_start3A_897 = tpu.memref_slice %arg11[%dma_start3A_895, %dma_start3A_896] : memref<512x16xf32, #tpu.memory_space<vmem>> -> memref<448x16xf32, #tpu.memory_space<vmem>>
      %dma_start3A_898 = arith.constant 0 : i32
      %dma_start3A_899 = tpu.memref_slice %arg12[%add3A_362, %dma_start3A_898] : memref<100352x16xf32, #tpu.memory_space<vmem_shared>> -> memref<448x16xf32, #tpu.memory_space<vmem_shared>>
      tpu.enqueue_dma source(%dma_start3A_899 : memref<448x16xf32, #tpu.memory_space<vmem_shared>>) target(%dma_start3A_897 : memref<448x16xf32, #tpu.memory_space<vmem>>) target_semaphore(%run_scoped3A : memref<!tpu.dma_semaphore, #tpu.memory_space<semaphore_mem>>)
      %dma_wait3A_900 = arith.constant 0 : i32
      %dma_wait3A_901 = arith.constant 0 : i32
      %dma_wait3A_902 = tpu.memref_slice %arg11[%dma_wait3A_900, %dma_wait3A_901] : memref<512x16xf32, #tpu.memory_space<vmem>> -> memref<448x16xf32, #tpu.memory_space<vmem>>
      %dma_wait3A_903 = arith.constant 0 : i32
      %dma_wait3A_904 = tpu.memref_slice %arg12[%add3A_362, %dma_wait3A_903] : memref<100352x16xf32, #tpu.memory_space<vmem_shared>> -> memref<448x16xf32, #tpu.memory_space<vmem_shared>>
      %dma_wait3A_905 = arith.constant 0 : i32
      %dma_wait3A_906 = arith.constant 0 : i32
      %dma_wait3A_907 = tpu.memref_slice %arg11[%dma_wait3A_905, %dma_wait3A_906] : memref<512x16xf32, #tpu.memory_space<vmem>> -> memref<448x16xf32, #tpu.memory_space<vmem>>
      %dma_wait3A_908 = arith.constant 0 : i32
      %dma_wait3A_909 = tpu.memref_slice %arg12[%add3A_362, %dma_wait3A_908] : memref<100352x16xf32, #tpu.memory_space<vmem_shared>> -> memref<448x16xf32, #tpu.memory_space<vmem_shared>>
      tpu.wait_dma2 semaphore(%run_scoped3A : memref<!tpu.dma_semaphore, #tpu.memory_space<semaphore_mem>>) src(%dma_wait3A_909 : memref<448x16xf32, #tpu.memory_space<vmem_shared>>) dst(%dma_wait3A_907 : memref<448x16xf32, #tpu.memory_space<vmem>>)
      tpu.yield
    }) : () -> ()
    %dma_start3A_375 = arith.constant 0 : i32
    %dma_start3A_376 = arith.constant 0 : i32
    %dma_start3A_377 = tpu.memref_slice %arg11[%dma_start3A_375, %dma_start3A_376] : memref<512x16xf32, #tpu.memory_space<vmem>> -> memref<448x16xf32, #tpu.memory_space<vmem>>
    %dma_start3A_378 = arith.constant 0 : i32
    %dma_start3A_379 = tpu.memref_slice %arg5[%mul3A_99, %add3A_362, %dma_start3A_378] : memref<4x100352x16xf32, #tpu.memory_space<hbm>> -> memref<1x448x16xf32, #tpu.memory_space<hbm>>
    %dma_start3A_380 = tpu.memref_squeeze %dma_start3A_379 : memref<1x448x16xf32, #tpu.memory_space<hbm>> -> memref<448x16xf32, #tpu.memory_space<hbm>>
    %dma_start3A_381 = arith.constant 0 : i32
    %dma_start3A_382 = tpu.memref_slice %arg5[%mul3A_99, %add3A_362, %dma_start3A_381] : memref<4x100352x16xf32, #tpu.memory_space<hbm>> -> memref<1x448x16xf32, #tpu.memory_space<hbm>>
    %dma_start3A_383 = tpu.memref_squeeze %dma_start3A_382 : memref<1x448x16xf32, #tpu.memory_space<hbm>> -> memref<448x16xf32, #tpu.memory_space<hbm>>
    %dma_start3A_384 = arith.constant 0 : i32
    %dma_start3A_385 = arith.constant 0 : i32
    %dma_start3A_386 = tpu.memref_slice %arg11[%dma_start3A_384, %dma_start3A_385] : memref<512x16xf32, #tpu.memory_space<vmem>> -> memref<448x16xf32, #tpu.memory_space<vmem>>
    tpu.enqueue_dma source(%dma_start3A_386 : memref<448x16xf32, #tpu.memory_space<vmem>>) target(%dma_start3A_383 : memref<448x16xf32, #tpu.memory_space<hbm>>) target_semaphore(%arg15 : memref<!tpu.dma_semaphore, #tpu.memory_space<semaphore_mem>>)
    %add3A_387 = arith.constant 5376 : i32
    %add3A_388 = arith.addi %mul3A_0, %add3A_387 : i32
    %dma_wait3A_389 = arith.constant 0 : i32
    %dma_wait3A_390 = arith.constant 0 : i32
    %dma_wait3A_391 = tpu.memref_slice %arg10[%dma_wait3A_389, %dma_wait3A_390] : memref<512x16xf32, #tpu.memory_space<vmem>> -> memref<448x16xf32, #tpu.memory_space<vmem>>
    %dma_wait3A_392 = arith.constant 0 : i32
    %dma_wait3A_393 = tpu.memref_slice %arg5[%mul3A_99, %add3A_388, %dma_wait3A_392] : memref<4x100352x16xf32, #tpu.memory_space<hbm>> -> memref<1x448x16xf32, #tpu.memory_space<hbm>>
    %dma_wait3A_394 = tpu.memref_squeeze %dma_wait3A_393 : memref<1x448x16xf32, #tpu.memory_space<hbm>> -> memref<448x16xf32, #tpu.memory_space<hbm>>
    %dma_wait3A_395 = arith.constant 0 : i32
    %dma_wait3A_396 = tpu.memref_slice %arg5[%mul3A_99, %add3A_388, %dma_wait3A_395] : memref<4x100352x16xf32, #tpu.memory_space<hbm>> -> memref<1x448x16xf32, #tpu.memory_space<hbm>>
    %dma_wait3A_397 = tpu.memref_squeeze %dma_wait3A_396 : memref<1x448x16xf32, #tpu.memory_space<hbm>> -> memref<448x16xf32, #tpu.memory_space<hbm>>
    %dma_wait3A_398 = arith.constant 0 : i32
    %dma_wait3A_399 = arith.constant 0 : i32
    %dma_wait3A_400 = tpu.memref_slice %arg10[%dma_wait3A_398, %dma_wait3A_399] : memref<512x16xf32, #tpu.memory_space<vmem>> -> memref<448x16xf32, #tpu.memory_space<vmem>>
    tpu.wait_dma2 semaphore(%arg15 : memref<!tpu.dma_semaphore, #tpu.memory_space<semaphore_mem>>) src(%dma_wait3A_400 : memref<448x16xf32, #tpu.memory_space<vmem>>) dst(%dma_wait3A_397 : memref<448x16xf32, #tpu.memory_space<hbm>>)
    "tpu.region"() ({
      %run_scoped3A = tpu.sem_alloc : memref<!tpu.dma_semaphore, #tpu.memory_space<semaphore_mem>>
      %dma_start3A_890 = arith.constant 0 : i32
      %dma_start3A_891 = arith.constant 0 : i32
      %dma_start3A_892 = tpu.memref_slice %arg10[%dma_start3A_890, %dma_start3A_891] : memref<512x16xf32, #tpu.memory_space<vmem>> -> memref<448x16xf32, #tpu.memory_space<vmem>>
      %dma_start3A_893 = arith.constant 0 : i32
      %dma_start3A_894 = tpu.memref_slice %arg12[%add3A_388, %dma_start3A_893] : memref<100352x16xf32, #tpu.memory_space<vmem_shared>> -> memref<448x16xf32, #tpu.memory_space<vmem_shared>>
      %dma_start3A_895 = arith.constant 0 : i32
      %dma_start3A_896 = arith.constant 0 : i32
      %dma_start3A_897 = tpu.memref_slice %arg10[%dma_start3A_895, %dma_start3A_896] : memref<512x16xf32, #tpu.memory_space<vmem>> -> memref<448x16xf32, #tpu.memory_space<vmem>>
      %dma_start3A_898 = arith.constant 0 : i32
      %dma_start3A_899 = tpu.memref_slice %arg12[%add3A_388, %dma_start3A_898] : memref<100352x16xf32, #tpu.memory_space<vmem_shared>> -> memref<448x16xf32, #tpu.memory_space<vmem_shared>>
      tpu.enqueue_dma source(%dma_start3A_899 : memref<448x16xf32, #tpu.memory_space<vmem_shared>>) target(%dma_start3A_897 : memref<448x16xf32, #tpu.memory_space<vmem>>) target_semaphore(%run_scoped3A : memref<!tpu.dma_semaphore, #tpu.memory_space<semaphore_mem>>)
      %dma_wait3A_900 = arith.constant 0 : i32
      %dma_wait3A_901 = arith.constant 0 : i32
      %dma_wait3A_902 = tpu.memref_slice %arg10[%dma_wait3A_900, %dma_wait3A_901] : memref<512x16xf32, #tpu.memory_space<vmem>> -> memref<448x16xf32, #tpu.memory_space<vmem>>
      %dma_wait3A_903 = arith.constant 0 : i32
      %dma_wait3A_904 = tpu.memref_slice %arg12[%add3A_388, %dma_wait3A_903] : memref<100352x16xf32, #tpu.memory_space<vmem_shared>> -> memref<448x16xf32, #tpu.memory_space<vmem_shared>>
      %dma_wait3A_905 = arith.constant 0 : i32
      %dma_wait3A_906 = arith.constant 0 : i32
      %dma_wait3A_907 = tpu.memref_slice %arg10[%dma_wait3A_905, %dma_wait3A_906] : memref<512x16xf32, #tpu.memory_space<vmem>> -> memref<448x16xf32, #tpu.memory_space<vmem>>
      %dma_wait3A_908 = arith.constant 0 : i32
      %dma_wait3A_909 = tpu.memref_slice %arg12[%add3A_388, %dma_wait3A_908] : memref<100352x16xf32, #tpu.memory_space<vmem_shared>> -> memref<448x16xf32, #tpu.memory_space<vmem_shared>>
      tpu.wait_dma2 semaphore(%run_scoped3A : memref<!tpu.dma_semaphore, #tpu.memory_space<semaphore_mem>>) src(%dma_wait3A_909 : memref<448x16xf32, #tpu.memory_space<vmem_shared>>) dst(%dma_wait3A_907 : memref<448x16xf32, #tpu.memory_space<vmem>>)
      tpu.yield
    }) : () -> ()
    %dma_start3A_401 = arith.constant 0 : i32
    %dma_start3A_402 = arith.constant 0 : i32
    %dma_start3A_403 = tpu.memref_slice %arg10[%dma_start3A_401, %dma_start3A_402] : memref<512x16xf32, #tpu.memory_space<vmem>> -> memref<448x16xf32, #tpu.memory_space<vmem>>
    %dma_start3A_404 = arith.constant 0 : i32
    %dma_start3A_405 = tpu.memref_slice %arg5[%mul3A_99, %add3A_388, %dma_start3A_404] : memref<4x100352x16xf32, #tpu.memory_space<hbm>> -> memref<1x448x16xf32, #tpu.memory_space<hbm>>
    %dma_start3A_406 = tpu.memref_squeeze %dma_start3A_405 : memref<1x448x16xf32, #tpu.memory_space<hbm>> -> memref<448x16xf32, #tpu.memory_space<hbm>>
    %dma_start3A_407 = arith.constant 0 : i32
    %dma_start3A_408 = tpu.memref_slice %arg5[%mul3A_99, %add3A_388, %dma_start3A_407] : memref<4x100352x16xf32, #tpu.memory_space<hbm>> -> memref<1x448x16xf32, #tpu.memory_space<hbm>>
    %dma_start3A_409 = tpu.memref_squeeze %dma_start3A_408 : memref<1x448x16xf32, #tpu.memory_space<hbm>> -> memref<448x16xf32, #tpu.memory_space<hbm>>
    %dma_start3A_410 = arith.constant 0 : i32
    %dma_start3A_411 = arith.constant 0 : i32
    %dma_start3A_412 = tpu.memref_slice %arg10[%dma_start3A_410, %dma_start3A_411] : memref<512x16xf32, #tpu.memory_space<vmem>> -> memref<448x16xf32, #tpu.memory_space<vmem>>
    tpu.enqueue_dma source(%dma_start3A_412 : memref<448x16xf32, #tpu.memory_space<vmem>>) target(%dma_start3A_409 : memref<448x16xf32, #tpu.memory_space<hbm>>) target_semaphore(%arg15 : memref<!tpu.dma_semaphore, #tpu.memory_space<semaphore_mem>>)
    %add3A_413 = arith.constant 5824 : i32
    %add3A_414 = arith.addi %mul3A_0, %add3A_413 : i32
    %dma_wait3A_415 = arith.constant 0 : i32
    %dma_wait3A_416 = arith.constant 0 : i32
    %dma_wait3A_417 = tpu.memref_slice %arg11[%dma_wait3A_415, %dma_wait3A_416] : memref<512x16xf32, #tpu.memory_space<vmem>> -> memref<448x16xf32, #tpu.memory_space<vmem>>
    %dma_wait3A_418 = arith.constant 0 : i32
    %dma_wait3A_419 = tpu.memref_slice %arg5[%mul3A_99, %add3A_414, %dma_wait3A_418] : memref<4x100352x16xf32, #tpu.memory_space<hbm>> -> memref<1x448x16xf32, #tpu.memory_space<hbm>>
    %dma_wait3A_420 = tpu.memref_squeeze %dma_wait3A_419 : memref<1x448x16xf32, #tpu.memory_space<hbm>> -> memref<448x16xf32, #tpu.memory_space<hbm>>
    %dma_wait3A_421 = arith.constant 0 : i32
    %dma_wait3A_422 = tpu.memref_slice %arg5[%mul3A_99, %add3A_414, %dma_wait3A_421] : memref<4x100352x16xf32, #tpu.memory_space<hbm>> -> memref<1x448x16xf32, #tpu.memory_space<hbm>>
    %dma_wait3A_423 = tpu.memref_squeeze %dma_wait3A_422 : memref<1x448x16xf32, #tpu.memory_space<hbm>> -> memref<448x16xf32, #tpu.memory_space<hbm>>
    %dma_wait3A_424 = arith.constant 0 : i32
    %dma_wait3A_425 = arith.constant 0 : i32
    %dma_wait3A_426 = tpu.memref_slice %arg11[%dma_wait3A_424, %dma_wait3A_425] : memref<512x16xf32, #tpu.memory_space<vmem>> -> memref<448x16xf32, #tpu.memory_space<vmem>>
    tpu.wait_dma2 semaphore(%arg15 : memref<!tpu.dma_semaphore, #tpu.memory_space<semaphore_mem>>) src(%dma_wait3A_426 : memref<448x16xf32, #tpu.memory_space<vmem>>) dst(%dma_wait3A_423 : memref<448x16xf32, #tpu.memory_space<hbm>>)
    "tpu.region"() ({
      %run_scoped3A = tpu.sem_alloc : memref<!tpu.dma_semaphore, #tpu.memory_space<semaphore_mem>>
      %dma_start3A_890 = arith.constant 0 : i32
      %dma_start3A_891 = arith.constant 0 : i32
      %dma_start3A_892 = tpu.memref_slice %arg11[%dma_start3A_890, %dma_start3A_891] : memref<512x16xf32, #tpu.memory_space<vmem>> -> memref<448x16xf32, #tpu.memory_space<vmem>>
      %dma_start3A_893 = arith.constant 0 : i32
      %dma_start3A_894 = tpu.memref_slice %arg12[%add3A_414, %dma_start3A_893] : memref<100352x16xf32, #tpu.memory_space<vmem_shared>> -> memref<448x16xf32, #tpu.memory_space<vmem_shared>>
      %dma_start3A_895 = arith.constant 0 : i32
      %dma_start3A_896 = arith.constant 0 : i32
      %dma_start3A_897 = tpu.memref_slice %arg11[%dma_start3A_895, %dma_start3A_896] : memref<512x16xf32, #tpu.memory_space<vmem>> -> memref<448x16xf32, #tpu.memory_space<vmem>>
      %dma_start3A_898 = arith.constant 0 : i32
      %dma_start3A_899 = tpu.memref_slice %arg12[%add3A_414, %dma_start3A_898] : memref<100352x16xf32, #tpu.memory_space<vmem_shared>> -> memref<448x16xf32, #tpu.memory_space<vmem_shared>>
      tpu.enqueue_dma source(%dma_start3A_899 : memref<448x16xf32, #tpu.memory_space<vmem_shared>>) target(%dma_start3A_897 : memref<448x16xf32, #tpu.memory_space<vmem>>) target_semaphore(%run_scoped3A : memref<!tpu.dma_semaphore, #tpu.memory_space<semaphore_mem>>)
      %dma_wait3A_900 = arith.constant 0 : i32
      %dma_wait3A_901 = arith.constant 0 : i32
      %dma_wait3A_902 = tpu.memref_slice %arg11[%dma_wait3A_900, %dma_wait3A_901] : memref<512x16xf32, #tpu.memory_space<vmem>> -> memref<448x16xf32, #tpu.memory_space<vmem>>
      %dma_wait3A_903 = arith.constant 0 : i32
      %dma_wait3A_904 = tpu.memref_slice %arg12[%add3A_414, %dma_wait3A_903] : memref<100352x16xf32, #tpu.memory_space<vmem_shared>> -> memref<448x16xf32, #tpu.memory_space<vmem_shared>>
      %dma_wait3A_905 = arith.constant 0 : i32
      %dma_wait3A_906 = arith.constant 0 : i32
      %dma_wait3A_907 = tpu.memref_slice %arg11[%dma_wait3A_905, %dma_wait3A_906] : memref<512x16xf32, #tpu.memory_space<vmem>> -> memref<448x16xf32, #tpu.memory_space<vmem>>
      %dma_wait3A_908 = arith.constant 0 : i32
      %dma_wait3A_909 = tpu.memref_slice %arg12[%add3A_414, %dma_wait3A_908] : memref<100352x16xf32, #tpu.memory_space<vmem_shared>> -> memref<448x16xf32, #tpu.memory_space<vmem_shared>>
      tpu.wait_dma2 semaphore(%run_scoped3A : memref<!tpu.dma_semaphore, #tpu.memory_space<semaphore_mem>>) src(%dma_wait3A_909 : memref<448x16xf32, #tpu.memory_space<vmem_shared>>) dst(%dma_wait3A_907 : memref<448x16xf32, #tpu.memory_space<vmem>>)
      tpu.yield
    }) : () -> ()
    %dma_start3A_427 = arith.constant 0 : i32
    %dma_start3A_428 = arith.constant 0 : i32
    %dma_start3A_429 = tpu.memref_slice %arg11[%dma_start3A_427, %dma_start3A_428] : memref<512x16xf32, #tpu.memory_space<vmem>> -> memref<448x16xf32, #tpu.memory_space<vmem>>
    %dma_start3A_430 = arith.constant 0 : i32
    %dma_start3A_431 = tpu.memref_slice %arg5[%mul3A_99, %add3A_414, %dma_start3A_430] : memref<4x100352x16xf32, #tpu.memory_space<hbm>> -> memref<1x448x16xf32, #tpu.memory_space<hbm>>
    %dma_start3A_432 = tpu.memref_squeeze %dma_start3A_431 : memref<1x448x16xf32, #tpu.memory_space<hbm>> -> memref<448x16xf32, #tpu.memory_space<hbm>>
    %dma_start3A_433 = arith.constant 0 : i32
    %dma_start3A_434 = tpu.memref_slice %arg5[%mul3A_99, %add3A_414, %dma_start3A_433] : memref<4x100352x16xf32, #tpu.memory_space<hbm>> -> memref<1x448x16xf32, #tpu.memory_space<hbm>>
    %dma_start3A_435 = tpu.memref_squeeze %dma_start3A_434 : memref<1x448x16xf32, #tpu.memory_space<hbm>> -> memref<448x16xf32, #tpu.memory_space<hbm>>
    %dma_start3A_436 = arith.constant 0 : i32
    %dma_start3A_437 = arith.constant 0 : i32
    %dma_start3A_438 = tpu.memref_slice %arg11[%dma_start3A_436, %dma_start3A_437] : memref<512x16xf32, #tpu.memory_space<vmem>> -> memref<448x16xf32, #tpu.memory_space<vmem>>
    tpu.enqueue_dma source(%dma_start3A_438 : memref<448x16xf32, #tpu.memory_space<vmem>>) target(%dma_start3A_435 : memref<448x16xf32, #tpu.memory_space<hbm>>) target_semaphore(%arg15 : memref<!tpu.dma_semaphore, #tpu.memory_space<semaphore_mem>>)
    %add3A_439 = arith.constant 5376 : i32
    %add3A_440 = arith.addi %mul3A_0, %add3A_439 : i32
    %dma_wait3A_441 = arith.constant 0 : i32
    %dma_wait3A_442 = arith.constant 0 : i32
    %dma_wait3A_443 = tpu.memref_slice %arg10[%dma_wait3A_441, %dma_wait3A_442] : memref<512x16xf32, #tpu.memory_space<vmem>> -> memref<448x16xf32, #tpu.memory_space<vmem>>
    %dma_wait3A_444 = arith.constant 0 : i32
    %dma_wait3A_445 = tpu.memref_slice %arg5[%mul3A_99, %add3A_440, %dma_wait3A_444] : memref<4x100352x16xf32, #tpu.memory_space<hbm>> -> memref<1x448x16xf32, #tpu.memory_space<hbm>>
    %dma_wait3A_446 = tpu.memref_squeeze %dma_wait3A_445 : memref<1x448x16xf32, #tpu.memory_space<hbm>> -> memref<448x16xf32, #tpu.memory_space<hbm>>
    %dma_wait3A_447 = arith.constant 0 : i32
    %dma_wait3A_448 = tpu.memref_slice %arg5[%mul3A_99, %add3A_440, %dma_wait3A_447] : memref<4x100352x16xf32, #tpu.memory_space<hbm>> -> memref<1x448x16xf32, #tpu.memory_space<hbm>>
    %dma_wait3A_449 = tpu.memref_squeeze %dma_wait3A_448 : memref<1x448x16xf32, #tpu.memory_space<hbm>> -> memref<448x16xf32, #tpu.memory_space<hbm>>
    %dma_wait3A_450 = arith.constant 0 : i32
    %dma_wait3A_451 = arith.constant 0 : i32
    %dma_wait3A_452 = tpu.memref_slice %arg10[%dma_wait3A_450, %dma_wait3A_451] : memref<512x16xf32, #tpu.memory_space<vmem>> -> memref<448x16xf32, #tpu.memory_space<vmem>>
    tpu.wait_dma2 semaphore(%arg15 : memref<!tpu.dma_semaphore, #tpu.memory_space<semaphore_mem>>) src(%dma_wait3A_452 : memref<448x16xf32, #tpu.memory_space<vmem>>) dst(%dma_wait3A_449 : memref<448x16xf32, #tpu.memory_space<hbm>>)
    %add3A_453 = arith.constant 5824 : i32
    %add3A_454 = arith.addi %mul3A_0, %add3A_453 : i32
    %dma_wait3A_455 = arith.constant 0 : i32
    %dma_wait3A_456 = arith.constant 0 : i32
    %dma_wait3A_457 = tpu.memref_slice %arg11[%dma_wait3A_455, %dma_wait3A_456] : memref<512x16xf32, #tpu.memory_space<vmem>> -> memref<448x16xf32, #tpu.memory_space<vmem>>
    %dma_wait3A_458 = arith.constant 0 : i32
    %dma_wait3A_459 = tpu.memref_slice %arg5[%mul3A_99, %add3A_454, %dma_wait3A_458] : memref<4x100352x16xf32, #tpu.memory_space<hbm>> -> memref<1x448x16xf32, #tpu.memory_space<hbm>>
    %dma_wait3A_460 = tpu.memref_squeeze %dma_wait3A_459 : memref<1x448x16xf32, #tpu.memory_space<hbm>> -> memref<448x16xf32, #tpu.memory_space<hbm>>
    %dma_wait3A_461 = arith.constant 0 : i32
    %dma_wait3A_462 = tpu.memref_slice %arg5[%mul3A_99, %add3A_454, %dma_wait3A_461] : memref<4x100352x16xf32, #tpu.memory_space<hbm>> -> memref<1x448x16xf32, #tpu.memory_space<hbm>>
    %dma_wait3A_463 = tpu.memref_squeeze %dma_wait3A_462 : memref<1x448x16xf32, #tpu.memory_space<hbm>> -> memref<448x16xf32, #tpu.memory_space<hbm>>
    %dma_wait3A_464 = arith.constant 0 : i32
    %dma_wait3A_465 = arith.constant 0 : i32
    %dma_wait3A_466 = tpu.memref_slice %arg11[%dma_wait3A_464, %dma_wait3A_465] : memref<512x16xf32, #tpu.memory_space<vmem>> -> memref<448x16xf32, #tpu.memory_space<vmem>>
    tpu.wait_dma2 semaphore(%arg15 : memref<!tpu.dma_semaphore, #tpu.memory_space<semaphore_mem>>) src(%dma_wait3A_466 : memref<448x16xf32, #tpu.memory_space<vmem>>) dst(%dma_wait3A_463 : memref<448x16xf32, #tpu.memory_space<hbm>>)
    %broadcast_in_dim3A_467 = arith.constant 0.000000e+00 : f32
    %broadcast_in_dim3A_468 = vector.broadcast %broadcast_in_dim3A_467 : f32 to vector<16xf32>
    %scan3A_469 = arith.constant 0 : i32
    %scan3A_470 = arith.constant 0 : i32
    %scan3A_471 = arith.constant 448 : i32
    %scan3A_472 = arith.addi %scan3A_470, %scan3A_471 : i32
    %scan3A_473 = arith.constant 1 : i32
    %scan3A_474 = scf.for %scan3A_890 = %scan3A_470 to %scan3A_472 step %scan3A_473 iter_args(%scan3A_891 = %scan3A_469) -> (i32)  : i32 {
      %swap3A = arith.index_cast %scan3A_890 : i32 to index
      %swap3A_892 = arith.constant 0 : index
      %swap3A_893 = tpu.vector_load %arg10[%swap3A, %swap3A_892] {strides = array<i32>} : memref<512x16xf32, #tpu.memory_space<vmem>>, vector<1x16xf32>,
      %swap3A_894 = vector.shape_cast %swap3A_893 : vector<1x16xf32> to vector<16xf32>
      %swap3A_895 = vector.shape_cast %broadcast_in_dim3A_468 : vector<16xf32> to vector<1x16xf32>
      tpu.vector_store %arg10[%swap3A, %swap3A_892], %swap3A_895 {strides = array<i32>} : memref<512x16xf32, #tpu.memory_space<vmem>>, vector<1x16xf32>,
      %scan3A_896 = arith.constant 0 : i32
      scf.yield %scan3A_896 : i32
    }
    %scan3A_475 = arith.constant 448 : i32
    %add3A_476 = arith.constant 0 : i32
    %add3A_477 = arith.addi %mul3A_0, %add3A_476 : i32
    "tpu.region"() ({
      %run_scoped3A = tpu.sem_alloc : memref<!tpu.dma_semaphore, #tpu.memory_space<semaphore_mem>>
      %dma_start3A_890 = arith.constant 0 : i32
      %dma_start3A_891 = arith.constant 0 : i32
      %dma_start3A_892 = tpu.memref_slice %arg10[%dma_start3A_890, %dma_start3A_891] : memref<512x16xf32, #tpu.memory_space<vmem>> -> memref<448x16xf32, #tpu.memory_space<vmem>>
      %dma_start3A_893 = arith.constant 0 : i32
      %dma_start3A_894 = tpu.memref_slice %arg12[%add3A_477, %dma_start3A_893] : memref<100352x16xf32, #tpu.memory_space<vmem_shared>> -> memref<448x16xf32, #tpu.memory_space<vmem_shared>>
      %dma_start3A_895 = arith.constant 0 : i32
      %dma_start3A_896 = tpu.memref_slice %arg12[%add3A_477, %dma_start3A_895] : memref<100352x16xf32, #tpu.memory_space<vmem_shared>> -> memref<448x16xf32, #tpu.memory_space<vmem_shared>>
      %dma_start3A_897 = arith.constant 0 : i32
      %dma_start3A_898 = arith.constant 0 : i32
      %dma_start3A_899 = tpu.memref_slice %arg10[%dma_start3A_897, %dma_start3A_898] : memref<512x16xf32, #tpu.memory_space<vmem>> -> memref<448x16xf32, #tpu.memory_space<vmem>>
      tpu.enqueue_dma source(%dma_start3A_899 : memref<448x16xf32, #tpu.memory_space<vmem>>) target(%dma_start3A_896 : memref<448x16xf32, #tpu.memory_space<vmem_shared>>) target_semaphore(%run_scoped3A : memref<!tpu.dma_semaphore, #tpu.memory_space<semaphore_mem>>)
      %dma_wait3A_900 = arith.constant 0 : i32
      %dma_wait3A_901 = arith.constant 0 : i32
      %dma_wait3A_902 = tpu.memref_slice %arg10[%dma_wait3A_900, %dma_wait3A_901] : memref<512x16xf32, #tpu.memory_space<vmem>> -> memref<448x16xf32, #tpu.memory_space<vmem>>
      %dma_wait3A_903 = arith.constant 0 : i32
      %dma_wait3A_904 = tpu.memref_slice %arg12[%add3A_477, %dma_wait3A_903] : memref<100352x16xf32, #tpu.memory_space<vmem_shared>> -> memref<448x16xf32, #tpu.memory_space<vmem_shared>>
      %dma_wait3A_905 = arith.constant 0 : i32
      %dma_wait3A_906 = tpu.memref_slice %arg12[%add3A_477, %dma_wait3A_905] : memref<100352x16xf32, #tpu.memory_space<vmem_shared>> -> memref<448x16xf32, #tpu.memory_space<vmem_shared>>
      %dma_wait3A_907 = arith.constant 0 : i32
      %dma_wait3A_908 = arith.constant 0 : i32
      %dma_wait3A_909 = tpu.memref_slice %arg10[%dma_wait3A_907, %dma_wait3A_908] : memref<512x16xf32, #tpu.memory_space<vmem>> -> memref<448x16xf32, #tpu.memory_space<vmem>>
      tpu.wait_dma2 semaphore(%run_scoped3A : memref<!tpu.dma_semaphore, #tpu.memory_space<semaphore_mem>>) src(%dma_wait3A_909 : memref<448x16xf32, #tpu.memory_space<vmem>>) dst(%dma_wait3A_906 : memref<448x16xf32, #tpu.memory_space<vmem_shared>>)
      tpu.yield
    }) : () -> ()
    %add3A_478 = arith.constant 448 : i32
    %add3A_479 = arith.addi %mul3A_0, %add3A_478 : i32
    "tpu.region"() ({
      %run_scoped3A = tpu.sem_alloc : memref<!tpu.dma_semaphore, #tpu.memory_space<semaphore_mem>>
      %dma_start3A_890 = arith.constant 0 : i32
      %dma_start3A_891 = arith.constant 0 : i32
      %dma_start3A_892 = tpu.memref_slice %arg10[%dma_start3A_890, %dma_start3A_891] : memref<512x16xf32, #tpu.memory_space<vmem>> -> memref<448x16xf32, #tpu.memory_space<vmem>>
      %dma_start3A_893 = arith.constant 0 : i32
      %dma_start3A_894 = tpu.memref_slice %arg12[%add3A_479, %dma_start3A_893] : memref<100352x16xf32, #tpu.memory_space<vmem_shared>> -> memref<448x16xf32, #tpu.memory_space<vmem_shared>>
      %dma_start3A_895 = arith.constant 0 : i32
      %dma_start3A_896 = tpu.memref_slice %arg12[%add3A_479, %dma_start3A_895] : memref<100352x16xf32, #tpu.memory_space<vmem_shared>> -> memref<448x16xf32, #tpu.memory_space<vmem_shared>>
      %dma_start3A_897 = arith.constant 0 : i32
      %dma_start3A_898 = arith.constant 0 : i32
      %dma_start3A_899 = tpu.memref_slice %arg10[%dma_start3A_897, %dma_start3A_898] : memref<512x16xf32, #tpu.memory_space<vmem>> -> memref<448x16xf32, #tpu.memory_space<vmem>>
      tpu.enqueue_dma source(%dma_start3A_899 : memref<448x16xf32, #tpu.memory_space<vmem>>) target(%dma_start3A_896 : memref<448x16xf32, #tpu.memory_space<vmem_shared>>) target_semaphore(%run_scoped3A : memref<!tpu.dma_semaphore, #tpu.memory_space<semaphore_mem>>)
      %dma_wait3A_900 = arith.constant 0 : i32
      %dma_wait3A_901 = arith.constant 0 : i32
      %dma_wait3A_902 = tpu.memref_slice %arg10[%dma_wait3A_900, %dma_wait3A_901] : memref<512x16xf32, #tpu.memory_space<vmem>> -> memref<448x16xf32, #tpu.memory_space<vmem>>
      %dma_wait3A_903 = arith.constant 0 : i32
      %dma_wait3A_904 = tpu.memref_slice %arg12[%add3A_479, %dma_wait3A_903] : memref<100352x16xf32, #tpu.memory_space<vmem_shared>> -> memref<448x16xf32, #tpu.memory_space<vmem_shared>>
      %dma_wait3A_905 = arith.constant 0 : i32
      %dma_wait3A_906 = tpu.memref_slice %arg12[%add3A_479, %dma_wait3A_905] : memref<100352x16xf32, #tpu.memory_space<vmem_shared>> -> memref<448x16xf32, #tpu.memory_space<vmem_shared>>
      %dma_wait3A_907 = arith.constant 0 : i32
      %dma_wait3A_908 = arith.constant 0 : i32
      %dma_wait3A_909 = tpu.memref_slice %arg10[%dma_wait3A_907, %dma_wait3A_908] : memref<512x16xf32, #tpu.memory_space<vmem>> -> memref<448x16xf32, #tpu.memory_space<vmem>>
      tpu.wait_dma2 semaphore(%run_scoped3A : memref<!tpu.dma_semaphore, #tpu.memory_space<semaphore_mem>>) src(%dma_wait3A_909 : memref<448x16xf32, #tpu.memory_space<vmem>>) dst(%dma_wait3A_906 : memref<448x16xf32, #tpu.memory_space<vmem_shared>>)
      tpu.yield
    }) : () -> ()
    %add3A_480 = arith.constant 896 : i32
    %add3A_481 = arith.addi %mul3A_0, %add3A_480 : i32
    "tpu.region"() ({
      %run_scoped3A = tpu.sem_alloc : memref<!tpu.dma_semaphore, #tpu.memory_space<semaphore_mem>>
      %dma_start3A_890 = arith.constant 0 : i32
      %dma_start3A_891 = arith.constant 0 : i32
      %dma_start3A_892 = tpu.memref_slice %arg10[%dma_start3A_890, %dma_start3A_891] : memref<512x16xf32, #tpu.memory_space<vmem>> -> memref<448x16xf32, #tpu.memory_space<vmem>>
      %dma_start3A_893 = arith.constant 0 : i32
      %dma_start3A_894 = tpu.memref_slice %arg12[%add3A_481, %dma_start3A_893] : memref<100352x16xf32, #tpu.memory_space<vmem_shared>> -> memref<448x16xf32, #tpu.memory_space<vmem_shared>>
      %dma_start3A_895 = arith.constant 0 : i32
      %dma_start3A_896 = tpu.memref_slice %arg12[%add3A_481, %dma_start3A_895] : memref<100352x16xf32, #tpu.memory_space<vmem_shared>> -> memref<448x16xf32, #tpu.memory_space<vmem_shared>>
      %dma_start3A_897 = arith.constant 0 : i32
      %dma_start3A_898 = arith.constant 0 : i32
      %dma_start3A_899 = tpu.memref_slice %arg10[%dma_start3A_897, %dma_start3A_898] : memref<512x16xf32, #tpu.memory_space<vmem>> -> memref<448x16xf32, #tpu.memory_space<vmem>>
      tpu.enqueue_dma source(%dma_start3A_899 : memref<448x16xf32, #tpu.memory_space<vmem>>) target(%dma_start3A_896 : memref<448x16xf32, #tpu.memory_space<vmem_shared>>) target_semaphore(%run_scoped3A : memref<!tpu.dma_semaphore, #tpu.memory_space<semaphore_mem>>)
      %dma_wait3A_900 = arith.constant 0 : i32
      %dma_wait3A_901 = arith.constant 0 : i32
      %dma_wait3A_902 = tpu.memref_slice %arg10[%dma_wait3A_900, %dma_wait3A_901] : memref<512x16xf32, #tpu.memory_space<vmem>> -> memref<448x16xf32, #tpu.memory_space<vmem>>
      %dma_wait3A_903 = arith.constant 0 : i32
      %dma_wait3A_904 = tpu.memref_slice %arg12[%add3A_481, %dma_wait3A_903] : memref<100352x16xf32, #tpu.memory_space<vmem_shared>> -> memref<448x16xf32, #tpu.memory_space<vmem_shared>>
      %dma_wait3A_905 = arith.constant 0 : i32
      %dma_wait3A_906 = tpu.memref_slice %arg12[%add3A_481, %dma_wait3A_905] : memref<100352x16xf32, #tpu.memory_space<vmem_shared>> -> memref<448x16xf32, #tpu.memory_space<vmem_shared>>
      %dma_wait3A_907 = arith.constant 0 : i32
      %dma_wait3A_908 = arith.constant 0 : i32
      %dma_wait3A_909 = tpu.memref_slice %arg10[%dma_wait3A_907, %dma_wait3A_908] : memref<512x16xf32, #tpu.memory_space<vmem>> -> memref<448x16xf32, #tpu.memory_space<vmem>>
      tpu.wait_dma2 semaphore(%run_scoped3A : memref<!tpu.dma_semaphore, #tpu.memory_space<semaphore_mem>>) src(%dma_wait3A_909 : memref<448x16xf32, #tpu.memory_space<vmem>>) dst(%dma_wait3A_906 : memref<448x16xf32, #tpu.memory_space<vmem_shared>>)
      tpu.yield
    }) : () -> ()
    %add3A_482 = arith.constant 1344 : i32
    %add3A_483 = arith.addi %mul3A_0, %add3A_482 : i32
    "tpu.region"() ({
      %run_scoped3A = tpu.sem_alloc : memref<!tpu.dma_semaphore, #tpu.memory_space<semaphore_mem>>
      %dma_start3A_890 = arith.constant 0 : i32
      %dma_start3A_891 = arith.constant 0 : i32
      %dma_start3A_892 = tpu.memref_slice %arg10[%dma_start3A_890, %dma_start3A_891] : memref<512x16xf32, #tpu.memory_space<vmem>> -> memref<448x16xf32, #tpu.memory_space<vmem>>
      %dma_start3A_893 = arith.constant 0 : i32
      %dma_start3A_894 = tpu.memref_slice %arg12[%add3A_483, %dma_start3A_893] : memref<100352x16xf32, #tpu.memory_space<vmem_shared>> -> memref<448x16xf32, #tpu.memory_space<vmem_shared>>
      %dma_start3A_895 = arith.constant 0 : i32
      %dma_start3A_896 = tpu.memref_slice %arg12[%add3A_483, %dma_start3A_895] : memref<100352x16xf32, #tpu.memory_space<vmem_shared>> -> memref<448x16xf32, #tpu.memory_space<vmem_shared>>
      %dma_start3A_897 = arith.constant 0 : i32
      %dma_start3A_898 = arith.constant 0 : i32
      %dma_start3A_899 = tpu.memref_slice %arg10[%dma_start3A_897, %dma_start3A_898] : memref<512x16xf32, #tpu.memory_space<vmem>> -> memref<448x16xf32, #tpu.memory_space<vmem>>
      tpu.enqueue_dma source(%dma_start3A_899 : memref<448x16xf32, #tpu.memory_space<vmem>>) target(%dma_start3A_896 : memref<448x16xf32, #tpu.memory_space<vmem_shared>>) target_semaphore(%run_scoped3A : memref<!tpu.dma_semaphore, #tpu.memory_space<semaphore_mem>>)
      %dma_wait3A_900 = arith.constant 0 : i32
      %dma_wait3A_901 = arith.constant 0 : i32
      %dma_wait3A_902 = tpu.memref_slice %arg10[%dma_wait3A_900, %dma_wait3A_901] : memref<512x16xf32, #tpu.memory_space<vmem>> -> memref<448x16xf32, #tpu.memory_space<vmem>>
      %dma_wait3A_903 = arith.constant 0 : i32
      %dma_wait3A_904 = tpu.memref_slice %arg12[%add3A_483, %dma_wait3A_903] : memref<100352x16xf32, #tpu.memory_space<vmem_shared>> -> memref<448x16xf32, #tpu.memory_space<vmem_shared>>
      %dma_wait3A_905 = arith.constant 0 : i32
      %dma_wait3A_906 = tpu.memref_slice %arg12[%add3A_483, %dma_wait3A_905] : memref<100352x16xf32, #tpu.memory_space<vmem_shared>> -> memref<448x16xf32, #tpu.memory_space<vmem_shared>>
      %dma_wait3A_907 = arith.constant 0 : i32
      %dma_wait3A_908 = arith.constant 0 : i32
      %dma_wait3A_909 = tpu.memref_slice %arg10[%dma_wait3A_907, %dma_wait3A_908] : memref<512x16xf32, #tpu.memory_space<vmem>> -> memref<448x16xf32, #tpu.memory_space<vmem>>
      tpu.wait_dma2 semaphore(%run_scoped3A : memref<!tpu.dma_semaphore, #tpu.memory_space<semaphore_mem>>) src(%dma_wait3A_909 : memref<448x16xf32, #tpu.memory_space<vmem>>) dst(%dma_wait3A_906 : memref<448x16xf32, #tpu.memory_space<vmem_shared>>)
      tpu.yield
    }) : () -> ()
    %add3A_484 = arith.constant 1792 : i32
    %add3A_485 = arith.addi %mul3A_0, %add3A_484 : i32
    "tpu.region"() ({
      %run_scoped3A = tpu.sem_alloc : memref<!tpu.dma_semaphore, #tpu.memory_space<semaphore_mem>>
      %dma_start3A_890 = arith.constant 0 : i32
      %dma_start3A_891 = arith.constant 0 : i32
      %dma_start3A_892 = tpu.memref_slice %arg10[%dma_start3A_890, %dma_start3A_891] : memref<512x16xf32, #tpu.memory_space<vmem>> -> memref<448x16xf32, #tpu.memory_space<vmem>>
      %dma_start3A_893 = arith.constant 0 : i32
      %dma_start3A_894 = tpu.memref_slice %arg12[%add3A_485, %dma_start3A_893] : memref<100352x16xf32, #tpu.memory_space<vmem_shared>> -> memref<448x16xf32, #tpu.memory_space<vmem_shared>>
      %dma_start3A_895 = arith.constant 0 : i32
      %dma_start3A_896 = tpu.memref_slice %arg12[%add3A_485, %dma_start3A_895] : memref<100352x16xf32, #tpu.memory_space<vmem_shared>> -> memref<448x16xf32, #tpu.memory_space<vmem_shared>>
      %dma_start3A_897 = arith.constant 0 : i32
      %dma_start3A_898 = arith.constant 0 : i32
      %dma_start3A_899 = tpu.memref_slice %arg10[%dma_start3A_897, %dma_start3A_898] : memref<512x16xf32, #tpu.memory_space<vmem>> -> memref<448x16xf32, #tpu.memory_space<vmem>>
      tpu.enqueue_dma source(%dma_start3A_899 : memref<448x16xf32, #tpu.memory_space<vmem>>) target(%dma_start3A_896 : memref<448x16xf32, #tpu.memory_space<vmem_shared>>) target_semaphore(%run_scoped3A : memref<!tpu.dma_semaphore, #tpu.memory_space<semaphore_mem>>)
      %dma_wait3A_900 = arith.constant 0 : i32
      %dma_wait3A_901 = arith.constant 0 : i32
      %dma_wait3A_902 = tpu.memref_slice %arg10[%dma_wait3A_900, %dma_wait3A_901] : memref<512x16xf32, #tpu.memory_space<vmem>> -> memref<448x16xf32, #tpu.memory_space<vmem>>
      %dma_wait3A_903 = arith.constant 0 : i32
      %dma_wait3A_904 = tpu.memref_slice %arg12[%add3A_485, %dma_wait3A_903] : memref<100352x16xf32, #tpu.memory_space<vmem_shared>> -> memref<448x16xf32, #tpu.memory_space<vmem_shared>>
      %dma_wait3A_905 = arith.constant 0 : i32
      %dma_wait3A_906 = tpu.memref_slice %arg12[%add3A_485, %dma_wait3A_905] : memref<100352x16xf32, #tpu.memory_space<vmem_shared>> -> memref<448x16xf32, #tpu.memory_space<vmem_shared>>
      %dma_wait3A_907 = arith.constant 0 : i32
      %dma_wait3A_908 = arith.constant 0 : i32
      %dma_wait3A_909 = tpu.memref_slice %arg10[%dma_wait3A_907, %dma_wait3A_908] : memref<512x16xf32, #tpu.memory_space<vmem>> -> memref<448x16xf32, #tpu.memory_space<vmem>>
      tpu.wait_dma2 semaphore(%run_scoped3A : memref<!tpu.dma_semaphore, #tpu.memory_space<semaphore_mem>>) src(%dma_wait3A_909 : memref<448x16xf32, #tpu.memory_space<vmem>>) dst(%dma_wait3A_906 : memref<448x16xf32, #tpu.memory_space<vmem_shared>>)
      tpu.yield
    }) : () -> ()
    %add3A_486 = arith.constant 2240 : i32
    %add3A_487 = arith.addi %mul3A_0, %add3A_486 : i32
    "tpu.region"() ({
      %run_scoped3A = tpu.sem_alloc : memref<!tpu.dma_semaphore, #tpu.memory_space<semaphore_mem>>
      %dma_start3A_890 = arith.constant 0 : i32
      %dma_start3A_891 = arith.constant 0 : i32
      %dma_start3A_892 = tpu.memref_slice %arg10[%dma_start3A_890, %dma_start3A_891] : memref<512x16xf32, #tpu.memory_space<vmem>> -> memref<448x16xf32, #tpu.memory_space<vmem>>
      %dma_start3A_893 = arith.constant 0 : i32
      %dma_start3A_894 = tpu.memref_slice %arg12[%add3A_487, %dma_start3A_893] : memref<100352x16xf32, #tpu.memory_space<vmem_shared>> -> memref<448x16xf32, #tpu.memory_space<vmem_shared>>
      %dma_start3A_895 = arith.constant 0 : i32
      %dma_start3A_896 = tpu.memref_slice %arg12[%add3A_487, %dma_start3A_895] : memref<100352x16xf32, #tpu.memory_space<vmem_shared>> -> memref<448x16xf32, #tpu.memory_space<vmem_shared>>
      %dma_start3A_897 = arith.constant 0 : i32
      %dma_start3A_898 = arith.constant 0 : i32
      %dma_start3A_899 = tpu.memref_slice %arg10[%dma_start3A_897, %dma_start3A_898] : memref<512x16xf32, #tpu.memory_space<vmem>> -> memref<448x16xf32, #tpu.memory_space<vmem>>
      tpu.enqueue_dma source(%dma_start3A_899 : memref<448x16xf32, #tpu.memory_space<vmem>>) target(%dma_start3A_896 : memref<448x16xf32, #tpu.memory_space<vmem_shared>>) target_semaphore(%run_scoped3A : memref<!tpu.dma_semaphore, #tpu.memory_space<semaphore_mem>>)
      %dma_wait3A_900 = arith.constant 0 : i32
      %dma_wait3A_901 = arith.constant 0 : i32
      %dma_wait3A_902 = tpu.memref_slice %arg10[%dma_wait3A_900, %dma_wait3A_901] : memref<512x16xf32, #tpu.memory_space<vmem>> -> memref<448x16xf32, #tpu.memory_space<vmem>>
      %dma_wait3A_903 = arith.constant 0 : i32
      %dma_wait3A_904 = tpu.memref_slice %arg12[%add3A_487, %dma_wait3A_903] : memref<100352x16xf32, #tpu.memory_space<vmem_shared>> -> memref<448x16xf32, #tpu.memory_space<vmem_shared>>
      %dma_wait3A_905 = arith.constant 0 : i32
      %dma_wait3A_906 = tpu.memref_slice %arg12[%add3A_487, %dma_wait3A_905] : memref<100352x16xf32, #tpu.memory_space<vmem_shared>> -> memref<448x16xf32, #tpu.memory_space<vmem_shared>>
      %dma_wait3A_907 = arith.constant 0 : i32
      %dma_wait3A_908 = arith.constant 0 : i32
      %dma_wait3A_909 = tpu.memref_slice %arg10[%dma_wait3A_907, %dma_wait3A_908] : memref<512x16xf32, #tpu.memory_space<vmem>> -> memref<448x16xf32, #tpu.memory_space<vmem>>
      tpu.wait_dma2 semaphore(%run_scoped3A : memref<!tpu.dma_semaphore, #tpu.memory_space<semaphore_mem>>) src(%dma_wait3A_909 : memref<448x16xf32, #tpu.memory_space<vmem>>) dst(%dma_wait3A_906 : memref<448x16xf32, #tpu.memory_space<vmem_shared>>)
      tpu.yield
    }) : () -> ()
    %add3A_488 = arith.constant 2688 : i32
    %add3A_489 = arith.addi %mul3A_0, %add3A_488 : i32
    "tpu.region"() ({
      %run_scoped3A = tpu.sem_alloc : memref<!tpu.dma_semaphore, #tpu.memory_space<semaphore_mem>>
      %dma_start3A_890 = arith.constant 0 : i32
      %dma_start3A_891 = arith.constant 0 : i32
      %dma_start3A_892 = tpu.memref_slice %arg10[%dma_start3A_890, %dma_start3A_891] : memref<512x16xf32, #tpu.memory_space<vmem>> -> memref<448x16xf32, #tpu.memory_space<vmem>>
      %dma_start3A_893 = arith.constant 0 : i32
      %dma_start3A_894 = tpu.memref_slice %arg12[%add3A_489, %dma_start3A_893] : memref<100352x16xf32, #tpu.memory_space<vmem_shared>> -> memref<448x16xf32, #tpu.memory_space<vmem_shared>>
      %dma_start3A_895 = arith.constant 0 : i32
      %dma_start3A_896 = tpu.memref_slice %arg12[%add3A_489, %dma_start3A_895] : memref<100352x16xf32, #tpu.memory_space<vmem_shared>> -> memref<448x16xf32, #tpu.memory_space<vmem_shared>>
      %dma_start3A_897 = arith.constant 0 : i32
      %dma_start3A_898 = arith.constant 0 : i32
      %dma_start3A_899 = tpu.memref_slice %arg10[%dma_start3A_897, %dma_start3A_898] : memref<512x16xf32, #tpu.memory_space<vmem>> -> memref<448x16xf32, #tpu.memory_space<vmem>>
      tpu.enqueue_dma source(%dma_start3A_899 : memref<448x16xf32, #tpu.memory_space<vmem>>) target(%dma_start3A_896 : memref<448x16xf32, #tpu.memory_space<vmem_shared>>) target_semaphore(%run_scoped3A : memref<!tpu.dma_semaphore, #tpu.memory_space<semaphore_mem>>)
      %dma_wait3A_900 = arith.constant 0 : i32
      %dma_wait3A_901 = arith.constant 0 : i32
      %dma_wait3A_902 = tpu.memref_slice %arg10[%dma_wait3A_900, %dma_wait3A_901] : memref<512x16xf32, #tpu.memory_space<vmem>> -> memref<448x16xf32, #tpu.memory_space<vmem>>
      %dma_wait3A_903 = arith.constant 0 : i32
      %dma_wait3A_904 = tpu.memref_slice %arg12[%add3A_489, %dma_wait3A_903] : memref<100352x16xf32, #tpu.memory_space<vmem_shared>> -> memref<448x16xf32, #tpu.memory_space<vmem_shared>>
      %dma_wait3A_905 = arith.constant 0 : i32
      %dma_wait3A_906 = tpu.memref_slice %arg12[%add3A_489, %dma_wait3A_905] : memref<100352x16xf32, #tpu.memory_space<vmem_shared>> -> memref<448x16xf32, #tpu.memory_space<vmem_shared>>
      %dma_wait3A_907 = arith.constant 0 : i32
      %dma_wait3A_908 = arith.constant 0 : i32
      %dma_wait3A_909 = tpu.memref_slice %arg10[%dma_wait3A_907, %dma_wait3A_908] : memref<512x16xf32, #tpu.memory_space<vmem>> -> memref<448x16xf32, #tpu.memory_space<vmem>>
      tpu.wait_dma2 semaphore(%run_scoped3A : memref<!tpu.dma_semaphore, #tpu.memory_space<semaphore_mem>>) src(%dma_wait3A_909 : memref<448x16xf32, #tpu.memory_space<vmem>>) dst(%dma_wait3A_906 : memref<448x16xf32, #tpu.memory_space<vmem_shared>>)
      tpu.yield
    }) : () -> ()
    %add3A_490 = arith.constant 3136 : i32
    %add3A_491 = arith.addi %mul3A_0, %add3A_490 : i32
    "tpu.region"() ({
      %run_scoped3A = tpu.sem_alloc : memref<!tpu.dma_semaphore, #tpu.memory_space<semaphore_mem>>
      %dma_start3A_890 = arith.constant 0 : i32
      %dma_start3A_891 = arith.constant 0 : i32
      %dma_start3A_892 = tpu.memref_slice %arg10[%dma_start3A_890, %dma_start3A_891] : memref<512x16xf32, #tpu.memory_space<vmem>> -> memref<448x16xf32, #tpu.memory_space<vmem>>
      %dma_start3A_893 = arith.constant 0 : i32
      %dma_start3A_894 = tpu.memref_slice %arg12[%add3A_491, %dma_start3A_893] : memref<100352x16xf32, #tpu.memory_space<vmem_shared>> -> memref<448x16xf32, #tpu.memory_space<vmem_shared>>
      %dma_start3A_895 = arith.constant 0 : i32
      %dma_start3A_896 = tpu.memref_slice %arg12[%add3A_491, %dma_start3A_895] : memref<100352x16xf32, #tpu.memory_space<vmem_shared>> -> memref<448x16xf32, #tpu.memory_space<vmem_shared>>
      %dma_start3A_897 = arith.constant 0 : i32
      %dma_start3A_898 = arith.constant 0 : i32
      %dma_start3A_899 = tpu.memref_slice %arg10[%dma_start3A_897, %dma_start3A_898] : memref<512x16xf32, #tpu.memory_space<vmem>> -> memref<448x16xf32, #tpu.memory_space<vmem>>
      tpu.enqueue_dma source(%dma_start3A_899 : memref<448x16xf32, #tpu.memory_space<vmem>>) target(%dma_start3A_896 : memref<448x16xf32, #tpu.memory_space<vmem_shared>>) target_semaphore(%run_scoped3A : memref<!tpu.dma_semaphore, #tpu.memory_space<semaphore_mem>>)
      %dma_wait3A_900 = arith.constant 0 : i32
      %dma_wait3A_901 = arith.constant 0 : i32
      %dma_wait3A_902 = tpu.memref_slice %arg10[%dma_wait3A_900, %dma_wait3A_901] : memref<512x16xf32, #tpu.memory_space<vmem>> -> memref<448x16xf32, #tpu.memory_space<vmem>>
      %dma_wait3A_903 = arith.constant 0 : i32
      %dma_wait3A_904 = tpu.memref_slice %arg12[%add3A_491, %dma_wait3A_903] : memref<100352x16xf32, #tpu.memory_space<vmem_shared>> -> memref<448x16xf32, #tpu.memory_space<vmem_shared>>
      %dma_wait3A_905 = arith.constant 0 : i32
      %dma_wait3A_906 = tpu.memref_slice %arg12[%add3A_491, %dma_wait3A_905] : memref<100352x16xf32, #tpu.memory_space<vmem_shared>> -> memref<448x16xf32, #tpu.memory_space<vmem_shared>>
      %dma_wait3A_907 = arith.constant 0 : i32
      %dma_wait3A_908 = arith.constant 0 : i32
      %dma_wait3A_909 = tpu.memref_slice %arg10[%dma_wait3A_907, %dma_wait3A_908] : memref<512x16xf32, #tpu.memory_space<vmem>> -> memref<448x16xf32, #tpu.memory_space<vmem>>
      tpu.wait_dma2 semaphore(%run_scoped3A : memref<!tpu.dma_semaphore, #tpu.memory_space<semaphore_mem>>) src(%dma_wait3A_909 : memref<448x16xf32, #tpu.memory_space<vmem>>) dst(%dma_wait3A_906 : memref<448x16xf32, #tpu.memory_space<vmem_shared>>)
      tpu.yield
    }) : () -> ()
    %add3A_492 = arith.constant 3584 : i32
    %add3A_493 = arith.addi %mul3A_0, %add3A_492 : i32
    "tpu.region"() ({
      %run_scoped3A = tpu.sem_alloc : memref<!tpu.dma_semaphore, #tpu.memory_space<semaphore_mem>>
      %dma_start3A_890 = arith.constant 0 : i32
      %dma_start3A_891 = arith.constant 0 : i32
      %dma_start3A_892 = tpu.memref_slice %arg10[%dma_start3A_890, %dma_start3A_891] : memref<512x16xf32, #tpu.memory_space<vmem>> -> memref<448x16xf32, #tpu.memory_space<vmem>>
      %dma_start3A_893 = arith.constant 0 : i32
      %dma_start3A_894 = tpu.memref_slice %arg12[%add3A_493, %dma_start3A_893] : memref<100352x16xf32, #tpu.memory_space<vmem_shared>> -> memref<448x16xf32, #tpu.memory_space<vmem_shared>>
      %dma_start3A_895 = arith.constant 0 : i32
      %dma_start3A_896 = tpu.memref_slice %arg12[%add3A_493, %dma_start3A_895] : memref<100352x16xf32, #tpu.memory_space<vmem_shared>> -> memref<448x16xf32, #tpu.memory_space<vmem_shared>>
      %dma_start3A_897 = arith.constant 0 : i32
      %dma_start3A_898 = arith.constant 0 : i32
      %dma_start3A_899 = tpu.memref_slice %arg10[%dma_start3A_897, %dma_start3A_898] : memref<512x16xf32, #tpu.memory_space<vmem>> -> memref<448x16xf32, #tpu.memory_space<vmem>>
      tpu.enqueue_dma source(%dma_start3A_899 : memref<448x16xf32, #tpu.memory_space<vmem>>) target(%dma_start3A_896 : memref<448x16xf32, #tpu.memory_space<vmem_shared>>) target_semaphore(%run_scoped3A : memref<!tpu.dma_semaphore, #tpu.memory_space<semaphore_mem>>)
      %dma_wait3A_900 = arith.constant 0 : i32
      %dma_wait3A_901 = arith.constant 0 : i32
      %dma_wait3A_902 = tpu.memref_slice %arg10[%dma_wait3A_900, %dma_wait3A_901] : memref<512x16xf32, #tpu.memory_space<vmem>> -> memref<448x16xf32, #tpu.memory_space<vmem>>
      %dma_wait3A_903 = arith.constant 0 : i32
      %dma_wait3A_904 = tpu.memref_slice %arg12[%add3A_493, %dma_wait3A_903] : memref<100352x16xf32, #tpu.memory_space<vmem_shared>> -> memref<448x16xf32, #tpu.memory_space<vmem_shared>>
      %dma_wait3A_905 = arith.constant 0 : i32
      %dma_wait3A_906 = tpu.memref_slice %arg12[%add3A_493, %dma_wait3A_905] : memref<100352x16xf32, #tpu.memory_space<vmem_shared>> -> memref<448x16xf32, #tpu.memory_space<vmem_shared>>
      %dma_wait3A_907 = arith.constant 0 : i32
      %dma_wait3A_908 = arith.constant 0 : i32
      %dma_wait3A_909 = tpu.memref_slice %arg10[%dma_wait3A_907, %dma_wait3A_908] : memref<512x16xf32, #tpu.memory_space<vmem>> -> memref<448x16xf32, #tpu.memory_space<vmem>>
      tpu.wait_dma2 semaphore(%run_scoped3A : memref<!tpu.dma_semaphore, #tpu.memory_space<semaphore_mem>>) src(%dma_wait3A_909 : memref<448x16xf32, #tpu.memory_space<vmem>>) dst(%dma_wait3A_906 : memref<448x16xf32, #tpu.memory_space<vmem_shared>>)
      tpu.yield
    }) : () -> ()
    %add3A_494 = arith.constant 4032 : i32
    %add3A_495 = arith.addi %mul3A_0, %add3A_494 : i32
    "tpu.region"() ({
      %run_scoped3A = tpu.sem_alloc : memref<!tpu.dma_semaphore, #tpu.memory_space<semaphore_mem>>
      %dma_start3A_890 = arith.constant 0 : i32
      %dma_start3A_891 = arith.constant 0 : i32
      %dma_start3A_892 = tpu.memref_slice %arg10[%dma_start3A_890, %dma_start3A_891] : memref<512x16xf32, #tpu.memory_space<vmem>> -> memref<448x16xf32, #tpu.memory_space<vmem>>
      %dma_start3A_893 = arith.constant 0 : i32
      %dma_start3A_894 = tpu.memref_slice %arg12[%add3A_495, %dma_start3A_893] : memref<100352x16xf32, #tpu.memory_space<vmem_shared>> -> memref<448x16xf32, #tpu.memory_space<vmem_shared>>
      %dma_start3A_895 = arith.constant 0 : i32
      %dma_start3A_896 = tpu.memref_slice %arg12[%add3A_495, %dma_start3A_895] : memref<100352x16xf32, #tpu.memory_space<vmem_shared>> -> memref<448x16xf32, #tpu.memory_space<vmem_shared>>
      %dma_start3A_897 = arith.constant 0 : i32
      %dma_start3A_898 = arith.constant 0 : i32
      %dma_start3A_899 = tpu.memref_slice %arg10[%dma_start3A_897, %dma_start3A_898] : memref<512x16xf32, #tpu.memory_space<vmem>> -> memref<448x16xf32, #tpu.memory_space<vmem>>
      tpu.enqueue_dma source(%dma_start3A_899 : memref<448x16xf32, #tpu.memory_space<vmem>>) target(%dma_start3A_896 : memref<448x16xf32, #tpu.memory_space<vmem_shared>>) target_semaphore(%run_scoped3A : memref<!tpu.dma_semaphore, #tpu.memory_space<semaphore_mem>>)
      %dma_wait3A_900 = arith.constant 0 : i32
      %dma_wait3A_901 = arith.constant 0 : i32
      %dma_wait3A_902 = tpu.memref_slice %arg10[%dma_wait3A_900, %dma_wait3A_901] : memref<512x16xf32, #tpu.memory_space<vmem>> -> memref<448x16xf32, #tpu.memory_space<vmem>>
      %dma_wait3A_903 = arith.constant 0 : i32
      %dma_wait3A_904 = tpu.memref_slice %arg12[%add3A_495, %dma_wait3A_903] : memref<100352x16xf32, #tpu.memory_space<vmem_shared>> -> memref<448x16xf32, #tpu.memory_space<vmem_shared>>
      %dma_wait3A_905 = arith.constant 0 : i32
      %dma_wait3A_906 = tpu.memref_slice %arg12[%add3A_495, %dma_wait3A_905] : memref<100352x16xf32, #tpu.memory_space<vmem_shared>> -> memref<448x16xf32, #tpu.memory_space<vmem_shared>>
      %dma_wait3A_907 = arith.constant 0 : i32
      %dma_wait3A_908 = arith.constant 0 : i32
      %dma_wait3A_909 = tpu.memref_slice %arg10[%dma_wait3A_907, %dma_wait3A_908] : memref<512x16xf32, #tpu.memory_space<vmem>> -> memref<448x16xf32, #tpu.memory_space<vmem>>
      tpu.wait_dma2 semaphore(%run_scoped3A : memref<!tpu.dma_semaphore, #tpu.memory_space<semaphore_mem>>) src(%dma_wait3A_909 : memref<448x16xf32, #tpu.memory_space<vmem>>) dst(%dma_wait3A_906 : memref<448x16xf32, #tpu.memory_space<vmem_shared>>)
      tpu.yield
    }) : () -> ()
    %add3A_496 = arith.constant 4480 : i32
    %add3A_497 = arith.addi %mul3A_0, %add3A_496 : i32
    "tpu.region"() ({
      %run_scoped3A = tpu.sem_alloc : memref<!tpu.dma_semaphore, #tpu.memory_space<semaphore_mem>>
      %dma_start3A_890 = arith.constant 0 : i32
      %dma_start3A_891 = arith.constant 0 : i32
      %dma_start3A_892 = tpu.memref_slice %arg10[%dma_start3A_890, %dma_start3A_891] : memref<512x16xf32, #tpu.memory_space<vmem>> -> memref<448x16xf32, #tpu.memory_space<vmem>>
      %dma_start3A_893 = arith.constant 0 : i32
      %dma_start3A_894 = tpu.memref_slice %arg12[%add3A_497, %dma_start3A_893] : memref<100352x16xf32, #tpu.memory_space<vmem_shared>> -> memref<448x16xf32, #tpu.memory_space<vmem_shared>>
      %dma_start3A_895 = arith.constant 0 : i32
      %dma_start3A_896 = tpu.memref_slice %arg12[%add3A_497, %dma_start3A_895] : memref<100352x16xf32, #tpu.memory_space<vmem_shared>> -> memref<448x16xf32, #tpu.memory_space<vmem_shared>>
      %dma_start3A_897 = arith.constant 0 : i32
      %dma_start3A_898 = arith.constant 0 : i32
      %dma_start3A_899 = tpu.memref_slice %arg10[%dma_start3A_897, %dma_start3A_898] : memref<512x16xf32, #tpu.memory_space<vmem>> -> memref<448x16xf32, #tpu.memory_space<vmem>>
      tpu.enqueue_dma source(%dma_start3A_899 : memref<448x16xf32, #tpu.memory_space<vmem>>) target(%dma_start3A_896 : memref<448x16xf32, #tpu.memory_space<vmem_shared>>) target_semaphore(%run_scoped3A : memref<!tpu.dma_semaphore, #tpu.memory_space<semaphore_mem>>)
      %dma_wait3A_900 = arith.constant 0 : i32
      %dma_wait3A_901 = arith.constant 0 : i32
      %dma_wait3A_902 = tpu.memref_slice %arg10[%dma_wait3A_900, %dma_wait3A_901] : memref<512x16xf32, #tpu.memory_space<vmem>> -> memref<448x16xf32, #tpu.memory_space<vmem>>
      %dma_wait3A_903 = arith.constant 0 : i32
      %dma_wait3A_904 = tpu.memref_slice %arg12[%add3A_497, %dma_wait3A_903] : memref<100352x16xf32, #tpu.memory_space<vmem_shared>> -> memref<448x16xf32, #tpu.memory_space<vmem_shared>>
      %dma_wait3A_905 = arith.constant 0 : i32
      %dma_wait3A_906 = tpu.memref_slice %arg12[%add3A_497, %dma_wait3A_905] : memref<100352x16xf32, #tpu.memory_space<vmem_shared>> -> memref<448x16xf32, #tpu.memory_space<vmem_shared>>
      %dma_wait3A_907 = arith.constant 0 : i32
      %dma_wait3A_908 = arith.constant 0 : i32
      %dma_wait3A_909 = tpu.memref_slice %arg10[%dma_wait3A_907, %dma_wait3A_908] : memref<512x16xf32, #tpu.memory_space<vmem>> -> memref<448x16xf32, #tpu.memory_space<vmem>>
      tpu.wait_dma2 semaphore(%run_scoped3A : memref<!tpu.dma_semaphore, #tpu.memory_space<semaphore_mem>>) src(%dma_wait3A_909 : memref<448x16xf32, #tpu.memory_space<vmem>>) dst(%dma_wait3A_906 : memref<448x16xf32, #tpu.memory_space<vmem_shared>>)
      tpu.yield
    }) : () -> ()
    %add3A_498 = arith.constant 4928 : i32
    %add3A_499 = arith.addi %mul3A_0, %add3A_498 : i32
    "tpu.region"() ({
      %run_scoped3A = tpu.sem_alloc : memref<!tpu.dma_semaphore, #tpu.memory_space<semaphore_mem>>
      %dma_start3A_890 = arith.constant 0 : i32
      %dma_start3A_891 = arith.constant 0 : i32
      %dma_start3A_892 = tpu.memref_slice %arg10[%dma_start3A_890, %dma_start3A_891] : memref<512x16xf32, #tpu.memory_space<vmem>> -> memref<448x16xf32, #tpu.memory_space<vmem>>
      %dma_start3A_893 = arith.constant 0 : i32
      %dma_start3A_894 = tpu.memref_slice %arg12[%add3A_499, %dma_start3A_893] : memref<100352x16xf32, #tpu.memory_space<vmem_shared>> -> memref<448x16xf32, #tpu.memory_space<vmem_shared>>
      %dma_start3A_895 = arith.constant 0 : i32
      %dma_start3A_896 = tpu.memref_slice %arg12[%add3A_499, %dma_start3A_895] : memref<100352x16xf32, #tpu.memory_space<vmem_shared>> -> memref<448x16xf32, #tpu.memory_space<vmem_shared>>
      %dma_start3A_897 = arith.constant 0 : i32
      %dma_start3A_898 = arith.constant 0 : i32
      %dma_start3A_899 = tpu.memref_slice %arg10[%dma_start3A_897, %dma_start3A_898] : memref<512x16xf32, #tpu.memory_space<vmem>> -> memref<448x16xf32, #tpu.memory_space<vmem>>
      tpu.enqueue_dma source(%dma_start3A_899 : memref<448x16xf32, #tpu.memory_space<vmem>>) target(%dma_start3A_896 : memref<448x16xf32, #tpu.memory_space<vmem_shared>>) target_semaphore(%run_scoped3A : memref<!tpu.dma_semaphore, #tpu.memory_space<semaphore_mem>>)
      %dma_wait3A_900 = arith.constant 0 : i32
      %dma_wait3A_901 = arith.constant 0 : i32
      %dma_wait3A_902 = tpu.memref_slice %arg10[%dma_wait3A_900, %dma_wait3A_901] : memref<512x16xf32, #tpu.memory_space<vmem>> -> memref<448x16xf32, #tpu.memory_space<vmem>>
      %dma_wait3A_903 = arith.constant 0 : i32
      %dma_wait3A_904 = tpu.memref_slice %arg12[%add3A_499, %dma_wait3A_903] : memref<100352x16xf32, #tpu.memory_space<vmem_shared>> -> memref<448x16xf32, #tpu.memory_space<vmem_shared>>
      %dma_wait3A_905 = arith.constant 0 : i32
      %dma_wait3A_906 = tpu.memref_slice %arg12[%add3A_499, %dma_wait3A_905] : memref<100352x16xf32, #tpu.memory_space<vmem_shared>> -> memref<448x16xf32, #tpu.memory_space<vmem_shared>>
      %dma_wait3A_907 = arith.constant 0 : i32
      %dma_wait3A_908 = arith.constant 0 : i32
      %dma_wait3A_909 = tpu.memref_slice %arg10[%dma_wait3A_907, %dma_wait3A_908] : memref<512x16xf32, #tpu.memory_space<vmem>> -> memref<448x16xf32, #tpu.memory_space<vmem>>
      tpu.wait_dma2 semaphore(%run_scoped3A : memref<!tpu.dma_semaphore, #tpu.memory_space<semaphore_mem>>) src(%dma_wait3A_909 : memref<448x16xf32, #tpu.memory_space<vmem>>) dst(%dma_wait3A_906 : memref<448x16xf32, #tpu.memory_space<vmem_shared>>)
      tpu.yield
    }) : () -> ()
    %add3A_500 = arith.constant 5376 : i32
    %add3A_501 = arith.addi %mul3A_0, %add3A_500 : i32
    "tpu.region"() ({
      %run_scoped3A = tpu.sem_alloc : memref<!tpu.dma_semaphore, #tpu.memory_space<semaphore_mem>>
      %dma_start3A_890 = arith.constant 0 : i32
      %dma_start3A_891 = arith.constant 0 : i32
      %dma_start3A_892 = tpu.memref_slice %arg10[%dma_start3A_890, %dma_start3A_891] : memref<512x16xf32, #tpu.memory_space<vmem>> -> memref<448x16xf32, #tpu.memory_space<vmem>>
      %dma_start3A_893 = arith.constant 0 : i32
      %dma_start3A_894 = tpu.memref_slice %arg12[%add3A_501, %dma_start3A_893] : memref<100352x16xf32, #tpu.memory_space<vmem_shared>> -> memref<448x16xf32, #tpu.memory_space<vmem_shared>>
      %dma_start3A_895 = arith.constant 0 : i32
      %dma_start3A_896 = tpu.memref_slice %arg12[%add3A_501, %dma_start3A_895] : memref<100352x16xf32, #tpu.memory_space<vmem_shared>> -> memref<448x16xf32, #tpu.memory_space<vmem_shared>>
      %dma_start3A_897 = arith.constant 0 : i32
      %dma_start3A_898 = arith.constant 0 : i32
      %dma_start3A_899 = tpu.memref_slice %arg10[%dma_start3A_897, %dma_start3A_898] : memref<512x16xf32, #tpu.memory_space<vmem>> -> memref<448x16xf32, #tpu.memory_space<vmem>>
      tpu.enqueue_dma source(%dma_start3A_899 : memref<448x16xf32, #tpu.memory_space<vmem>>) target(%dma_start3A_896 : memref<448x16xf32, #tpu.memory_space<vmem_shared>>) target_semaphore(%run_scoped3A : memref<!tpu.dma_semaphore, #tpu.memory_space<semaphore_mem>>)
      %dma_wait3A_900 = arith.constant 0 : i32
      %dma_wait3A_901 = arith.constant 0 : i32
      %dma_wait3A_902 = tpu.memref_slice %arg10[%dma_wait3A_900, %dma_wait3A_901] : memref<512x16xf32, #tpu.memory_space<vmem>> -> memref<448x16xf32, #tpu.memory_space<vmem>>
      %dma_wait3A_903 = arith.constant 0 : i32
      %dma_wait3A_904 = tpu.memref_slice %arg12[%add3A_501, %dma_wait3A_903] : memref<100352x16xf32, #tpu.memory_space<vmem_shared>> -> memref<448x16xf32, #tpu.memory_space<vmem_shared>>
      %dma_wait3A_905 = arith.constant 0 : i32
      %dma_wait3A_906 = tpu.memref_slice %arg12[%add3A_501, %dma_wait3A_905] : memref<100352x16xf32, #tpu.memory_space<vmem_shared>> -> memref<448x16xf32, #tpu.memory_space<vmem_shared>>
      %dma_wait3A_907 = arith.constant 0 : i32
      %dma_wait3A_908 = arith.constant 0 : i32
      %dma_wait3A_909 = tpu.memref_slice %arg10[%dma_wait3A_907, %dma_wait3A_908] : memref<512x16xf32, #tpu.memory_space<vmem>> -> memref<448x16xf32, #tpu.memory_space<vmem>>
      tpu.wait_dma2 semaphore(%run_scoped3A : memref<!tpu.dma_semaphore, #tpu.memory_space<semaphore_mem>>) src(%dma_wait3A_909 : memref<448x16xf32, #tpu.memory_space<vmem>>) dst(%dma_wait3A_906 : memref<448x16xf32, #tpu.memory_space<vmem_shared>>)
      tpu.yield
    }) : () -> ()
    %add3A_502 = arith.constant 5824 : i32
    %add3A_503 = arith.addi %mul3A_0, %add3A_502 : i32
    "tpu.region"() ({
      %run_scoped3A = tpu.sem_alloc : memref<!tpu.dma_semaphore, #tpu.memory_space<semaphore_mem>>
      %dma_start3A_890 = arith.constant 0 : i32
      %dma_start3A_891 = arith.constant 0 : i32
      %dma_start3A_892 = tpu.memref_slice %arg10[%dma_start3A_890, %dma_start3A_891] : memref<512x16xf32, #tpu.memory_space<vmem>> -> memref<448x16xf32, #tpu.memory_space<vmem>>
      %dma_start3A_893 = arith.constant 0 : i32
      %dma_start3A_894 = tpu.memref_slice %arg12[%add3A_503, %dma_start3A_893] : memref<100352x16xf32, #tpu.memory_space<vmem_shared>> -> memref<448x16xf32, #tpu.memory_space<vmem_shared>>
      %dma_start3A_895 = arith.constant 0 : i32
      %dma_start3A_896 = tpu.memref_slice %arg12[%add3A_503, %dma_start3A_895] : memref<100352x16xf32, #tpu.memory_space<vmem_shared>> -> memref<448x16xf32, #tpu.memory_space<vmem_shared>>
      %dma_start3A_897 = arith.constant 0 : i32
      %dma_start3A_898 = arith.constant 0 : i32
      %dma_start3A_899 = tpu.memref_slice %arg10[%dma_start3A_897, %dma_start3A_898] : memref<512x16xf32, #tpu.memory_space<vmem>> -> memref<448x16xf32, #tpu.memory_space<vmem>>
      tpu.enqueue_dma source(%dma_start3A_899 : memref<448x16xf32, #tpu.memory_space<vmem>>) target(%dma_start3A_896 : memref<448x16xf32, #tpu.memory_space<vmem_shared>>) target_semaphore(%run_scoped3A : memref<!tpu.dma_semaphore, #tpu.memory_space<semaphore_mem>>)
      %dma_wait3A_900 = arith.constant 0 : i32
      %dma_wait3A_901 = arith.constant 0 : i32
      %dma_wait3A_902 = tpu.memref_slice %arg10[%dma_wait3A_900, %dma_wait3A_901] : memref<512x16xf32, #tpu.memory_space<vmem>> -> memref<448x16xf32, #tpu.memory_space<vmem>>
      %dma_wait3A_903 = arith.constant 0 : i32
      %dma_wait3A_904 = tpu.memref_slice %arg12[%add3A_503, %dma_wait3A_903] : memref<100352x16xf32, #tpu.memory_space<vmem_shared>> -> memref<448x16xf32, #tpu.memory_space<vmem_shared>>
      %dma_wait3A_905 = arith.constant 0 : i32
      %dma_wait3A_906 = tpu.memref_slice %arg12[%add3A_503, %dma_wait3A_905] : memref<100352x16xf32, #tpu.memory_space<vmem_shared>> -> memref<448x16xf32, #tpu.memory_space<vmem_shared>>
      %dma_wait3A_907 = arith.constant 0 : i32
      %dma_wait3A_908 = arith.constant 0 : i32
      %dma_wait3A_909 = tpu.memref_slice %arg10[%dma_wait3A_907, %dma_wait3A_908] : memref<512x16xf32, #tpu.memory_space<vmem>> -> memref<448x16xf32, #tpu.memory_space<vmem>>
      tpu.wait_dma2 semaphore(%run_scoped3A : memref<!tpu.dma_semaphore, #tpu.memory_space<semaphore_mem>>) src(%dma_wait3A_909 : memref<448x16xf32, #tpu.memory_space<vmem>>) dst(%dma_wait3A_906 : memref<448x16xf32, #tpu.memory_space<vmem_shared>>)
      tpu.yield
    }) : () -> ()
    %eq3A = arith.constant 1 : i32
    %eq3A_504 = arith.cmpi eq, %arg0, %eq3A : i32
    %convert_element_type3A = arith.extui %eq3A_504 : i1 to i32
    %cond3A = arith.constant 0 : i32
    %cond3A_505 = arith.cmpi ne, %convert_element_type3A, %cond3A : i32
    scf.if %cond3A_505 {
      %broadcast_in_dim3A_890 = arith.constant 1.000000e+00 : f32
      %broadcast_in_dim3A_891 = vector.broadcast %broadcast_in_dim3A_890 : f32 to vector<16xf32>
      %scan3A_892 = arith.constant 0 : i32
      %scan3A_893 = arith.constant 0 : i32
      %scan3A_894 = arith.constant 128 : i32
      %scan3A_895 = arith.addi %scan3A_893, %scan3A_894 : i32
      %scan3A_896 = arith.constant 1 : i32
      %scan3A_897 = scf.for %scan3A_908 = %scan3A_893 to %scan3A_895 step %scan3A_896 iter_args(%scan3A_909 = %scan3A_892) -> (i32)  : i32 {
        %swap3A = arith.index_cast %scan3A_908 : i32 to index
        %swap3A_910 = arith.constant 0 : index
        %swap3A_911 = tpu.vector_load %arg10[%swap3A, %swap3A_910] {strides = array<i32>} : memref<512x16xf32, #tpu.memory_space<vmem>>, vector<1x16xf32>,
        %swap3A_912 = vector.shape_cast %swap3A_911 : vector<1x16xf32> to vector<16xf32>
        %swap3A_913 = vector.shape_cast %broadcast_in_dim3A_891 : vector<16xf32> to vector<1x16xf32>
        tpu.vector_store %arg10[%swap3A, %swap3A_910], %swap3A_913 {strides = array<i32>} : memref<512x16xf32, #tpu.memory_space<vmem>>, vector<1x16xf32>,
        %scan3A_914 = arith.constant 0 : i32
        scf.yield %scan3A_914 : i32
      }
      %scan3A_898 = arith.constant 128 : i32
      %broadcast_in_dim3A_899 = arith.constant 1.000000e+00 : f32
      %broadcast_in_dim3A_900 = vector.broadcast %broadcast_in_dim3A_899 : f32 to vector<16xf32>
      %scan3A_901 = arith.constant 0 : i32
      %scan3A_902 = arith.constant 0 : i32
      %scan3A_903 = arith.constant 128 : i32
      %scan3A_904 = arith.addi %scan3A_902, %scan3A_903 : i32
      %scan3A_905 = arith.constant 1 : i32
      %scan3A_906 = scf.for %scan3A_908 = %scan3A_902 to %scan3A_904 step %scan3A_905 iter_args(%scan3A_909 = %scan3A_901) -> (i32)  : i32 {
        %swap3A = arith.index_cast %scan3A_908 : i32 to index
        %swap3A_910 = arith.constant 0 : index
        %swap3A_911 = tpu.vector_load %arg11[%swap3A, %swap3A_910] {strides = array<i32>} : memref<512x16xf32, #tpu.memory_space<vmem>>, vector<1x16xf32>,
        %swap3A_912 = vector.shape_cast %swap3A_911 : vector<1x16xf32> to vector<16xf32>
        %swap3A_913 = vector.shape_cast %broadcast_in_dim3A_900 : vector<16xf32> to vector<1x16xf32>
        tpu.vector_store %arg11[%swap3A, %swap3A_910], %swap3A_913 {strides = array<i32>} : memref<512x16xf32, #tpu.memory_space<vmem>>, vector<1x16xf32>,
        %scan3A_914 = arith.constant 0 : i32
        scf.yield %scan3A_914 : i32
      }
      %scan3A_907 = arith.constant 128 : i32
    } else {
    }
    %barrier3A_506 = arith.constant 0 : index
    tpu.barrier barrier_id(%barrier3A_506)
    %eq3A_507 = arith.constant 0 : i32
    %eq3A_508 = arith.cmpi eq, %arg0, %eq3A_507 : i32
    %convert_element_type3A_509 = arith.extui %eq3A_508 : i1 to i32
    %cond3A_510 = arith.constant 0 : i32
    %cond3A_511 = arith.cmpi ne, %convert_element_type3A_509, %cond3A_510 : i32
    scf.if %cond3A_511 {
      %mul3A_890 = arith.constant 1 : i32
      %mul3A_891 = arith.constant 100352 : i32
      %mul3A_892 = arith.muli %mul3A_890, %mul3A_891 : i32
      %add3A_893 = arith.constant 0 : i32
      %add3A_894 = arith.addi %mul3A_2, %add3A_893 : i32
      "tpu.region"() ({
        %run_scoped3A = tpu.sem_alloc : memref<!tpu.dma_semaphore, #tpu.memory_space<semaphore_mem>>
        %dma_start3A_950 = arith.constant 0 : i32
        %dma_start3A_951 = tpu.memref_slice %arg2[%add3A_894, %dma_start3A_950] : memref<12544x128xi32, #tpu.memory_space<hbm>> -> memref<4x128xi32, #tpu.memory_space<hbm>>
        %dma_start3A_952 = arith.constant 0 : i32
        %dma_start3A_953 = tpu.memref_slice %arg2[%add3A_894, %dma_start3A_952] : memref<12544x128xi32, #tpu.memory_space<hbm>> -> memref<4x128xi32, #tpu.memory_space<hbm>>
        tpu.enqueue_dma source(%dma_start3A_953 : memref<4x128xi32, #tpu.memory_space<hbm>>) target(%arg6 : memref<4x128xi32, #tpu.memory_space<vmem>>) target_semaphore(%run_scoped3A : memref<!tpu.dma_semaphore, #tpu.memory_space<semaphore_mem>>)
        %dma_wait3A_954 = arith.constant 0 : i32
        %dma_wait3A_955 = tpu.memref_slice %arg2[%add3A_894, %dma_wait3A_954] : memref<12544x128xi32, #tpu.memory_space<hbm>> -> memref<4x128xi32, #tpu.memory_space<hbm>>
        %dma_wait3A_956 = arith.constant 0 : i32
        %dma_wait3A_957 = tpu.memref_slice %arg2[%add3A_894, %dma_wait3A_956] : memref<12544x128xi32, #tpu.memory_space<hbm>> -> memref<4x128xi32, #tpu.memory_space<hbm>>
        tpu.wait_dma2 semaphore(%run_scoped3A : memref<!tpu.dma_semaphore, #tpu.memory_space<semaphore_mem>>) src(%dma_wait3A_957 : memref<4x128xi32, #tpu.memory_space<hbm>>) dst(%arg6 : memref<4x128xi32, #tpu.memory_space<vmem>>)
        tpu.yield
      }) : () -> ()
      "tpu.region"() ({
        %run_scoped3A = tpu.sem_alloc : memref<!tpu.dma_semaphore, #tpu.memory_space<semaphore_mem>>
        %dma_start3A_950 = arith.constant 0 : i32
        %dma_start3A_951 = tpu.memref_slice %arg3[%add3A_894, %dma_start3A_950] : memref<12544x128xi32, #tpu.memory_space<hbm>> -> memref<4x128xi32, #tpu.memory_space<hbm>>
        %dma_start3A_952 = arith.constant 0 : i32
        %dma_start3A_953 = tpu.memref_slice %arg3[%add3A_894, %dma_start3A_952] : memref<12544x128xi32, #tpu.memory_space<hbm>> -> memref<4x128xi32, #tpu.memory_space<hbm>>
        tpu.enqueue_dma source(%dma_start3A_953 : memref<4x128xi32, #tpu.memory_space<hbm>>) target(%arg8 : memref<4x128xi32, #tpu.memory_space<vmem>>) target_semaphore(%run_scoped3A : memref<!tpu.dma_semaphore, #tpu.memory_space<semaphore_mem>>)
        %dma_wait3A_954 = arith.constant 0 : i32
        %dma_wait3A_955 = tpu.memref_slice %arg3[%add3A_894, %dma_wait3A_954] : memref<12544x128xi32, #tpu.memory_space<hbm>> -> memref<4x128xi32, #tpu.memory_space<hbm>>
        %dma_wait3A_956 = arith.constant 0 : i32
        %dma_wait3A_957 = tpu.memref_slice %arg3[%add3A_894, %dma_wait3A_956] : memref<12544x128xi32, #tpu.memory_space<hbm>> -> memref<4x128xi32, #tpu.memory_space<hbm>>
        tpu.wait_dma2 semaphore(%run_scoped3A : memref<!tpu.dma_semaphore, #tpu.memory_space<semaphore_mem>>) src(%dma_wait3A_957 : memref<4x128xi32, #tpu.memory_space<hbm>>) dst(%arg8 : memref<4x128xi32, #tpu.memory_space<vmem>>)
        tpu.yield
      }) : () -> ()
      %dma_start3A_895 = arith.constant 0 : i32
      %dma_start3A_896 = arith.constant 0 : i32
      %dma_start3A_897 = arith.constant 0 : i32
      %dma_start3A_898 = tpu.memref_slice %arg10[%dma_start3A_896, %dma_start3A_897] : memref<512x16xf32, #tpu.memory_space<vmem>> -> memref<128x16xf32, #tpu.memory_space<vmem>>
      %dma_start3A_899 = arith.constant 0 : i32
      %dma_start3A_900 = tpu.memref_slice %arg8[%dma_start3A_895, %dma_start3A_899] : memref<4x128xi32, #tpu.memory_space<vmem>> -> memref<1x128xi32, #tpu.memory_space<vmem>>
      %dma_start3A_901 = tpu.memref_squeeze %dma_start3A_900 : memref<1x128xi32, #tpu.memory_space<vmem>> -> memref<128xi32, #tpu.memory_space<vmem>>
      %dma_start3A_902 = arith.constant 0 : i32
      %dma_start3A_903 = tpu.memref_slice %arg4[%mul3A_892, %dma_start3A_902] : memref<301056x16xf32, #tpu.memory_space<hbm>> -> memref<100352x16xf32, #tpu.memory_space<hbm>>
      %dma_start3A_904 = arith.constant 0 : i32
      %dma_start3A_905 = arith.constant 0 : i32
      %dma_start3A_906 = tpu.memref_slice %dma_start3A_903[%dma_start3A_904, %dma_start3A_905] : memref<100352x16xf32, #tpu.memory_space<hbm>> -> memref<100352x16xf32, #tpu.memory_space<hbm>>
      tpu.enqueue_indirect_dma source(%dma_start3A_906 : memref<100352x16xf32, #tpu.memory_space<hbm>>) target(%dma_start3A_898 : memref<128x16xf32, #tpu.memory_space<vmem>>) offsets(%dma_start3A_901 : memref<128xi32, #tpu.memory_space<vmem>>) semaphore(%arg13 : memref<!tpu.dma_semaphore, #tpu.memory_space<semaphore_mem>>)
      %dma_start3A_907 = arith.constant 1 : i32
      %dma_start3A_908 = arith.constant 128 : i32
      %dma_start3A_909 = arith.constant 0 : i32
      %dma_start3A_910 = tpu.memref_slice %arg10[%dma_start3A_908, %dma_start3A_909] : memref<512x16xf32, #tpu.memory_space<vmem>> -> memref<128x16xf32, #tpu.memory_space<vmem>>
      %dma_start3A_911 = arith.constant 0 : i32
      %dma_start3A_912 = tpu.memref_slice %arg8[%dma_start3A_907, %dma_start3A_911] : memref<4x128xi32, #tpu.memory_space<vmem>> -> memref<1x128xi32, #tpu.memory_space<vmem>>
      %dma_start3A_913 = tpu.memref_squeeze %dma_start3A_912 : memref<1x128xi32, #tpu.memory_space<vmem>> -> memref<128xi32, #tpu.memory_space<vmem>>
      %dma_start3A_914 = arith.constant 0 : i32
      %dma_start3A_915 = tpu.memref_slice %arg4[%mul3A_892, %dma_start3A_914] : memref<301056x16xf32, #tpu.memory_space<hbm>> -> memref<100352x16xf32, #tpu.memory_space<hbm>>
      %dma_start3A_916 = arith.constant 0 : i32
      %dma_start3A_917 = arith.constant 0 : i32
      %dma_start3A_918 = tpu.memref_slice %dma_start3A_915[%dma_start3A_916, %dma_start3A_917] : memref<100352x16xf32, #tpu.memory_space<hbm>> -> memref<100352x16xf32, #tpu.memory_space<hbm>>
      tpu.enqueue_indirect_dma source(%dma_start3A_918 : memref<100352x16xf32, #tpu.memory_space<hbm>>) target(%dma_start3A_910 : memref<128x16xf32, #tpu.memory_space<vmem>>) offsets(%dma_start3A_913 : memref<128xi32, #tpu.memory_space<vmem>>) semaphore(%arg13 : memref<!tpu.dma_semaphore, #tpu.memory_space<semaphore_mem>>)
      %dma_start3A_919 = arith.constant 2 : i32
      %dma_start3A_920 = arith.constant 256 : i32
      %dma_start3A_921 = arith.constant 0 : i32
      %dma_start3A_922 = tpu.memref_slice %arg10[%dma_start3A_920, %dma_start3A_921] : memref<512x16xf32, #tpu.memory_space<vmem>> -> memref<128x16xf32, #tpu.memory_space<vmem>>
      %dma_start3A_923 = arith.constant 0 : i32
      %dma_start3A_924 = tpu.memref_slice %arg8[%dma_start3A_919, %dma_start3A_923] : memref<4x128xi32, #tpu.memory_space<vmem>> -> memref<1x128xi32, #tpu.memory_space<vmem>>
      %dma_start3A_925 = tpu.memref_squeeze %dma_start3A_924 : memref<1x128xi32, #tpu.memory_space<vmem>> -> memref<128xi32, #tpu.memory_space<vmem>>
      %dma_start3A_926 = arith.constant 0 : i32
      %dma_start3A_927 = tpu.memref_slice %arg4[%mul3A_892, %dma_start3A_926] : memref<301056x16xf32, #tpu.memory_space<hbm>> -> memref<100352x16xf32, #tpu.memory_space<hbm>>
      %dma_start3A_928 = arith.constant 0 : i32
      %dma_start3A_929 = arith.constant 0 : i32
      %dma_start3A_930 = tpu.memref_slice %dma_start3A_927[%dma_start3A_928, %dma_start3A_929] : memref<100352x16xf32, #tpu.memory_space<hbm>> -> memref<100352x16xf32, #tpu.memory_space<hbm>>
      tpu.enqueue_indirect_dma source(%dma_start3A_930 : memref<100352x16xf32, #tpu.memory_space<hbm>>) target(%dma_start3A_922 : memref<128x16xf32, #tpu.memory_space<vmem>>) offsets(%dma_start3A_925 : memref<128xi32, #tpu.memory_space<vmem>>) semaphore(%arg13 : memref<!tpu.dma_semaphore, #tpu.memory_space<semaphore_mem>>)
      %dma_start3A_931 = arith.constant 3 : i32
      %dma_start3A_932 = arith.constant 384 : i32
      %dma_start3A_933 = arith.constant 0 : i32
      %dma_start3A_934 = tpu.memref_slice %arg10[%dma_start3A_932, %dma_start3A_933] : memref<512x16xf32, #tpu.memory_space<vmem>> -> memref<128x16xf32, #tpu.memory_space<vmem>>
      %dma_start3A_935 = arith.constant 0 : i32
      %dma_start3A_936 = tpu.memref_slice %arg8[%dma_start3A_931, %dma_start3A_935] : memref<4x128xi32, #tpu.memory_space<vmem>> -> memref<1x128xi32, #tpu.memory_space<vmem>>
      %dma_start3A_937 = tpu.memref_squeeze %dma_start3A_936 : memref<1x128xi32, #tpu.memory_space<vmem>> -> memref<128xi32, #tpu.memory_space<vmem>>
      %dma_start3A_938 = arith.constant 0 : i32
      %dma_start3A_939 = tpu.memref_slice %arg4[%mul3A_892, %dma_start3A_938] : memref<301056x16xf32, #tpu.memory_space<hbm>> -> memref<100352x16xf32, #tpu.memory_space<hbm>>
      %dma_start3A_940 = arith.constant 0 : i32
      %dma_start3A_941 = arith.constant 0 : i32
      %dma_start3A_942 = tpu.memref_slice %dma_start3A_939[%dma_start3A_940, %dma_start3A_941] : memref<100352x16xf32, #tpu.memory_space<hbm>> -> memref<100352x16xf32, #tpu.memory_space<hbm>>
      tpu.enqueue_indirect_dma source(%dma_start3A_942 : memref<100352x16xf32, #tpu.memory_space<hbm>>) target(%dma_start3A_934 : memref<128x16xf32, #tpu.memory_space<vmem>>) offsets(%dma_start3A_937 : memref<128xi32, #tpu.memory_space<vmem>>) semaphore(%arg13 : memref<!tpu.dma_semaphore, #tpu.memory_space<semaphore_mem>>)
      %scan3A_943 = arith.constant 0 : i32
      %scan3A_944 = arith.constant 0 : i32
      %scan3A_945 = arith.constant 98 : i32
      %scan3A_946 = arith.addi %scan3A_944, %scan3A_945 : i32
      %scan3A_947 = arith.constant 1 : i32
      %scan3A_948 = scf.for %scan3A_950 = %scan3A_944 to %scan3A_946 step %scan3A_947 iter_args(%scan3A_951 = %scan3A_943) -> (i32)  : i32 {
        %mul3A_952 = arith.constant 2 : i32
        %mul3A_953 = arith.muli %mul3A_952, %scan3A_950 : i32
        %add3A_954 = arith.constant 1 : i32
        %add3A_955 = arith.addi %mul3A_953, %add3A_954 : i32
        %mul3A_956 = arith.constant 4 : i32
        %mul3A_957 = arith.muli %add3A_955, %mul3A_956 : i32
        %add3A_958 = arith.addi %mul3A_2, %mul3A_957 : i32
        "tpu.region"() ({
          %run_scoped3A_1115 = tpu.sem_alloc : memref<!tpu.dma_semaphore, #tpu.memory_space<semaphore_mem>>
          %dma_start3A_1116 = arith.constant 0 : i32
          %dma_start3A_1117 = tpu.memref_slice %arg2[%add3A_958, %dma_start3A_1116] : memref<12544x128xi32, #tpu.memory_space<hbm>> -> memref<4x128xi32, #tpu.memory_space<hbm>>
          %dma_start3A_1118 = arith.constant 0 : i32
          %dma_start3A_1119 = tpu.memref_slice %arg2[%add3A_958, %dma_start3A_1118] : memref<12544x128xi32, #tpu.memory_space<hbm>> -> memref<4x128xi32, #tpu.memory_space<hbm>>
          tpu.enqueue_dma source(%dma_start3A_1119 : memref<4x128xi32, #tpu.memory_space<hbm>>) target(%arg7 : memref<4x128xi32, #tpu.memory_space<vmem>>) target_semaphore(%run_scoped3A_1115 : memref<!tpu.dma_semaphore, #tpu.memory_space<semaphore_mem>>)
          %dma_wait3A_1120 = arith.constant 0 : i32
          %dma_wait3A_1121 = tpu.memref_slice %arg2[%add3A_958, %dma_wait3A_1120] : memref<12544x128xi32, #tpu.memory_space<hbm>> -> memref<4x128xi32, #tpu.memory_space<hbm>>
          %dma_wait3A_1122 = arith.constant 0 : i32
          %dma_wait3A_1123 = tpu.memref_slice %arg2[%add3A_958, %dma_wait3A_1122] : memref<12544x128xi32, #tpu.memory_space<hbm>> -> memref<4x128xi32, #tpu.memory_space<hbm>>
          tpu.wait_dma2 semaphore(%run_scoped3A_1115 : memref<!tpu.dma_semaphore, #tpu.memory_space<semaphore_mem>>) src(%dma_wait3A_1123 : memref<4x128xi32, #tpu.memory_space<hbm>>) dst(%arg7 : memref<4x128xi32, #tpu.memory_space<vmem>>)
          tpu.yield
        }) : () -> ()
        "tpu.region"() ({
          %run_scoped3A_1115 = tpu.sem_alloc : memref<!tpu.dma_semaphore, #tpu.memory_space<semaphore_mem>>
          %dma_start3A_1116 = arith.constant 0 : i32
          %dma_start3A_1117 = tpu.memref_slice %arg3[%add3A_958, %dma_start3A_1116] : memref<12544x128xi32, #tpu.memory_space<hbm>> -> memref<4x128xi32, #tpu.memory_space<hbm>>
          %dma_start3A_1118 = arith.constant 0 : i32
          %dma_start3A_1119 = tpu.memref_slice %arg3[%add3A_958, %dma_start3A_1118] : memref<12544x128xi32, #tpu.memory_space<hbm>> -> memref<4x128xi32, #tpu.memory_space<hbm>>
          tpu.enqueue_dma source(%dma_start3A_1119 : memref<4x128xi32, #tpu.memory_space<hbm>>) target(%arg9 : memref<4x128xi32, #tpu.memory_space<vmem>>) target_semaphore(%run_scoped3A_1115 : memref<!tpu.dma_semaphore, #tpu.memory_space<semaphore_mem>>)
          %dma_wait3A_1120 = arith.constant 0 : i32
          %dma_wait3A_1121 = tpu.memref_slice %arg3[%add3A_958, %dma_wait3A_1120] : memref<12544x128xi32, #tpu.memory_space<hbm>> -> memref<4x128xi32, #tpu.memory_space<hbm>>
          %dma_wait3A_1122 = arith.constant 0 : i32
          %dma_wait3A_1123 = tpu.memref_slice %arg3[%add3A_958, %dma_wait3A_1122] : memref<12544x128xi32, #tpu.memory_space<hbm>> -> memref<4x128xi32, #tpu.memory_space<hbm>>
          tpu.wait_dma2 semaphore(%run_scoped3A_1115 : memref<!tpu.dma_semaphore, #tpu.memory_space<semaphore_mem>>) src(%dma_wait3A_1123 : memref<4x128xi32, #tpu.memory_space<hbm>>) dst(%arg9 : memref<4x128xi32, #tpu.memory_space<vmem>>)
          tpu.yield
        }) : () -> ()
        %dma_start3A_959 = arith.constant 0 : i32
        %dma_start3A_960 = arith.constant 0 : i32
        %dma_start3A_961 = arith.constant 0 : i32
        %dma_start3A_962 = tpu.memref_slice %arg11[%dma_start3A_960, %dma_start3A_961] : memref<512x16xf32, #tpu.memory_space<vmem>> -> memref<128x16xf32, #tpu.memory_space<vmem>>
        %dma_start3A_963 = arith.constant 0 : i32
        %dma_start3A_964 = tpu.memref_slice %arg9[%dma_start3A_959, %dma_start3A_963] : memref<4x128xi32, #tpu.memory_space<vmem>> -> memref<1x128xi32, #tpu.memory_space<vmem>>
        %dma_start3A_965 = tpu.memref_squeeze %dma_start3A_964 : memref<1x128xi32, #tpu.memory_space<vmem>> -> memref<128xi32, #tpu.memory_space<vmem>>
        %dma_start3A_966 = arith.constant 0 : i32
        %dma_start3A_967 = tpu.memref_slice %arg4[%mul3A_892, %dma_start3A_966] : memref<301056x16xf32, #tpu.memory_space<hbm>> -> memref<100352x16xf32, #tpu.memory_space<hbm>>
        %dma_start3A_968 = arith.constant 0 : i32
        %dma_start3A_969 = arith.constant 0 : i32
        %dma_start3A_970 = tpu.memref_slice %dma_start3A_967[%dma_start3A_968, %dma_start3A_969] : memref<100352x16xf32, #tpu.memory_space<hbm>> -> memref<100352x16xf32, #tpu.memory_space<hbm>>
        tpu.enqueue_indirect_dma source(%dma_start3A_970 : memref<100352x16xf32, #tpu.memory_space<hbm>>) target(%dma_start3A_962 : memref<128x16xf32, #tpu.memory_space<vmem>>) offsets(%dma_start3A_965 : memref<128xi32, #tpu.memory_space<vmem>>) semaphore(%arg14 : memref<!tpu.dma_semaphore, #tpu.memory_space<semaphore_mem>>)
        %dma_start3A_971 = arith.constant 1 : i32
        %dma_start3A_972 = arith.constant 128 : i32
        %dma_start3A_973 = arith.constant 0 : i32
        %dma_start3A_974 = tpu.memref_slice %arg11[%dma_start3A_972, %dma_start3A_973] : memref<512x16xf32, #tpu.memory_space<vmem>> -> memref<128x16xf32, #tpu.memory_space<vmem>>
        %dma_start3A_975 = arith.constant 0 : i32
        %dma_start3A_976 = tpu.memref_slice %arg9[%dma_start3A_971, %dma_start3A_975] : memref<4x128xi32, #tpu.memory_space<vmem>> -> memref<1x128xi32, #tpu.memory_space<vmem>>
        %dma_start3A_977 = tpu.memref_squeeze %dma_start3A_976 : memref<1x128xi32, #tpu.memory_space<vmem>> -> memref<128xi32, #tpu.memory_space<vmem>>
        %dma_start3A_978 = arith.constant 0 : i32
        %dma_start3A_979 = tpu.memref_slice %arg4[%mul3A_892, %dma_start3A_978] : memref<301056x16xf32, #tpu.memory_space<hbm>> -> memref<100352x16xf32, #tpu.memory_space<hbm>>
        %dma_start3A_980 = arith.constant 0 : i32
        %dma_start3A_981 = arith.constant 0 : i32
        %dma_start3A_982 = tpu.memref_slice %dma_start3A_979[%dma_start3A_980, %dma_start3A_981] : memref<100352x16xf32, #tpu.memory_space<hbm>> -> memref<100352x16xf32, #tpu.memory_space<hbm>>
        tpu.enqueue_indirect_dma source(%dma_start3A_982 : memref<100352x16xf32, #tpu.memory_space<hbm>>) target(%dma_start3A_974 : memref<128x16xf32, #tpu.memory_space<vmem>>) offsets(%dma_start3A_977 : memref<128xi32, #tpu.memory_space<vmem>>) semaphore(%arg14 : memref<!tpu.dma_semaphore, #tpu.memory_space<semaphore_mem>>)
        %dma_start3A_983 = arith.constant 2 : i32
        %dma_start3A_984 = arith.constant 256 : i32
        %dma_start3A_985 = arith.constant 0 : i32
        %dma_start3A_986 = tpu.memref_slice %arg11[%dma_start3A_984, %dma_start3A_985] : memref<512x16xf32, #tpu.memory_space<vmem>> -> memref<128x16xf32, #tpu.memory_space<vmem>>
        %dma_start3A_987 = arith.constant 0 : i32
        %dma_start3A_988 = tpu.memref_slice %arg9[%dma_start3A_983, %dma_start3A_987] : memref<4x128xi32, #tpu.memory_space<vmem>> -> memref<1x128xi32, #tpu.memory_space<vmem>>
        %dma_start3A_989 = tpu.memref_squeeze %dma_start3A_988 : memref<1x128xi32, #tpu.memory_space<vmem>> -> memref<128xi32, #tpu.memory_space<vmem>>
        %dma_start3A_990 = arith.constant 0 : i32
        %dma_start3A_991 = tpu.memref_slice %arg4[%mul3A_892, %dma_start3A_990] : memref<301056x16xf32, #tpu.memory_space<hbm>> -> memref<100352x16xf32, #tpu.memory_space<hbm>>
        %dma_start3A_992 = arith.constant 0 : i32
        %dma_start3A_993 = arith.constant 0 : i32
        %dma_start3A_994 = tpu.memref_slice %dma_start3A_991[%dma_start3A_992, %dma_start3A_993] : memref<100352x16xf32, #tpu.memory_space<hbm>> -> memref<100352x16xf32, #tpu.memory_space<hbm>>
        tpu.enqueue_indirect_dma source(%dma_start3A_994 : memref<100352x16xf32, #tpu.memory_space<hbm>>) target(%dma_start3A_986 : memref<128x16xf32, #tpu.memory_space<vmem>>) offsets(%dma_start3A_989 : memref<128xi32, #tpu.memory_space<vmem>>) semaphore(%arg14 : memref<!tpu.dma_semaphore, #tpu.memory_space<semaphore_mem>>)
        %dma_start3A_995 = arith.constant 3 : i32
        %dma_start3A_996 = arith.constant 384 : i32
        %dma_start3A_997 = arith.constant 0 : i32
        %dma_start3A_998 = tpu.memref_slice %arg11[%dma_start3A_996, %dma_start3A_997] : memref<512x16xf32, #tpu.memory_space<vmem>> -> memref<128x16xf32, #tpu.memory_space<vmem>>
        %dma_start3A_999 = arith.constant 0 : i32
        %dma_start3A_1000 = tpu.memref_slice %arg9[%dma_start3A_995, %dma_start3A_999] : memref<4x128xi32, #tpu.memory_space<vmem>> -> memref<1x128xi32, #tpu.memory_space<vmem>>
        %dma_start3A_1001 = tpu.memref_squeeze %dma_start3A_1000 : memref<1x128xi32, #tpu.memory_space<vmem>> -> memref<128xi32, #tpu.memory_space<vmem>>
        %dma_start3A_1002 = arith.constant 0 : i32
        %dma_start3A_1003 = tpu.memref_slice %arg4[%mul3A_892, %dma_start3A_1002] : memref<301056x16xf32, #tpu.memory_space<hbm>> -> memref<100352x16xf32, #tpu.memory_space<hbm>>
        %dma_start3A_1004 = arith.constant 0 : i32
        %dma_start3A_1005 = arith.constant 0 : i32
        %dma_start3A_1006 = tpu.memref_slice %dma_start3A_1003[%dma_start3A_1004, %dma_start3A_1005] : memref<100352x16xf32, #tpu.memory_space<hbm>> -> memref<100352x16xf32, #tpu.memory_space<hbm>>
        tpu.enqueue_indirect_dma source(%dma_start3A_1006 : memref<100352x16xf32, #tpu.memory_space<hbm>>) target(%dma_start3A_998 : memref<128x16xf32, #tpu.memory_space<vmem>>) offsets(%dma_start3A_1001 : memref<128xi32, #tpu.memory_space<vmem>>) semaphore(%arg14 : memref<!tpu.dma_semaphore, #tpu.memory_space<semaphore_mem>>)
        %dma_wait3A_1007 = arith.constant 0 : i32
        %dma_wait3A_1008 = arith.constant 0 : i32
        %dma_wait3A_1009 = arith.constant 0 : i32
        %dma_wait3A_1010 = tpu.memref_slice %arg10[%dma_wait3A_1008, %dma_wait3A_1009] : memref<512x16xf32, #tpu.memory_space<vmem>> -> memref<128x16xf32, #tpu.memory_space<vmem>>
        %dma_wait3A_1011 = arith.constant 0 : i32
        %dma_wait3A_1012 = tpu.memref_slice %arg8[%dma_wait3A_1007, %dma_wait3A_1011] : memref<4x128xi32, #tpu.memory_space<vmem>> -> memref<1x128xi32, #tpu.memory_space<vmem>>
        %dma_wait3A_1013 = tpu.memref_squeeze %dma_wait3A_1012 : memref<1x128xi32, #tpu.memory_space<vmem>> -> memref<128xi32, #tpu.memory_space<vmem>>
        %dma_wait3A_1014 = arith.constant 0 : i32
        %dma_wait3A_1015 = tpu.memref_slice %arg4[%mul3A_892, %dma_wait3A_1014] : memref<301056x16xf32, #tpu.memory_space<hbm>> -> memref<100352x16xf32, #tpu.memory_space<hbm>>
        %dma_wait3A_1016 = arith.constant 0 : i32
        %dma_wait3A_1017 = arith.constant 0 : i32
        %dma_wait3A_1018 = tpu.memref_slice %dma_wait3A_1015[%dma_wait3A_1016, %dma_wait3A_1017] : memref<100352x16xf32, #tpu.memory_space<hbm>> -> memref<100352x16xf32, #tpu.memory_space<hbm>>
        tpu.wait_indirect_dma semaphore(%arg13 : memref<!tpu.dma_semaphore, #tpu.memory_space<semaphore_mem>>) src(%dma_wait3A_1018 : memref<100352x16xf32, #tpu.memory_space<hbm>>) dst(%dma_wait3A_1010 : memref<128x16xf32, #tpu.memory_space<vmem>>)
        %dma_wait3A_1019 = arith.constant 1 : i32
        %dma_wait3A_1020 = arith.constant 128 : i32
        %dma_wait3A_1021 = arith.constant 0 : i32
        %dma_wait3A_1022 = tpu.memref_slice %arg10[%dma_wait3A_1020, %dma_wait3A_1021] : memref<512x16xf32, #tpu.memory_space<vmem>> -> memref<128x16xf32, #tpu.memory_space<vmem>>
        %dma_wait3A_1023 = arith.constant 0 : i32
        %dma_wait3A_1024 = tpu.memref_slice %arg8[%dma_wait3A_1019, %dma_wait3A_1023] : memref<4x128xi32, #tpu.memory_space<vmem>> -> memref<1x128xi32, #tpu.memory_space<vmem>>
        %dma_wait3A_1025 = tpu.memref_squeeze %dma_wait3A_1024 : memref<1x128xi32, #tpu.memory_space<vmem>> -> memref<128xi32, #tpu.memory_space<vmem>>
        %dma_wait3A_1026 = arith.constant 0 : i32
        %dma_wait3A_1027 = tpu.memref_slice %arg4[%mul3A_892, %dma_wait3A_1026] : memref<301056x16xf32, #tpu.memory_space<hbm>> -> memref<100352x16xf32, #tpu.memory_space<hbm>>
        %dma_wait3A_1028 = arith.constant 0 : i32
        %dma_wait3A_1029 = arith.constant 0 : i32
        %dma_wait3A_1030 = tpu.memref_slice %dma_wait3A_1027[%dma_wait3A_1028, %dma_wait3A_1029] : memref<100352x16xf32, #tpu.memory_space<hbm>> -> memref<100352x16xf32, #tpu.memory_space<hbm>>
        tpu.wait_indirect_dma semaphore(%arg13 : memref<!tpu.dma_semaphore, #tpu.memory_space<semaphore_mem>>) src(%dma_wait3A_1030 : memref<100352x16xf32, #tpu.memory_space<hbm>>) dst(%dma_wait3A_1022 : memref<128x16xf32, #tpu.memory_space<vmem>>)
        %dma_wait3A_1031 = arith.constant 2 : i32
        %dma_wait3A_1032 = arith.constant 256 : i32
        %dma_wait3A_1033 = arith.constant 0 : i32
        %dma_wait3A_1034 = tpu.memref_slice %arg10[%dma_wait3A_1032, %dma_wait3A_1033] : memref<512x16xf32, #tpu.memory_space<vmem>> -> memref<128x16xf32, #tpu.memory_space<vmem>>
        %dma_wait3A_1035 = arith.constant 0 : i32
        %dma_wait3A_1036 = tpu.memref_slice %arg8[%dma_wait3A_1031, %dma_wait3A_1035] : memref<4x128xi32, #tpu.memory_space<vmem>> -> memref<1x128xi32, #tpu.memory_space<vmem>>
        %dma_wait3A_1037 = tpu.memref_squeeze %dma_wait3A_1036 : memref<1x128xi32, #tpu.memory_space<vmem>> -> memref<128xi32, #tpu.memory_space<vmem>>
        %dma_wait3A_1038 = arith.constant 0 : i32
        %dma_wait3A_1039 = tpu.memref_slice %arg4[%mul3A_892, %dma_wait3A_1038] : memref<301056x16xf32, #tpu.memory_space<hbm>> -> memref<100352x16xf32, #tpu.memory_space<hbm>>
        %dma_wait3A_1040 = arith.constant 0 : i32
        %dma_wait3A_1041 = arith.constant 0 : i32
        %dma_wait3A_1042 = tpu.memref_slice %dma_wait3A_1039[%dma_wait3A_1040, %dma_wait3A_1041] : memref<100352x16xf32, #tpu.memory_space<hbm>> -> memref<100352x16xf32, #tpu.memory_space<hbm>>
        tpu.wait_indirect_dma semaphore(%arg13 : memref<!tpu.dma_semaphore, #tpu.memory_space<semaphore_mem>>) src(%dma_wait3A_1042 : memref<100352x16xf32, #tpu.memory_space<hbm>>) dst(%dma_wait3A_1034 : memref<128x16xf32, #tpu.memory_space<vmem>>)
        %dma_wait3A_1043 = arith.constant 3 : i32
        %dma_wait3A_1044 = arith.constant 384 : i32
        %dma_wait3A_1045 = arith.constant 0 : i32
        %dma_wait3A_1046 = tpu.memref_slice %arg10[%dma_wait3A_1044, %dma_wait3A_1045] : memref<512x16xf32, #tpu.memory_space<vmem>> -> memref<128x16xf32, #tpu.memory_space<vmem>>
        %dma_wait3A_1047 = arith.constant 0 : i32
        %dma_wait3A_1048 = tpu.memref_slice %arg8[%dma_wait3A_1043, %dma_wait3A_1047] : memref<4x128xi32, #tpu.memory_space<vmem>> -> memref<1x128xi32, #tpu.memory_space<vmem>>
        %dma_wait3A_1049 = tpu.memref_squeeze %dma_wait3A_1048 : memref<1x128xi32, #tpu.memory_space<vmem>> -> memref<128xi32, #tpu.memory_space<vmem>>
        %dma_wait3A_1050 = arith.constant 0 : i32
        %dma_wait3A_1051 = tpu.memref_slice %arg4[%mul3A_892, %dma_wait3A_1050] : memref<301056x16xf32, #tpu.memory_space<hbm>> -> memref<100352x16xf32, #tpu.memory_space<hbm>>
        %dma_wait3A_1052 = arith.constant 0 : i32
        %dma_wait3A_1053 = arith.constant 0 : i32
        %dma_wait3A_1054 = tpu.memref_slice %dma_wait3A_1051[%dma_wait3A_1052, %dma_wait3A_1053] : memref<100352x16xf32, #tpu.memory_space<hbm>> -> memref<100352x16xf32, #tpu.memory_space<hbm>>
        tpu.wait_indirect_dma semaphore(%arg13 : memref<!tpu.dma_semaphore, #tpu.memory_space<semaphore_mem>>) src(%dma_wait3A_1054 : memref<100352x16xf32, #tpu.memory_space<hbm>>) dst(%dma_wait3A_1046 : memref<128x16xf32, #tpu.memory_space<vmem>>)
        %run_scoped3A = arith.constant 0 : i32
        "tpu.region"() ({
          %run_scoped3A_1115 = tpu.sem_alloc : memref<!tpu.dma_semaphore, #tpu.memory_space<semaphore_mem>>
          %dma_start3A_1116 = arith.constant 0 : i32
          %dma_start3A_1117 = arith.constant 0 : i32
          %dma_start3A_1118 = tpu.memref_slice %arg10[%dma_start3A_1116, %dma_start3A_1117] : memref<512x16xf32, #tpu.memory_space<vmem>> -> memref<128x16xf32, #tpu.memory_space<vmem>>
          %dma_start3A_1119 = arith.constant 0 : i32
          %dma_start3A_1120 = tpu.memref_slice %arg6[%run_scoped3A, %dma_start3A_1119] : memref<4x128xi32, #tpu.memory_space<vmem>> -> memref<1x128xi32, #tpu.memory_space<vmem>>
          %dma_start3A_1121 = tpu.memref_squeeze %dma_start3A_1120 : memref<1x128xi32, #tpu.memory_space<vmem>> -> memref<128xi32, #tpu.memory_space<vmem>>
          %dma_start3A_1122 = arith.constant 0 : i32
          %dma_start3A_1123 = arith.constant 0 : i32
          %dma_start3A_1124 = tpu.memref_slice %arg12[%dma_start3A_1122, %dma_start3A_1123] : memref<100352x16xf32, #tpu.memory_space<vmem_shared>> -> memref<100352x16xf32, #tpu.memory_space<vmem_shared>>
          tpu.enqueue_indirect_dma source(%dma_start3A_1118 : memref<128x16xf32, #tpu.memory_space<vmem>>) target(%dma_start3A_1124 : memref<100352x16xf32, #tpu.memory_space<vmem_shared>>) offsets(%dma_start3A_1121 : memref<128xi32, #tpu.memory_space<vmem>>) semaphore(%run_scoped3A_1115 : memref<!tpu.dma_semaphore, #tpu.memory_space<semaphore_mem>>) {add = true}
          %dma_wait3A_1125 = arith.constant 0 : i32
          %dma_wait3A_1126 = arith.constant 0 : i32
          %dma_wait3A_1127 = tpu.memref_slice %arg10[%dma_wait3A_1125, %dma_wait3A_1126] : memref<512x16xf32, #tpu.memory_space<vmem>> -> memref<128x16xf32, #tpu.memory_space<vmem>>
          %dma_wait3A_1128 = arith.constant 0 : i32
          %dma_wait3A_1129 = tpu.memref_slice %arg6[%run_scoped3A, %dma_wait3A_1128] : memref<4x128xi32, #tpu.memory_space<vmem>> -> memref<1x128xi32, #tpu.memory_space<vmem>>
          %dma_wait3A_1130 = tpu.memref_squeeze %dma_wait3A_1129 : memref<1x128xi32, #tpu.memory_space<vmem>> -> memref<128xi32, #tpu.memory_space<vmem>>
          %dma_wait3A_1131 = arith.constant 0 : i32
          %dma_wait3A_1132 = arith.constant 0 : i32
          %dma_wait3A_1133 = tpu.memref_slice %arg12[%dma_wait3A_1131, %dma_wait3A_1132] : memref<100352x16xf32, #tpu.memory_space<vmem_shared>> -> memref<100352x16xf32, #tpu.memory_space<vmem_shared>>
          tpu.wait_indirect_dma semaphore(%run_scoped3A_1115 : memref<!tpu.dma_semaphore, #tpu.memory_space<semaphore_mem>>) src(%dma_wait3A_1127 : memref<128x16xf32, #tpu.memory_space<vmem>>) dst(%dma_wait3A_1133 : memref<100352x16xf32, #tpu.memory_space<vmem_shared>>)
          tpu.yield
        }) : () -> ()
        %run_scoped3A_1055 = arith.constant 1 : i32
        "tpu.region"() ({
          %run_scoped3A_1115 = tpu.sem_alloc : memref<!tpu.dma_semaphore, #tpu.memory_space<semaphore_mem>>
          %dma_start3A_1116 = arith.constant 128 : i32
          %dma_start3A_1117 = arith.constant 0 : i32
          %dma_start3A_1118 = tpu.memref_slice %arg10[%dma_start3A_1116, %dma_start3A_1117] : memref<512x16xf32, #tpu.memory_space<vmem>> -> memref<128x16xf32, #tpu.memory_space<vmem>>
          %dma_start3A_1119 = arith.constant 0 : i32
          %dma_start3A_1120 = tpu.memref_slice %arg6[%run_scoped3A_1055, %dma_start3A_1119] : memref<4x128xi32, #tpu.memory_space<vmem>> -> memref<1x128xi32, #tpu.memory_space<vmem>>
          %dma_start3A_1121 = tpu.memref_squeeze %dma_start3A_1120 : memref<1x128xi32, #tpu.memory_space<vmem>> -> memref<128xi32, #tpu.memory_space<vmem>>
          %dma_start3A_1122 = arith.constant 0 : i32
          %dma_start3A_1123 = arith.constant 0 : i32
          %dma_start3A_1124 = tpu.memref_slice %arg12[%dma_start3A_1122, %dma_start3A_1123] : memref<100352x16xf32, #tpu.memory_space<vmem_shared>> -> memref<100352x16xf32, #tpu.memory_space<vmem_shared>>
          tpu.enqueue_indirect_dma source(%dma_start3A_1118 : memref<128x16xf32, #tpu.memory_space<vmem>>) target(%dma_start3A_1124 : memref<100352x16xf32, #tpu.memory_space<vmem_shared>>) offsets(%dma_start3A_1121 : memref<128xi32, #tpu.memory_space<vmem>>) semaphore(%run_scoped3A_1115 : memref<!tpu.dma_semaphore, #tpu.memory_space<semaphore_mem>>) {add = true}
          %dma_wait3A_1125 = arith.constant 128 : i32
          %dma_wait3A_1126 = arith.constant 0 : i32
          %dma_wait3A_1127 = tpu.memref_slice %arg10[%dma_wait3A_1125, %dma_wait3A_1126] : memref<512x16xf32, #tpu.memory_space<vmem>> -> memref<128x16xf32, #tpu.memory_space<vmem>>
          %dma_wait3A_1128 = arith.constant 0 : i32
          %dma_wait3A_1129 = tpu.memref_slice %arg6[%run_scoped3A_1055, %dma_wait3A_1128] : memref<4x128xi32, #tpu.memory_space<vmem>> -> memref<1x128xi32, #tpu.memory_space<vmem>>
          %dma_wait3A_1130 = tpu.memref_squeeze %dma_wait3A_1129 : memref<1x128xi32, #tpu.memory_space<vmem>> -> memref<128xi32, #tpu.memory_space<vmem>>
          %dma_wait3A_1131 = arith.constant 0 : i32
          %dma_wait3A_1132 = arith.constant 0 : i32
          %dma_wait3A_1133 = tpu.memref_slice %arg12[%dma_wait3A_1131, %dma_wait3A_1132] : memref<100352x16xf32, #tpu.memory_space<vmem_shared>> -> memref<100352x16xf32, #tpu.memory_space<vmem_shared>>
          tpu.wait_indirect_dma semaphore(%run_scoped3A_1115 : memref<!tpu.dma_semaphore, #tpu.memory_space<semaphore_mem>>) src(%dma_wait3A_1127 : memref<128x16xf32, #tpu.memory_space<vmem>>) dst(%dma_wait3A_1133 : memref<100352x16xf32, #tpu.memory_space<vmem_shared>>)
          tpu.yield
        }) : () -> ()
        %run_scoped3A_1056 = arith.constant 2 : i32
        "tpu.region"() ({
          %run_scoped3A_1115 = tpu.sem_alloc : memref<!tpu.dma_semaphore, #tpu.memory_space<semaphore_mem>>
          %dma_start3A_1116 = arith.constant 256 : i32
          %dma_start3A_1117 = arith.constant 0 : i32
          %dma_start3A_1118 = tpu.memref_slice %arg10[%dma_start3A_1116, %dma_start3A_1117] : memref<512x16xf32, #tpu.memory_space<vmem>> -> memref<128x16xf32, #tpu.memory_space<vmem>>
          %dma_start3A_1119 = arith.constant 0 : i32
          %dma_start3A_1120 = tpu.memref_slice %arg6[%run_scoped3A_1056, %dma_start3A_1119] : memref<4x128xi32, #tpu.memory_space<vmem>> -> memref<1x128xi32, #tpu.memory_space<vmem>>
          %dma_start3A_1121 = tpu.memref_squeeze %dma_start3A_1120 : memref<1x128xi32, #tpu.memory_space<vmem>> -> memref<128xi32, #tpu.memory_space<vmem>>
          %dma_start3A_1122 = arith.constant 0 : i32
          %dma_start3A_1123 = arith.constant 0 : i32
          %dma_start3A_1124 = tpu.memref_slice %arg12[%dma_start3A_1122, %dma_start3A_1123] : memref<100352x16xf32, #tpu.memory_space<vmem_shared>> -> memref<100352x16xf32, #tpu.memory_space<vmem_shared>>
          tpu.enqueue_indirect_dma source(%dma_start3A_1118 : memref<128x16xf32, #tpu.memory_space<vmem>>) target(%dma_start3A_1124 : memref<100352x16xf32, #tpu.memory_space<vmem_shared>>) offsets(%dma_start3A_1121 : memref<128xi32, #tpu.memory_space<vmem>>) semaphore(%run_scoped3A_1115 : memref<!tpu.dma_semaphore, #tpu.memory_space<semaphore_mem>>) {add = true}
          %dma_wait3A_1125 = arith.constant 256 : i32
          %dma_wait3A_1126 = arith.constant 0 : i32
          %dma_wait3A_1127 = tpu.memref_slice %arg10[%dma_wait3A_1125, %dma_wait3A_1126] : memref<512x16xf32, #tpu.memory_space<vmem>> -> memref<128x16xf32, #tpu.memory_space<vmem>>
          %dma_wait3A_1128 = arith.constant 0 : i32
          %dma_wait3A_1129 = tpu.memref_slice %arg6[%run_scoped3A_1056, %dma_wait3A_1128] : memref<4x128xi32, #tpu.memory_space<vmem>> -> memref<1x128xi32, #tpu.memory_space<vmem>>
          %dma_wait3A_1130 = tpu.memref_squeeze %dma_wait3A_1129 : memref<1x128xi32, #tpu.memory_space<vmem>> -> memref<128xi32, #tpu.memory_space<vmem>>
          %dma_wait3A_1131 = arith.constant 0 : i32
          %dma_wait3A_1132 = arith.constant 0 : i32
          %dma_wait3A_1133 = tpu.memref_slice %arg12[%dma_wait3A_1131, %dma_wait3A_1132] : memref<100352x16xf32, #tpu.memory_space<vmem_shared>> -> memref<100352x16xf32, #tpu.memory_space<vmem_shared>>
          tpu.wait_indirect_dma semaphore(%run_scoped3A_1115 : memref<!tpu.dma_semaphore, #tpu.memory_space<semaphore_mem>>) src(%dma_wait3A_1127 : memref<128x16xf32, #tpu.memory_space<vmem>>) dst(%dma_wait3A_1133 : memref<100352x16xf32, #tpu.memory_space<vmem_shared>>)
          tpu.yield
        }) : () -> ()
        %run_scoped3A_1057 = arith.constant 3 : i32
        "tpu.region"() ({
          %run_scoped3A_1115 = tpu.sem_alloc : memref<!tpu.dma_semaphore, #tpu.memory_space<semaphore_mem>>
          %dma_start3A_1116 = arith.constant 384 : i32
          %dma_start3A_1117 = arith.constant 0 : i32
          %dma_start3A_1118 = tpu.memref_slice %arg10[%dma_start3A_1116, %dma_start3A_1117] : memref<512x16xf32, #tpu.memory_space<vmem>> -> memref<128x16xf32, #tpu.memory_space<vmem>>
          %dma_start3A_1119 = arith.constant 0 : i32
          %dma_start3A_1120 = tpu.memref_slice %arg6[%run_scoped3A_1057, %dma_start3A_1119] : memref<4x128xi32, #tpu.memory_space<vmem>> -> memref<1x128xi32, #tpu.memory_space<vmem>>
          %dma_start3A_1121 = tpu.memref_squeeze %dma_start3A_1120 : memref<1x128xi32, #tpu.memory_space<vmem>> -> memref<128xi32, #tpu.memory_space<vmem>>
          %dma_start3A_1122 = arith.constant 0 : i32
          %dma_start3A_1123 = arith.constant 0 : i32
          %dma_start3A_1124 = tpu.memref_slice %arg12[%dma_start3A_1122, %dma_start3A_1123] : memref<100352x16xf32, #tpu.memory_space<vmem_shared>> -> memref<100352x16xf32, #tpu.memory_space<vmem_shared>>
          tpu.enqueue_indirect_dma source(%dma_start3A_1118 : memref<128x16xf32, #tpu.memory_space<vmem>>) target(%dma_start3A_1124 : memref<100352x16xf32, #tpu.memory_space<vmem_shared>>) offsets(%dma_start3A_1121 : memref<128xi32, #tpu.memory_space<vmem>>) semaphore(%run_scoped3A_1115 : memref<!tpu.dma_semaphore, #tpu.memory_space<semaphore_mem>>) {add = true}
          %dma_wait3A_1125 = arith.constant 384 : i32
          %dma_wait3A_1126 = arith.constant 0 : i32
          %dma_wait3A_1127 = tpu.memref_slice %arg10[%dma_wait3A_1125, %dma_wait3A_1126] : memref<512x16xf32, #tpu.memory_space<vmem>> -> memref<128x16xf32, #tpu.memory_space<vmem>>
          %dma_wait3A_1128 = arith.constant 0 : i32
          %dma_wait3A_1129 = tpu.memref_slice %arg6[%run_scoped3A_1057, %dma_wait3A_1128] : memref<4x128xi32, #tpu.memory_space<vmem>> -> memref<1x128xi32, #tpu.memory_space<vmem>>
          %dma_wait3A_1130 = tpu.memref_squeeze %dma_wait3A_1129 : memref<1x128xi32, #tpu.memory_space<vmem>> -> memref<128xi32, #tpu.memory_space<vmem>>
          %dma_wait3A_1131 = arith.constant 0 : i32
          %dma_wait3A_1132 = arith.constant 0 : i32
          %dma_wait3A_1133 = tpu.memref_slice %arg12[%dma_wait3A_1131, %dma_wait3A_1132] : memref<100352x16xf32, #tpu.memory_space<vmem_shared>> -> memref<100352x16xf32, #tpu.memory_space<vmem_shared>>
          tpu.wait_indirect_dma semaphore(%run_scoped3A_1115 : memref<!tpu.dma_semaphore, #tpu.memory_space<semaphore_mem>>) src(%dma_wait3A_1127 : memref<128x16xf32, #tpu.memory_space<vmem>>) dst(%dma_wait3A_1133 : memref<100352x16xf32, #tpu.memory_space<vmem_shared>>)
          tpu.yield
        }) : () -> ()
        %lt3A = arith.constant 97 : i32
        %lt3A_1058 = arith.cmpi slt, %scan3A_950, %lt3A : i32
        %convert_element_type3A_1059 = arith.extui %lt3A_1058 : i1 to i32
        %cond3A_1060 = arith.constant 0 : i32
        %cond3A_1061 = arith.cmpi ne, %convert_element_type3A_1059, %cond3A_1060 : i32
        scf.if %cond3A_1061 {
          %mul3A_1115 = arith.constant 2 : i32
          %mul3A_1116 = arith.muli %mul3A_1115, %scan3A_950 : i32
          %add3A_1117 = arith.constant 2 : i32
          %add3A_1118 = arith.addi %mul3A_1116, %add3A_1117 : i32
          %mul3A_1119 = arith.constant 4 : i32
          %mul3A_1120 = arith.muli %add3A_1118, %mul3A_1119 : i32
          %add3A_1121 = arith.addi %mul3A_2, %mul3A_1120 : i32
          "tpu.region"() ({
            %run_scoped3A_1170 = tpu.sem_alloc : memref<!tpu.dma_semaphore, #tpu.memory_space<semaphore_mem>>
            %dma_start3A_1171 = arith.constant 0 : i32
            %dma_start3A_1172 = tpu.memref_slice %arg2[%add3A_1121, %dma_start3A_1171] : memref<12544x128xi32, #tpu.memory_space<hbm>> -> memref<4x128xi32, #tpu.memory_space<hbm>>
            %dma_start3A_1173 = arith.constant 0 : i32
            %dma_start3A_1174 = tpu.memref_slice %arg2[%add3A_1121, %dma_start3A_1173] : memref<12544x128xi32, #tpu.memory_space<hbm>> -> memref<4x128xi32, #tpu.memory_space<hbm>>
            tpu.enqueue_dma source(%dma_start3A_1174 : memref<4x128xi32, #tpu.memory_space<hbm>>) target(%arg6 : memref<4x128xi32, #tpu.memory_space<vmem>>) target_semaphore(%run_scoped3A_1170 : memref<!tpu.dma_semaphore, #tpu.memory_space<semaphore_mem>>)
            %dma_wait3A_1175 = arith.constant 0 : i32
            %dma_wait3A_1176 = tpu.memref_slice %arg2[%add3A_1121, %dma_wait3A_1175] : memref<12544x128xi32, #tpu.memory_space<hbm>> -> memref<4x128xi32, #tpu.memory_space<hbm>>
            %dma_wait3A_1177 = arith.constant 0 : i32
            %dma_wait3A_1178 = tpu.memref_slice %arg2[%add3A_1121, %dma_wait3A_1177] : memref<12544x128xi32, #tpu.memory_space<hbm>> -> memref<4x128xi32, #tpu.memory_space<hbm>>
            tpu.wait_dma2 semaphore(%run_scoped3A_1170 : memref<!tpu.dma_semaphore, #tpu.memory_space<semaphore_mem>>) src(%dma_wait3A_1178 : memref<4x128xi32, #tpu.memory_space<hbm>>) dst(%arg6 : memref<4x128xi32, #tpu.memory_space<vmem>>)
            tpu.yield
          }) : () -> ()
          "tpu.region"() ({
            %run_scoped3A_1170 = tpu.sem_alloc : memref<!tpu.dma_semaphore, #tpu.memory_space<semaphore_mem>>
            %dma_start3A_1171 = arith.constant 0 : i32
            %dma_start3A_1172 = tpu.memref_slice %arg3[%add3A_1121, %dma_start3A_1171] : memref<12544x128xi32, #tpu.memory_space<hbm>> -> memref<4x128xi32, #tpu.memory_space<hbm>>
            %dma_start3A_1173 = arith.constant 0 : i32
            %dma_start3A_1174 = tpu.memref_slice %arg3[%add3A_1121, %dma_start3A_1173] : memref<12544x128xi32, #tpu.memory_space<hbm>> -> memref<4x128xi32, #tpu.memory_space<hbm>>
            tpu.enqueue_dma source(%dma_start3A_1174 : memref<4x128xi32, #tpu.memory_space<hbm>>) target(%arg8 : memref<4x128xi32, #tpu.memory_space<vmem>>) target_semaphore(%run_scoped3A_1170 : memref<!tpu.dma_semaphore, #tpu.memory_space<semaphore_mem>>)
            %dma_wait3A_1175 = arith.constant 0 : i32
            %dma_wait3A_1176 = tpu.memref_slice %arg3[%add3A_1121, %dma_wait3A_1175] : memref<12544x128xi32, #tpu.memory_space<hbm>> -> memref<4x128xi32, #tpu.memory_space<hbm>>
            %dma_wait3A_1177 = arith.constant 0 : i32
            %dma_wait3A_1178 = tpu.memref_slice %arg3[%add3A_1121, %dma_wait3A_1177] : memref<12544x128xi32, #tpu.memory_space<hbm>> -> memref<4x128xi32, #tpu.memory_space<hbm>>
            tpu.wait_dma2 semaphore(%run_scoped3A_1170 : memref<!tpu.dma_semaphore, #tpu.memory_space<semaphore_mem>>) src(%dma_wait3A_1178 : memref<4x128xi32, #tpu.memory_space<hbm>>) dst(%arg8 : memref<4x128xi32, #tpu.memory_space<vmem>>)
            tpu.yield
          }) : () -> ()
          %dma_start3A_1122 = arith.constant 0 : i32
          %dma_start3A_1123 = arith.constant 0 : i32
          %dma_start3A_1124 = arith.constant 0 : i32
          %dma_start3A_1125 = tpu.memref_slice %arg10[%dma_start3A_1123, %dma_start3A_1124] : memref<512x16xf32, #tpu.memory_space<vmem>> -> memref<128x16xf32, #tpu.memory_space<vmem>>
          %dma_start3A_1126 = arith.constant 0 : i32
          %dma_start3A_1127 = tpu.memref_slice %arg8[%dma_start3A_1122, %dma_start3A_1126] : memref<4x128xi32, #tpu.memory_space<vmem>> -> memref<1x128xi32, #tpu.memory_space<vmem>>
          %dma_start3A_1128 = tpu.memref_squeeze %dma_start3A_1127 : memref<1x128xi32, #tpu.memory_space<vmem>> -> memref<128xi32, #tpu.memory_space<vmem>>
          %dma_start3A_1129 = arith.constant 0 : i32
          %dma_start3A_1130 = tpu.memref_slice %arg4[%mul3A_892, %dma_start3A_1129] : memref<301056x16xf32, #tpu.memory_space<hbm>> -> memref<100352x16xf32, #tpu.memory_space<hbm>>
          %dma_start3A_1131 = arith.constant 0 : i32
          %dma_start3A_1132 = arith.constant 0 : i32
          %dma_start3A_1133 = tpu.memref_slice %dma_start3A_1130[%dma_start3A_1131, %dma_start3A_1132] : memref<100352x16xf32, #tpu.memory_space<hbm>> -> memref<100352x16xf32, #tpu.memory_space<hbm>>
          tpu.enqueue_indirect_dma source(%dma_start3A_1133 : memref<100352x16xf32, #tpu.memory_space<hbm>>) target(%dma_start3A_1125 : memref<128x16xf32, #tpu.memory_space<vmem>>) offsets(%dma_start3A_1128 : memref<128xi32, #tpu.memory_space<vmem>>) semaphore(%arg13 : memref<!tpu.dma_semaphore, #tpu.memory_space<semaphore_mem>>)
          %dma_start3A_1134 = arith.constant 1 : i32
          %dma_start3A_1135 = arith.constant 128 : i32
          %dma_start3A_1136 = arith.constant 0 : i32
          %dma_start3A_1137 = tpu.memref_slice %arg10[%dma_start3A_1135, %dma_start3A_1136] : memref<512x16xf32, #tpu.memory_space<vmem>> -> memref<128x16xf32, #tpu.memory_space<vmem>>
          %dma_start3A_1138 = arith.constant 0 : i32
          %dma_start3A_1139 = tpu.memref_slice %arg8[%dma_start3A_1134, %dma_start3A_1138] : memref<4x128xi32, #tpu.memory_space<vmem>> -> memref<1x128xi32, #tpu.memory_space<vmem>>
          %dma_start3A_1140 = tpu.memref_squeeze %dma_start3A_1139 : memref<1x128xi32, #tpu.memory_space<vmem>> -> memref<128xi32, #tpu.memory_space<vmem>>
          %dma_start3A_1141 = arith.constant 0 : i32
          %dma_start3A_1142 = tpu.memref_slice %arg4[%mul3A_892, %dma_start3A_1141] : memref<301056x16xf32, #tpu.memory_space<hbm>> -> memref<100352x16xf32, #tpu.memory_space<hbm>>
          %dma_start3A_1143 = arith.constant 0 : i32
          %dma_start3A_1144 = arith.constant 0 : i32
          %dma_start3A_1145 = tpu.memref_slice %dma_start3A_1142[%dma_start3A_1143, %dma_start3A_1144] : memref<100352x16xf32, #tpu.memory_space<hbm>> -> memref<100352x16xf32, #tpu.memory_space<hbm>>
          tpu.enqueue_indirect_dma source(%dma_start3A_1145 : memref<100352x16xf32, #tpu.memory_space<hbm>>) target(%dma_start3A_1137 : memref<128x16xf32, #tpu.memory_space<vmem>>) offsets(%dma_start3A_1140 : memref<128xi32, #tpu.memory_space<vmem>>) semaphore(%arg13 : memref<!tpu.dma_semaphore, #tpu.memory_space<semaphore_mem>>)
          %dma_start3A_1146 = arith.constant 2 : i32
          %dma_start3A_1147 = arith.constant 256 : i32
          %dma_start3A_1148 = arith.constant 0 : i32
          %dma_start3A_1149 = tpu.memref_slice %arg10[%dma_start3A_1147, %dma_start3A_1148] : memref<512x16xf32, #tpu.memory_space<vmem>> -> memref<128x16xf32, #tpu.memory_space<vmem>>
          %dma_start3A_1150 = arith.constant 0 : i32
          %dma_start3A_1151 = tpu.memref_slice %arg8[%dma_start3A_1146, %dma_start3A_1150] : memref<4x128xi32, #tpu.memory_space<vmem>> -> memref<1x128xi32, #tpu.memory_space<vmem>>
          %dma_start3A_1152 = tpu.memref_squeeze %dma_start3A_1151 : memref<1x128xi32, #tpu.memory_space<vmem>> -> memref<128xi32, #tpu.memory_space<vmem>>
          %dma_start3A_1153 = arith.constant 0 : i32
          %dma_start3A_1154 = tpu.memref_slice %arg4[%mul3A_892, %dma_start3A_1153] : memref<301056x16xf32, #tpu.memory_space<hbm>> -> memref<100352x16xf32, #tpu.memory_space<hbm>>
          %dma_start3A_1155 = arith.constant 0 : i32
          %dma_start3A_1156 = arith.constant 0 : i32
          %dma_start3A_1157 = tpu.memref_slice %dma_start3A_1154[%dma_start3A_1155, %dma_start3A_1156] : memref<100352x16xf32, #tpu.memory_space<hbm>> -> memref<100352x16xf32, #tpu.memory_space<hbm>>
          tpu.enqueue_indirect_dma source(%dma_start3A_1157 : memref<100352x16xf32, #tpu.memory_space<hbm>>) target(%dma_start3A_1149 : memref<128x16xf32, #tpu.memory_space<vmem>>) offsets(%dma_start3A_1152 : memref<128xi32, #tpu.memory_space<vmem>>) semaphore(%arg13 : memref<!tpu.dma_semaphore, #tpu.memory_space<semaphore_mem>>)
          %dma_start3A_1158 = arith.constant 3 : i32
          %dma_start3A_1159 = arith.constant 384 : i32
          %dma_start3A_1160 = arith.constant 0 : i32
          %dma_start3A_1161 = tpu.memref_slice %arg10[%dma_start3A_1159, %dma_start3A_1160] : memref<512x16xf32, #tpu.memory_space<vmem>> -> memref<128x16xf32, #tpu.memory_space<vmem>>
          %dma_start3A_1162 = arith.constant 0 : i32
          %dma_start3A_1163 = tpu.memref_slice %arg8[%dma_start3A_1158, %dma_start3A_1162] : memref<4x128xi32, #tpu.memory_space<vmem>> -> memref<1x128xi32, #tpu.memory_space<vmem>>
          %dma_start3A_1164 = tpu.memref_squeeze %dma_start3A_1163 : memref<1x128xi32, #tpu.memory_space<vmem>> -> memref<128xi32, #tpu.memory_space<vmem>>
          %dma_start3A_1165 = arith.constant 0 : i32
          %dma_start3A_1166 = tpu.memref_slice %arg4[%mul3A_892, %dma_start3A_1165] : memref<301056x16xf32, #tpu.memory_space<hbm>> -> memref<100352x16xf32, #tpu.memory_space<hbm>>
          %dma_start3A_1167 = arith.constant 0 : i32
          %dma_start3A_1168 = arith.constant 0 : i32
          %dma_start3A_1169 = tpu.memref_slice %dma_start3A_1166[%dma_start3A_1167, %dma_start3A_1168] : memref<100352x16xf32, #tpu.memory_space<hbm>> -> memref<100352x16xf32, #tpu.memory_space<hbm>>
          tpu.enqueue_indirect_dma source(%dma_start3A_1169 : memref<100352x16xf32, #tpu.memory_space<hbm>>) target(%dma_start3A_1161 : memref<128x16xf32, #tpu.memory_space<vmem>>) offsets(%dma_start3A_1164 : memref<128xi32, #tpu.memory_space<vmem>>) semaphore(%arg13 : memref<!tpu.dma_semaphore, #tpu.memory_space<semaphore_mem>>)
        } else {
        }
        %dma_wait3A_1062 = arith.constant 0 : i32
        %dma_wait3A_1063 = arith.constant 0 : i32
        %dma_wait3A_1064 = arith.constant 0 : i32
        %dma_wait3A_1065 = tpu.memref_slice %arg11[%dma_wait3A_1063, %dma_wait3A_1064] : memref<512x16xf32, #tpu.memory_space<vmem>> -> memref<128x16xf32, #tpu.memory_space<vmem>>
        %dma_wait3A_1066 = arith.constant 0 : i32
        %dma_wait3A_1067 = tpu.memref_slice %arg9[%dma_wait3A_1062, %dma_wait3A_1066] : memref<4x128xi32, #tpu.memory_space<vmem>> -> memref<1x128xi32, #tpu.memory_space<vmem>>
        %dma_wait3A_1068 = tpu.memref_squeeze %dma_wait3A_1067 : memref<1x128xi32, #tpu.memory_space<vmem>> -> memref<128xi32, #tpu.memory_space<vmem>>
        %dma_wait3A_1069 = arith.constant 0 : i32
        %dma_wait3A_1070 = tpu.memref_slice %arg4[%mul3A_892, %dma_wait3A_1069] : memref<301056x16xf32, #tpu.memory_space<hbm>> -> memref<100352x16xf32, #tpu.memory_space<hbm>>
        %dma_wait3A_1071 = arith.constant 0 : i32
        %dma_wait3A_1072 = arith.constant 0 : i32
        %dma_wait3A_1073 = tpu.memref_slice %dma_wait3A_1070[%dma_wait3A_1071, %dma_wait3A_1072] : memref<100352x16xf32, #tpu.memory_space<hbm>> -> memref<100352x16xf32, #tpu.memory_space<hbm>>
        tpu.wait_indirect_dma semaphore(%arg14 : memref<!tpu.dma_semaphore, #tpu.memory_space<semaphore_mem>>) src(%dma_wait3A_1073 : memref<100352x16xf32, #tpu.memory_space<hbm>>) dst(%dma_wait3A_1065 : memref<128x16xf32, #tpu.memory_space<vmem>>)
        %dma_wait3A_1074 = arith.constant 1 : i32
        %dma_wait3A_1075 = arith.constant 128 : i32
        %dma_wait3A_1076 = arith.constant 0 : i32
        %dma_wait3A_1077 = tpu.memref_slice %arg11[%dma_wait3A_1075, %dma_wait3A_1076] : memref<512x16xf32, #tpu.memory_space<vmem>> -> memref<128x16xf32, #tpu.memory_space<vmem>>
        %dma_wait3A_1078 = arith.constant 0 : i32
        %dma_wait3A_1079 = tpu.memref_slice %arg9[%dma_wait3A_1074, %dma_wait3A_1078] : memref<4x128xi32, #tpu.memory_space<vmem>> -> memref<1x128xi32, #tpu.memory_space<vmem>>
        %dma_wait3A_1080 = tpu.memref_squeeze %dma_wait3A_1079 : memref<1x128xi32, #tpu.memory_space<vmem>> -> memref<128xi32, #tpu.memory_space<vmem>>
        %dma_wait3A_1081 = arith.constant 0 : i32
        %dma_wait3A_1082 = tpu.memref_slice %arg4[%mul3A_892, %dma_wait3A_1081] : memref<301056x16xf32, #tpu.memory_space<hbm>> -> memref<100352x16xf32, #tpu.memory_space<hbm>>
        %dma_wait3A_1083 = arith.constant 0 : i32
        %dma_wait3A_1084 = arith.constant 0 : i32
        %dma_wait3A_1085 = tpu.memref_slice %dma_wait3A_1082[%dma_wait3A_1083, %dma_wait3A_1084] : memref<100352x16xf32, #tpu.memory_space<hbm>> -> memref<100352x16xf32, #tpu.memory_space<hbm>>
        tpu.wait_indirect_dma semaphore(%arg14 : memref<!tpu.dma_semaphore, #tpu.memory_space<semaphore_mem>>) src(%dma_wait3A_1085 : memref<100352x16xf32, #tpu.memory_space<hbm>>) dst(%dma_wait3A_1077 : memref<128x16xf32, #tpu.memory_space<vmem>>)
        %dma_wait3A_1086 = arith.constant 2 : i32
        %dma_wait3A_1087 = arith.constant 256 : i32
        %dma_wait3A_1088 = arith.constant 0 : i32
        %dma_wait3A_1089 = tpu.memref_slice %arg11[%dma_wait3A_1087, %dma_wait3A_1088] : memref<512x16xf32, #tpu.memory_space<vmem>> -> memref<128x16xf32, #tpu.memory_space<vmem>>
        %dma_wait3A_1090 = arith.constant 0 : i32
        %dma_wait3A_1091 = tpu.memref_slice %arg9[%dma_wait3A_1086, %dma_wait3A_1090] : memref<4x128xi32, #tpu.memory_space<vmem>> -> memref<1x128xi32, #tpu.memory_space<vmem>>
        %dma_wait3A_1092 = tpu.memref_squeeze %dma_wait3A_1091 : memref<1x128xi32, #tpu.memory_space<vmem>> -> memref<128xi32, #tpu.memory_space<vmem>>
        %dma_wait3A_1093 = arith.constant 0 : i32
        %dma_wait3A_1094 = tpu.memref_slice %arg4[%mul3A_892, %dma_wait3A_1093] : memref<301056x16xf32, #tpu.memory_space<hbm>> -> memref<100352x16xf32, #tpu.memory_space<hbm>>
        %dma_wait3A_1095 = arith.constant 0 : i32
        %dma_wait3A_1096 = arith.constant 0 : i32
        %dma_wait3A_1097 = tpu.memref_slice %dma_wait3A_1094[%dma_wait3A_1095, %dma_wait3A_1096] : memref<100352x16xf32, #tpu.memory_space<hbm>> -> memref<100352x16xf32, #tpu.memory_space<hbm>>
        tpu.wait_indirect_dma semaphore(%arg14 : memref<!tpu.dma_semaphore, #tpu.memory_space<semaphore_mem>>) src(%dma_wait3A_1097 : memref<100352x16xf32, #tpu.memory_space<hbm>>) dst(%dma_wait3A_1089 : memref<128x16xf32, #tpu.memory_space<vmem>>)
        %dma_wait3A_1098 = arith.constant 3 : i32
        %dma_wait3A_1099 = arith.constant 384 : i32
        %dma_wait3A_1100 = arith.constant 0 : i32
        %dma_wait3A_1101 = tpu.memref_slice %arg11[%dma_wait3A_1099, %dma_wait3A_1100] : memref<512x16xf32, #tpu.memory_space<vmem>> -> memref<128x16xf32, #tpu.memory_space<vmem>>
        %dma_wait3A_1102 = arith.constant 0 : i32
        %dma_wait3A_1103 = tpu.memref_slice %arg9[%dma_wait3A_1098, %dma_wait3A_1102] : memref<4x128xi32, #tpu.memory_space<vmem>> -> memref<1x128xi32, #tpu.memory_space<vmem>>
        %dma_wait3A_1104 = tpu.memref_squeeze %dma_wait3A_1103 : memref<1x128xi32, #tpu.memory_space<vmem>> -> memref<128xi32, #tpu.memory_space<vmem>>
        %dma_wait3A_1105 = arith.constant 0 : i32
        %dma_wait3A_1106 = tpu.memref_slice %arg4[%mul3A_892, %dma_wait3A_1105] : memref<301056x16xf32, #tpu.memory_space<hbm>> -> memref<100352x16xf32, #tpu.memory_space<hbm>>
        %dma_wait3A_1107 = arith.constant 0 : i32
        %dma_wait3A_1108 = arith.constant 0 : i32
        %dma_wait3A_1109 = tpu.memref_slice %dma_wait3A_1106[%dma_wait3A_1107, %dma_wait3A_1108] : memref<100352x16xf32, #tpu.memory_space<hbm>> -> memref<100352x16xf32, #tpu.memory_space<hbm>>
        tpu.wait_indirect_dma semaphore(%arg14 : memref<!tpu.dma_semaphore, #tpu.memory_space<semaphore_mem>>) src(%dma_wait3A_1109 : memref<100352x16xf32, #tpu.memory_space<hbm>>) dst(%dma_wait3A_1101 : memref<128x16xf32, #tpu.memory_space<vmem>>)
        %run_scoped3A_1110 = arith.constant 0 : i32
        "tpu.region"() ({
          %run_scoped3A_1115 = tpu.sem_alloc : memref<!tpu.dma_semaphore, #tpu.memory_space<semaphore_mem>>
          %dma_start3A_1116 = arith.constant 0 : i32
          %dma_start3A_1117 = arith.constant 0 : i32
          %dma_start3A_1118 = tpu.memref_slice %arg11[%dma_start3A_1116, %dma_start3A_1117] : memref<512x16xf32, #tpu.memory_space<vmem>> -> memref<128x16xf32, #tpu.memory_space<vmem>>
          %dma_start3A_1119 = arith.constant 0 : i32
          %dma_start3A_1120 = tpu.memref_slice %arg7[%run_scoped3A_1110, %dma_start3A_1119] : memref<4x128xi32, #tpu.memory_space<vmem>> -> memref<1x128xi32, #tpu.memory_space<vmem>>
          %dma_start3A_1121 = tpu.memref_squeeze %dma_start3A_1120 : memref<1x128xi32, #tpu.memory_space<vmem>> -> memref<128xi32, #tpu.memory_space<vmem>>
          %dma_start3A_1122 = arith.constant 0 : i32
          %dma_start3A_1123 = arith.constant 0 : i32
          %dma_start3A_1124 = tpu.memref_slice %arg12[%dma_start3A_1122, %dma_start3A_1123] : memref<100352x16xf32, #tpu.memory_space<vmem_shared>> -> memref<100352x16xf32, #tpu.memory_space<vmem_shared>>
          tpu.enqueue_indirect_dma source(%dma_start3A_1118 : memref<128x16xf32, #tpu.memory_space<vmem>>) target(%dma_start3A_1124 : memref<100352x16xf32, #tpu.memory_space<vmem_shared>>) offsets(%dma_start3A_1121 : memref<128xi32, #tpu.memory_space<vmem>>) semaphore(%run_scoped3A_1115 : memref<!tpu.dma_semaphore, #tpu.memory_space<semaphore_mem>>) {add = true}
          %dma_wait3A_1125 = arith.constant 0 : i32
          %dma_wait3A_1126 = arith.constant 0 : i32
          %dma_wait3A_1127 = tpu.memref_slice %arg11[%dma_wait3A_1125, %dma_wait3A_1126] : memref<512x16xf32, #tpu.memory_space<vmem>> -> memref<128x16xf32, #tpu.memory_space<vmem>>
          %dma_wait3A_1128 = arith.constant 0 : i32
          %dma_wait3A_1129 = tpu.memref_slice %arg7[%run_scoped3A_1110, %dma_wait3A_1128] : memref<4x128xi32, #tpu.memory_space<vmem>> -> memref<1x128xi32, #tpu.memory_space<vmem>>
          %dma_wait3A_1130 = tpu.memref_squeeze %dma_wait3A_1129 : memref<1x128xi32, #tpu.memory_space<vmem>> -> memref<128xi32, #tpu.memory_space<vmem>>
          %dma_wait3A_1131 = arith.constant 0 : i32
          %dma_wait3A_1132 = arith.constant 0 : i32
          %dma_wait3A_1133 = tpu.memref_slice %arg12[%dma_wait3A_1131, %dma_wait3A_1132] : memref<100352x16xf32, #tpu.memory_space<vmem_shared>> -> memref<100352x16xf32, #tpu.memory_space<vmem_shared>>
          tpu.wait_indirect_dma semaphore(%run_scoped3A_1115 : memref<!tpu.dma_semaphore, #tpu.memory_space<semaphore_mem>>) src(%dma_wait3A_1127 : memref<128x16xf32, #tpu.memory_space<vmem>>) dst(%dma_wait3A_1133 : memref<100352x16xf32, #tpu.memory_space<vmem_shared>>)
          tpu.yield
        }) : () -> ()
        %run_scoped3A_1111 = arith.constant 1 : i32
        "tpu.region"() ({
          %run_scoped3A_1115 = tpu.sem_alloc : memref<!tpu.dma_semaphore, #tpu.memory_space<semaphore_mem>>
          %dma_start3A_1116 = arith.constant 128 : i32
          %dma_start3A_1117 = arith.constant 0 : i32
          %dma_start3A_1118 = tpu.memref_slice %arg11[%dma_start3A_1116, %dma_start3A_1117] : memref<512x16xf32, #tpu.memory_space<vmem>> -> memref<128x16xf32, #tpu.memory_space<vmem>>
          %dma_start3A_1119 = arith.constant 0 : i32
          %dma_start3A_1120 = tpu.memref_slice %arg7[%run_scoped3A_1111, %dma_start3A_1119] : memref<4x128xi32, #tpu.memory_space<vmem>> -> memref<1x128xi32, #tpu.memory_space<vmem>>
          %dma_start3A_1121 = tpu.memref_squeeze %dma_start3A_1120 : memref<1x128xi32, #tpu.memory_space<vmem>> -> memref<128xi32, #tpu.memory_space<vmem>>
          %dma_start3A_1122 = arith.constant 0 : i32
          %dma_start3A_1123 = arith.constant 0 : i32
          %dma_start3A_1124 = tpu.memref_slice %arg12[%dma_start3A_1122, %dma_start3A_1123] : memref<100352x16xf32, #tpu.memory_space<vmem_shared>> -> memref<100352x16xf32, #tpu.memory_space<vmem_shared>>
          tpu.enqueue_indirect_dma source(%dma_start3A_1118 : memref<128x16xf32, #tpu.memory_space<vmem>>) target(%dma_start3A_1124 : memref<100352x16xf32, #tpu.memory_space<vmem_shared>>) offsets(%dma_start3A_1121 : memref<128xi32, #tpu.memory_space<vmem>>) semaphore(%run_scoped3A_1115 : memref<!tpu.dma_semaphore, #tpu.memory_space<semaphore_mem>>) {add = true}
          %dma_wait3A_1125 = arith.constant 128 : i32
          %dma_wait3A_1126 = arith.constant 0 : i32
          %dma_wait3A_1127 = tpu.memref_slice %arg11[%dma_wait3A_1125, %dma_wait3A_1126] : memref<512x16xf32, #tpu.memory_space<vmem>> -> memref<128x16xf32, #tpu.memory_space<vmem>>
          %dma_wait3A_1128 = arith.constant 0 : i32
          %dma_wait3A_1129 = tpu.memref_slice %arg7[%run_scoped3A_1111, %dma_wait3A_1128] : memref<4x128xi32, #tpu.memory_space<vmem>> -> memref<1x128xi32, #tpu.memory_space<vmem>>
          %dma_wait3A_1130 = tpu.memref_squeeze %dma_wait3A_1129 : memref<1x128xi32, #tpu.memory_space<vmem>> -> memref<128xi32, #tpu.memory_space<vmem>>
          %dma_wait3A_1131 = arith.constant 0 : i32
          %dma_wait3A_1132 = arith.constant 0 : i32
          %dma_wait3A_1133 = tpu.memref_slice %arg12[%dma_wait3A_1131, %dma_wait3A_1132] : memref<100352x16xf32, #tpu.memory_space<vmem_shared>> -> memref<100352x16xf32, #tpu.memory_space<vmem_shared>>
          tpu.wait_indirect_dma semaphore(%run_scoped3A_1115 : memref<!tpu.dma_semaphore, #tpu.memory_space<semaphore_mem>>) src(%dma_wait3A_1127 : memref<128x16xf32, #tpu.memory_space<vmem>>) dst(%dma_wait3A_1133 : memref<100352x16xf32, #tpu.memory_space<vmem_shared>>)
          tpu.yield
        }) : () -> ()
        %run_scoped3A_1112 = arith.constant 2 : i32
        "tpu.region"() ({
          %run_scoped3A_1115 = tpu.sem_alloc : memref<!tpu.dma_semaphore, #tpu.memory_space<semaphore_mem>>
          %dma_start3A_1116 = arith.constant 256 : i32
          %dma_start3A_1117 = arith.constant 0 : i32
          %dma_start3A_1118 = tpu.memref_slice %arg11[%dma_start3A_1116, %dma_start3A_1117] : memref<512x16xf32, #tpu.memory_space<vmem>> -> memref<128x16xf32, #tpu.memory_space<vmem>>
          %dma_start3A_1119 = arith.constant 0 : i32
          %dma_start3A_1120 = tpu.memref_slice %arg7[%run_scoped3A_1112, %dma_start3A_1119] : memref<4x128xi32, #tpu.memory_space<vmem>> -> memref<1x128xi32, #tpu.memory_space<vmem>>
          %dma_start3A_1121 = tpu.memref_squeeze %dma_start3A_1120 : memref<1x128xi32, #tpu.memory_space<vmem>> -> memref<128xi32, #tpu.memory_space<vmem>>
          %dma_start3A_1122 = arith.constant 0 : i32
          %dma_start3A_1123 = arith.constant 0 : i32
          %dma_start3A_1124 = tpu.memref_slice %arg12[%dma_start3A_1122, %dma_start3A_1123] : memref<100352x16xf32, #tpu.memory_space<vmem_shared>> -> memref<100352x16xf32, #tpu.memory_space<vmem_shared>>
          tpu.enqueue_indirect_dma source(%dma_start3A_1118 : memref<128x16xf32, #tpu.memory_space<vmem>>) target(%dma_start3A_1124 : memref<100352x16xf32, #tpu.memory_space<vmem_shared>>) offsets(%dma_start3A_1121 : memref<128xi32, #tpu.memory_space<vmem>>) semaphore(%run_scoped3A_1115 : memref<!tpu.dma_semaphore, #tpu.memory_space<semaphore_mem>>) {add = true}
          %dma_wait3A_1125 = arith.constant 256 : i32
          %dma_wait3A_1126 = arith.constant 0 : i32
          %dma_wait3A_1127 = tpu.memref_slice %arg11[%dma_wait3A_1125, %dma_wait3A_1126] : memref<512x16xf32, #tpu.memory_space<vmem>> -> memref<128x16xf32, #tpu.memory_space<vmem>>
          %dma_wait3A_1128 = arith.constant 0 : i32
          %dma_wait3A_1129 = tpu.memref_slice %arg7[%run_scoped3A_1112, %dma_wait3A_1128] : memref<4x128xi32, #tpu.memory_space<vmem>> -> memref<1x128xi32, #tpu.memory_space<vmem>>
          %dma_wait3A_1130 = tpu.memref_squeeze %dma_wait3A_1129 : memref<1x128xi32, #tpu.memory_space<vmem>> -> memref<128xi32, #tpu.memory_space<vmem>>
          %dma_wait3A_1131 = arith.constant 0 : i32
          %dma_wait3A_1132 = arith.constant 0 : i32
          %dma_wait3A_1133 = tpu.memref_slice %arg12[%dma_wait3A_1131, %dma_wait3A_1132] : memref<100352x16xf32, #tpu.memory_space<vmem_shared>> -> memref<100352x16xf32, #tpu.memory_space<vmem_shared>>
          tpu.wait_indirect_dma semaphore(%run_scoped3A_1115 : memref<!tpu.dma_semaphore, #tpu.memory_space<semaphore_mem>>) src(%dma_wait3A_1127 : memref<128x16xf32, #tpu.memory_space<vmem>>) dst(%dma_wait3A_1133 : memref<100352x16xf32, #tpu.memory_space<vmem_shared>>)
          tpu.yield
        }) : () -> ()
        %run_scoped3A_1113 = arith.constant 3 : i32
        "tpu.region"() ({
          %run_scoped3A_1115 = tpu.sem_alloc : memref<!tpu.dma_semaphore, #tpu.memory_space<semaphore_mem>>
          %dma_start3A_1116 = arith.constant 384 : i32
          %dma_start3A_1117 = arith.constant 0 : i32
          %dma_start3A_1118 = tpu.memref_slice %arg11[%dma_start3A_1116, %dma_start3A_1117] : memref<512x16xf32, #tpu.memory_space<vmem>> -> memref<128x16xf32, #tpu.memory_space<vmem>>
          %dma_start3A_1119 = arith.constant 0 : i32
          %dma_start3A_1120 = tpu.memref_slice %arg7[%run_scoped3A_1113, %dma_start3A_1119] : memref<4x128xi32, #tpu.memory_space<vmem>> -> memref<1x128xi32, #tpu.memory_space<vmem>>
          %dma_start3A_1121 = tpu.memref_squeeze %dma_start3A_1120 : memref<1x128xi32, #tpu.memory_space<vmem>> -> memref<128xi32, #tpu.memory_space<vmem>>
          %dma_start3A_1122 = arith.constant 0 : i32
          %dma_start3A_1123 = arith.constant 0 : i32
          %dma_start3A_1124 = tpu.memref_slice %arg12[%dma_start3A_1122, %dma_start3A_1123] : memref<100352x16xf32, #tpu.memory_space<vmem_shared>> -> memref<100352x16xf32, #tpu.memory_space<vmem_shared>>
          tpu.enqueue_indirect_dma source(%dma_start3A_1118 : memref<128x16xf32, #tpu.memory_space<vmem>>) target(%dma_start3A_1124 : memref<100352x16xf32, #tpu.memory_space<vmem_shared>>) offsets(%dma_start3A_1121 : memref<128xi32, #tpu.memory_space<vmem>>) semaphore(%run_scoped3A_1115 : memref<!tpu.dma_semaphore, #tpu.memory_space<semaphore_mem>>) {add = true}
          %dma_wait3A_1125 = arith.constant 384 : i32
          %dma_wait3A_1126 = arith.constant 0 : i32
          %dma_wait3A_1127 = tpu.memref_slice %arg11[%dma_wait3A_1125, %dma_wait3A_1126] : memref<512x16xf32, #tpu.memory_space<vmem>> -> memref<128x16xf32, #tpu.memory_space<vmem>>
          %dma_wait3A_1128 = arith.constant 0 : i32
          %dma_wait3A_1129 = tpu.memref_slice %arg7[%run_scoped3A_1113, %dma_wait3A_1128] : memref<4x128xi32, #tpu.memory_space<vmem>> -> memref<1x128xi32, #tpu.memory_space<vmem>>
          %dma_wait3A_1130 = tpu.memref_squeeze %dma_wait3A_1129 : memref<1x128xi32, #tpu.memory_space<vmem>> -> memref<128xi32, #tpu.memory_space<vmem>>
          %dma_wait3A_1131 = arith.constant 0 : i32
          %dma_wait3A_1132 = arith.constant 0 : i32
          %dma_wait3A_1133 = tpu.memref_slice %arg12[%dma_wait3A_1131, %dma_wait3A_1132] : memref<100352x16xf32, #tpu.memory_space<vmem_shared>> -> memref<100352x16xf32, #tpu.memory_space<vmem_shared>>
          tpu.wait_indirect_dma semaphore(%run_scoped3A_1115 : memref<!tpu.dma_semaphore, #tpu.memory_space<semaphore_mem>>) src(%dma_wait3A_1127 : memref<128x16xf32, #tpu.memory_space<vmem>>) dst(%dma_wait3A_1133 : memref<100352x16xf32, #tpu.memory_space<vmem_shared>>)
          tpu.yield
        }) : () -> ()
        %scan3A_1114 = arith.constant 0 : i32
        scf.yield %scan3A_1114 : i32
      }
      %scan3A_949 = arith.constant 98 : i32
    } else {
    }
    %eq3A_512 = arith.constant 1 : i32
    %eq3A_513 = arith.cmpi eq, %arg0, %eq3A_512 : i32
    %convert_element_type3A_514 = arith.extui %eq3A_513 : i1 to i32
    %cond3A_515 = arith.constant 0 : i32
    %cond3A_516 = arith.cmpi ne, %convert_element_type3A_514, %cond3A_515 : i32
    scf.if %cond3A_516 {
      %add3A_890 = arith.constant 0 : i32
      %add3A_891 = arith.addi %mul3A_2, %add3A_890 : i32
      "tpu.region"() ({
        %run_scoped3A = tpu.sem_alloc : memref<!tpu.dma_semaphore, #tpu.memory_space<semaphore_mem>>
        %dma_start3A_899 = arith.constant 0 : i32
        %dma_start3A_900 = tpu.memref_slice %arg2[%add3A_891, %dma_start3A_899] : memref<12544x128xi32, #tpu.memory_space<hbm>> -> memref<4x128xi32, #tpu.memory_space<hbm>>
        %dma_start3A_901 = arith.constant 0 : i32
        %dma_start3A_902 = tpu.memref_slice %arg2[%add3A_891, %dma_start3A_901] : memref<12544x128xi32, #tpu.memory_space<hbm>> -> memref<4x128xi32, #tpu.memory_space<hbm>>
        tpu.enqueue_dma source(%dma_start3A_902 : memref<4x128xi32, #tpu.memory_space<hbm>>) target(%arg6 : memref<4x128xi32, #tpu.memory_space<vmem>>) target_semaphore(%run_scoped3A : memref<!tpu.dma_semaphore, #tpu.memory_space<semaphore_mem>>)
        %dma_wait3A_903 = arith.constant 0 : i32
        %dma_wait3A_904 = tpu.memref_slice %arg2[%add3A_891, %dma_wait3A_903] : memref<12544x128xi32, #tpu.memory_space<hbm>> -> memref<4x128xi32, #tpu.memory_space<hbm>>
        %dma_wait3A_905 = arith.constant 0 : i32
        %dma_wait3A_906 = tpu.memref_slice %arg2[%add3A_891, %dma_wait3A_905] : memref<12544x128xi32, #tpu.memory_space<hbm>> -> memref<4x128xi32, #tpu.memory_space<hbm>>
        tpu.wait_dma2 semaphore(%run_scoped3A : memref<!tpu.dma_semaphore, #tpu.memory_space<semaphore_mem>>) src(%dma_wait3A_906 : memref<4x128xi32, #tpu.memory_space<hbm>>) dst(%arg6 : memref<4x128xi32, #tpu.memory_space<vmem>>)
        tpu.yield
      }) : () -> ()
      %scan3A_892 = arith.constant 0 : i32
      %scan3A_893 = arith.constant 0 : i32
      %scan3A_894 = arith.constant 98 : i32
      %scan3A_895 = arith.addi %scan3A_893, %scan3A_894 : i32
      %scan3A_896 = arith.constant 1 : i32
      %scan3A_897 = scf.for %scan3A_899 = %scan3A_893 to %scan3A_895 step %scan3A_896 iter_args(%scan3A_900 = %scan3A_892) -> (i32)  : i32 {
        %mul3A_901 = arith.constant 2 : i32
        %mul3A_902 = arith.muli %mul3A_901, %scan3A_899 : i32
        %add3A_903 = arith.constant 1 : i32
        %add3A_904 = arith.addi %mul3A_902, %add3A_903 : i32
        %mul3A_905 = arith.constant 4 : i32
        %mul3A_906 = arith.muli %add3A_904, %mul3A_905 : i32
        %add3A_907 = arith.addi %mul3A_2, %mul3A_906 : i32
        "tpu.region"() ({
          %run_scoped3A_920 = tpu.sem_alloc : memref<!tpu.dma_semaphore, #tpu.memory_space<semaphore_mem>>
          %dma_start3A_921 = arith.constant 0 : i32
          %dma_start3A_922 = tpu.memref_slice %arg2[%add3A_907, %dma_start3A_921] : memref<12544x128xi32, #tpu.memory_space<hbm>> -> memref<4x128xi32, #tpu.memory_space<hbm>>
          %dma_start3A_923 = arith.constant 0 : i32
          %dma_start3A_924 = tpu.memref_slice %arg2[%add3A_907, %dma_start3A_923] : memref<12544x128xi32, #tpu.memory_space<hbm>> -> memref<4x128xi32, #tpu.memory_space<hbm>>
          tpu.enqueue_dma source(%dma_start3A_924 : memref<4x128xi32, #tpu.memory_space<hbm>>) target(%arg7 : memref<4x128xi32, #tpu.memory_space<vmem>>) target_semaphore(%run_scoped3A_920 : memref<!tpu.dma_semaphore, #tpu.memory_space<semaphore_mem>>)
          %dma_wait3A_925 = arith.constant 0 : i32
          %dma_wait3A_926 = tpu.memref_slice %arg2[%add3A_907, %dma_wait3A_925] : memref<12544x128xi32, #tpu.memory_space<hbm>> -> memref<4x128xi32, #tpu.memory_space<hbm>>
          %dma_wait3A_927 = arith.constant 0 : i32
          %dma_wait3A_928 = tpu.memref_slice %arg2[%add3A_907, %dma_wait3A_927] : memref<12544x128xi32, #tpu.memory_space<hbm>> -> memref<4x128xi32, #tpu.memory_space<hbm>>
          tpu.wait_dma2 semaphore(%run_scoped3A_920 : memref<!tpu.dma_semaphore, #tpu.memory_space<semaphore_mem>>) src(%dma_wait3A_928 : memref<4x128xi32, #tpu.memory_space<hbm>>) dst(%arg7 : memref<4x128xi32, #tpu.memory_space<vmem>>)
          tpu.yield
        }) : () -> ()
        %run_scoped3A = arith.constant 0 : i32
        "tpu.region"() ({
          %run_scoped3A_920 = tpu.sem_alloc : memref<!tpu.dma_semaphore, #tpu.memory_space<semaphore_mem>>
          %dma_start3A_921 = arith.constant 0 : i32
          %dma_start3A_922 = arith.constant 0 : i32
          %dma_start3A_923 = tpu.memref_slice %arg10[%dma_start3A_921, %dma_start3A_922] : memref<512x16xf32, #tpu.memory_space<vmem>> -> memref<128x16xf32, #tpu.memory_space<vmem>>
          %dma_start3A_924 = arith.constant 0 : i32
          %dma_start3A_925 = tpu.memref_slice %arg6[%run_scoped3A, %dma_start3A_924] : memref<4x128xi32, #tpu.memory_space<vmem>> -> memref<1x128xi32, #tpu.memory_space<vmem>>
          %dma_start3A_926 = tpu.memref_squeeze %dma_start3A_925 : memref<1x128xi32, #tpu.memory_space<vmem>> -> memref<128xi32, #tpu.memory_space<vmem>>
          %dma_start3A_927 = arith.constant 0 : i32
          %dma_start3A_928 = arith.constant 0 : i32
          %dma_start3A_929 = tpu.memref_slice %arg12[%dma_start3A_927, %dma_start3A_928] : memref<100352x16xf32, #tpu.memory_space<vmem_shared>> -> memref<100352x16xf32, #tpu.memory_space<vmem_shared>>
          tpu.enqueue_indirect_dma source(%dma_start3A_923 : memref<128x16xf32, #tpu.memory_space<vmem>>) target(%dma_start3A_929 : memref<100352x16xf32, #tpu.memory_space<vmem_shared>>) offsets(%dma_start3A_926 : memref<128xi32, #tpu.memory_space<vmem>>) semaphore(%run_scoped3A_920 : memref<!tpu.dma_semaphore, #tpu.memory_space<semaphore_mem>>) {add = true}
          %dma_wait3A_930 = arith.constant 0 : i32
          %dma_wait3A_931 = arith.constant 0 : i32
          %dma_wait3A_932 = tpu.memref_slice %arg10[%dma_wait3A_930, %dma_wait3A_931] : memref<512x16xf32, #tpu.memory_space<vmem>> -> memref<128x16xf32, #tpu.memory_space<vmem>>
          %dma_wait3A_933 = arith.constant 0 : i32
          %dma_wait3A_934 = tpu.memref_slice %arg6[%run_scoped3A, %dma_wait3A_933] : memref<4x128xi32, #tpu.memory_space<vmem>> -> memref<1x128xi32, #tpu.memory_space<vmem>>
          %dma_wait3A_935 = tpu.memref_squeeze %dma_wait3A_934 : memref<1x128xi32, #tpu.memory_space<vmem>> -> memref<128xi32, #tpu.memory_space<vmem>>
          %dma_wait3A_936 = arith.constant 0 : i32
          %dma_wait3A_937 = arith.constant 0 : i32
          %dma_wait3A_938 = tpu.memref_slice %arg12[%dma_wait3A_936, %dma_wait3A_937] : memref<100352x16xf32, #tpu.memory_space<vmem_shared>> -> memref<100352x16xf32, #tpu.memory_space<vmem_shared>>
          tpu.wait_indirect_dma semaphore(%run_scoped3A_920 : memref<!tpu.dma_semaphore, #tpu.memory_space<semaphore_mem>>) src(%dma_wait3A_932 : memref<128x16xf32, #tpu.memory_space<vmem>>) dst(%dma_wait3A_938 : memref<100352x16xf32, #tpu.memory_space<vmem_shared>>)
          tpu.yield
        }) : () -> ()
        %run_scoped3A_908 = arith.constant 1 : i32
        "tpu.region"() ({
          %run_scoped3A_920 = tpu.sem_alloc : memref<!tpu.dma_semaphore, #tpu.memory_space<semaphore_mem>>
          %dma_start3A_921 = arith.constant 0 : i32
          %dma_start3A_922 = arith.constant 0 : i32
          %dma_start3A_923 = tpu.memref_slice %arg10[%dma_start3A_921, %dma_start3A_922] : memref<512x16xf32, #tpu.memory_space<vmem>> -> memref<128x16xf32, #tpu.memory_space<vmem>>
          %dma_start3A_924 = arith.constant 0 : i32
          %dma_start3A_925 = tpu.memref_slice %arg6[%run_scoped3A_908, %dma_start3A_924] : memref<4x128xi32, #tpu.memory_space<vmem>> -> memref<1x128xi32, #tpu.memory_space<vmem>>
          %dma_start3A_926 = tpu.memref_squeeze %dma_start3A_925 : memref<1x128xi32, #tpu.memory_space<vmem>> -> memref<128xi32, #tpu.memory_space<vmem>>
          %dma_start3A_927 = arith.constant 0 : i32
          %dma_start3A_928 = arith.constant 0 : i32
          %dma_start3A_929 = tpu.memref_slice %arg12[%dma_start3A_927, %dma_start3A_928] : memref<100352x16xf32, #tpu.memory_space<vmem_shared>> -> memref<100352x16xf32, #tpu.memory_space<vmem_shared>>
          tpu.enqueue_indirect_dma source(%dma_start3A_923 : memref<128x16xf32, #tpu.memory_space<vmem>>) target(%dma_start3A_929 : memref<100352x16xf32, #tpu.memory_space<vmem_shared>>) offsets(%dma_start3A_926 : memref<128xi32, #tpu.memory_space<vmem>>) semaphore(%run_scoped3A_920 : memref<!tpu.dma_semaphore, #tpu.memory_space<semaphore_mem>>) {add = true}
          %dma_wait3A_930 = arith.constant 0 : i32
          %dma_wait3A_931 = arith.constant 0 : i32
          %dma_wait3A_932 = tpu.memref_slice %arg10[%dma_wait3A_930, %dma_wait3A_931] : memref<512x16xf32, #tpu.memory_space<vmem>> -> memref<128x16xf32, #tpu.memory_space<vmem>>
          %dma_wait3A_933 = arith.constant 0 : i32
          %dma_wait3A_934 = tpu.memref_slice %arg6[%run_scoped3A_908, %dma_wait3A_933] : memref<4x128xi32, #tpu.memory_space<vmem>> -> memref<1x128xi32, #tpu.memory_space<vmem>>
          %dma_wait3A_935 = tpu.memref_squeeze %dma_wait3A_934 : memref<1x128xi32, #tpu.memory_space<vmem>> -> memref<128xi32, #tpu.memory_space<vmem>>
          %dma_wait3A_936 = arith.constant 0 : i32
          %dma_wait3A_937 = arith.constant 0 : i32
          %dma_wait3A_938 = tpu.memref_slice %arg12[%dma_wait3A_936, %dma_wait3A_937] : memref<100352x16xf32, #tpu.memory_space<vmem_shared>> -> memref<100352x16xf32, #tpu.memory_space<vmem_shared>>
          tpu.wait_indirect_dma semaphore(%run_scoped3A_920 : memref<!tpu.dma_semaphore, #tpu.memory_space<semaphore_mem>>) src(%dma_wait3A_932 : memref<128x16xf32, #tpu.memory_space<vmem>>) dst(%dma_wait3A_938 : memref<100352x16xf32, #tpu.memory_space<vmem_shared>>)
          tpu.yield
        }) : () -> ()
        %run_scoped3A_909 = arith.constant 2 : i32
        "tpu.region"() ({
          %run_scoped3A_920 = tpu.sem_alloc : memref<!tpu.dma_semaphore, #tpu.memory_space<semaphore_mem>>
          %dma_start3A_921 = arith.constant 0 : i32
          %dma_start3A_922 = arith.constant 0 : i32
          %dma_start3A_923 = tpu.memref_slice %arg10[%dma_start3A_921, %dma_start3A_922] : memref<512x16xf32, #tpu.memory_space<vmem>> -> memref<128x16xf32, #tpu.memory_space<vmem>>
          %dma_start3A_924 = arith.constant 0 : i32
          %dma_start3A_925 = tpu.memref_slice %arg6[%run_scoped3A_909, %dma_start3A_924] : memref<4x128xi32, #tpu.memory_space<vmem>> -> memref<1x128xi32, #tpu.memory_space<vmem>>
          %dma_start3A_926 = tpu.memref_squeeze %dma_start3A_925 : memref<1x128xi32, #tpu.memory_space<vmem>> -> memref<128xi32, #tpu.memory_space<vmem>>
          %dma_start3A_927 = arith.constant 0 : i32
          %dma_start3A_928 = arith.constant 0 : i32
          %dma_start3A_929 = tpu.memref_slice %arg12[%dma_start3A_927, %dma_start3A_928] : memref<100352x16xf32, #tpu.memory_space<vmem_shared>> -> memref<100352x16xf32, #tpu.memory_space<vmem_shared>>
          tpu.enqueue_indirect_dma source(%dma_start3A_923 : memref<128x16xf32, #tpu.memory_space<vmem>>) target(%dma_start3A_929 : memref<100352x16xf32, #tpu.memory_space<vmem_shared>>) offsets(%dma_start3A_926 : memref<128xi32, #tpu.memory_space<vmem>>) semaphore(%run_scoped3A_920 : memref<!tpu.dma_semaphore, #tpu.memory_space<semaphore_mem>>) {add = true}
          %dma_wait3A_930 = arith.constant 0 : i32
          %dma_wait3A_931 = arith.constant 0 : i32
          %dma_wait3A_932 = tpu.memref_slice %arg10[%dma_wait3A_930, %dma_wait3A_931] : memref<512x16xf32, #tpu.memory_space<vmem>> -> memref<128x16xf32, #tpu.memory_space<vmem>>
          %dma_wait3A_933 = arith.constant 0 : i32
          %dma_wait3A_934 = tpu.memref_slice %arg6[%run_scoped3A_909, %dma_wait3A_933] : memref<4x128xi32, #tpu.memory_space<vmem>> -> memref<1x128xi32, #tpu.memory_space<vmem>>
          %dma_wait3A_935 = tpu.memref_squeeze %dma_wait3A_934 : memref<1x128xi32, #tpu.memory_space<vmem>> -> memref<128xi32, #tpu.memory_space<vmem>>
          %dma_wait3A_936 = arith.constant 0 : i32
          %dma_wait3A_937 = arith.constant 0 : i32
          %dma_wait3A_938 = tpu.memref_slice %arg12[%dma_wait3A_936, %dma_wait3A_937] : memref<100352x16xf32, #tpu.memory_space<vmem_shared>> -> memref<100352x16xf32, #tpu.memory_space<vmem_shared>>
          tpu.wait_indirect_dma semaphore(%run_scoped3A_920 : memref<!tpu.dma_semaphore, #tpu.memory_space<semaphore_mem>>) src(%dma_wait3A_932 : memref<128x16xf32, #tpu.memory_space<vmem>>) dst(%dma_wait3A_938 : memref<100352x16xf32, #tpu.memory_space<vmem_shared>>)
          tpu.yield
        }) : () -> ()
        %run_scoped3A_910 = arith.constant 3 : i32
        "tpu.region"() ({
          %run_scoped3A_920 = tpu.sem_alloc : memref<!tpu.dma_semaphore, #tpu.memory_space<semaphore_mem>>
          %dma_start3A_921 = arith.constant 0 : i32
          %dma_start3A_922 = arith.constant 0 : i32
          %dma_start3A_923 = tpu.memref_slice %arg10[%dma_start3A_921, %dma_start3A_922] : memref<512x16xf32, #tpu.memory_space<vmem>> -> memref<128x16xf32, #tpu.memory_space<vmem>>
          %dma_start3A_924 = arith.constant 0 : i32
          %dma_start3A_925 = tpu.memref_slice %arg6[%run_scoped3A_910, %dma_start3A_924] : memref<4x128xi32, #tpu.memory_space<vmem>> -> memref<1x128xi32, #tpu.memory_space<vmem>>
          %dma_start3A_926 = tpu.memref_squeeze %dma_start3A_925 : memref<1x128xi32, #tpu.memory_space<vmem>> -> memref<128xi32, #tpu.memory_space<vmem>>
          %dma_start3A_927 = arith.constant 0 : i32
          %dma_start3A_928 = arith.constant 0 : i32
          %dma_start3A_929 = tpu.memref_slice %arg12[%dma_start3A_927, %dma_start3A_928] : memref<100352x16xf32, #tpu.memory_space<vmem_shared>> -> memref<100352x16xf32, #tpu.memory_space<vmem_shared>>
          tpu.enqueue_indirect_dma source(%dma_start3A_923 : memref<128x16xf32, #tpu.memory_space<vmem>>) target(%dma_start3A_929 : memref<100352x16xf32, #tpu.memory_space<vmem_shared>>) offsets(%dma_start3A_926 : memref<128xi32, #tpu.memory_space<vmem>>) semaphore(%run_scoped3A_920 : memref<!tpu.dma_semaphore, #tpu.memory_space<semaphore_mem>>) {add = true}
          %dma_wait3A_930 = arith.constant 0 : i32
          %dma_wait3A_931 = arith.constant 0 : i32
          %dma_wait3A_932 = tpu.memref_slice %arg10[%dma_wait3A_930, %dma_wait3A_931] : memref<512x16xf32, #tpu.memory_space<vmem>> -> memref<128x16xf32, #tpu.memory_space<vmem>>
          %dma_wait3A_933 = arith.constant 0 : i32
          %dma_wait3A_934 = tpu.memref_slice %arg6[%run_scoped3A_910, %dma_wait3A_933] : memref<4x128xi32, #tpu.memory_space<vmem>> -> memref<1x128xi32, #tpu.memory_space<vmem>>
          %dma_wait3A_935 = tpu.memref_squeeze %dma_wait3A_934 : memref<1x128xi32, #tpu.memory_space<vmem>> -> memref<128xi32, #tpu.memory_space<vmem>>
          %dma_wait3A_936 = arith.constant 0 : i32
          %dma_wait3A_937 = arith.constant 0 : i32
          %dma_wait3A_938 = tpu.memref_slice %arg12[%dma_wait3A_936, %dma_wait3A_937] : memref<100352x16xf32, #tpu.memory_space<vmem_shared>> -> memref<100352x16xf32, #tpu.memory_space<vmem_shared>>
          tpu.wait_indirect_dma semaphore(%run_scoped3A_920 : memref<!tpu.dma_semaphore, #tpu.memory_space<semaphore_mem>>) src(%dma_wait3A_932 : memref<128x16xf32, #tpu.memory_space<vmem>>) dst(%dma_wait3A_938 : memref<100352x16xf32, #tpu.memory_space<vmem_shared>>)
          tpu.yield
        }) : () -> ()
        %lt3A = arith.constant 97 : i32
        %lt3A_911 = arith.cmpi slt, %scan3A_899, %lt3A : i32
        %convert_element_type3A_912 = arith.extui %lt3A_911 : i1 to i32
        %cond3A_913 = arith.constant 0 : i32
        %cond3A_914 = arith.cmpi ne, %convert_element_type3A_912, %cond3A_913 : i32
        scf.if %cond3A_914 {
          %mul3A_920 = arith.constant 2 : i32
          %mul3A_921 = arith.muli %mul3A_920, %scan3A_899 : i32
          %add3A_922 = arith.constant 2 : i32
          %add3A_923 = arith.addi %mul3A_921, %add3A_922 : i32
          %mul3A_924 = arith.constant 4 : i32
          %mul3A_925 = arith.muli %add3A_923, %mul3A_924 : i32
          %add3A_926 = arith.addi %mul3A_2, %mul3A_925 : i32
          "tpu.region"() ({
            %run_scoped3A_927 = tpu.sem_alloc : memref<!tpu.dma_semaphore, #tpu.memory_space<semaphore_mem>>
            %dma_start3A_928 = arith.constant 0 : i32
            %dma_start3A_929 = tpu.memref_slice %arg2[%add3A_926, %dma_start3A_928] : memref<12544x128xi32, #tpu.memory_space<hbm>> -> memref<4x128xi32, #tpu.memory_space<hbm>>
            %dma_start3A_930 = arith.constant 0 : i32
            %dma_start3A_931 = tpu.memref_slice %arg2[%add3A_926, %dma_start3A_930] : memref<12544x128xi32, #tpu.memory_space<hbm>> -> memref<4x128xi32, #tpu.memory_space<hbm>>
            tpu.enqueue_dma source(%dma_start3A_931 : memref<4x128xi32, #tpu.memory_space<hbm>>) target(%arg6 : memref<4x128xi32, #tpu.memory_space<vmem>>) target_semaphore(%run_scoped3A_927 : memref<!tpu.dma_semaphore, #tpu.memory_space<semaphore_mem>>)
            %dma_wait3A_932 = arith.constant 0 : i32
            %dma_wait3A_933 = tpu.memref_slice %arg2[%add3A_926, %dma_wait3A_932] : memref<12544x128xi32, #tpu.memory_space<hbm>> -> memref<4x128xi32, #tpu.memory_space<hbm>>
            %dma_wait3A_934 = arith.constant 0 : i32
            %dma_wait3A_935 = tpu.memref_slice %arg2[%add3A_926, %dma_wait3A_934] : memref<12544x128xi32, #tpu.memory_space<hbm>> -> memref<4x128xi32, #tpu.memory_space<hbm>>
            tpu.wait_dma2 semaphore(%run_scoped3A_927 : memref<!tpu.dma_semaphore, #tpu.memory_space<semaphore_mem>>) src(%dma_wait3A_935 : memref<4x128xi32, #tpu.memory_space<hbm>>) dst(%arg6 : memref<4x128xi32, #tpu.memory_space<vmem>>)
            tpu.yield
          }) : () -> ()
        } else {
        }
        %run_scoped3A_915 = arith.constant 0 : i32
        "tpu.region"() ({
          %run_scoped3A_920 = tpu.sem_alloc : memref<!tpu.dma_semaphore, #tpu.memory_space<semaphore_mem>>
          %dma_start3A_921 = arith.constant 0 : i32
          %dma_start3A_922 = arith.constant 0 : i32
          %dma_start3A_923 = tpu.memref_slice %arg11[%dma_start3A_921, %dma_start3A_922] : memref<512x16xf32, #tpu.memory_space<vmem>> -> memref<128x16xf32, #tpu.memory_space<vmem>>
          %dma_start3A_924 = arith.constant 0 : i32
          %dma_start3A_925 = tpu.memref_slice %arg7[%run_scoped3A_915, %dma_start3A_924] : memref<4x128xi32, #tpu.memory_space<vmem>> -> memref<1x128xi32, #tpu.memory_space<vmem>>
          %dma_start3A_926 = tpu.memref_squeeze %dma_start3A_925 : memref<1x128xi32, #tpu.memory_space<vmem>> -> memref<128xi32, #tpu.memory_space<vmem>>
          %dma_start3A_927 = arith.constant 0 : i32
          %dma_start3A_928 = arith.constant 0 : i32
          %dma_start3A_929 = tpu.memref_slice %arg12[%dma_start3A_927, %dma_start3A_928] : memref<100352x16xf32, #tpu.memory_space<vmem_shared>> -> memref<100352x16xf32, #tpu.memory_space<vmem_shared>>
          tpu.enqueue_indirect_dma source(%dma_start3A_923 : memref<128x16xf32, #tpu.memory_space<vmem>>) target(%dma_start3A_929 : memref<100352x16xf32, #tpu.memory_space<vmem_shared>>) offsets(%dma_start3A_926 : memref<128xi32, #tpu.memory_space<vmem>>) semaphore(%run_scoped3A_920 : memref<!tpu.dma_semaphore, #tpu.memory_space<semaphore_mem>>) {add = true}
          %dma_wait3A_930 = arith.constant 0 : i32
          %dma_wait3A_931 = arith.constant 0 : i32
          %dma_wait3A_932 = tpu.memref_slice %arg11[%dma_wait3A_930, %dma_wait3A_931] : memref<512x16xf32, #tpu.memory_space<vmem>> -> memref<128x16xf32, #tpu.memory_space<vmem>>
          %dma_wait3A_933 = arith.constant 0 : i32
          %dma_wait3A_934 = tpu.memref_slice %arg7[%run_scoped3A_915, %dma_wait3A_933] : memref<4x128xi32, #tpu.memory_space<vmem>> -> memref<1x128xi32, #tpu.memory_space<vmem>>
          %dma_wait3A_935 = tpu.memref_squeeze %dma_wait3A_934 : memref<1x128xi32, #tpu.memory_space<vmem>> -> memref<128xi32, #tpu.memory_space<vmem>>
          %dma_wait3A_936 = arith.constant 0 : i32
          %dma_wait3A_937 = arith.constant 0 : i32
          %dma_wait3A_938 = tpu.memref_slice %arg12[%dma_wait3A_936, %dma_wait3A_937] : memref<100352x16xf32, #tpu.memory_space<vmem_shared>> -> memref<100352x16xf32, #tpu.memory_space<vmem_shared>>
          tpu.wait_indirect_dma semaphore(%run_scoped3A_920 : memref<!tpu.dma_semaphore, #tpu.memory_space<semaphore_mem>>) src(%dma_wait3A_932 : memref<128x16xf32, #tpu.memory_space<vmem>>) dst(%dma_wait3A_938 : memref<100352x16xf32, #tpu.memory_space<vmem_shared>>)
          tpu.yield
        }) : () -> ()
        %run_scoped3A_916 = arith.constant 1 : i32
        "tpu.region"() ({
          %run_scoped3A_920 = tpu.sem_alloc : memref<!tpu.dma_semaphore, #tpu.memory_space<semaphore_mem>>
          %dma_start3A_921 = arith.constant 0 : i32
          %dma_start3A_922 = arith.constant 0 : i32
          %dma_start3A_923 = tpu.memref_slice %arg11[%dma_start3A_921, %dma_start3A_922] : memref<512x16xf32, #tpu.memory_space<vmem>> -> memref<128x16xf32, #tpu.memory_space<vmem>>
          %dma_start3A_924 = arith.constant 0 : i32
          %dma_start3A_925 = tpu.memref_slice %arg7[%run_scoped3A_916, %dma_start3A_924] : memref<4x128xi32, #tpu.memory_space<vmem>> -> memref<1x128xi32, #tpu.memory_space<vmem>>
          %dma_start3A_926 = tpu.memref_squeeze %dma_start3A_925 : memref<1x128xi32, #tpu.memory_space<vmem>> -> memref<128xi32, #tpu.memory_space<vmem>>
          %dma_start3A_927 = arith.constant 0 : i32
          %dma_start3A_928 = arith.constant 0 : i32
          %dma_start3A_929 = tpu.memref_slice %arg12[%dma_start3A_927, %dma_start3A_928] : memref<100352x16xf32, #tpu.memory_space<vmem_shared>> -> memref<100352x16xf32, #tpu.memory_space<vmem_shared>>
          tpu.enqueue_indirect_dma source(%dma_start3A_923 : memref<128x16xf32, #tpu.memory_space<vmem>>) target(%dma_start3A_929 : memref<100352x16xf32, #tpu.memory_space<vmem_shared>>) offsets(%dma_start3A_926 : memref<128xi32, #tpu.memory_space<vmem>>) semaphore(%run_scoped3A_920 : memref<!tpu.dma_semaphore, #tpu.memory_space<semaphore_mem>>) {add = true}
          %dma_wait3A_930 = arith.constant 0 : i32
          %dma_wait3A_931 = arith.constant 0 : i32
          %dma_wait3A_932 = tpu.memref_slice %arg11[%dma_wait3A_930, %dma_wait3A_931] : memref<512x16xf32, #tpu.memory_space<vmem>> -> memref<128x16xf32, #tpu.memory_space<vmem>>
          %dma_wait3A_933 = arith.constant 0 : i32
          %dma_wait3A_934 = tpu.memref_slice %arg7[%run_scoped3A_916, %dma_wait3A_933] : memref<4x128xi32, #tpu.memory_space<vmem>> -> memref<1x128xi32, #tpu.memory_space<vmem>>
          %dma_wait3A_935 = tpu.memref_squeeze %dma_wait3A_934 : memref<1x128xi32, #tpu.memory_space<vmem>> -> memref<128xi32, #tpu.memory_space<vmem>>
          %dma_wait3A_936 = arith.constant 0 : i32
          %dma_wait3A_937 = arith.constant 0 : i32
          %dma_wait3A_938 = tpu.memref_slice %arg12[%dma_wait3A_936, %dma_wait3A_937] : memref<100352x16xf32, #tpu.memory_space<vmem_shared>> -> memref<100352x16xf32, #tpu.memory_space<vmem_shared>>
          tpu.wait_indirect_dma semaphore(%run_scoped3A_920 : memref<!tpu.dma_semaphore, #tpu.memory_space<semaphore_mem>>) src(%dma_wait3A_932 : memref<128x16xf32, #tpu.memory_space<vmem>>) dst(%dma_wait3A_938 : memref<100352x16xf32, #tpu.memory_space<vmem_shared>>)
          tpu.yield
        }) : () -> ()
        %run_scoped3A_917 = arith.constant 2 : i32
        "tpu.region"() ({
          %run_scoped3A_920 = tpu.sem_alloc : memref<!tpu.dma_semaphore, #tpu.memory_space<semaphore_mem>>
          %dma_start3A_921 = arith.constant 0 : i32
          %dma_start3A_922 = arith.constant 0 : i32
          %dma_start3A_923 = tpu.memref_slice %arg11[%dma_start3A_921, %dma_start3A_922] : memref<512x16xf32, #tpu.memory_space<vmem>> -> memref<128x16xf32, #tpu.memory_space<vmem>>
          %dma_start3A_924 = arith.constant 0 : i32
          %dma_start3A_925 = tpu.memref_slice %arg7[%run_scoped3A_917, %dma_start3A_924] : memref<4x128xi32, #tpu.memory_space<vmem>> -> memref<1x128xi32, #tpu.memory_space<vmem>>
          %dma_start3A_926 = tpu.memref_squeeze %dma_start3A_925 : memref<1x128xi32, #tpu.memory_space<vmem>> -> memref<128xi32, #tpu.memory_space<vmem>>
          %dma_start3A_927 = arith.constant 0 : i32
          %dma_start3A_928 = arith.constant 0 : i32
          %dma_start3A_929 = tpu.memref_slice %arg12[%dma_start3A_927, %dma_start3A_928] : memref<100352x16xf32, #tpu.memory_space<vmem_shared>> -> memref<100352x16xf32, #tpu.memory_space<vmem_shared>>
          tpu.enqueue_indirect_dma source(%dma_start3A_923 : memref<128x16xf32, #tpu.memory_space<vmem>>) target(%dma_start3A_929 : memref<100352x16xf32, #tpu.memory_space<vmem_shared>>) offsets(%dma_start3A_926 : memref<128xi32, #tpu.memory_space<vmem>>) semaphore(%run_scoped3A_920 : memref<!tpu.dma_semaphore, #tpu.memory_space<semaphore_mem>>) {add = true}
          %dma_wait3A_930 = arith.constant 0 : i32
          %dma_wait3A_931 = arith.constant 0 : i32
          %dma_wait3A_932 = tpu.memref_slice %arg11[%dma_wait3A_930, %dma_wait3A_931] : memref<512x16xf32, #tpu.memory_space<vmem>> -> memref<128x16xf32, #tpu.memory_space<vmem>>
          %dma_wait3A_933 = arith.constant 0 : i32
          %dma_wait3A_934 = tpu.memref_slice %arg7[%run_scoped3A_917, %dma_wait3A_933] : memref<4x128xi32, #tpu.memory_space<vmem>> -> memref<1x128xi32, #tpu.memory_space<vmem>>
          %dma_wait3A_935 = tpu.memref_squeeze %dma_wait3A_934 : memref<1x128xi32, #tpu.memory_space<vmem>> -> memref<128xi32, #tpu.memory_space<vmem>>
          %dma_wait3A_936 = arith.constant 0 : i32
          %dma_wait3A_937 = arith.constant 0 : i32
          %dma_wait3A_938 = tpu.memref_slice %arg12[%dma_wait3A_936, %dma_wait3A_937] : memref<100352x16xf32, #tpu.memory_space<vmem_shared>> -> memref<100352x16xf32, #tpu.memory_space<vmem_shared>>
          tpu.wait_indirect_dma semaphore(%run_scoped3A_920 : memref<!tpu.dma_semaphore, #tpu.memory_space<semaphore_mem>>) src(%dma_wait3A_932 : memref<128x16xf32, #tpu.memory_space<vmem>>) dst(%dma_wait3A_938 : memref<100352x16xf32, #tpu.memory_space<vmem_shared>>)
          tpu.yield
        }) : () -> ()
        %run_scoped3A_918 = arith.constant 3 : i32
        "tpu.region"() ({
          %run_scoped3A_920 = tpu.sem_alloc : memref<!tpu.dma_semaphore, #tpu.memory_space<semaphore_mem>>
          %dma_start3A_921 = arith.constant 0 : i32
          %dma_start3A_922 = arith.constant 0 : i32
          %dma_start3A_923 = tpu.memref_slice %arg11[%dma_start3A_921, %dma_start3A_922] : memref<512x16xf32, #tpu.memory_space<vmem>> -> memref<128x16xf32, #tpu.memory_space<vmem>>
          %dma_start3A_924 = arith.constant 0 : i32
          %dma_start3A_925 = tpu.memref_slice %arg7[%run_scoped3A_918, %dma_start3A_924] : memref<4x128xi32, #tpu.memory_space<vmem>> -> memref<1x128xi32, #tpu.memory_space<vmem>>
          %dma_start3A_926 = tpu.memref_squeeze %dma_start3A_925 : memref<1x128xi32, #tpu.memory_space<vmem>> -> memref<128xi32, #tpu.memory_space<vmem>>
          %dma_start3A_927 = arith.constant 0 : i32
          %dma_start3A_928 = arith.constant 0 : i32
          %dma_start3A_929 = tpu.memref_slice %arg12[%dma_start3A_927, %dma_start3A_928] : memref<100352x16xf32, #tpu.memory_space<vmem_shared>> -> memref<100352x16xf32, #tpu.memory_space<vmem_shared>>
          tpu.enqueue_indirect_dma source(%dma_start3A_923 : memref<128x16xf32, #tpu.memory_space<vmem>>) target(%dma_start3A_929 : memref<100352x16xf32, #tpu.memory_space<vmem_shared>>) offsets(%dma_start3A_926 : memref<128xi32, #tpu.memory_space<vmem>>) semaphore(%run_scoped3A_920 : memref<!tpu.dma_semaphore, #tpu.memory_space<semaphore_mem>>) {add = true}
          %dma_wait3A_930 = arith.constant 0 : i32
          %dma_wait3A_931 = arith.constant 0 : i32
          %dma_wait3A_932 = tpu.memref_slice %arg11[%dma_wait3A_930, %dma_wait3A_931] : memref<512x16xf32, #tpu.memory_space<vmem>> -> memref<128x16xf32, #tpu.memory_space<vmem>>
          %dma_wait3A_933 = arith.constant 0 : i32
          %dma_wait3A_934 = tpu.memref_slice %arg7[%run_scoped3A_918, %dma_wait3A_933] : memref<4x128xi32, #tpu.memory_space<vmem>> -> memref<1x128xi32, #tpu.memory_space<vmem>>
          %dma_wait3A_935 = tpu.memref_squeeze %dma_wait3A_934 : memref<1x128xi32, #tpu.memory_space<vmem>> -> memref<128xi32, #tpu.memory_space<vmem>>
          %dma_wait3A_936 = arith.constant 0 : i32
          %dma_wait3A_937 = arith.constant 0 : i32
          %dma_wait3A_938 = tpu.memref_slice %arg12[%dma_wait3A_936, %dma_wait3A_937] : memref<100352x16xf32, #tpu.memory_space<vmem_shared>> -> memref<100352x16xf32, #tpu.memory_space<vmem_shared>>
          tpu.wait_indirect_dma semaphore(%run_scoped3A_920 : memref<!tpu.dma_semaphore, #tpu.memory_space<semaphore_mem>>) src(%dma_wait3A_932 : memref<128x16xf32, #tpu.memory_space<vmem>>) dst(%dma_wait3A_938 : memref<100352x16xf32, #tpu.memory_space<vmem_shared>>)
          tpu.yield
        }) : () -> ()
        %scan3A_919 = arith.constant 0 : i32
        scf.yield %scan3A_919 : i32
      }
      %scan3A_898 = arith.constant 98 : i32
    } else {
    }
    %barrier3A_517 = arith.constant 0 : index
    tpu.barrier barrier_id(%barrier3A_517)
    %mul3A_518 = arith.constant 2 : i32
    %mul3A_519 = arith.muli %mul3A_518, %arg0 : i32
    %add3A_520 = arith.constant 1 : i32
    %add3A_521 = arith.addi %mul3A_519, %add3A_520 : i32
    %add3A_522 = arith.constant 0 : i32
    %add3A_523 = arith.addi %mul3A_0, %add3A_522 : i32
    "tpu.region"() ({
      %run_scoped3A = tpu.sem_alloc : memref<!tpu.dma_semaphore, #tpu.memory_space<semaphore_mem>>
      %dma_start3A_890 = arith.constant 0 : i32
      %dma_start3A_891 = arith.constant 0 : i32
      %dma_start3A_892 = tpu.memref_slice %arg10[%dma_start3A_890, %dma_start3A_891] : memref<512x16xf32, #tpu.memory_space<vmem>> -> memref<448x16xf32, #tpu.memory_space<vmem>>
      %dma_start3A_893 = arith.constant 0 : i32
      %dma_start3A_894 = tpu.memref_slice %arg12[%add3A_523, %dma_start3A_893] : memref<100352x16xf32, #tpu.memory_space<vmem_shared>> -> memref<448x16xf32, #tpu.memory_space<vmem_shared>>
      %dma_start3A_895 = arith.constant 0 : i32
      %dma_start3A_896 = arith.constant 0 : i32
      %dma_start3A_897 = tpu.memref_slice %arg10[%dma_start3A_895, %dma_start3A_896] : memref<512x16xf32, #tpu.memory_space<vmem>> -> memref<448x16xf32, #tpu.memory_space<vmem>>
      %dma_start3A_898 = arith.constant 0 : i32
      %dma_start3A_899 = tpu.memref_slice %arg12[%add3A_523, %dma_start3A_898] : memref<100352x16xf32, #tpu.memory_space<vmem_shared>> -> memref<448x16xf32, #tpu.memory_space<vmem_shared>>
      tpu.enqueue_dma source(%dma_start3A_899 : memref<448x16xf32, #tpu.memory_space<vmem_shared>>) target(%dma_start3A_897 : memref<448x16xf32, #tpu.memory_space<vmem>>) target_semaphore(%run_scoped3A : memref<!tpu.dma_semaphore, #tpu.memory_space<semaphore_mem>>)
      %dma_wait3A_900 = arith.constant 0 : i32
      %dma_wait3A_901 = arith.constant 0 : i32
      %dma_wait3A_902 = tpu.memref_slice %arg10[%dma_wait3A_900, %dma_wait3A_901] : memref<512x16xf32, #tpu.memory_space<vmem>> -> memref<448x16xf32, #tpu.memory_space<vmem>>
      %dma_wait3A_903 = arith.constant 0 : i32
      %dma_wait3A_904 = tpu.memref_slice %arg12[%add3A_523, %dma_wait3A_903] : memref<100352x16xf32, #tpu.memory_space<vmem_shared>> -> memref<448x16xf32, #tpu.memory_space<vmem_shared>>
      %dma_wait3A_905 = arith.constant 0 : i32
      %dma_wait3A_906 = arith.constant 0 : i32
      %dma_wait3A_907 = tpu.memref_slice %arg10[%dma_wait3A_905, %dma_wait3A_906] : memref<512x16xf32, #tpu.memory_space<vmem>> -> memref<448x16xf32, #tpu.memory_space<vmem>>
      %dma_wait3A_908 = arith.constant 0 : i32
      %dma_wait3A_909 = tpu.memref_slice %arg12[%add3A_523, %dma_wait3A_908] : memref<100352x16xf32, #tpu.memory_space<vmem_shared>> -> memref<448x16xf32, #tpu.memory_space<vmem_shared>>
      tpu.wait_dma2 semaphore(%run_scoped3A : memref<!tpu.dma_semaphore, #tpu.memory_space<semaphore_mem>>) src(%dma_wait3A_909 : memref<448x16xf32, #tpu.memory_space<vmem_shared>>) dst(%dma_wait3A_907 : memref<448x16xf32, #tpu.memory_space<vmem>>)
      tpu.yield
    }) : () -> ()
    %dma_start3A_524 = arith.constant 0 : i32
    %dma_start3A_525 = arith.constant 0 : i32
    %dma_start3A_526 = tpu.memref_slice %arg10[%dma_start3A_524, %dma_start3A_525] : memref<512x16xf32, #tpu.memory_space<vmem>> -> memref<448x16xf32, #tpu.memory_space<vmem>>
    %dma_start3A_527 = arith.constant 0 : i32
    %dma_start3A_528 = tpu.memref_slice %arg5[%add3A_521, %add3A_523, %dma_start3A_527] : memref<4x100352x16xf32, #tpu.memory_space<hbm>> -> memref<1x448x16xf32, #tpu.memory_space<hbm>>
    %dma_start3A_529 = tpu.memref_squeeze %dma_start3A_528 : memref<1x448x16xf32, #tpu.memory_space<hbm>> -> memref<448x16xf32, #tpu.memory_space<hbm>>
    %dma_start3A_530 = arith.constant 0 : i32
    %dma_start3A_531 = tpu.memref_slice %arg5[%add3A_521, %add3A_523, %dma_start3A_530] : memref<4x100352x16xf32, #tpu.memory_space<hbm>> -> memref<1x448x16xf32, #tpu.memory_space<hbm>>
    %dma_start3A_532 = tpu.memref_squeeze %dma_start3A_531 : memref<1x448x16xf32, #tpu.memory_space<hbm>> -> memref<448x16xf32, #tpu.memory_space<hbm>>
    %dma_start3A_533 = arith.constant 0 : i32
    %dma_start3A_534 = arith.constant 0 : i32
    %dma_start3A_535 = tpu.memref_slice %arg10[%dma_start3A_533, %dma_start3A_534] : memref<512x16xf32, #tpu.memory_space<vmem>> -> memref<448x16xf32, #tpu.memory_space<vmem>>
    tpu.enqueue_dma source(%dma_start3A_535 : memref<448x16xf32, #tpu.memory_space<vmem>>) target(%dma_start3A_532 : memref<448x16xf32, #tpu.memory_space<hbm>>) target_semaphore(%arg15 : memref<!tpu.dma_semaphore, #tpu.memory_space<semaphore_mem>>)
    %add3A_536 = arith.constant 448 : i32
    %add3A_537 = arith.addi %mul3A_0, %add3A_536 : i32
    "tpu.region"() ({
      %run_scoped3A = tpu.sem_alloc : memref<!tpu.dma_semaphore, #tpu.memory_space<semaphore_mem>>
      %dma_start3A_890 = arith.constant 0 : i32
      %dma_start3A_891 = arith.constant 0 : i32
      %dma_start3A_892 = tpu.memref_slice %arg11[%dma_start3A_890, %dma_start3A_891] : memref<512x16xf32, #tpu.memory_space<vmem>> -> memref<448x16xf32, #tpu.memory_space<vmem>>
      %dma_start3A_893 = arith.constant 0 : i32
      %dma_start3A_894 = tpu.memref_slice %arg12[%add3A_537, %dma_start3A_893] : memref<100352x16xf32, #tpu.memory_space<vmem_shared>> -> memref<448x16xf32, #tpu.memory_space<vmem_shared>>
      %dma_start3A_895 = arith.constant 0 : i32
      %dma_start3A_896 = arith.constant 0 : i32
      %dma_start3A_897 = tpu.memref_slice %arg11[%dma_start3A_895, %dma_start3A_896] : memref<512x16xf32, #tpu.memory_space<vmem>> -> memref<448x16xf32, #tpu.memory_space<vmem>>
      %dma_start3A_898 = arith.constant 0 : i32
      %dma_start3A_899 = tpu.memref_slice %arg12[%add3A_537, %dma_start3A_898] : memref<100352x16xf32, #tpu.memory_space<vmem_shared>> -> memref<448x16xf32, #tpu.memory_space<vmem_shared>>
      tpu.enqueue_dma source(%dma_start3A_899 : memref<448x16xf32, #tpu.memory_space<vmem_shared>>) target(%dma_start3A_897 : memref<448x16xf32, #tpu.memory_space<vmem>>) target_semaphore(%run_scoped3A : memref<!tpu.dma_semaphore, #tpu.memory_space<semaphore_mem>>)
      %dma_wait3A_900 = arith.constant 0 : i32
      %dma_wait3A_901 = arith.constant 0 : i32
      %dma_wait3A_902 = tpu.memref_slice %arg11[%dma_wait3A_900, %dma_wait3A_901] : memref<512x16xf32, #tpu.memory_space<vmem>> -> memref<448x16xf32, #tpu.memory_space<vmem>>
      %dma_wait3A_903 = arith.constant 0 : i32
      %dma_wait3A_904 = tpu.memref_slice %arg12[%add3A_537, %dma_wait3A_903] : memref<100352x16xf32, #tpu.memory_space<vmem_shared>> -> memref<448x16xf32, #tpu.memory_space<vmem_shared>>
      %dma_wait3A_905 = arith.constant 0 : i32
      %dma_wait3A_906 = arith.constant 0 : i32
      %dma_wait3A_907 = tpu.memref_slice %arg11[%dma_wait3A_905, %dma_wait3A_906] : memref<512x16xf32, #tpu.memory_space<vmem>> -> memref<448x16xf32, #tpu.memory_space<vmem>>
      %dma_wait3A_908 = arith.constant 0 : i32
      %dma_wait3A_909 = tpu.memref_slice %arg12[%add3A_537, %dma_wait3A_908] : memref<100352x16xf32, #tpu.memory_space<vmem_shared>> -> memref<448x16xf32, #tpu.memory_space<vmem_shared>>
      tpu.wait_dma2 semaphore(%run_scoped3A : memref<!tpu.dma_semaphore, #tpu.memory_space<semaphore_mem>>) src(%dma_wait3A_909 : memref<448x16xf32, #tpu.memory_space<vmem_shared>>) dst(%dma_wait3A_907 : memref<448x16xf32, #tpu.memory_space<vmem>>)
      tpu.yield
    }) : () -> ()
    %dma_start3A_538 = arith.constant 0 : i32
    %dma_start3A_539 = arith.constant 0 : i32
    %dma_start3A_540 = tpu.memref_slice %arg11[%dma_start3A_538, %dma_start3A_539] : memref<512x16xf32, #tpu.memory_space<vmem>> -> memref<448x16xf32, #tpu.memory_space<vmem>>
    %dma_start3A_541 = arith.constant 0 : i32
    %dma_start3A_542 = tpu.memref_slice %arg5[%add3A_521, %add3A_537, %dma_start3A_541] : memref<4x100352x16xf32, #tpu.memory_space<hbm>> -> memref<1x448x16xf32, #tpu.memory_space<hbm>>
    %dma_start3A_543 = tpu.memref_squeeze %dma_start3A_542 : memref<1x448x16xf32, #tpu.memory_space<hbm>> -> memref<448x16xf32, #tpu.memory_space<hbm>>
    %dma_start3A_544 = arith.constant 0 : i32
    %dma_start3A_545 = tpu.memref_slice %arg5[%add3A_521, %add3A_537, %dma_start3A_544] : memref<4x100352x16xf32, #tpu.memory_space<hbm>> -> memref<1x448x16xf32, #tpu.memory_space<hbm>>
    %dma_start3A_546 = tpu.memref_squeeze %dma_start3A_545 : memref<1x448x16xf32, #tpu.memory_space<hbm>> -> memref<448x16xf32, #tpu.memory_space<hbm>>
    %dma_start3A_547 = arith.constant 0 : i32
    %dma_start3A_548 = arith.constant 0 : i32
    %dma_start3A_549 = tpu.memref_slice %arg11[%dma_start3A_547, %dma_start3A_548] : memref<512x16xf32, #tpu.memory_space<vmem>> -> memref<448x16xf32, #tpu.memory_space<vmem>>
    tpu.enqueue_dma source(%dma_start3A_549 : memref<448x16xf32, #tpu.memory_space<vmem>>) target(%dma_start3A_546 : memref<448x16xf32, #tpu.memory_space<hbm>>) target_semaphore(%arg15 : memref<!tpu.dma_semaphore, #tpu.memory_space<semaphore_mem>>)
    %add3A_550 = arith.constant 896 : i32
    %add3A_551 = arith.addi %mul3A_0, %add3A_550 : i32
    %dma_wait3A_552 = arith.constant 0 : i32
    %dma_wait3A_553 = arith.constant 0 : i32
    %dma_wait3A_554 = tpu.memref_slice %arg10[%dma_wait3A_552, %dma_wait3A_553] : memref<512x16xf32, #tpu.memory_space<vmem>> -> memref<448x16xf32, #tpu.memory_space<vmem>>
    %dma_wait3A_555 = arith.constant 0 : i32
    %dma_wait3A_556 = tpu.memref_slice %arg5[%add3A_521, %add3A_551, %dma_wait3A_555] : memref<4x100352x16xf32, #tpu.memory_space<hbm>> -> memref<1x448x16xf32, #tpu.memory_space<hbm>>
    %dma_wait3A_557 = tpu.memref_squeeze %dma_wait3A_556 : memref<1x448x16xf32, #tpu.memory_space<hbm>> -> memref<448x16xf32, #tpu.memory_space<hbm>>
    %dma_wait3A_558 = arith.constant 0 : i32
    %dma_wait3A_559 = tpu.memref_slice %arg5[%add3A_521, %add3A_551, %dma_wait3A_558] : memref<4x100352x16xf32, #tpu.memory_space<hbm>> -> memref<1x448x16xf32, #tpu.memory_space<hbm>>
    %dma_wait3A_560 = tpu.memref_squeeze %dma_wait3A_559 : memref<1x448x16xf32, #tpu.memory_space<hbm>> -> memref<448x16xf32, #tpu.memory_space<hbm>>
    %dma_wait3A_561 = arith.constant 0 : i32
    %dma_wait3A_562 = arith.constant 0 : i32
    %dma_wait3A_563 = tpu.memref_slice %arg10[%dma_wait3A_561, %dma_wait3A_562] : memref<512x16xf32, #tpu.memory_space<vmem>> -> memref<448x16xf32, #tpu.memory_space<vmem>>
    tpu.wait_dma2 semaphore(%arg15 : memref<!tpu.dma_semaphore, #tpu.memory_space<semaphore_mem>>) src(%dma_wait3A_563 : memref<448x16xf32, #tpu.memory_space<vmem>>) dst(%dma_wait3A_560 : memref<448x16xf32, #tpu.memory_space<hbm>>)
    "tpu.region"() ({
      %run_scoped3A = tpu.sem_alloc : memref<!tpu.dma_semaphore, #tpu.memory_space<semaphore_mem>>
      %dma_start3A_890 = arith.constant 0 : i32
      %dma_start3A_891 = arith.constant 0 : i32
      %dma_start3A_892 = tpu.memref_slice %arg10[%dma_start3A_890, %dma_start3A_891] : memref<512x16xf32, #tpu.memory_space<vmem>> -> memref<448x16xf32, #tpu.memory_space<vmem>>
      %dma_start3A_893 = arith.constant 0 : i32
      %dma_start3A_894 = tpu.memref_slice %arg12[%add3A_551, %dma_start3A_893] : memref<100352x16xf32, #tpu.memory_space<vmem_shared>> -> memref<448x16xf32, #tpu.memory_space<vmem_shared>>
      %dma_start3A_895 = arith.constant 0 : i32
      %dma_start3A_896 = arith.constant 0 : i32
      %dma_start3A_897 = tpu.memref_slice %arg10[%dma_start3A_895, %dma_start3A_896] : memref<512x16xf32, #tpu.memory_space<vmem>> -> memref<448x16xf32, #tpu.memory_space<vmem>>
      %dma_start3A_898 = arith.constant 0 : i32
      %dma_start3A_899 = tpu.memref_slice %arg12[%add3A_551, %dma_start3A_898] : memref<100352x16xf32, #tpu.memory_space<vmem_shared>> -> memref<448x16xf32, #tpu.memory_space<vmem_shared>>
      tpu.enqueue_dma source(%dma_start3A_899 : memref<448x16xf32, #tpu.memory_space<vmem_shared>>) target(%dma_start3A_897 : memref<448x16xf32, #tpu.memory_space<vmem>>) target_semaphore(%run_scoped3A : memref<!tpu.dma_semaphore, #tpu.memory_space<semaphore_mem>>)
      %dma_wait3A_900 = arith.constant 0 : i32
      %dma_wait3A_901 = arith.constant 0 : i32
      %dma_wait3A_902 = tpu.memref_slice %arg10[%dma_wait3A_900, %dma_wait3A_901] : memref<512x16xf32, #tpu.memory_space<vmem>> -> memref<448x16xf32, #tpu.memory_space<vmem>>
      %dma_wait3A_903 = arith.constant 0 : i32
      %dma_wait3A_904 = tpu.memref_slice %arg12[%add3A_551, %dma_wait3A_903] : memref<100352x16xf32, #tpu.memory_space<vmem_shared>> -> memref<448x16xf32, #tpu.memory_space<vmem_shared>>
      %dma_wait3A_905 = arith.constant 0 : i32
      %dma_wait3A_906 = arith.constant 0 : i32
      %dma_wait3A_907 = tpu.memref_slice %arg10[%dma_wait3A_905, %dma_wait3A_906] : memref<512x16xf32, #tpu.memory_space<vmem>> -> memref<448x16xf32, #tpu.memory_space<vmem>>
      %dma_wait3A_908 = arith.constant 0 : i32
      %dma_wait3A_909 = tpu.memref_slice %arg12[%add3A_551, %dma_wait3A_908] : memref<100352x16xf32, #tpu.memory_space<vmem_shared>> -> memref<448x16xf32, #tpu.memory_space<vmem_shared>>
      tpu.wait_dma2 semaphore(%run_scoped3A : memref<!tpu.dma_semaphore, #tpu.memory_space<semaphore_mem>>) src(%dma_wait3A_909 : memref<448x16xf32, #tpu.memory_space<vmem_shared>>) dst(%dma_wait3A_907 : memref<448x16xf32, #tpu.memory_space<vmem>>)
      tpu.yield
    }) : () -> ()
    %dma_start3A_564 = arith.constant 0 : i32
    %dma_start3A_565 = arith.constant 0 : i32
    %dma_start3A_566 = tpu.memref_slice %arg10[%dma_start3A_564, %dma_start3A_565] : memref<512x16xf32, #tpu.memory_space<vmem>> -> memref<448x16xf32, #tpu.memory_space<vmem>>
    %dma_start3A_567 = arith.constant 0 : i32
    %dma_start3A_568 = tpu.memref_slice %arg5[%add3A_521, %add3A_551, %dma_start3A_567] : memref<4x100352x16xf32, #tpu.memory_space<hbm>> -> memref<1x448x16xf32, #tpu.memory_space<hbm>>
    %dma_start3A_569 = tpu.memref_squeeze %dma_start3A_568 : memref<1x448x16xf32, #tpu.memory_space<hbm>> -> memref<448x16xf32, #tpu.memory_space<hbm>>
    %dma_start3A_570 = arith.constant 0 : i32
    %dma_start3A_571 = tpu.memref_slice %arg5[%add3A_521, %add3A_551, %dma_start3A_570] : memref<4x100352x16xf32, #tpu.memory_space<hbm>> -> memref<1x448x16xf32, #tpu.memory_space<hbm>>
    %dma_start3A_572 = tpu.memref_squeeze %dma_start3A_571 : memref<1x448x16xf32, #tpu.memory_space<hbm>> -> memref<448x16xf32, #tpu.memory_space<hbm>>
    %dma_start3A_573 = arith.constant 0 : i32
    %dma_start3A_574 = arith.constant 0 : i32
    %dma_start3A_575 = tpu.memref_slice %arg10[%dma_start3A_573, %dma_start3A_574] : memref<512x16xf32, #tpu.memory_space<vmem>> -> memref<448x16xf32, #tpu.memory_space<vmem>>
    tpu.enqueue_dma source(%dma_start3A_575 : memref<448x16xf32, #tpu.memory_space<vmem>>) target(%dma_start3A_572 : memref<448x16xf32, #tpu.memory_space<hbm>>) target_semaphore(%arg15 : memref<!tpu.dma_semaphore, #tpu.memory_space<semaphore_mem>>)
    %add3A_576 = arith.constant 1344 : i32
    %add3A_577 = arith.addi %mul3A_0, %add3A_576 : i32
    %dma_wait3A_578 = arith.constant 0 : i32
    %dma_wait3A_579 = arith.constant 0 : i32
    %dma_wait3A_580 = tpu.memref_slice %arg11[%dma_wait3A_578, %dma_wait3A_579] : memref<512x16xf32, #tpu.memory_space<vmem>> -> memref<448x16xf32, #tpu.memory_space<vmem>>
    %dma_wait3A_581 = arith.constant 0 : i32
    %dma_wait3A_582 = tpu.memref_slice %arg5[%add3A_521, %add3A_577, %dma_wait3A_581] : memref<4x100352x16xf32, #tpu.memory_space<hbm>> -> memref<1x448x16xf32, #tpu.memory_space<hbm>>
    %dma_wait3A_583 = tpu.memref_squeeze %dma_wait3A_582 : memref<1x448x16xf32, #tpu.memory_space<hbm>> -> memref<448x16xf32, #tpu.memory_space<hbm>>
    %dma_wait3A_584 = arith.constant 0 : i32
    %dma_wait3A_585 = tpu.memref_slice %arg5[%add3A_521, %add3A_577, %dma_wait3A_584] : memref<4x100352x16xf32, #tpu.memory_space<hbm>> -> memref<1x448x16xf32, #tpu.memory_space<hbm>>
    %dma_wait3A_586 = tpu.memref_squeeze %dma_wait3A_585 : memref<1x448x16xf32, #tpu.memory_space<hbm>> -> memref<448x16xf32, #tpu.memory_space<hbm>>
    %dma_wait3A_587 = arith.constant 0 : i32
    %dma_wait3A_588 = arith.constant 0 : i32
    %dma_wait3A_589 = tpu.memref_slice %arg11[%dma_wait3A_587, %dma_wait3A_588] : memref<512x16xf32, #tpu.memory_space<vmem>> -> memref<448x16xf32, #tpu.memory_space<vmem>>
    tpu.wait_dma2 semaphore(%arg15 : memref<!tpu.dma_semaphore, #tpu.memory_space<semaphore_mem>>) src(%dma_wait3A_589 : memref<448x16xf32, #tpu.memory_space<vmem>>) dst(%dma_wait3A_586 : memref<448x16xf32, #tpu.memory_space<hbm>>)
    "tpu.region"() ({
      %run_scoped3A = tpu.sem_alloc : memref<!tpu.dma_semaphore, #tpu.memory_space<semaphore_mem>>
      %dma_start3A_890 = arith.constant 0 : i32
      %dma_start3A_891 = arith.constant 0 : i32
      %dma_start3A_892 = tpu.memref_slice %arg11[%dma_start3A_890, %dma_start3A_891] : memref<512x16xf32, #tpu.memory_space<vmem>> -> memref<448x16xf32, #tpu.memory_space<vmem>>
      %dma_start3A_893 = arith.constant 0 : i32
      %dma_start3A_894 = tpu.memref_slice %arg12[%add3A_577, %dma_start3A_893] : memref<100352x16xf32, #tpu.memory_space<vmem_shared>> -> memref<448x16xf32, #tpu.memory_space<vmem_shared>>
      %dma_start3A_895 = arith.constant 0 : i32
      %dma_start3A_896 = arith.constant 0 : i32
      %dma_start3A_897 = tpu.memref_slice %arg11[%dma_start3A_895, %dma_start3A_896] : memref<512x16xf32, #tpu.memory_space<vmem>> -> memref<448x16xf32, #tpu.memory_space<vmem>>
      %dma_start3A_898 = arith.constant 0 : i32
      %dma_start3A_899 = tpu.memref_slice %arg12[%add3A_577, %dma_start3A_898] : memref<100352x16xf32, #tpu.memory_space<vmem_shared>> -> memref<448x16xf32, #tpu.memory_space<vmem_shared>>
      tpu.enqueue_dma source(%dma_start3A_899 : memref<448x16xf32, #tpu.memory_space<vmem_shared>>) target(%dma_start3A_897 : memref<448x16xf32, #tpu.memory_space<vmem>>) target_semaphore(%run_scoped3A : memref<!tpu.dma_semaphore, #tpu.memory_space<semaphore_mem>>)
      %dma_wait3A_900 = arith.constant 0 : i32
      %dma_wait3A_901 = arith.constant 0 : i32
      %dma_wait3A_902 = tpu.memref_slice %arg11[%dma_wait3A_900, %dma_wait3A_901] : memref<512x16xf32, #tpu.memory_space<vmem>> -> memref<448x16xf32, #tpu.memory_space<vmem>>
      %dma_wait3A_903 = arith.constant 0 : i32
      %dma_wait3A_904 = tpu.memref_slice %arg12[%add3A_577, %dma_wait3A_903] : memref<100352x16xf32, #tpu.memory_space<vmem_shared>> -> memref<448x16xf32, #tpu.memory_space<vmem_shared>>
      %dma_wait3A_905 = arith.constant 0 : i32
      %dma_wait3A_906 = arith.constant 0 : i32
      %dma_wait3A_907 = tpu.memref_slice %arg11[%dma_wait3A_905, %dma_wait3A_906] : memref<512x16xf32, #tpu.memory_space<vmem>> -> memref<448x16xf32, #tpu.memory_space<vmem>>
      %dma_wait3A_908 = arith.constant 0 : i32
      %dma_wait3A_909 = tpu.memref_slice %arg12[%add3A_577, %dma_wait3A_908] : memref<100352x16xf32, #tpu.memory_space<vmem_shared>> -> memref<448x16xf32, #tpu.memory_space<vmem_shared>>
      tpu.wait_dma2 semaphore(%run_scoped3A : memref<!tpu.dma_semaphore, #tpu.memory_space<semaphore_mem>>) src(%dma_wait3A_909 : memref<448x16xf32, #tpu.memory_space<vmem_shared>>) dst(%dma_wait3A_907 : memref<448x16xf32, #tpu.memory_space<vmem>>)
      tpu.yield
    }) : () -> ()
    %dma_start3A_590 = arith.constant 0 : i32
    %dma_start3A_591 = arith.constant 0 : i32
    %dma_start3A_592 = tpu.memref_slice %arg11[%dma_start3A_590, %dma_start3A_591] : memref<512x16xf32, #tpu.memory_space<vmem>> -> memref<448x16xf32, #tpu.memory_space<vmem>>
    %dma_start3A_593 = arith.constant 0 : i32
    %dma_start3A_594 = tpu.memref_slice %arg5[%add3A_521, %add3A_577, %dma_start3A_593] : memref<4x100352x16xf32, #tpu.memory_space<hbm>> -> memref<1x448x16xf32, #tpu.memory_space<hbm>>
    %dma_start3A_595 = tpu.memref_squeeze %dma_start3A_594 : memref<1x448x16xf32, #tpu.memory_space<hbm>> -> memref<448x16xf32, #tpu.memory_space<hbm>>
    %dma_start3A_596 = arith.constant 0 : i32
    %dma_start3A_597 = tpu.memref_slice %arg5[%add3A_521, %add3A_577, %dma_start3A_596] : memref<4x100352x16xf32, #tpu.memory_space<hbm>> -> memref<1x448x16xf32, #tpu.memory_space<hbm>>
    %dma_start3A_598 = tpu.memref_squeeze %dma_start3A_597 : memref<1x448x16xf32, #tpu.memory_space<hbm>> -> memref<448x16xf32, #tpu.memory_space<hbm>>
    %dma_start3A_599 = arith.constant 0 : i32
    %dma_start3A_600 = arith.constant 0 : i32
    %dma_start3A_601 = tpu.memref_slice %arg11[%dma_start3A_599, %dma_start3A_600] : memref<512x16xf32, #tpu.memory_space<vmem>> -> memref<448x16xf32, #tpu.memory_space<vmem>>
    tpu.enqueue_dma source(%dma_start3A_601 : memref<448x16xf32, #tpu.memory_space<vmem>>) target(%dma_start3A_598 : memref<448x16xf32, #tpu.memory_space<hbm>>) target_semaphore(%arg15 : memref<!tpu.dma_semaphore, #tpu.memory_space<semaphore_mem>>)
    %add3A_602 = arith.constant 1792 : i32
    %add3A_603 = arith.addi %mul3A_0, %add3A_602 : i32
    %dma_wait3A_604 = arith.constant 0 : i32
    %dma_wait3A_605 = arith.constant 0 : i32
    %dma_wait3A_606 = tpu.memref_slice %arg10[%dma_wait3A_604, %dma_wait3A_605] : memref<512x16xf32, #tpu.memory_space<vmem>> -> memref<448x16xf32, #tpu.memory_space<vmem>>
    %dma_wait3A_607 = arith.constant 0 : i32
    %dma_wait3A_608 = tpu.memref_slice %arg5[%add3A_521, %add3A_603, %dma_wait3A_607] : memref<4x100352x16xf32, #tpu.memory_space<hbm>> -> memref<1x448x16xf32, #tpu.memory_space<hbm>>
    %dma_wait3A_609 = tpu.memref_squeeze %dma_wait3A_608 : memref<1x448x16xf32, #tpu.memory_space<hbm>> -> memref<448x16xf32, #tpu.memory_space<hbm>>
    %dma_wait3A_610 = arith.constant 0 : i32
    %dma_wait3A_611 = tpu.memref_slice %arg5[%add3A_521, %add3A_603, %dma_wait3A_610] : memref<4x100352x16xf32, #tpu.memory_space<hbm>> -> memref<1x448x16xf32, #tpu.memory_space<hbm>>
    %dma_wait3A_612 = tpu.memref_squeeze %dma_wait3A_611 : memref<1x448x16xf32, #tpu.memory_space<hbm>> -> memref<448x16xf32, #tpu.memory_space<hbm>>
    %dma_wait3A_613 = arith.constant 0 : i32
    %dma_wait3A_614 = arith.constant 0 : i32
    %dma_wait3A_615 = tpu.memref_slice %arg10[%dma_wait3A_613, %dma_wait3A_614] : memref<512x16xf32, #tpu.memory_space<vmem>> -> memref<448x16xf32, #tpu.memory_space<vmem>>
    tpu.wait_dma2 semaphore(%arg15 : memref<!tpu.dma_semaphore, #tpu.memory_space<semaphore_mem>>) src(%dma_wait3A_615 : memref<448x16xf32, #tpu.memory_space<vmem>>) dst(%dma_wait3A_612 : memref<448x16xf32, #tpu.memory_space<hbm>>)
    "tpu.region"() ({
      %run_scoped3A = tpu.sem_alloc : memref<!tpu.dma_semaphore, #tpu.memory_space<semaphore_mem>>
      %dma_start3A_890 = arith.constant 0 : i32
      %dma_start3A_891 = arith.constant 0 : i32
      %dma_start3A_892 = tpu.memref_slice %arg10[%dma_start3A_890, %dma_start3A_891] : memref<512x16xf32, #tpu.memory_space<vmem>> -> memref<448x16xf32, #tpu.memory_space<vmem>>
      %dma_start3A_893 = arith.constant 0 : i32
      %dma_start3A_894 = tpu.memref_slice %arg12[%add3A_603, %dma_start3A_893] : memref<100352x16xf32, #tpu.memory_space<vmem_shared>> -> memref<448x16xf32, #tpu.memory_space<vmem_shared>>
      %dma_start3A_895 = arith.constant 0 : i32
      %dma_start3A_896 = arith.constant 0 : i32
      %dma_start3A_897 = tpu.memref_slice %arg10[%dma_start3A_895, %dma_start3A_896] : memref<512x16xf32, #tpu.memory_space<vmem>> -> memref<448x16xf32, #tpu.memory_space<vmem>>
      %dma_start3A_898 = arith.constant 0 : i32
      %dma_start3A_899 = tpu.memref_slice %arg12[%add3A_603, %dma_start3A_898] : memref<100352x16xf32, #tpu.memory_space<vmem_shared>> -> memref<448x16xf32, #tpu.memory_space<vmem_shared>>
      tpu.enqueue_dma source(%dma_start3A_899 : memref<448x16xf32, #tpu.memory_space<vmem_shared>>) target(%dma_start3A_897 : memref<448x16xf32, #tpu.memory_space<vmem>>) target_semaphore(%run_scoped3A : memref<!tpu.dma_semaphore, #tpu.memory_space<semaphore_mem>>)
      %dma_wait3A_900 = arith.constant 0 : i32
      %dma_wait3A_901 = arith.constant 0 : i32
      %dma_wait3A_902 = tpu.memref_slice %arg10[%dma_wait3A_900, %dma_wait3A_901] : memref<512x16xf32, #tpu.memory_space<vmem>> -> memref<448x16xf32, #tpu.memory_space<vmem>>
      %dma_wait3A_903 = arith.constant 0 : i32
      %dma_wait3A_904 = tpu.memref_slice %arg12[%add3A_603, %dma_wait3A_903] : memref<100352x16xf32, #tpu.memory_space<vmem_shared>> -> memref<448x16xf32, #tpu.memory_space<vmem_shared>>
      %dma_wait3A_905 = arith.constant 0 : i32
      %dma_wait3A_906 = arith.constant 0 : i32
      %dma_wait3A_907 = tpu.memref_slice %arg10[%dma_wait3A_905, %dma_wait3A_906] : memref<512x16xf32, #tpu.memory_space<vmem>> -> memref<448x16xf32, #tpu.memory_space<vmem>>
      %dma_wait3A_908 = arith.constant 0 : i32
      %dma_wait3A_909 = tpu.memref_slice %arg12[%add3A_603, %dma_wait3A_908] : memref<100352x16xf32, #tpu.memory_space<vmem_shared>> -> memref<448x16xf32, #tpu.memory_space<vmem_shared>>
      tpu.wait_dma2 semaphore(%run_scoped3A : memref<!tpu.dma_semaphore, #tpu.memory_space<semaphore_mem>>) src(%dma_wait3A_909 : memref<448x16xf32, #tpu.memory_space<vmem_shared>>) dst(%dma_wait3A_907 : memref<448x16xf32, #tpu.memory_space<vmem>>)
      tpu.yield
    }) : () -> ()
    %dma_start3A_616 = arith.constant 0 : i32
    %dma_start3A_617 = arith.constant 0 : i32
    %dma_start3A_618 = tpu.memref_slice %arg10[%dma_start3A_616, %dma_start3A_617] : memref<512x16xf32, #tpu.memory_space<vmem>> -> memref<448x16xf32, #tpu.memory_space<vmem>>
    %dma_start3A_619 = arith.constant 0 : i32
    %dma_start3A_620 = tpu.memref_slice %arg5[%add3A_521, %add3A_603, %dma_start3A_619] : memref<4x100352x16xf32, #tpu.memory_space<hbm>> -> memref<1x448x16xf32, #tpu.memory_space<hbm>>
    %dma_start3A_621 = tpu.memref_squeeze %dma_start3A_620 : memref<1x448x16xf32, #tpu.memory_space<hbm>> -> memref<448x16xf32, #tpu.memory_space<hbm>>
    %dma_start3A_622 = arith.constant 0 : i32
    %dma_start3A_623 = tpu.memref_slice %arg5[%add3A_521, %add3A_603, %dma_start3A_622] : memref<4x100352x16xf32, #tpu.memory_space<hbm>> -> memref<1x448x16xf32, #tpu.memory_space<hbm>>
    %dma_start3A_624 = tpu.memref_squeeze %dma_start3A_623 : memref<1x448x16xf32, #tpu.memory_space<hbm>> -> memref<448x16xf32, #tpu.memory_space<hbm>>
    %dma_start3A_625 = arith.constant 0 : i32
    %dma_start3A_626 = arith.constant 0 : i32
    %dma_start3A_627 = tpu.memref_slice %arg10[%dma_start3A_625, %dma_start3A_626] : memref<512x16xf32, #tpu.memory_space<vmem>> -> memref<448x16xf32, #tpu.memory_space<vmem>>
    tpu.enqueue_dma source(%dma_start3A_627 : memref<448x16xf32, #tpu.memory_space<vmem>>) target(%dma_start3A_624 : memref<448x16xf32, #tpu.memory_space<hbm>>) target_semaphore(%arg15 : memref<!tpu.dma_semaphore, #tpu.memory_space<semaphore_mem>>)
    %add3A_628 = arith.constant 2240 : i32
    %add3A_629 = arith.addi %mul3A_0, %add3A_628 : i32
    %dma_wait3A_630 = arith.constant 0 : i32
    %dma_wait3A_631 = arith.constant 0 : i32
    %dma_wait3A_632 = tpu.memref_slice %arg11[%dma_wait3A_630, %dma_wait3A_631] : memref<512x16xf32, #tpu.memory_space<vmem>> -> memref<448x16xf32, #tpu.memory_space<vmem>>
    %dma_wait3A_633 = arith.constant 0 : i32
    %dma_wait3A_634 = tpu.memref_slice %arg5[%add3A_521, %add3A_629, %dma_wait3A_633] : memref<4x100352x16xf32, #tpu.memory_space<hbm>> -> memref<1x448x16xf32, #tpu.memory_space<hbm>>
    %dma_wait3A_635 = tpu.memref_squeeze %dma_wait3A_634 : memref<1x448x16xf32, #tpu.memory_space<hbm>> -> memref<448x16xf32, #tpu.memory_space<hbm>>
    %dma_wait3A_636 = arith.constant 0 : i32
    %dma_wait3A_637 = tpu.memref_slice %arg5[%add3A_521, %add3A_629, %dma_wait3A_636] : memref<4x100352x16xf32, #tpu.memory_space<hbm>> -> memref<1x448x16xf32, #tpu.memory_space<hbm>>
    %dma_wait3A_638 = tpu.memref_squeeze %dma_wait3A_637 : memref<1x448x16xf32, #tpu.memory_space<hbm>> -> memref<448x16xf32, #tpu.memory_space<hbm>>
    %dma_wait3A_639 = arith.constant 0 : i32
    %dma_wait3A_640 = arith.constant 0 : i32
    %dma_wait3A_641 = tpu.memref_slice %arg11[%dma_wait3A_639, %dma_wait3A_640] : memref<512x16xf32, #tpu.memory_space<vmem>> -> memref<448x16xf32, #tpu.memory_space<vmem>>
    tpu.wait_dma2 semaphore(%arg15 : memref<!tpu.dma_semaphore, #tpu.memory_space<semaphore_mem>>) src(%dma_wait3A_641 : memref<448x16xf32, #tpu.memory_space<vmem>>) dst(%dma_wait3A_638 : memref<448x16xf32, #tpu.memory_space<hbm>>)
    "tpu.region"() ({
      %run_scoped3A = tpu.sem_alloc : memref<!tpu.dma_semaphore, #tpu.memory_space<semaphore_mem>>
      %dma_start3A_890 = arith.constant 0 : i32
      %dma_start3A_891 = arith.constant 0 : i32
      %dma_start3A_892 = tpu.memref_slice %arg11[%dma_start3A_890, %dma_start3A_891] : memref<512x16xf32, #tpu.memory_space<vmem>> -> memref<448x16xf32, #tpu.memory_space<vmem>>
      %dma_start3A_893 = arith.constant 0 : i32
      %dma_start3A_894 = tpu.memref_slice %arg12[%add3A_629, %dma_start3A_893] : memref<100352x16xf32, #tpu.memory_space<vmem_shared>> -> memref<448x16xf32, #tpu.memory_space<vmem_shared>>
      %dma_start3A_895 = arith.constant 0 : i32
      %dma_start3A_896 = arith.constant 0 : i32
      %dma_start3A_897 = tpu.memref_slice %arg11[%dma_start3A_895, %dma_start3A_896] : memref<512x16xf32, #tpu.memory_space<vmem>> -> memref<448x16xf32, #tpu.memory_space<vmem>>
      %dma_start3A_898 = arith.constant 0 : i32
      %dma_start3A_899 = tpu.memref_slice %arg12[%add3A_629, %dma_start3A_898] : memref<100352x16xf32, #tpu.memory_space<vmem_shared>> -> memref<448x16xf32, #tpu.memory_space<vmem_shared>>
      tpu.enqueue_dma source(%dma_start3A_899 : memref<448x16xf32, #tpu.memory_space<vmem_shared>>) target(%dma_start3A_897 : memref<448x16xf32, #tpu.memory_space<vmem>>) target_semaphore(%run_scoped3A : memref<!tpu.dma_semaphore, #tpu.memory_space<semaphore_mem>>)
      %dma_wait3A_900 = arith.constant 0 : i32
      %dma_wait3A_901 = arith.constant 0 : i32
      %dma_wait3A_902 = tpu.memref_slice %arg11[%dma_wait3A_900, %dma_wait3A_901] : memref<512x16xf32, #tpu.memory_space<vmem>> -> memref<448x16xf32, #tpu.memory_space<vmem>>
      %dma_wait3A_903 = arith.constant 0 : i32
      %dma_wait3A_904 = tpu.memref_slice %arg12[%add3A_629, %dma_wait3A_903] : memref<100352x16xf32, #tpu.memory_space<vmem_shared>> -> memref<448x16xf32, #tpu.memory_space<vmem_shared>>
      %dma_wait3A_905 = arith.constant 0 : i32
      %dma_wait3A_906 = arith.constant 0 : i32
      %dma_wait3A_907 = tpu.memref_slice %arg11[%dma_wait3A_905, %dma_wait3A_906] : memref<512x16xf32, #tpu.memory_space<vmem>> -> memref<448x16xf32, #tpu.memory_space<vmem>>
      %dma_wait3A_908 = arith.constant 0 : i32
      %dma_wait3A_909 = tpu.memref_slice %arg12[%add3A_629, %dma_wait3A_908] : memref<100352x16xf32, #tpu.memory_space<vmem_shared>> -> memref<448x16xf32, #tpu.memory_space<vmem_shared>>
      tpu.wait_dma2 semaphore(%run_scoped3A : memref<!tpu.dma_semaphore, #tpu.memory_space<semaphore_mem>>) src(%dma_wait3A_909 : memref<448x16xf32, #tpu.memory_space<vmem_shared>>) dst(%dma_wait3A_907 : memref<448x16xf32, #tpu.memory_space<vmem>>)
      tpu.yield
    }) : () -> ()
    %dma_start3A_642 = arith.constant 0 : i32
    %dma_start3A_643 = arith.constant 0 : i32
    %dma_start3A_644 = tpu.memref_slice %arg11[%dma_start3A_642, %dma_start3A_643] : memref<512x16xf32, #tpu.memory_space<vmem>> -> memref<448x16xf32, #tpu.memory_space<vmem>>
    %dma_start3A_645 = arith.constant 0 : i32
    %dma_start3A_646 = tpu.memref_slice %arg5[%add3A_521, %add3A_629, %dma_start3A_645] : memref<4x100352x16xf32, #tpu.memory_space<hbm>> -> memref<1x448x16xf32, #tpu.memory_space<hbm>>
    %dma_start3A_647 = tpu.memref_squeeze %dma_start3A_646 : memref<1x448x16xf32, #tpu.memory_space<hbm>> -> memref<448x16xf32, #tpu.memory_space<hbm>>
    %dma_start3A_648 = arith.constant 0 : i32
    %dma_start3A_649 = tpu.memref_slice %arg5[%add3A_521, %add3A_629, %dma_start3A_648] : memref<4x100352x16xf32, #tpu.memory_space<hbm>> -> memref<1x448x16xf32, #tpu.memory_space<hbm>>
    %dma_start3A_650 = tpu.memref_squeeze %dma_start3A_649 : memref<1x448x16xf32, #tpu.memory_space<hbm>> -> memref<448x16xf32, #tpu.memory_space<hbm>>
    %dma_start3A_651 = arith.constant 0 : i32
    %dma_start3A_652 = arith.constant 0 : i32
    %dma_start3A_653 = tpu.memref_slice %arg11[%dma_start3A_651, %dma_start3A_652] : memref<512x16xf32, #tpu.memory_space<vmem>> -> memref<448x16xf32, #tpu.memory_space<vmem>>
    tpu.enqueue_dma source(%dma_start3A_653 : memref<448x16xf32, #tpu.memory_space<vmem>>) target(%dma_start3A_650 : memref<448x16xf32, #tpu.memory_space<hbm>>) target_semaphore(%arg15 : memref<!tpu.dma_semaphore, #tpu.memory_space<semaphore_mem>>)
    %add3A_654 = arith.constant 2688 : i32
    %add3A_655 = arith.addi %mul3A_0, %add3A_654 : i32
    %dma_wait3A_656 = arith.constant 0 : i32
    %dma_wait3A_657 = arith.constant 0 : i32
    %dma_wait3A_658 = tpu.memref_slice %arg10[%dma_wait3A_656, %dma_wait3A_657] : memref<512x16xf32, #tpu.memory_space<vmem>> -> memref<448x16xf32, #tpu.memory_space<vmem>>
    %dma_wait3A_659 = arith.constant 0 : i32
    %dma_wait3A_660 = tpu.memref_slice %arg5[%add3A_521, %add3A_655, %dma_wait3A_659] : memref<4x100352x16xf32, #tpu.memory_space<hbm>> -> memref<1x448x16xf32, #tpu.memory_space<hbm>>
    %dma_wait3A_661 = tpu.memref_squeeze %dma_wait3A_660 : memref<1x448x16xf32, #tpu.memory_space<hbm>> -> memref<448x16xf32, #tpu.memory_space<hbm>>
    %dma_wait3A_662 = arith.constant 0 : i32
    %dma_wait3A_663 = tpu.memref_slice %arg5[%add3A_521, %add3A_655, %dma_wait3A_662] : memref<4x100352x16xf32, #tpu.memory_space<hbm>> -> memref<1x448x16xf32, #tpu.memory_space<hbm>>
    %dma_wait3A_664 = tpu.memref_squeeze %dma_wait3A_663 : memref<1x448x16xf32, #tpu.memory_space<hbm>> -> memref<448x16xf32, #tpu.memory_space<hbm>>
    %dma_wait3A_665 = arith.constant 0 : i32
    %dma_wait3A_666 = arith.constant 0 : i32
    %dma_wait3A_667 = tpu.memref_slice %arg10[%dma_wait3A_665, %dma_wait3A_666] : memref<512x16xf32, #tpu.memory_space<vmem>> -> memref<448x16xf32, #tpu.memory_space<vmem>>
    tpu.wait_dma2 semaphore(%arg15 : memref<!tpu.dma_semaphore, #tpu.memory_space<semaphore_mem>>) src(%dma_wait3A_667 : memref<448x16xf32, #tpu.memory_space<vmem>>) dst(%dma_wait3A_664 : memref<448x16xf32, #tpu.memory_space<hbm>>)
    "tpu.region"() ({
      %run_scoped3A = tpu.sem_alloc : memref<!tpu.dma_semaphore, #tpu.memory_space<semaphore_mem>>
      %dma_start3A_890 = arith.constant 0 : i32
      %dma_start3A_891 = arith.constant 0 : i32
      %dma_start3A_892 = tpu.memref_slice %arg10[%dma_start3A_890, %dma_start3A_891] : memref<512x16xf32, #tpu.memory_space<vmem>> -> memref<448x16xf32, #tpu.memory_space<vmem>>
      %dma_start3A_893 = arith.constant 0 : i32
      %dma_start3A_894 = tpu.memref_slice %arg12[%add3A_655, %dma_start3A_893] : memref<100352x16xf32, #tpu.memory_space<vmem_shared>> -> memref<448x16xf32, #tpu.memory_space<vmem_shared>>
      %dma_start3A_895 = arith.constant 0 : i32
      %dma_start3A_896 = arith.constant 0 : i32
      %dma_start3A_897 = tpu.memref_slice %arg10[%dma_start3A_895, %dma_start3A_896] : memref<512x16xf32, #tpu.memory_space<vmem>> -> memref<448x16xf32, #tpu.memory_space<vmem>>
      %dma_start3A_898 = arith.constant 0 : i32
      %dma_start3A_899 = tpu.memref_slice %arg12[%add3A_655, %dma_start3A_898] : memref<100352x16xf32, #tpu.memory_space<vmem_shared>> -> memref<448x16xf32, #tpu.memory_space<vmem_shared>>
      tpu.enqueue_dma source(%dma_start3A_899 : memref<448x16xf32, #tpu.memory_space<vmem_shared>>) target(%dma_start3A_897 : memref<448x16xf32, #tpu.memory_space<vmem>>) target_semaphore(%run_scoped3A : memref<!tpu.dma_semaphore, #tpu.memory_space<semaphore_mem>>)
      %dma_wait3A_900 = arith.constant 0 : i32
      %dma_wait3A_901 = arith.constant 0 : i32
      %dma_wait3A_902 = tpu.memref_slice %arg10[%dma_wait3A_900, %dma_wait3A_901] : memref<512x16xf32, #tpu.memory_space<vmem>> -> memref<448x16xf32, #tpu.memory_space<vmem>>
      %dma_wait3A_903 = arith.constant 0 : i32
      %dma_wait3A_904 = tpu.memref_slice %arg12[%add3A_655, %dma_wait3A_903] : memref<100352x16xf32, #tpu.memory_space<vmem_shared>> -> memref<448x16xf32, #tpu.memory_space<vmem_shared>>
      %dma_wait3A_905 = arith.constant 0 : i32
      %dma_wait3A_906 = arith.constant 0 : i32
      %dma_wait3A_907 = tpu.memref_slice %arg10[%dma_wait3A_905, %dma_wait3A_906] : memref<512x16xf32, #tpu.memory_space<vmem>> -> memref<448x16xf32, #tpu.memory_space<vmem>>
      %dma_wait3A_908 = arith.constant 0 : i32
      %dma_wait3A_909 = tpu.memref_slice %arg12[%add3A_655, %dma_wait3A_908] : memref<100352x16xf32, #tpu.memory_space<vmem_shared>> -> memref<448x16xf32, #tpu.memory_space<vmem_shared>>
      tpu.wait_dma2 semaphore(%run_scoped3A : memref<!tpu.dma_semaphore, #tpu.memory_space<semaphore_mem>>) src(%dma_wait3A_909 : memref<448x16xf32, #tpu.memory_space<vmem_shared>>) dst(%dma_wait3A_907 : memref<448x16xf32, #tpu.memory_space<vmem>>)
      tpu.yield
    }) : () -> ()
    %dma_start3A_668 = arith.constant 0 : i32
    %dma_start3A_669 = arith.constant 0 : i32
    %dma_start3A_670 = tpu.memref_slice %arg10[%dma_start3A_668, %dma_start3A_669] : memref<512x16xf32, #tpu.memory_space<vmem>> -> memref<448x16xf32, #tpu.memory_space<vmem>>
    %dma_start3A_671 = arith.constant 0 : i32
    %dma_start3A_672 = tpu.memref_slice %arg5[%add3A_521, %add3A_655, %dma_start3A_671] : memref<4x100352x16xf32, #tpu.memory_space<hbm>> -> memref<1x448x16xf32, #tpu.memory_space<hbm>>
    %dma_start3A_673 = tpu.memref_squeeze %dma_start3A_672 : memref<1x448x16xf32, #tpu.memory_space<hbm>> -> memref<448x16xf32, #tpu.memory_space<hbm>>
    %dma_start3A_674 = arith.constant 0 : i32
    %dma_start3A_675 = tpu.memref_slice %arg5[%add3A_521, %add3A_655, %dma_start3A_674] : memref<4x100352x16xf32, #tpu.memory_space<hbm>> -> memref<1x448x16xf32, #tpu.memory_space<hbm>>
    %dma_start3A_676 = tpu.memref_squeeze %dma_start3A_675 : memref<1x448x16xf32, #tpu.memory_space<hbm>> -> memref<448x16xf32, #tpu.memory_space<hbm>>
    %dma_start3A_677 = arith.constant 0 : i32
    %dma_start3A_678 = arith.constant 0 : i32
    %dma_start3A_679 = tpu.memref_slice %arg10[%dma_start3A_677, %dma_start3A_678] : memref<512x16xf32, #tpu.memory_space<vmem>> -> memref<448x16xf32, #tpu.memory_space<vmem>>
    tpu.enqueue_dma source(%dma_start3A_679 : memref<448x16xf32, #tpu.memory_space<vmem>>) target(%dma_start3A_676 : memref<448x16xf32, #tpu.memory_space<hbm>>) target_semaphore(%arg15 : memref<!tpu.dma_semaphore, #tpu.memory_space<semaphore_mem>>)
    %add3A_680 = arith.constant 3136 : i32
    %add3A_681 = arith.addi %mul3A_0, %add3A_680 : i32
    %dma_wait3A_682 = arith.constant 0 : i32
    %dma_wait3A_683 = arith.constant 0 : i32
    %dma_wait3A_684 = tpu.memref_slice %arg11[%dma_wait3A_682, %dma_wait3A_683] : memref<512x16xf32, #tpu.memory_space<vmem>> -> memref<448x16xf32, #tpu.memory_space<vmem>>
    %dma_wait3A_685 = arith.constant 0 : i32
    %dma_wait3A_686 = tpu.memref_slice %arg5[%add3A_521, %add3A_681, %dma_wait3A_685] : memref<4x100352x16xf32, #tpu.memory_space<hbm>> -> memref<1x448x16xf32, #tpu.memory_space<hbm>>
    %dma_wait3A_687 = tpu.memref_squeeze %dma_wait3A_686 : memref<1x448x16xf32, #tpu.memory_space<hbm>> -> memref<448x16xf32, #tpu.memory_space<hbm>>
    %dma_wait3A_688 = arith.constant 0 : i32
    %dma_wait3A_689 = tpu.memref_slice %arg5[%add3A_521, %add3A_681, %dma_wait3A_688] : memref<4x100352x16xf32, #tpu.memory_space<hbm>> -> memref<1x448x16xf32, #tpu.memory_space<hbm>>
    %dma_wait3A_690 = tpu.memref_squeeze %dma_wait3A_689 : memref<1x448x16xf32, #tpu.memory_space<hbm>> -> memref<448x16xf32, #tpu.memory_space<hbm>>
    %dma_wait3A_691 = arith.constant 0 : i32
    %dma_wait3A_692 = arith.constant 0 : i32
    %dma_wait3A_693 = tpu.memref_slice %arg11[%dma_wait3A_691, %dma_wait3A_692] : memref<512x16xf32, #tpu.memory_space<vmem>> -> memref<448x16xf32, #tpu.memory_space<vmem>>
    tpu.wait_dma2 semaphore(%arg15 : memref<!tpu.dma_semaphore, #tpu.memory_space<semaphore_mem>>) src(%dma_wait3A_693 : memref<448x16xf32, #tpu.memory_space<vmem>>) dst(%dma_wait3A_690 : memref<448x16xf32, #tpu.memory_space<hbm>>)
    "tpu.region"() ({
      %run_scoped3A = tpu.sem_alloc : memref<!tpu.dma_semaphore, #tpu.memory_space<semaphore_mem>>
      %dma_start3A_890 = arith.constant 0 : i32
      %dma_start3A_891 = arith.constant 0 : i32
      %dma_start3A_892 = tpu.memref_slice %arg11[%dma_start3A_890, %dma_start3A_891] : memref<512x16xf32, #tpu.memory_space<vmem>> -> memref<448x16xf32, #tpu.memory_space<vmem>>
      %dma_start3A_893 = arith.constant 0 : i32
      %dma_start3A_894 = tpu.memref_slice %arg12[%add3A_681, %dma_start3A_893] : memref<100352x16xf32, #tpu.memory_space<vmem_shared>> -> memref<448x16xf32, #tpu.memory_space<vmem_shared>>
      %dma_start3A_895 = arith.constant 0 : i32
      %dma_start3A_896 = arith.constant 0 : i32
      %dma_start3A_897 = tpu.memref_slice %arg11[%dma_start3A_895, %dma_start3A_896] : memref<512x16xf32, #tpu.memory_space<vmem>> -> memref<448x16xf32, #tpu.memory_space<vmem>>
      %dma_start3A_898 = arith.constant 0 : i32
      %dma_start3A_899 = tpu.memref_slice %arg12[%add3A_681, %dma_start3A_898] : memref<100352x16xf32, #tpu.memory_space<vmem_shared>> -> memref<448x16xf32, #tpu.memory_space<vmem_shared>>
      tpu.enqueue_dma source(%dma_start3A_899 : memref<448x16xf32, #tpu.memory_space<vmem_shared>>) target(%dma_start3A_897 : memref<448x16xf32, #tpu.memory_space<vmem>>) target_semaphore(%run_scoped3A : memref<!tpu.dma_semaphore, #tpu.memory_space<semaphore_mem>>)
      %dma_wait3A_900 = arith.constant 0 : i32
      %dma_wait3A_901 = arith.constant 0 : i32
      %dma_wait3A_902 = tpu.memref_slice %arg11[%dma_wait3A_900, %dma_wait3A_901] : memref<512x16xf32, #tpu.memory_space<vmem>> -> memref<448x16xf32, #tpu.memory_space<vmem>>
      %dma_wait3A_903 = arith.constant 0 : i32
      %dma_wait3A_904 = tpu.memref_slice %arg12[%add3A_681, %dma_wait3A_903] : memref<100352x16xf32, #tpu.memory_space<vmem_shared>> -> memref<448x16xf32, #tpu.memory_space<vmem_shared>>
      %dma_wait3A_905 = arith.constant 0 : i32
      %dma_wait3A_906 = arith.constant 0 : i32
      %dma_wait3A_907 = tpu.memref_slice %arg11[%dma_wait3A_905, %dma_wait3A_906] : memref<512x16xf32, #tpu.memory_space<vmem>> -> memref<448x16xf32, #tpu.memory_space<vmem>>
      %dma_wait3A_908 = arith.constant 0 : i32
      %dma_wait3A_909 = tpu.memref_slice %arg12[%add3A_681, %dma_wait3A_908] : memref<100352x16xf32, #tpu.memory_space<vmem_shared>> -> memref<448x16xf32, #tpu.memory_space<vmem_shared>>
      tpu.wait_dma2 semaphore(%run_scoped3A : memref<!tpu.dma_semaphore, #tpu.memory_space<semaphore_mem>>) src(%dma_wait3A_909 : memref<448x16xf32, #tpu.memory_space<vmem_shared>>) dst(%dma_wait3A_907 : memref<448x16xf32, #tpu.memory_space<vmem>>)
      tpu.yield
    }) : () -> ()
    %dma_start3A_694 = arith.constant 0 : i32
    %dma_start3A_695 = arith.constant 0 : i32
    %dma_start3A_696 = tpu.memref_slice %arg11[%dma_start3A_694, %dma_start3A_695] : memref<512x16xf32, #tpu.memory_space<vmem>> -> memref<448x16xf32, #tpu.memory_space<vmem>>
    %dma_start3A_697 = arith.constant 0 : i32
    %dma_start3A_698 = tpu.memref_slice %arg5[%add3A_521, %add3A_681, %dma_start3A_697] : memref<4x100352x16xf32, #tpu.memory_space<hbm>> -> memref<1x448x16xf32, #tpu.memory_space<hbm>>
    %dma_start3A_699 = tpu.memref_squeeze %dma_start3A_698 : memref<1x448x16xf32, #tpu.memory_space<hbm>> -> memref<448x16xf32, #tpu.memory_space<hbm>>
    %dma_start3A_700 = arith.constant 0 : i32
    %dma_start3A_701 = tpu.memref_slice %arg5[%add3A_521, %add3A_681, %dma_start3A_700] : memref<4x100352x16xf32, #tpu.memory_space<hbm>> -> memref<1x448x16xf32, #tpu.memory_space<hbm>>
    %dma_start3A_702 = tpu.memref_squeeze %dma_start3A_701 : memref<1x448x16xf32, #tpu.memory_space<hbm>> -> memref<448x16xf32, #tpu.memory_space<hbm>>
    %dma_start3A_703 = arith.constant 0 : i32
    %dma_start3A_704 = arith.constant 0 : i32
    %dma_start3A_705 = tpu.memref_slice %arg11[%dma_start3A_703, %dma_start3A_704] : memref<512x16xf32, #tpu.memory_space<vmem>> -> memref<448x16xf32, #tpu.memory_space<vmem>>
    tpu.enqueue_dma source(%dma_start3A_705 : memref<448x16xf32, #tpu.memory_space<vmem>>) target(%dma_start3A_702 : memref<448x16xf32, #tpu.memory_space<hbm>>) target_semaphore(%arg15 : memref<!tpu.dma_semaphore, #tpu.memory_space<semaphore_mem>>)
    %add3A_706 = arith.constant 3584 : i32
    %add3A_707 = arith.addi %mul3A_0, %add3A_706 : i32
    %dma_wait3A_708 = arith.constant 0 : i32
    %dma_wait3A_709 = arith.constant 0 : i32
    %dma_wait3A_710 = tpu.memref_slice %arg10[%dma_wait3A_708, %dma_wait3A_709] : memref<512x16xf32, #tpu.memory_space<vmem>> -> memref<448x16xf32, #tpu.memory_space<vmem>>
    %dma_wait3A_711 = arith.constant 0 : i32
    %dma_wait3A_712 = tpu.memref_slice %arg5[%add3A_521, %add3A_707, %dma_wait3A_711] : memref<4x100352x16xf32, #tpu.memory_space<hbm>> -> memref<1x448x16xf32, #tpu.memory_space<hbm>>
    %dma_wait3A_713 = tpu.memref_squeeze %dma_wait3A_712 : memref<1x448x16xf32, #tpu.memory_space<hbm>> -> memref<448x16xf32, #tpu.memory_space<hbm>>
    %dma_wait3A_714 = arith.constant 0 : i32
    %dma_wait3A_715 = tpu.memref_slice %arg5[%add3A_521, %add3A_707, %dma_wait3A_714] : memref<4x100352x16xf32, #tpu.memory_space<hbm>> -> memref<1x448x16xf32, #tpu.memory_space<hbm>>
    %dma_wait3A_716 = tpu.memref_squeeze %dma_wait3A_715 : memref<1x448x16xf32, #tpu.memory_space<hbm>> -> memref<448x16xf32, #tpu.memory_space<hbm>>
    %dma_wait3A_717 = arith.constant 0 : i32
    %dma_wait3A_718 = arith.constant 0 : i32
    %dma_wait3A_719 = tpu.memref_slice %arg10[%dma_wait3A_717, %dma_wait3A_718] : memref<512x16xf32, #tpu.memory_space<vmem>> -> memref<448x16xf32, #tpu.memory_space<vmem>>
    tpu.wait_dma2 semaphore(%arg15 : memref<!tpu.dma_semaphore, #tpu.memory_space<semaphore_mem>>) src(%dma_wait3A_719 : memref<448x16xf32, #tpu.memory_space<vmem>>) dst(%dma_wait3A_716 : memref<448x16xf32, #tpu.memory_space<hbm>>)
    "tpu.region"() ({
      %run_scoped3A = tpu.sem_alloc : memref<!tpu.dma_semaphore, #tpu.memory_space<semaphore_mem>>
      %dma_start3A_890 = arith.constant 0 : i32
      %dma_start3A_891 = arith.constant 0 : i32
      %dma_start3A_892 = tpu.memref_slice %arg10[%dma_start3A_890, %dma_start3A_891] : memref<512x16xf32, #tpu.memory_space<vmem>> -> memref<448x16xf32, #tpu.memory_space<vmem>>
      %dma_start3A_893 = arith.constant 0 : i32
      %dma_start3A_894 = tpu.memref_slice %arg12[%add3A_707, %dma_start3A_893] : memref<100352x16xf32, #tpu.memory_space<vmem_shared>> -> memref<448x16xf32, #tpu.memory_space<vmem_shared>>
      %dma_start3A_895 = arith.constant 0 : i32
      %dma_start3A_896 = arith.constant 0 : i32
      %dma_start3A_897 = tpu.memref_slice %arg10[%dma_start3A_895, %dma_start3A_896] : memref<512x16xf32, #tpu.memory_space<vmem>> -> memref<448x16xf32, #tpu.memory_space<vmem>>
      %dma_start3A_898 = arith.constant 0 : i32
      %dma_start3A_899 = tpu.memref_slice %arg12[%add3A_707, %dma_start3A_898] : memref<100352x16xf32, #tpu.memory_space<vmem_shared>> -> memref<448x16xf32, #tpu.memory_space<vmem_shared>>
      tpu.enqueue_dma source(%dma_start3A_899 : memref<448x16xf32, #tpu.memory_space<vmem_shared>>) target(%dma_start3A_897 : memref<448x16xf32, #tpu.memory_space<vmem>>) target_semaphore(%run_scoped3A : memref<!tpu.dma_semaphore, #tpu.memory_space<semaphore_mem>>)
      %dma_wait3A_900 = arith.constant 0 : i32
      %dma_wait3A_901 = arith.constant 0 : i32
      %dma_wait3A_902 = tpu.memref_slice %arg10[%dma_wait3A_900, %dma_wait3A_901] : memref<512x16xf32, #tpu.memory_space<vmem>> -> memref<448x16xf32, #tpu.memory_space<vmem>>
      %dma_wait3A_903 = arith.constant 0 : i32
      %dma_wait3A_904 = tpu.memref_slice %arg12[%add3A_707, %dma_wait3A_903] : memref<100352x16xf32, #tpu.memory_space<vmem_shared>> -> memref<448x16xf32, #tpu.memory_space<vmem_shared>>
      %dma_wait3A_905 = arith.constant 0 : i32
      %dma_wait3A_906 = arith.constant 0 : i32
      %dma_wait3A_907 = tpu.memref_slice %arg10[%dma_wait3A_905, %dma_wait3A_906] : memref<512x16xf32, #tpu.memory_space<vmem>> -> memref<448x16xf32, #tpu.memory_space<vmem>>
      %dma_wait3A_908 = arith.constant 0 : i32
      %dma_wait3A_909 = tpu.memref_slice %arg12[%add3A_707, %dma_wait3A_908] : memref<100352x16xf32, #tpu.memory_space<vmem_shared>> -> memref<448x16xf32, #tpu.memory_space<vmem_shared>>
      tpu.wait_dma2 semaphore(%run_scoped3A : memref<!tpu.dma_semaphore, #tpu.memory_space<semaphore_mem>>) src(%dma_wait3A_909 : memref<448x16xf32, #tpu.memory_space<vmem_shared>>) dst(%dma_wait3A_907 : memref<448x16xf32, #tpu.memory_space<vmem>>)
      tpu.yield
    }) : () -> ()
    %dma_start3A_720 = arith.constant 0 : i32
    %dma_start3A_721 = arith.constant 0 : i32
    %dma_start3A_722 = tpu.memref_slice %arg10[%dma_start3A_720, %dma_start3A_721] : memref<512x16xf32, #tpu.memory_space<vmem>> -> memref<448x16xf32, #tpu.memory_space<vmem>>
    %dma_start3A_723 = arith.constant 0 : i32
    %dma_start3A_724 = tpu.memref_slice %arg5[%add3A_521, %add3A_707, %dma_start3A_723] : memref<4x100352x16xf32, #tpu.memory_space<hbm>> -> memref<1x448x16xf32, #tpu.memory_space<hbm>>
    %dma_start3A_725 = tpu.memref_squeeze %dma_start3A_724 : memref<1x448x16xf32, #tpu.memory_space<hbm>> -> memref<448x16xf32, #tpu.memory_space<hbm>>
    %dma_start3A_726 = arith.constant 0 : i32
    %dma_start3A_727 = tpu.memref_slice %arg5[%add3A_521, %add3A_707, %dma_start3A_726] : memref<4x100352x16xf32, #tpu.memory_space<hbm>> -> memref<1x448x16xf32, #tpu.memory_space<hbm>>
    %dma_start3A_728 = tpu.memref_squeeze %dma_start3A_727 : memref<1x448x16xf32, #tpu.memory_space<hbm>> -> memref<448x16xf32, #tpu.memory_space<hbm>>
    %dma_start3A_729 = arith.constant 0 : i32
    %dma_start3A_730 = arith.constant 0 : i32
    %dma_start3A_731 = tpu.memref_slice %arg10[%dma_start3A_729, %dma_start3A_730] : memref<512x16xf32, #tpu.memory_space<vmem>> -> memref<448x16xf32, #tpu.memory_space<vmem>>
    tpu.enqueue_dma source(%dma_start3A_731 : memref<448x16xf32, #tpu.memory_space<vmem>>) target(%dma_start3A_728 : memref<448x16xf32, #tpu.memory_space<hbm>>) target_semaphore(%arg15 : memref<!tpu.dma_semaphore, #tpu.memory_space<semaphore_mem>>)
    %add3A_732 = arith.constant 4032 : i32
    %add3A_733 = arith.addi %mul3A_0, %add3A_732 : i32
    %dma_wait3A_734 = arith.constant 0 : i32
    %dma_wait3A_735 = arith.constant 0 : i32
    %dma_wait3A_736 = tpu.memref_slice %arg11[%dma_wait3A_734, %dma_wait3A_735] : memref<512x16xf32, #tpu.memory_space<vmem>> -> memref<448x16xf32, #tpu.memory_space<vmem>>
    %dma_wait3A_737 = arith.constant 0 : i32
    %dma_wait3A_738 = tpu.memref_slice %arg5[%add3A_521, %add3A_733, %dma_wait3A_737] : memref<4x100352x16xf32, #tpu.memory_space<hbm>> -> memref<1x448x16xf32, #tpu.memory_space<hbm>>
    %dma_wait3A_739 = tpu.memref_squeeze %dma_wait3A_738 : memref<1x448x16xf32, #tpu.memory_space<hbm>> -> memref<448x16xf32, #tpu.memory_space<hbm>>
    %dma_wait3A_740 = arith.constant 0 : i32
    %dma_wait3A_741 = tpu.memref_slice %arg5[%add3A_521, %add3A_733, %dma_wait3A_740] : memref<4x100352x16xf32, #tpu.memory_space<hbm>> -> memref<1x448x16xf32, #tpu.memory_space<hbm>>
    %dma_wait3A_742 = tpu.memref_squeeze %dma_wait3A_741 : memref<1x448x16xf32, #tpu.memory_space<hbm>> -> memref<448x16xf32, #tpu.memory_space<hbm>>
    %dma_wait3A_743 = arith.constant 0 : i32
    %dma_wait3A_744 = arith.constant 0 : i32
    %dma_wait3A_745 = tpu.memref_slice %arg11[%dma_wait3A_743, %dma_wait3A_744] : memref<512x16xf32, #tpu.memory_space<vmem>> -> memref<448x16xf32, #tpu.memory_space<vmem>>
    tpu.wait_dma2 semaphore(%arg15 : memref<!tpu.dma_semaphore, #tpu.memory_space<semaphore_mem>>) src(%dma_wait3A_745 : memref<448x16xf32, #tpu.memory_space<vmem>>) dst(%dma_wait3A_742 : memref<448x16xf32, #tpu.memory_space<hbm>>)
    "tpu.region"() ({
      %run_scoped3A = tpu.sem_alloc : memref<!tpu.dma_semaphore, #tpu.memory_space<semaphore_mem>>
      %dma_start3A_890 = arith.constant 0 : i32
      %dma_start3A_891 = arith.constant 0 : i32
      %dma_start3A_892 = tpu.memref_slice %arg11[%dma_start3A_890, %dma_start3A_891] : memref<512x16xf32, #tpu.memory_space<vmem>> -> memref<448x16xf32, #tpu.memory_space<vmem>>
      %dma_start3A_893 = arith.constant 0 : i32
      %dma_start3A_894 = tpu.memref_slice %arg12[%add3A_733, %dma_start3A_893] : memref<100352x16xf32, #tpu.memory_space<vmem_shared>> -> memref<448x16xf32, #tpu.memory_space<vmem_shared>>
      %dma_start3A_895 = arith.constant 0 : i32
      %dma_start3A_896 = arith.constant 0 : i32
      %dma_start3A_897 = tpu.memref_slice %arg11[%dma_start3A_895, %dma_start3A_896] : memref<512x16xf32, #tpu.memory_space<vmem>> -> memref<448x16xf32, #tpu.memory_space<vmem>>
      %dma_start3A_898 = arith.constant 0 : i32
      %dma_start3A_899 = tpu.memref_slice %arg12[%add3A_733, %dma_start3A_898] : memref<100352x16xf32, #tpu.memory_space<vmem_shared>> -> memref<448x16xf32, #tpu.memory_space<vmem_shared>>
      tpu.enqueue_dma source(%dma_start3A_899 : memref<448x16xf32, #tpu.memory_space<vmem_shared>>) target(%dma_start3A_897 : memref<448x16xf32, #tpu.memory_space<vmem>>) target_semaphore(%run_scoped3A : memref<!tpu.dma_semaphore, #tpu.memory_space<semaphore_mem>>)
      %dma_wait3A_900 = arith.constant 0 : i32
      %dma_wait3A_901 = arith.constant 0 : i32
      %dma_wait3A_902 = tpu.memref_slice %arg11[%dma_wait3A_900, %dma_wait3A_901] : memref<512x16xf32, #tpu.memory_space<vmem>> -> memref<448x16xf32, #tpu.memory_space<vmem>>
      %dma_wait3A_903 = arith.constant 0 : i32
      %dma_wait3A_904 = tpu.memref_slice %arg12[%add3A_733, %dma_wait3A_903] : memref<100352x16xf32, #tpu.memory_space<vmem_shared>> -> memref<448x16xf32, #tpu.memory_space<vmem_shared>>
      %dma_wait3A_905 = arith.constant 0 : i32
      %dma_wait3A_906 = arith.constant 0 : i32
      %dma_wait3A_907 = tpu.memref_slice %arg11[%dma_wait3A_905, %dma_wait3A_906] : memref<512x16xf32, #tpu.memory_space<vmem>> -> memref<448x16xf32, #tpu.memory_space<vmem>>
      %dma_wait3A_908 = arith.constant 0 : i32
      %dma_wait3A_909 = tpu.memref_slice %arg12[%add3A_733, %dma_wait3A_908] : memref<100352x16xf32, #tpu.memory_space<vmem_shared>> -> memref<448x16xf32, #tpu.memory_space<vmem_shared>>
      tpu.wait_dma2 semaphore(%run_scoped3A : memref<!tpu.dma_semaphore, #tpu.memory_space<semaphore_mem>>) src(%dma_wait3A_909 : memref<448x16xf32, #tpu.memory_space<vmem_shared>>) dst(%dma_wait3A_907 : memref<448x16xf32, #tpu.memory_space<vmem>>)
      tpu.yield
    }) : () -> ()
    %dma_start3A_746 = arith.constant 0 : i32
    %dma_start3A_747 = arith.constant 0 : i32
    %dma_start3A_748 = tpu.memref_slice %arg11[%dma_start3A_746, %dma_start3A_747] : memref<512x16xf32, #tpu.memory_space<vmem>> -> memref<448x16xf32, #tpu.memory_space<vmem>>
    %dma_start3A_749 = arith.constant 0 : i32
    %dma_start3A_750 = tpu.memref_slice %arg5[%add3A_521, %add3A_733, %dma_start3A_749] : memref<4x100352x16xf32, #tpu.memory_space<hbm>> -> memref<1x448x16xf32, #tpu.memory_space<hbm>>
    %dma_start3A_751 = tpu.memref_squeeze %dma_start3A_750 : memref<1x448x16xf32, #tpu.memory_space<hbm>> -> memref<448x16xf32, #tpu.memory_space<hbm>>
    %dma_start3A_752 = arith.constant 0 : i32
    %dma_start3A_753 = tpu.memref_slice %arg5[%add3A_521, %add3A_733, %dma_start3A_752] : memref<4x100352x16xf32, #tpu.memory_space<hbm>> -> memref<1x448x16xf32, #tpu.memory_space<hbm>>
    %dma_start3A_754 = tpu.memref_squeeze %dma_start3A_753 : memref<1x448x16xf32, #tpu.memory_space<hbm>> -> memref<448x16xf32, #tpu.memory_space<hbm>>
    %dma_start3A_755 = arith.constant 0 : i32
    %dma_start3A_756 = arith.constant 0 : i32
    %dma_start3A_757 = tpu.memref_slice %arg11[%dma_start3A_755, %dma_start3A_756] : memref<512x16xf32, #tpu.memory_space<vmem>> -> memref<448x16xf32, #tpu.memory_space<vmem>>
    tpu.enqueue_dma source(%dma_start3A_757 : memref<448x16xf32, #tpu.memory_space<vmem>>) target(%dma_start3A_754 : memref<448x16xf32, #tpu.memory_space<hbm>>) target_semaphore(%arg15 : memref<!tpu.dma_semaphore, #tpu.memory_space<semaphore_mem>>)
    %add3A_758 = arith.constant 4480 : i32
    %add3A_759 = arith.addi %mul3A_0, %add3A_758 : i32
    %dma_wait3A_760 = arith.constant 0 : i32
    %dma_wait3A_761 = arith.constant 0 : i32
    %dma_wait3A_762 = tpu.memref_slice %arg10[%dma_wait3A_760, %dma_wait3A_761] : memref<512x16xf32, #tpu.memory_space<vmem>> -> memref<448x16xf32, #tpu.memory_space<vmem>>
    %dma_wait3A_763 = arith.constant 0 : i32
    %dma_wait3A_764 = tpu.memref_slice %arg5[%add3A_521, %add3A_759, %dma_wait3A_763] : memref<4x100352x16xf32, #tpu.memory_space<hbm>> -> memref<1x448x16xf32, #tpu.memory_space<hbm>>
    %dma_wait3A_765 = tpu.memref_squeeze %dma_wait3A_764 : memref<1x448x16xf32, #tpu.memory_space<hbm>> -> memref<448x16xf32, #tpu.memory_space<hbm>>
    %dma_wait3A_766 = arith.constant 0 : i32
    %dma_wait3A_767 = tpu.memref_slice %arg5[%add3A_521, %add3A_759, %dma_wait3A_766] : memref<4x100352x16xf32, #tpu.memory_space<hbm>> -> memref<1x448x16xf32, #tpu.memory_space<hbm>>
    %dma_wait3A_768 = tpu.memref_squeeze %dma_wait3A_767 : memref<1x448x16xf32, #tpu.memory_space<hbm>> -> memref<448x16xf32, #tpu.memory_space<hbm>>
    %dma_wait3A_769 = arith.constant 0 : i32
    %dma_wait3A_770 = arith.constant 0 : i32
    %dma_wait3A_771 = tpu.memref_slice %arg10[%dma_wait3A_769, %dma_wait3A_770] : memref<512x16xf32, #tpu.memory_space<vmem>> -> memref<448x16xf32, #tpu.memory_space<vmem>>
    tpu.wait_dma2 semaphore(%arg15 : memref<!tpu.dma_semaphore, #tpu.memory_space<semaphore_mem>>) src(%dma_wait3A_771 : memref<448x16xf32, #tpu.memory_space<vmem>>) dst(%dma_wait3A_768 : memref<448x16xf32, #tpu.memory_space<hbm>>)
    "tpu.region"() ({
      %run_scoped3A = tpu.sem_alloc : memref<!tpu.dma_semaphore, #tpu.memory_space<semaphore_mem>>
      %dma_start3A_890 = arith.constant 0 : i32
      %dma_start3A_891 = arith.constant 0 : i32
      %dma_start3A_892 = tpu.memref_slice %arg10[%dma_start3A_890, %dma_start3A_891] : memref<512x16xf32, #tpu.memory_space<vmem>> -> memref<448x16xf32, #tpu.memory_space<vmem>>
      %dma_start3A_893 = arith.constant 0 : i32
      %dma_start3A_894 = tpu.memref_slice %arg12[%add3A_759, %dma_start3A_893] : memref<100352x16xf32, #tpu.memory_space<vmem_shared>> -> memref<448x16xf32, #tpu.memory_space<vmem_shared>>
      %dma_start3A_895 = arith.constant 0 : i32
      %dma_start3A_896 = arith.constant 0 : i32
      %dma_start3A_897 = tpu.memref_slice %arg10[%dma_start3A_895, %dma_start3A_896] : memref<512x16xf32, #tpu.memory_space<vmem>> -> memref<448x16xf32, #tpu.memory_space<vmem>>
      %dma_start3A_898 = arith.constant 0 : i32
      %dma_start3A_899 = tpu.memref_slice %arg12[%add3A_759, %dma_start3A_898] : memref<100352x16xf32, #tpu.memory_space<vmem_shared>> -> memref<448x16xf32, #tpu.memory_space<vmem_shared>>
      tpu.enqueue_dma source(%dma_start3A_899 : memref<448x16xf32, #tpu.memory_space<vmem_shared>>) target(%dma_start3A_897 : memref<448x16xf32, #tpu.memory_space<vmem>>) target_semaphore(%run_scoped3A : memref<!tpu.dma_semaphore, #tpu.memory_space<semaphore_mem>>)
      %dma_wait3A_900 = arith.constant 0 : i32
      %dma_wait3A_901 = arith.constant 0 : i32
      %dma_wait3A_902 = tpu.memref_slice %arg10[%dma_wait3A_900, %dma_wait3A_901] : memref<512x16xf32, #tpu.memory_space<vmem>> -> memref<448x16xf32, #tpu.memory_space<vmem>>
      %dma_wait3A_903 = arith.constant 0 : i32
      %dma_wait3A_904 = tpu.memref_slice %arg12[%add3A_759, %dma_wait3A_903] : memref<100352x16xf32, #tpu.memory_space<vmem_shared>> -> memref<448x16xf32, #tpu.memory_space<vmem_shared>>
      %dma_wait3A_905 = arith.constant 0 : i32
      %dma_wait3A_906 = arith.constant 0 : i32
      %dma_wait3A_907 = tpu.memref_slice %arg10[%dma_wait3A_905, %dma_wait3A_906] : memref<512x16xf32, #tpu.memory_space<vmem>> -> memref<448x16xf32, #tpu.memory_space<vmem>>
      %dma_wait3A_908 = arith.constant 0 : i32
      %dma_wait3A_909 = tpu.memref_slice %arg12[%add3A_759, %dma_wait3A_908] : memref<100352x16xf32, #tpu.memory_space<vmem_shared>> -> memref<448x16xf32, #tpu.memory_space<vmem_shared>>
      tpu.wait_dma2 semaphore(%run_scoped3A : memref<!tpu.dma_semaphore, #tpu.memory_space<semaphore_mem>>) src(%dma_wait3A_909 : memref<448x16xf32, #tpu.memory_space<vmem_shared>>) dst(%dma_wait3A_907 : memref<448x16xf32, #tpu.memory_space<vmem>>)
      tpu.yield
    }) : () -> ()
    %dma_start3A_772 = arith.constant 0 : i32
    %dma_start3A_773 = arith.constant 0 : i32
    %dma_start3A_774 = tpu.memref_slice %arg10[%dma_start3A_772, %dma_start3A_773] : memref<512x16xf32, #tpu.memory_space<vmem>> -> memref<448x16xf32, #tpu.memory_space<vmem>>
    %dma_start3A_775 = arith.constant 0 : i32
    %dma_start3A_776 = tpu.memref_slice %arg5[%add3A_521, %add3A_759, %dma_start3A_775] : memref<4x100352x16xf32, #tpu.memory_space<hbm>> -> memref<1x448x16xf32, #tpu.memory_space<hbm>>
    %dma_start3A_777 = tpu.memref_squeeze %dma_start3A_776 : memref<1x448x16xf32, #tpu.memory_space<hbm>> -> memref<448x16xf32, #tpu.memory_space<hbm>>
    %dma_start3A_778 = arith.constant 0 : i32
    %dma_start3A_779 = tpu.memref_slice %arg5[%add3A_521, %add3A_759, %dma_start3A_778] : memref<4x100352x16xf32, #tpu.memory_space<hbm>> -> memref<1x448x16xf32, #tpu.memory_space<hbm>>
    %dma_start3A_780 = tpu.memref_squeeze %dma_start3A_779 : memref<1x448x16xf32, #tpu.memory_space<hbm>> -> memref<448x16xf32, #tpu.memory_space<hbm>>
    %dma_start3A_781 = arith.constant 0 : i32
    %dma_start3A_782 = arith.constant 0 : i32
    %dma_start3A_783 = tpu.memref_slice %arg10[%dma_start3A_781, %dma_start3A_782] : memref<512x16xf32, #tpu.memory_space<vmem>> -> memref<448x16xf32, #tpu.memory_space<vmem>>
    tpu.enqueue_dma source(%dma_start3A_783 : memref<448x16xf32, #tpu.memory_space<vmem>>) target(%dma_start3A_780 : memref<448x16xf32, #tpu.memory_space<hbm>>) target_semaphore(%arg15 : memref<!tpu.dma_semaphore, #tpu.memory_space<semaphore_mem>>)
    %add3A_784 = arith.constant 4928 : i32
    %add3A_785 = arith.addi %mul3A_0, %add3A_784 : i32
    %dma_wait3A_786 = arith.constant 0 : i32
    %dma_wait3A_787 = arith.constant 0 : i32
    %dma_wait3A_788 = tpu.memref_slice %arg11[%dma_wait3A_786, %dma_wait3A_787] : memref<512x16xf32, #tpu.memory_space<vmem>> -> memref<448x16xf32, #tpu.memory_space<vmem>>
    %dma_wait3A_789 = arith.constant 0 : i32
    %dma_wait3A_790 = tpu.memref_slice %arg5[%add3A_521, %add3A_785, %dma_wait3A_789] : memref<4x100352x16xf32, #tpu.memory_space<hbm>> -> memref<1x448x16xf32, #tpu.memory_space<hbm>>
    %dma_wait3A_791 = tpu.memref_squeeze %dma_wait3A_790 : memref<1x448x16xf32, #tpu.memory_space<hbm>> -> memref<448x16xf32, #tpu.memory_space<hbm>>
    %dma_wait3A_792 = arith.constant 0 : i32
    %dma_wait3A_793 = tpu.memref_slice %arg5[%add3A_521, %add3A_785, %dma_wait3A_792] : memref<4x100352x16xf32, #tpu.memory_space<hbm>> -> memref<1x448x16xf32, #tpu.memory_space<hbm>>
    %dma_wait3A_794 = tpu.memref_squeeze %dma_wait3A_793 : memref<1x448x16xf32, #tpu.memory_space<hbm>> -> memref<448x16xf32, #tpu.memory_space<hbm>>
    %dma_wait3A_795 = arith.constant 0 : i32
    %dma_wait3A_796 = arith.constant 0 : i32
    %dma_wait3A_797 = tpu.memref_slice %arg11[%dma_wait3A_795, %dma_wait3A_796] : memref<512x16xf32, #tpu.memory_space<vmem>> -> memref<448x16xf32, #tpu.memory_space<vmem>>
    tpu.wait_dma2 semaphore(%arg15 : memref<!tpu.dma_semaphore, #tpu.memory_space<semaphore_mem>>) src(%dma_wait3A_797 : memref<448x16xf32, #tpu.memory_space<vmem>>) dst(%dma_wait3A_794 : memref<448x16xf32, #tpu.memory_space<hbm>>)
    "tpu.region"() ({
      %run_scoped3A = tpu.sem_alloc : memref<!tpu.dma_semaphore, #tpu.memory_space<semaphore_mem>>
      %dma_start3A_890 = arith.constant 0 : i32
      %dma_start3A_891 = arith.constant 0 : i32
      %dma_start3A_892 = tpu.memref_slice %arg11[%dma_start3A_890, %dma_start3A_891] : memref<512x16xf32, #tpu.memory_space<vmem>> -> memref<448x16xf32, #tpu.memory_space<vmem>>
      %dma_start3A_893 = arith.constant 0 : i32
      %dma_start3A_894 = tpu.memref_slice %arg12[%add3A_785, %dma_start3A_893] : memref<100352x16xf32, #tpu.memory_space<vmem_shared>> -> memref<448x16xf32, #tpu.memory_space<vmem_shared>>
      %dma_start3A_895 = arith.constant 0 : i32
      %dma_start3A_896 = arith.constant 0 : i32
      %dma_start3A_897 = tpu.memref_slice %arg11[%dma_start3A_895, %dma_start3A_896] : memref<512x16xf32, #tpu.memory_space<vmem>> -> memref<448x16xf32, #tpu.memory_space<vmem>>
      %dma_start3A_898 = arith.constant 0 : i32
      %dma_start3A_899 = tpu.memref_slice %arg12[%add3A_785, %dma_start3A_898] : memref<100352x16xf32, #tpu.memory_space<vmem_shared>> -> memref<448x16xf32, #tpu.memory_space<vmem_shared>>
      tpu.enqueue_dma source(%dma_start3A_899 : memref<448x16xf32, #tpu.memory_space<vmem_shared>>) target(%dma_start3A_897 : memref<448x16xf32, #tpu.memory_space<vmem>>) target_semaphore(%run_scoped3A : memref<!tpu.dma_semaphore, #tpu.memory_space<semaphore_mem>>)
      %dma_wait3A_900 = arith.constant 0 : i32
      %dma_wait3A_901 = arith.constant 0 : i32
      %dma_wait3A_902 = tpu.memref_slice %arg11[%dma_wait3A_900, %dma_wait3A_901] : memref<512x16xf32, #tpu.memory_space<vmem>> -> memref<448x16xf32, #tpu.memory_space<vmem>>
      %dma_wait3A_903 = arith.constant 0 : i32
      %dma_wait3A_904 = tpu.memref_slice %arg12[%add3A_785, %dma_wait3A_903] : memref<100352x16xf32, #tpu.memory_space<vmem_shared>> -> memref<448x16xf32, #tpu.memory_space<vmem_shared>>
      %dma_wait3A_905 = arith.constant 0 : i32
      %dma_wait3A_906 = arith.constant 0 : i32
      %dma_wait3A_907 = tpu.memref_slice %arg11[%dma_wait3A_905, %dma_wait3A_906] : memref<512x16xf32, #tpu.memory_space<vmem>> -> memref<448x16xf32, #tpu.memory_space<vmem>>
      %dma_wait3A_908 = arith.constant 0 : i32
      %dma_wait3A_909 = tpu.memref_slice %arg12[%add3A_785, %dma_wait3A_908] : memref<100352x16xf32, #tpu.memory_space<vmem_shared>> -> memref<448x16xf32, #tpu.memory_space<vmem_shared>>
      tpu.wait_dma2 semaphore(%run_scoped3A : memref<!tpu.dma_semaphore, #tpu.memory_space<semaphore_mem>>) src(%dma_wait3A_909 : memref<448x16xf32, #tpu.memory_space<vmem_shared>>) dst(%dma_wait3A_907 : memref<448x16xf32, #tpu.memory_space<vmem>>)
      tpu.yield
    }) : () -> ()
    %dma_start3A_798 = arith.constant 0 : i32
    %dma_start3A_799 = arith.constant 0 : i32
    %dma_start3A_800 = tpu.memref_slice %arg11[%dma_start3A_798, %dma_start3A_799] : memref<512x16xf32, #tpu.memory_space<vmem>> -> memref<448x16xf32, #tpu.memory_space<vmem>>
    %dma_start3A_801 = arith.constant 0 : i32
    %dma_start3A_802 = tpu.memref_slice %arg5[%add3A_521, %add3A_785, %dma_start3A_801] : memref<4x100352x16xf32, #tpu.memory_space<hbm>> -> memref<1x448x16xf32, #tpu.memory_space<hbm>>
    %dma_start3A_803 = tpu.memref_squeeze %dma_start3A_802 : memref<1x448x16xf32, #tpu.memory_space<hbm>> -> memref<448x16xf32, #tpu.memory_space<hbm>>
    %dma_start3A_804 = arith.constant 0 : i32
    %dma_start3A_805 = tpu.memref_slice %arg5[%add3A_521, %add3A_785, %dma_start3A_804] : memref<4x100352x16xf32, #tpu.memory_space<hbm>> -> memref<1x448x16xf32, #tpu.memory_space<hbm>>
    %dma_start3A_806 = tpu.memref_squeeze %dma_start3A_805 : memref<1x448x16xf32, #tpu.memory_space<hbm>> -> memref<448x16xf32, #tpu.memory_space<hbm>>
    %dma_start3A_807 = arith.constant 0 : i32
    %dma_start3A_808 = arith.constant 0 : i32
    %dma_start3A_809 = tpu.memref_slice %arg11[%dma_start3A_807, %dma_start3A_808] : memref<512x16xf32, #tpu.memory_space<vmem>> -> memref<448x16xf32, #tpu.memory_space<vmem>>
    tpu.enqueue_dma source(%dma_start3A_809 : memref<448x16xf32, #tpu.memory_space<vmem>>) target(%dma_start3A_806 : memref<448x16xf32, #tpu.memory_space<hbm>>) target_semaphore(%arg15 : memref<!tpu.dma_semaphore, #tpu.memory_space<semaphore_mem>>)
    %add3A_810 = arith.constant 5376 : i32
    %add3A_811 = arith.addi %mul3A_0, %add3A_810 : i32
    %dma_wait3A_812 = arith.constant 0 : i32
    %dma_wait3A_813 = arith.constant 0 : i32
    %dma_wait3A_814 = tpu.memref_slice %arg10[%dma_wait3A_812, %dma_wait3A_813] : memref<512x16xf32, #tpu.memory_space<vmem>> -> memref<448x16xf32, #tpu.memory_space<vmem>>
    %dma_wait3A_815 = arith.constant 0 : i32
    %dma_wait3A_816 = tpu.memref_slice %arg5[%add3A_521, %add3A_811, %dma_wait3A_815] : memref<4x100352x16xf32, #tpu.memory_space<hbm>> -> memref<1x448x16xf32, #tpu.memory_space<hbm>>
    %dma_wait3A_817 = tpu.memref_squeeze %dma_wait3A_816 : memref<1x448x16xf32, #tpu.memory_space<hbm>> -> memref<448x16xf32, #tpu.memory_space<hbm>>
    %dma_wait3A_818 = arith.constant 0 : i32
    %dma_wait3A_819 = tpu.memref_slice %arg5[%add3A_521, %add3A_811, %dma_wait3A_818] : memref<4x100352x16xf32, #tpu.memory_space<hbm>> -> memref<1x448x16xf32, #tpu.memory_space<hbm>>
    %dma_wait3A_820 = tpu.memref_squeeze %dma_wait3A_819 : memref<1x448x16xf32, #tpu.memory_space<hbm>> -> memref<448x16xf32, #tpu.memory_space<hbm>>
    %dma_wait3A_821 = arith.constant 0 : i32
    %dma_wait3A_822 = arith.constant 0 : i32
    %dma_wait3A_823 = tpu.memref_slice %arg10[%dma_wait3A_821, %dma_wait3A_822] : memref<512x16xf32, #tpu.memory_space<vmem>> -> memref<448x16xf32, #tpu.memory_space<vmem>>
    tpu.wait_dma2 semaphore(%arg15 : memref<!tpu.dma_semaphore, #tpu.memory_space<semaphore_mem>>) src(%dma_wait3A_823 : memref<448x16xf32, #tpu.memory_space<vmem>>) dst(%dma_wait3A_820 : memref<448x16xf32, #tpu.memory_space<hbm>>)
    "tpu.region"() ({
      %run_scoped3A = tpu.sem_alloc : memref<!tpu.dma_semaphore, #tpu.memory_space<semaphore_mem>>
      %dma_start3A_890 = arith.constant 0 : i32
      %dma_start3A_891 = arith.constant 0 : i32
      %dma_start3A_892 = tpu.memref_slice %arg10[%dma_start3A_890, %dma_start3A_891] : memref<512x16xf32, #tpu.memory_space<vmem>> -> memref<448x16xf32, #tpu.memory_space<vmem>>
      %dma_start3A_893 = arith.constant 0 : i32
      %dma_start3A_894 = tpu.memref_slice %arg12[%add3A_811, %dma_start3A_893] : memref<100352x16xf32, #tpu.memory_space<vmem_shared>> -> memref<448x16xf32, #tpu.memory_space<vmem_shared>>
      %dma_start3A_895 = arith.constant 0 : i32
      %dma_start3A_896 = arith.constant 0 : i32
      %dma_start3A_897 = tpu.memref_slice %arg10[%dma_start3A_895, %dma_start3A_896] : memref<512x16xf32, #tpu.memory_space<vmem>> -> memref<448x16xf32, #tpu.memory_space<vmem>>
      %dma_start3A_898 = arith.constant 0 : i32
      %dma_start3A_899 = tpu.memref_slice %arg12[%add3A_811, %dma_start3A_898] : memref<100352x16xf32, #tpu.memory_space<vmem_shared>> -> memref<448x16xf32, #tpu.memory_space<vmem_shared>>
      tpu.enqueue_dma source(%dma_start3A_899 : memref<448x16xf32, #tpu.memory_space<vmem_shared>>) target(%dma_start3A_897 : memref<448x16xf32, #tpu.memory_space<vmem>>) target_semaphore(%run_scoped3A : memref<!tpu.dma_semaphore, #tpu.memory_space<semaphore_mem>>)
      %dma_wait3A_900 = arith.constant 0 : i32
      %dma_wait3A_901 = arith.constant 0 : i32
      %dma_wait3A_902 = tpu.memref_slice %arg10[%dma_wait3A_900, %dma_wait3A_901] : memref<512x16xf32, #tpu.memory_space<vmem>> -> memref<448x16xf32, #tpu.memory_space<vmem>>
      %dma_wait3A_903 = arith.constant 0 : i32
      %dma_wait3A_904 = tpu.memref_slice %arg12[%add3A_811, %dma_wait3A_903] : memref<100352x16xf32, #tpu.memory_space<vmem_shared>> -> memref<448x16xf32, #tpu.memory_space<vmem_shared>>
      %dma_wait3A_905 = arith.constant 0 : i32
      %dma_wait3A_906 = arith.constant 0 : i32
      %dma_wait3A_907 = tpu.memref_slice %arg10[%dma_wait3A_905, %dma_wait3A_906] : memref<512x16xf32, #tpu.memory_space<vmem>> -> memref<448x16xf32, #tpu.memory_space<vmem>>
      %dma_wait3A_908 = arith.constant 0 : i32
      %dma_wait3A_909 = tpu.memref_slice %arg12[%add3A_811, %dma_wait3A_908] : memref<100352x16xf32, #tpu.memory_space<vmem_shared>> -> memref<448x16xf32, #tpu.memory_space<vmem_shared>>
      tpu.wait_dma2 semaphore(%run_scoped3A : memref<!tpu.dma_semaphore, #tpu.memory_space<semaphore_mem>>) src(%dma_wait3A_909 : memref<448x16xf32, #tpu.memory_space<vmem_shared>>) dst(%dma_wait3A_907 : memref<448x16xf32, #tpu.memory_space<vmem>>)
      tpu.yield
    }) : () -> ()
    %dma_start3A_824 = arith.constant 0 : i32
    %dma_start3A_825 = arith.constant 0 : i32
    %dma_start3A_826 = tpu.memref_slice %arg10[%dma_start3A_824, %dma_start3A_825] : memref<512x16xf32, #tpu.memory_space<vmem>> -> memref<448x16xf32, #tpu.memory_space<vmem>>
    %dma_start3A_827 = arith.constant 0 : i32
    %dma_start3A_828 = tpu.memref_slice %arg5[%add3A_521, %add3A_811, %dma_start3A_827] : memref<4x100352x16xf32, #tpu.memory_space<hbm>> -> memref<1x448x16xf32, #tpu.memory_space<hbm>>
    %dma_start3A_829 = tpu.memref_squeeze %dma_start3A_828 : memref<1x448x16xf32, #tpu.memory_space<hbm>> -> memref<448x16xf32, #tpu.memory_space<hbm>>
    %dma_start3A_830 = arith.constant 0 : i32
    %dma_start3A_831 = tpu.memref_slice %arg5[%add3A_521, %add3A_811, %dma_start3A_830] : memref<4x100352x16xf32, #tpu.memory_space<hbm>> -> memref<1x448x16xf32, #tpu.memory_space<hbm>>
    %dma_start3A_832 = tpu.memref_squeeze %dma_start3A_831 : memref<1x448x16xf32, #tpu.memory_space<hbm>> -> memref<448x16xf32, #tpu.memory_space<hbm>>
    %dma_start3A_833 = arith.constant 0 : i32
    %dma_start3A_834 = arith.constant 0 : i32
    %dma_start3A_835 = tpu.memref_slice %arg10[%dma_start3A_833, %dma_start3A_834] : memref<512x16xf32, #tpu.memory_space<vmem>> -> memref<448x16xf32, #tpu.memory_space<vmem>>
    tpu.enqueue_dma source(%dma_start3A_835 : memref<448x16xf32, #tpu.memory_space<vmem>>) target(%dma_start3A_832 : memref<448x16xf32, #tpu.memory_space<hbm>>) target_semaphore(%arg15 : memref<!tpu.dma_semaphore, #tpu.memory_space<semaphore_mem>>)
    %add3A_836 = arith.constant 5824 : i32
    %add3A_837 = arith.addi %mul3A_0, %add3A_836 : i32
    %dma_wait3A_838 = arith.constant 0 : i32
    %dma_wait3A_839 = arith.constant 0 : i32
    %dma_wait3A_840 = tpu.memref_slice %arg11[%dma_wait3A_838, %dma_wait3A_839] : memref<512x16xf32, #tpu.memory_space<vmem>> -> memref<448x16xf32, #tpu.memory_space<vmem>>
    %dma_wait3A_841 = arith.constant 0 : i32
    %dma_wait3A_842 = tpu.memref_slice %arg5[%add3A_521, %add3A_837, %dma_wait3A_841] : memref<4x100352x16xf32, #tpu.memory_space<hbm>> -> memref<1x448x16xf32, #tpu.memory_space<hbm>>
    %dma_wait3A_843 = tpu.memref_squeeze %dma_wait3A_842 : memref<1x448x16xf32, #tpu.memory_space<hbm>> -> memref<448x16xf32, #tpu.memory_space<hbm>>
    %dma_wait3A_844 = arith.constant 0 : i32
    %dma_wait3A_845 = tpu.memref_slice %arg5[%add3A_521, %add3A_837, %dma_wait3A_844] : memref<4x100352x16xf32, #tpu.memory_space<hbm>> -> memref<1x448x16xf32, #tpu.memory_space<hbm>>
    %dma_wait3A_846 = tpu.memref_squeeze %dma_wait3A_845 : memref<1x448x16xf32, #tpu.memory_space<hbm>> -> memref<448x16xf32, #tpu.memory_space<hbm>>
    %dma_wait3A_847 = arith.constant 0 : i32
    %dma_wait3A_848 = arith.constant 0 : i32
    %dma_wait3A_849 = tpu.memref_slice %arg11[%dma_wait3A_847, %dma_wait3A_848] : memref<512x16xf32, #tpu.memory_space<vmem>> -> memref<448x16xf32, #tpu.memory_space<vmem>>
    tpu.wait_dma2 semaphore(%arg15 : memref<!tpu.dma_semaphore, #tpu.memory_space<semaphore_mem>>) src(%dma_wait3A_849 : memref<448x16xf32, #tpu.memory_space<vmem>>) dst(%dma_wait3A_846 : memref<448x16xf32, #tpu.memory_space<hbm>>)
    "tpu.region"() ({
      %run_scoped3A = tpu.sem_alloc : memref<!tpu.dma_semaphore, #tpu.memory_space<semaphore_mem>>
      %dma_start3A_890 = arith.constant 0 : i32
      %dma_start3A_891 = arith.constant 0 : i32
      %dma_start3A_892 = tpu.memref_slice %arg11[%dma_start3A_890, %dma_start3A_891] : memref<512x16xf32, #tpu.memory_space<vmem>> -> memref<448x16xf32, #tpu.memory_space<vmem>>
      %dma_start3A_893 = arith.constant 0 : i32
      %dma_start3A_894 = tpu.memref_slice %arg12[%add3A_837, %dma_start3A_893] : memref<100352x16xf32, #tpu.memory_space<vmem_shared>> -> memref<448x16xf32, #tpu.memory_space<vmem_shared>>
      %dma_start3A_895 = arith.constant 0 : i32
      %dma_start3A_896 = arith.constant 0 : i32
      %dma_start3A_897 = tpu.memref_slice %arg11[%dma_start3A_895, %dma_start3A_896] : memref<512x16xf32, #tpu.memory_space<vmem>> -> memref<448x16xf32, #tpu.memory_space<vmem>>
      %dma_start3A_898 = arith.constant 0 : i32
      %dma_start3A_899 = tpu.memref_slice %arg12[%add3A_837, %dma_start3A_898] : memref<100352x16xf32, #tpu.memory_space<vmem_shared>> -> memref<448x16xf32, #tpu.memory_space<vmem_shared>>
      tpu.enqueue_dma source(%dma_start3A_899 : memref<448x16xf32, #tpu.memory_space<vmem_shared>>) target(%dma_start3A_897 : memref<448x16xf32, #tpu.memory_space<vmem>>) target_semaphore(%run_scoped3A : memref<!tpu.dma_semaphore, #tpu.memory_space<semaphore_mem>>)
      %dma_wait3A_900 = arith.constant 0 : i32
      %dma_wait3A_901 = arith.constant 0 : i32
      %dma_wait3A_902 = tpu.memref_slice %arg11[%dma_wait3A_900, %dma_wait3A_901] : memref<512x16xf32, #tpu.memory_space<vmem>> -> memref<448x16xf32, #tpu.memory_space<vmem>>
      %dma_wait3A_903 = arith.constant 0 : i32
      %dma_wait3A_904 = tpu.memref_slice %arg12[%add3A_837, %dma_wait3A_903] : memref<100352x16xf32, #tpu.memory_space<vmem_shared>> -> memref<448x16xf32, #tpu.memory_space<vmem_shared>>
      %dma_wait3A_905 = arith.constant 0 : i32
      %dma_wait3A_906 = arith.constant 0 : i32
      %dma_wait3A_907 = tpu.memref_slice %arg11[%dma_wait3A_905, %dma_wait3A_906] : memref<512x16xf32, #tpu.memory_space<vmem>> -> memref<448x16xf32, #tpu.memory_space<vmem>>
      %dma_wait3A_908 = arith.constant 0 : i32
      %dma_wait3A_909 = tpu.memref_slice %arg12[%add3A_837, %dma_wait3A_908] : memref<100352x16xf32, #tpu.memory_space<vmem_shared>> -> memref<448x16xf32, #tpu.memory_space<vmem_shared>>
      tpu.wait_dma2 semaphore(%run_scoped3A : memref<!tpu.dma_semaphore, #tpu.memory_space<semaphore_mem>>) src(%dma_wait3A_909 : memref<448x16xf32, #tpu.memory_space<vmem_shared>>) dst(%dma_wait3A_907 : memref<448x16xf32, #tpu.memory_space<vmem>>)
      tpu.yield
    }) : () -> ()
    %dma_start3A_850 = arith.constant 0 : i32
    %dma_start3A_851 = arith.constant 0 : i32
    %dma_start3A_852 = tpu.memref_slice %arg11[%dma_start3A_850, %dma_start3A_851] : memref<512x16xf32, #tpu.memory_space<vmem>> -> memref<448x16xf32, #tpu.memory_space<vmem>>
    %dma_start3A_853 = arith.constant 0 : i32
    %dma_start3A_854 = tpu.memref_slice %arg5[%add3A_521, %add3A_837, %dma_start3A_853] : memref<4x100352x16xf32, #tpu.memory_space<hbm>> -> memref<1x448x16xf32, #tpu.memory_space<hbm>>
    %dma_start3A_855 = tpu.memref_squeeze %dma_start3A_854 : memref<1x448x16xf32, #tpu.memory_space<hbm>> -> memref<448x16xf32, #tpu.memory_space<hbm>>
    %dma_start3A_856 = arith.constant 0 : i32
    %dma_start3A_857 = tpu.memref_slice %arg5[%add3A_521, %add3A_837, %dma_start3A_856] : memref<4x100352x16xf32, #tpu.memory_space<hbm>> -> memref<1x448x16xf32, #tpu.memory_space<hbm>>
    %dma_start3A_858 = tpu.memref_squeeze %dma_start3A_857 : memref<1x448x16xf32, #tpu.memory_space<hbm>> -> memref<448x16xf32, #tpu.memory_space<hbm>>
    %dma_start3A_859 = arith.constant 0 : i32
    %dma_start3A_860 = arith.constant 0 : i32
    %dma_start3A_861 = tpu.memref_slice %arg11[%dma_start3A_859, %dma_start3A_860] : memref<512x16xf32, #tpu.memory_space<vmem>> -> memref<448x16xf32, #tpu.memory_space<vmem>>
    tpu.enqueue_dma source(%dma_start3A_861 : memref<448x16xf32, #tpu.memory_space<vmem>>) target(%dma_start3A_858 : memref<448x16xf32, #tpu.memory_space<hbm>>) target_semaphore(%arg15 : memref<!tpu.dma_semaphore, #tpu.memory_space<semaphore_mem>>)
    %add3A_862 = arith.constant 5376 : i32
    %add3A_863 = arith.addi %mul3A_0, %add3A_862 : i32
    %dma_wait3A_864 = arith.constant 0 : i32
    %dma_wait3A_865 = arith.constant 0 : i32
    %dma_wait3A_866 = tpu.memref_slice %arg10[%dma_wait3A_864, %dma_wait3A_865] : memref<512x16xf32, #tpu.memory_space<vmem>> -> memref<448x16xf32, #tpu.memory_space<vmem>>
    %dma_wait3A_867 = arith.constant 0 : i32
    %dma_wait3A_868 = tpu.memref_slice %arg5[%add3A_521, %add3A_863, %dma_wait3A_867] : memref<4x100352x16xf32, #tpu.memory_space<hbm>> -> memref<1x448x16xf32, #tpu.memory_space<hbm>>
    %dma_wait3A_869 = tpu.memref_squeeze %dma_wait3A_868 : memref<1x448x16xf32, #tpu.memory_space<hbm>> -> memref<448x16xf32, #tpu.memory_space<hbm>>
    %dma_wait3A_870 = arith.constant 0 : i32
    %dma_wait3A_871 = tpu.memref_slice %arg5[%add3A_521, %add3A_863, %dma_wait3A_870] : memref<4x100352x16xf32, #tpu.memory_space<hbm>> -> memref<1x448x16xf32, #tpu.memory_space<hbm>>
    %dma_wait3A_872 = tpu.memref_squeeze %dma_wait3A_871 : memref<1x448x16xf32, #tpu.memory_space<hbm>> -> memref<448x16xf32, #tpu.memory_space<hbm>>
    %dma_wait3A_873 = arith.constant 0 : i32
    %dma_wait3A_874 = arith.constant 0 : i32
    %dma_wait3A_875 = tpu.memref_slice %arg10[%dma_wait3A_873, %dma_wait3A_874] : memref<512x16xf32, #tpu.memory_space<vmem>> -> memref<448x16xf32, #tpu.memory_space<vmem>>
    tpu.wait_dma2 semaphore(%arg15 : memref<!tpu.dma_semaphore, #tpu.memory_space<semaphore_mem>>) src(%dma_wait3A_875 : memref<448x16xf32, #tpu.memory_space<vmem>>) dst(%dma_wait3A_872 : memref<448x16xf32, #tpu.memory_space<hbm>>)
    %add3A_876 = arith.constant 5824 : i32
    %add3A_877 = arith.addi %mul3A_0, %add3A_876 : i32
    %dma_wait3A_878 = arith.constant 0 : i32
    %dma_wait3A_879 = arith.constant 0 : i32
    %dma_wait3A_880 = tpu.memref_slice %arg11[%dma_wait3A_878, %dma_wait3A_879] : memref<512x16xf32, #tpu.memory_space<vmem>> -> memref<448x16xf32, #tpu.memory_space<vmem>>
    %dma_wait3A_881 = arith.constant 0 : i32
    %dma_wait3A_882 = tpu.memref_slice %arg5[%add3A_521, %add3A_877, %dma_wait3A_881] : memref<4x100352x16xf32, #tpu.memory_space<hbm>> -> memref<1x448x16xf32, #tpu.memory_space<hbm>>
    %dma_wait3A_883 = tpu.memref_squeeze %dma_wait3A_882 : memref<1x448x16xf32, #tpu.memory_space<hbm>> -> memref<448x16xf32, #tpu.memory_space<hbm>>
    %dma_wait3A_884 = arith.constant 0 : i32
    %dma_wait3A_885 = tpu.memref_slice %arg5[%add3A_521, %add3A_877, %dma_wait3A_884] : memref<4x100352x16xf32, #tpu.memory_space<hbm>> -> memref<1x448x16xf32, #tpu.memory_space<hbm>>
    %dma_wait3A_886 = tpu.memref_squeeze %dma_wait3A_885 : memref<1x448x16xf32, #tpu.memory_space<hbm>> -> memref<448x16xf32, #tpu.memory_space<hbm>>
    %dma_wait3A_887 = arith.constant 0 : i32
    %dma_wait3A_888 = arith.constant 0 : i32
    %dma_wait3A_889 = tpu.memref_slice %arg11[%dma_wait3A_887, %dma_wait3A_888] : memref<512x16xf32, #tpu.memory_space<vmem>> -> memref<448x16xf32, #tpu.memory_space<vmem>>
    tpu.wait_dma2 semaphore(%arg15 : memref<!tpu.dma_semaphore, #tpu.memory_space<semaphore_mem>>) src(%dma_wait3A_889 : memref<448x16xf32, #tpu.memory_space<vmem>>) dst(%dma_wait3A_886 : memref<448x16xf32, #tpu.memory_space<hbm>>)
    return
  }
}

module attributes {stable_mosaic.version = 14 : i64} {
  func.func @body(%arg0: i32, %arg1: i32, %arg2: memref<1568x128xf32, #tpu.memory_space<vmem>>, %arg3: memref<1x1568x128xf32, #tpu.memory_space<vmem>>, %arg4: memref<1x1568x128xf32, #tpu.memory_space<vmem>>, %arg5: memref<16x16xf32, #tpu.memory_space<vmem>>, %arg6: memref<16x16xf32, #tpu.memory_space<vmem>>, %arg7: memref<16x16xf32, #tpu.memory_space<vmem>>, %arg8: memref<1568x128xf32, #tpu.memory_space<vmem>>) attributes {dimension_semantics = [#tpu.dimension_semantics<arbitrary>, #tpu.dimension_semantics<arbitrary>], iteration_bounds = array<i64: 3, 8>, scalar_prefetch = 0 : i64, scratch_operands = 0 : i64, tpu.core_type = #tpu.core_type<tc>, window_params = [{transform_indices = @transform_0, window_bounds = array<i64: 1568, 128>}, {transform_indices = @transform_1, window_bounds = array<i64: 1, 1568, 128>}, {transform_indices = @transform_2, window_bounds = array<i64: 1, 1568, 128>}, {pipeline_mode = #tpu.pipeline_mode<synchronous>, transform_indices = @transform_3, window_bounds = array<i64: 16, 16>}, {pipeline_mode = #tpu.pipeline_mode<synchronous>, transform_indices = @transform_4, window_bounds = array<i64: 16, 16>}, {pipeline_mode = #tpu.pipeline_mode<synchronous>, transform_indices = @transform_5, window_bounds = array<i64: 16, 16>}, {transform_indices = @transform_6, window_bounds = array<i64: 1568, 128>}]} {
    %iota3A = tpu.iota {dimensions = array<i32: 0>} : vector<8x8xi32>
    %iota3A_0 = tpu.iota {dimensions = array<i32: 1>} : vector<8x8xi32>
    %add3A = arith.constant 0 : i32
    %add3A_1 = vector.broadcast %add3A : i32 to vector<8x8xi32>
    %add3A_2 = arith.addi %iota3A, %add3A_1 : vector<8x8xi32>
    %eq3A = arith.cmpi eq, %add3A_2, %iota3A_0 : vector<8x8xi32>
    %convert_element_type3A = arith.extui %eq3A : vector<8x8xi1> to vector<8x8xi32>
    %convert_element_type3A_3 = arith.sitofp %convert_element_type3A : vector<8x8xi32> to vector<8x8xf32>
    %get3A = arith.constant 0 : index
    %get3A_4 = arith.constant 0 : index
    %get3A_5 = vector.load %arg5[%get3A, %get3A_4] : memref<16x16xf32, #tpu.memory_space<vmem>>, vector<16x16xf32>
    %get3A_6 = arith.constant 0 : index
    %get3A_7 = arith.constant 0 : index
    %get3A_8 = vector.load %arg7[%get3A_6, %get3A_7] : memref<16x16xf32, #tpu.memory_space<vmem>>, vector<16x16xf32>
    %dot_general3A = arith.constant dense<0.000000e+00> : vector<16x16xf32>
    %dot_general3A_9 = tpu.matmul %get3A_5, %get3A_8, %dot_general3A {dimension_numbers = #tpu.dot_dimension_numbers<[1], [0], [0], [1], [0, 0, 1, 1], [], []>, transpose_lhs_hint = false} : vector<16x16xf32>, vector<16x16xf32>, vector<16x16xf32> -> vector<16x16xf32>
    %get3A_10 = arith.constant 0 : index
    %get3A_11 = arith.constant 0 : index
    %get3A_12 = vector.load %arg6[%get3A_10, %get3A_11] : memref<16x16xf32, #tpu.memory_space<vmem>>, vector<16x16xf32>
    %get3A_13 = arith.constant 0 : index
    %get3A_14 = arith.constant 0 : index
    %get3A_15 = vector.load %arg7[%get3A_13, %get3A_14] : memref<16x16xf32, #tpu.memory_space<vmem>>, vector<16x16xf32>
    %dot_general3A_16 = arith.constant dense<0.000000e+00> : vector<16x16xf32>
    %dot_general3A_17 = tpu.matmul %get3A_12, %get3A_15, %dot_general3A_16 {dimension_numbers = #tpu.dot_dimension_numbers<[1], [0], [0], [1], [0, 0, 1, 1], [], []>, transpose_lhs_hint = false} : vector<16x16xf32>, vector<16x16xf32>, vector<16x16xf32> -> vector<16x16xf32>
    %broadcast_in_dim3A = vector.shape_cast %convert_element_type3A_3 : vector<8x8xf32> to vector<8x1x8x1xf32>
    %broadcast_in_dim3A_18 = vector.shape_cast %dot_general3A_9 : vector<16x16xf32> to vector<1x16x1x16xf32>
    %mul3A = vector.broadcast %broadcast_in_dim3A : vector<8x1x8x1xf32> to vector<8x16x8x16xf32>
    %mul3A_19 = vector.broadcast %broadcast_in_dim3A_18 : vector<1x16x1x16xf32> to vector<8x16x8x16xf32>
    %mul3A_20 = arith.mulf %mul3A, %mul3A_19 : vector<8x16x8x16xf32>
    %reshape3A = vector.shape_cast %mul3A_20 : vector<8x16x8x16xf32> to vector<128x128xf32>
    %broadcast_in_dim3A_21 = vector.shape_cast %convert_element_type3A_3 : vector<8x8xf32> to vector<8x1x8x1xf32>
    %broadcast_in_dim3A_22 = vector.shape_cast %dot_general3A_17 : vector<16x16xf32> to vector<1x16x1x16xf32>
    %mul3A_23 = vector.broadcast %broadcast_in_dim3A_21 : vector<8x1x8x1xf32> to vector<8x16x8x16xf32>
    %mul3A_24 = vector.broadcast %broadcast_in_dim3A_22 : vector<1x16x1x16xf32> to vector<8x16x8x16xf32>
    %mul3A_25 = arith.mulf %mul3A_23, %mul3A_24 : vector<8x16x8x16xf32>
    %reshape3A_26 = vector.shape_cast %mul3A_25 : vector<8x16x8x16xf32> to vector<128x128xf32>
    %get3A_27 = arith.constant 0 : index
    %get3A_28 = arith.constant 0 : index
    %get3A_29 = arith.constant 0 : index
    %get3A_30 = vector.load %arg4[%get3A_27, %get3A_28, %get3A_29] : memref<1x1568x128xf32, #tpu.memory_space<vmem>>, vector<1x1568x128xf32>
    %get3A_31 = vector.shape_cast %get3A_30 : vector<1x1568x128xf32> to vector<1568x128xf32>
    %get3A_32 = arith.constant 0 : index
    %get3A_33 = arith.constant 0 : index
    %get3A_34 = vector.load %arg2[%get3A_32, %get3A_33] : memref<1568x128xf32, #tpu.memory_space<vmem>>, vector<1568x128xf32>
    %dot_general3A_35 = arith.constant dense<0.000000e+00> : vector<1568x128xf32>
    %dot_general3A_36 = tpu.matmul %get3A_34, %reshape3A, %dot_general3A_35 {dimension_numbers = #tpu.dot_dimension_numbers<[1], [0], [0], [1], [0, 0, 1, 1], [], []>, transpose_lhs_hint = false} : vector<1568x128xf32>, vector<128x128xf32>, vector<1568x128xf32> -> vector<1568x128xf32>
    %mul3A_37 = arith.mulf %get3A_31, %dot_general3A_36 : vector<1568x128xf32>
    %get3A_38 = arith.constant 0 : index
    %get3A_39 = arith.constant 0 : index
    %get3A_40 = arith.constant 0 : index
    %get3A_41 = vector.load %arg3[%get3A_38, %get3A_39, %get3A_40] : memref<1x1568x128xf32, #tpu.memory_space<vmem>>, vector<1x1568x128xf32>
    %get3A_42 = vector.shape_cast %get3A_41 : vector<1x1568x128xf32> to vector<1568x128xf32>
    %dot_general3A_43 = arith.constant dense<0.000000e+00> : vector<1568x128xf32>
    %dot_general3A_44 = tpu.matmul %get3A_42, %reshape3A_26, %dot_general3A_43 {dimension_numbers = #tpu.dot_dimension_numbers<[1], [0], [0], [1], [0, 0, 1, 1], [], []>, transpose_lhs_hint = false} : vector<1568x128xf32>, vector<128x128xf32>, vector<1568x128xf32> -> vector<1568x128xf32>
    %add3A_45 = arith.addf %mul3A_37, %dot_general3A_44 : vector<1568x128xf32>
    %swap3A = arith.constant 0 : index
    %swap3A_46 = arith.constant 0 : index
    %swap3A_47 = vector.load %arg8[%swap3A, %swap3A_46] : memref<1568x128xf32, #tpu.memory_space<vmem>>, vector<1568x128xf32>
    tpu.vector_store %arg8[%swap3A, %swap3A_46], %add3A_45 {strides = array<i32>} : memref<1568x128xf32, #tpu.memory_space<vmem>>, vector<1568x128xf32>,
    return
  }
  func.func @transform_0(%arg0: i32, %arg1: i32) -> (i32, i32) {
    %mul3A = arith.constant 8 : i32
    %mul3A_0 = arith.muli %arg0, %mul3A : i32
    %add3A = arith.addi %mul3A_0, %arg1 : i32
    %c0_i32 = arith.constant 0 : i32
    %c0_i32_1 = arith.constant 0 : i32
    return %add3A, %c0_i32 : i32, i32
  }
  func.func @transform_1(%arg0: i32, %arg1: i32) -> (i32, i32, i32) {
    %c0_i32 = arith.constant 0 : i32
    %c0_i32_0 = arith.constant 0 : i32
    return %arg0, %arg1, %c0_i32 : i32, i32, i32
  }
  func.func @transform_2(%arg0: i32, %arg1: i32) -> (i32, i32, i32) {
    %c3_i32 = arith.constant 3 : i32
    %c0_i32 = arith.constant 0 : i32
    %c0_i32_0 = arith.constant 0 : i32
    return %c3_i32, %arg1, %c0_i32 : i32, i32, i32
  }
  func.func @transform_3(%arg0: i32, %arg1: i32) -> (i32, i32) {
    %c0_i32 = arith.constant 0 : i32
    %c0_i32_0 = arith.constant 0 : i32
    %c0_i32_1 = arith.constant 0 : i32
    return %c0_i32, %c0_i32_0 : i32, i32
  }
  func.func @transform_4(%arg0: i32, %arg1: i32) -> (i32, i32) {
    %c0_i32 = arith.constant 0 : i32
    %c0_i32_0 = arith.constant 0 : i32
    %c0_i32_1 = arith.constant 0 : i32
    return %c0_i32, %c0_i32_0 : i32, i32
  }
  func.func @transform_5(%arg0: i32, %arg1: i32) -> (i32, i32) {
    %c0_i32 = arith.constant 0 : i32
    %c0_i32_0 = arith.constant 0 : i32
    %c0_i32_1 = arith.constant 0 : i32
    return %c0_i32, %c0_i32_0 : i32, i32
  }
  func.func @transform_6(%arg0: i32, %arg1: i32) -> (i32, i32) {
    %mul3A = arith.constant 8 : i32
    %mul3A_0 = arith.muli %arg0, %mul3A : i32
    %add3A = arith.addi %mul3A_0, %arg1 : i32
    %c0_i32 = arith.constant 0 : i32
    %c0_i32_1 = arith.constant 0 : i32
    return %add3A, %c0_i32 : i32, i32
  }
}

</mosaic_0001>

<sc_bundles>
// kernel: kernel.4.cloned.1.call-start
scs
__scs_entry_jumppad:
0x0: {  	(pc) =	sbr.rel $0x88, $3  }
0x1: {  	(tag) =	ssettag $0x0;
	lr =	simm.s32 $0x1  }
0x2: {  	[smem:$0x3F9C] =	sst lr;
	_ =	strace $0xD0000000  }
0x3: {  	_ = 	snop  }
0x4: {  	_ = 	snop  }
0x5: {  	_ = 	snop  }
0x6: {  	_ = 	snop  }
0x7: {  	_ = 	snop  }
__scs_overlays_trampoline_lowered:
0x8: {  	[smem:$0x3FAB] =	sst s0  }
0x9: {  	[smem:$0x3FAC] =	sst s1  }
0xa: {  	[smem:$0x3FAD] =	sst s2  }
0xb: {  	[smem:$0x3FAE] =	sst s3  }
0xc: {  	[smem:$0x3FAF] =	sst s4  }
0xd: {  	[smem:$0x3FB0] =	sst s5  }
0xe: {  	[smem:$0x3FB1] =	sst s6  }
0xf: {  	[smem:$0x3FB2] =	sst s7  }
0x10: {  	[smem:$0x3FB3] =	sst s8  }
0x11: {  	[smem:$0x3FB4] =	sst s9;
	s0 =	simm.s32 @!p0 $0x0  }
0x12: {  	s1 =	sld [smem:$0x3F9A];
	s0 =	simm.s32 @p0 $0x1  }
0x13: {  	[smem:$0x3FB5] =	sst s0;
	s0 =	simm.s32 @!p1 $0x0  }
0x14: {  	s2 =	sld [smem:$0x3F99];
	s0 =	simm.s32 @p1 $0x1  }
0x15: {  	[smem:$0x3FB6] =	sst s0;
	s0 =	simm.s32 @!p2 $0x0  }
0x16: {  	s3 =	sld [smem:$0x3FDB];
	s0 =	simm.s32 @p2 $0x1  }
0x17: {  	s4 =	simm.s32 $0x1BF5;
	[smem:$0x3FB8] =	sst s0  }
0x18: {  	s0 =	sld [smem:$0x3F9B];
	_ =	swait.ge [sflag:s4], $0x0  }
0x19: {  	s7 =	sld [smem:$0x3F9C]  }
0x1a: {  	s8 =	sadd.s32 $0xFFFFE003, lr  }
0x1b: {  	s9 =	sadd.s32 $0xFFFFFEF7, lr;
	s5 =	simm.s32 $0xFFFFFFFF;
	p2 =	slt.u32 s8, $0xFFFFF086  }
0x1c: {  	p1 =	slt.u32 s9, $0xF7A;
	s5 =	simm.s32 @!p2 $0x0  }
0x1d: {  	s5 =	simm.s32 @p1 $0x1;
	p0 =	seq.s32 s7, s2  }
0x1e: {  	s7 =	smul.u32 @!p0 $0xF7A, s2;
	p2 =	seq.s32 @!p0 s5, $0x0  }
0x1f: {  	s9 =	smul.u32 $0xF7A, s1;
	s8 =	simm.s32 @!p0 $0x1BF5;
	p2 =	por !p2, p0  }
0x20: {  	[sflag:s8] =	ssyncset.s32 @!p0 $0xFFFFF086;
	s6 =	sadd.s32 @!p0 s3, s7;
	s7 =	simm.s32 @!p0 $0x108  }
0x21: {  	s3 =	sadd.s32 s3, s9;
	s6 =	sadd.s32 @!p0 $0x88, s6;
	s7 =	simm.s32 @p2 $0x1082  }
0x22: {  	[simem:s7], [sflag:s8] =	dma.local @!p0 [hbm:s6], $0xF7A  }
0x23: {  	s9 =	sor.u32 $0xD0000000, s2;
	s6 =	simm.s32 $0x108;
	_ =	swait.ge @!p0 [sflag:s8], $0x0  }
0x24: {  	s3 =	sadd.s32 $0x88, s3;
	s6 =	simm.s32 @!p1 $0x1082;
	[sflag:s4] =	ssyncset.s32 $0xFFFFF086  }
0x25: {  	[simem:s6], [sflag:s4] =	dma.local [hbm:s3], $0xF7A  }
0x26: {  	[smem:$0x3F9C] =	sst s1;
	(tag) =	ssettag s2;
	_ =	strace s9  }
0x27: {  	s1 =	sld [smem:$0x3FAC]  }
0x28: {  	s2 =	sld [smem:$0x3FAD]  }
0x29: {  	s4 =	sld [smem:$0x3FAF]  }
0x2a: {  	p0 =	seq.s32 s5, $0x0;
	s5 =	sld [smem:$0x3FB0]  }
0x2b: {  	s6 =	sld [smem:$0x3FB1]  }
0x2c: {  	s7 =	sld [smem:$0x3FB2]  }
0x2d: {  	s3 =	simm.s32 $0x108;
	s8 =	sld [smem:$0x3FB3]  }
0x2e: {  	s3 =	simm.s32 @!p0 $0x1082;
	s9 =	sld [smem:$0x3FB4]  }
0x2f: {  	lr =	sadd.s32 s0, s3;
	s0 =	sld [smem:$0x3FAB]  }
0x30: {  	s3 =	sld [smem:$0x3FAE]  }
0x31: {  	[smem:$0x3FB7] =	sst s10  }
0x32: {  	s10 =	sld [smem:$0x3FB5];
	_ =	sdelay $0x3  }
0x33: {  	p0 =	seq.s32 s10, $0x1;
	s10 =	sld [smem:$0x3FB7];
	_ =	sdelay $0x3  }
0x34: {  	[smem:$0x3FB7] =	sst s10  }
0x35: {  	s10 =	sld [smem:$0x3FB6];
	_ =	sdelay $0x3  }
0x36: {  	p1 =	seq.s32 s10, $0x1;
	s10 =	sld [smem:$0x3FB7];
	_ =	sdelay $0x3  }
0x37: {  	[smem:$0x3FB7] =	sst s10  }
0x38: {  	s10 =	sld [smem:$0x3FB8]  }
0x39: {  	_ = 	snop;
	(pc) =	sbr.ind lr, $3  }
0x3a: {  	_ = 	snop  }
0x3b: {  	_ = 	snop  }
0x3c: {  	p2 =	seq.s32 s10, $0x1;
	s10 =	sld [smem:$0x3FB7]  }
0x3d: {  	_ =	shalt  }
0x3e: {  	_ =	shalt  }
0x3f: {  	_ =	shalt  }
0x40: {  	_ =	shalt  }
0x41: {  	_ =	shalt  }
0x42: {  	_ =	shalt  }
0x43: {  	_ =	shalt  }
0x44: {  	_ =	shalt  }
0x45: {  	_ =	shalt  }
0x46: {  	_ =	shalt  }
0x47: {  	_ =	shalt  }
0x48: {  	_ =	shalt  }
0x49: {  	_ =	shalt  }
0x4a: {  	_ =	shalt  }
0x4b: {  	_ =	shalt  }
0x4c: {  	_ =	shalt  }
0x4d: {  	_ =	shalt  }
0x4e: {  	_ =	shalt  }
0x4f: {  	_ =	shalt  }
0x50: {  	_ =	shalt  }
0x51: {  	_ =	shalt  }
0x52: {  	_ =	shalt  }
0x53: {  	_ =	shalt  }
0x54: {  	_ =	shalt  }
0x55: {  	_ =	shalt  }
0x56: {  	_ =	shalt  }
0x57: {  	_ =	shalt  }
0x58: {  	_ =	shalt  }
0x59: {  	_ =	shalt  }
0x5a: {  	_ =	shalt  }
0x5b: {  	_ =	shalt  }
0x5c: {  	_ =	shalt  }
0x5d: {  	_ =	shalt  }
0x5e: {  	_ =	shalt  }
0x5f: {  	_ =	shalt  }
0x60: {  	_ =	shalt  }
0x61: {  	_ =	shalt  }
0x62: {  	_ =	shalt  }
0x63: {  	_ =	shalt  }
0x64: {  	_ =	shalt  }
0x65: {  	_ =	shalt  }
0x66: {  	_ =	shalt  }
0x67: {  	_ =	shalt  }
0x68: {  	_ =	shalt  }
0x69: {  	_ =	shalt  }
0x6a: {  	_ =	shalt  }
0x6b: {  	_ =	shalt  }
0x6c: {  	_ =	shalt  }
0x6d: {  	_ =	shalt  }
0x6e: {  	_ =	shalt  }
0x6f: {  	_ =	shalt  }
0x70: {  	_ =	shalt  }
0x71: {  	_ =	shalt  }
0x72: {  	_ =	shalt  }
0x73: {  	_ =	shalt  }
0x74: {  	_ =	shalt  }
0x75: {  	_ =	shalt  }
0x76: {  	_ =	shalt  }
0x77: {  	_ =	shalt  }
0x78: {  	_ =	shalt  }
0x79: {  	_ =	shalt  }
0x7a: {  	_ =	shalt  }
0x7b: {  	_ =	shalt  }
0x7c: {  	_ =	shalt  }
0x7d: {  	_ =	shalt  }
0x7e: {  	_ =	shalt  }
0x7f: {  	_ =	shalt  }
0x80: {  	_ =	shalt  }
0x81: {  	_ =	shalt  }
0x82: {  	_ =	shalt  }
0x83: {  	_ =	shalt  }
0x84: {  	_ =	shalt  }
0x85: {  	_ =	shalt  }
0x86: {  	_ =	shalt  }
0x87: {  	_ =	shalt  }
.Lfunc_end0:
.L_simem_size_0:
called_computation_lowered:
.L_overlay_start_0:
0x88: {  	s2 =	sld [smem:$0x3FD9]  }
0x89: {  	s3 =	sld [smem:$0x3FFE];
	_ =	sdelay $0x1  }
0x8a: {  	s1 =	srdreg.scid  }
0x8b: {  	s0 =	sand.u32 $0x1, s1  }
0x8c: {  	s17 =	sshll.u32 s0, $0xA;
	s2 =	sadd.s32 s3, s2  }
0x8d: {  	s2 =	sadd.s32 s2, s17  }
0x8e: {  	[smem:$0x3FC3] =	sst s2  }
0x8f: {  	_ = 	snop  }
0x90: {  	s2 =	sld [smem:$0x3FD0];
	(tm) =	ssettm $0x1  }
0x91: {  	s18 =	sld [smem:$0x3FFB];
	_ =	sdelay $0x3  }
0x92: {  	_ =	strace s18  }
0x93: {  	s3 =	sld [smem:$0x3FFC];
	_ =	sdelay $0x3  }
0x94: {  	_ =	strace s3  }
0x95: {  	s3 =	sld [smem:$0x3FFD];
	_ =	sdelay $0x3  }
0x96: {  	_ =	strace s3  }
0x97: {  	_ =	strace $0x8FFFFFFF  }
0x98: {  	s19 =	sld [smem:$0x3FDB];
	_ =	sdelay $0x1  }
0x99: {  	s4 =	simm.s32 $_scs_section_size  }
0x9a: {  	s5 =	simm.s32 $_size__tile_overlayer_lowered;
	s6 =	simm.s32 $_tile_overlayer_lowered  }
0x9b: {  	s22 =	simm.s32 $0x1BFF;
	s21 =	sshll.u32 s6, $0x1;
	s3 =	sadd.s32 s4, s19  }
0x9c: {  	s7 =	simm.s32 $0x0;
	s20 =	sshll.u32 s5, $0x1;
	s5 =	sadd.s32 s21, s3  }
0x9d: {  	[timem:s7], [sflag:s22] =	dma.local [hbm:s5], s20  }
0x9e: {  	_ =	swait.ge [sflag:s22], s20  }
0x9f: {  	s4 =	ssub.s32 $0x0, s20;
	[sflag:s22] =	ssyncset.done $0x0  }
0xa0: {  	[sflag:s22] =	ssyncadd.s32 s4;
	_ =	sdelay $0x1  }
0xa1: {  	s23 =	simm.s32 $0x1B8B  }
0xa2: {  	_ =	swait.ge [sflag:s23], $0x1  }
0xa3: {  	[sflag:s23] =	ssyncset.done $0x0  }
0xa4: {  	s25 =	simm.s32 $0x1B8E;
	s24 =	sld [smem:$0x3FFE];
	[sflag:s23] =	ssyncadd.s32 $0xFFFFFFFF  }
0xa5: {  	s26 =	simm.s32 $execute0_lowered;
	[smem:$0x3FD2] =	sst s25  }
0xa6: {  	s5 =	sshll.u32 s26, $0x1;
	_ =	strace $0x80000046;
	[dreg:$0x1] =	wrdreg $0xFFFFFFFF  }
0xa7: {  	s28 =	simm.s32 $_size_execute0_lowered;
	s3 =	sadd.s32 s3, s5;
	[dreg:$0x0] =	wrdreg $0x0  }
0xa8: {  	s5 =	sshll.u32 s28, $0x1;
	[dreg:$0x2] =	wrdreg s3  }
0xa9: {  	[dreg:$0x3] =	wrdreg s5  }
0xaa: {  	[dreg:$0x4] =	wrdreg $0xC0  }
0xab: {  	_ =	task [dreg:s7], $0x5FFFF  }
0xac: {  	[dreg:$0x1] =	wrdreg $0xFFFFFFFF  }
0xad: {  	[dreg:$0x0] =	wrdreg $0x60  }
0xae: {  	[dreg:$0x2] =	wrdreg s2  }
0xaf: {  	[dreg:$0x3] =	wrdreg s24  }
0xb0: {  	[dreg:$0x4] =	wrdreg $0x48000  }
0xb1: {  	[dreg:$0x5] =	wrdreg $0x9  }
0xb2: {  	_ =	task.clear_ibuf [dreg:s7], $0x6FFFF;
	_ =	strace $0x90000046  }
0xb3: {  	s29 =	simm.s32 $0x9;
	_ =	strace $0x80000048  }
0xb4: {  	_ =	swait.ge [sflag:s29], $0x1  }
0xb5: {  	[sflag:s29] =	ssyncadd.s32 $0xFFFFFFFF  }
0xb6: {  	_ =	strace $0x90000048  }
0xb7: {  	_ =	sfence  }
0xb8: {  	s30 =	sld [smem:$0x0];
	_ =	sdelay $0x2  }
0xb9: {  	s31 =	sshll.u32 s1, $0xD;
	s1 =	sshrl.u32 s1, $0x2  }
0xba: {  	s3 =	sand.u32 $0x4000, s31;
	s1 =	sadd.s32 s1, s30  }
0xbb: {  	s0 =	sor.u32 s3, s0;
	s1 =	sshll.u32 s1, $0x11  }
0xbc: {  	s0 =	sor.u32 s1, s0  }
0xbd: {  	s0 =	sadd.s32 $0x8F2B, s0  }
0xbe: {  	[sflag:s0] =	ssyncadd.remote.s32 $0x1  }
0xbf: {  	_ =	sfence.sel $0xFFFF  }
0xc0: {  	[dreg:$0x0] =	wrdreg $0xFFFFFFFF;
	(pc) =	sbr.abs _section_cstart, $3  }
0xc1: {  	[dreg:$0x1] =	wrdreg $0xFFFFFFFF  }
0xc2: {  	_ =	task.clear_ibuf [dreg:s7], $0x2FFFF;
	_ =	strace $0x9FFFFFFF  }
0xc3: {  	(tm) =	ssettm $0x7FFFFFFF  }
tec
execute0_lowered:
.L_overlay_start_1:
0x0: {  	(tag) =	ssettag $0x1  }
0x1: {  	s0 =	srdreg.scid  }
0x2: {  	s2 =	rddreg [dreg:$0x1];
	s22 =	stileid.u32  }
0x3: {  	s1 =	simm.s32 $0x0;
	s30 =	rddreg [dreg:$0x2];
	s28 =	simm.s32 $0x200  }
0x4: {  	s31 =	simm.s32 $0x2800;
	s0 =	sand.u32 $0x1, s0;
	s4 =	smul.u32 $0x18800, s22  }
0x5: {  	[smem:$0x7FF] =	sst s1;
	s14 =	sadd.s32 $0xC5200, s2;
	s3 =	ssub.s32 $0x2, s0  }
0x6: {  	s19 =	smul.u32 $0x310000, s0;
	p0 =	sne.s32 s0, $0x0;
	s5 =	sshrl.u32 s3, $0x1  }
0x7: {  	s6 =	sadd.s32 $0x3800, s4;
	s7 =	sadd.s32 $0x5400, s4;
	s8 =	sadd.s32 $0x7000, s4  }
0x8: {  	s9 =	sadd.s32 $0x8C00, s4;
	s10 =	sadd.s32 $0xA800, s4;
	s11 =	sadd.s32 $0xC400, s4  }
0x9: {  	s12 =	sadd.s32 $0xE000, s4;
	s13 =	sadd.s32 $0xFC00, s4;
	s3 =	ssub.s32 s3, s5  }
0xa: {  	s5 =	sadd.s32 $0x1C00, s4;
	s15 =	sadd.s32 s4, s19;
	s17 =	sadd.s32 s19, s6  }
0xb: {  	s25 =	sadd.s32 s19, s7;
	s26 =	sadd.s32 s19, s8;
	s29 =	sadd.s32 s19, s9  }
0xc: {  	s20 =	sadd.s32 s19, s10;
	s21 =	sadd.s32 s19, s11;
	s15 =	sshrl.u32 s15, $0x3  }
0xd: {  	s16 =	sadd.s32 s19, s5;
	s24 =	sshrl.u32 s17, $0x3;
	s15 =	sadd.s32 s14, s15  }
0xe: {  	s18 =	sshrl.u32 s29, $0x3;
	s16 =	sshrl.u32 s16, $0x3;
	[dreg:$0x4] =	wrdreg s15  }
0xf: {  	s23 =	sadd.s32 s14, s16;
	s15 =	sadd.s32 s14, s24;
	s16 =	sshrl.u32 s26, $0x3  }
0x10: {  	s26 =	sadd.s32 s19, s13;
	[dreg:$0x6] =	wrdreg s15;
	s15 =	sshrl.u32 s25, $0x3  }
0x11: {  	[dreg:$0x5] =	wrdreg s23;
	s16 =	sadd.s32 s14, s16;
	s15 =	sadd.s32 s14, s15  }
0x12: {  	s23 =	sadd.s32 s19, s12;
	[dreg:$0x7] =	wrdreg s15;
	s15 =	sadd.s32 s14, s18  }
0x13: {  	s29 =	sshrl.u32 s26, $0x3;
	[dreg:$0x9] =	wrdreg s15;
	s15 =	sshrl.u32 s20, $0x3  }
0x14: {  	[dreg:$0x8] =	wrdreg s16;
	s25 =	sshrl.u32 s23, $0x3;
	s15 =	sadd.s32 s14, s15  }
0x15: {  	s16 =	sshrl.u32 s21, $0x3;
	[dreg:$0xa] =	wrdreg s15;
	s15 =	sadd.s32 s14, s25  }
0x16: {  	s17 =	sadd.s32 s14, s29;
	[dreg:$0xc] =	wrdreg s15;
	s15 =	sadd.s32 $0x11800, s4  }
0x17: {  	s24 =	sadd.s32 s14, s16;
	s16 =	sadd.s32 $0x13400, s4;
	s18 =	sadd.s32 s19, s15  }
0x18: {  	[dreg:$0xd] =	wrdreg s17;
	s20 =	sadd.s32 s19, s16;
	s18 =	sshrl.u32 s18, $0x3  }
0x19: {  	[dreg:$0xb] =	wrdreg s24;
	s17 =	sadd.s32 s14, s18;
	s18 =	sshrl.u32 s20, $0x3  }
0x1a: {  	[dreg:$0xe] =	wrdreg s17;
	s17 =	sadd.s32 $0x15000, s4;
	s18 =	sadd.s32 s14, s18  }
0x1b: {  	[dreg:$0xf] =	wrdreg s18;
	s18 =	sadd.s32 $0x16C00, s4;
	s20 =	sadd.s32 s19, s17  }
0x1c: {  	s20 =	sshrl.u32 s20, $0x3;
	s21 =	sadd.s32 s19, s18;
	s19 =	sadd.s32 $0x188000, s19  }
0x1d: {  	s20 =	sadd.s32 s14, s20;
	s21 =	sshrl.u32 s21, $0x3;
	s23 =	sadd.s32 s4, s19  }
0x1e: {  	s25 =	sadd.s32 s5, s19;
	s29 =	sadd.s32 s6, s19;
	[dreg:$0x10] =	wrdreg s20  }
0x1f: {  	s20 =	sadd.s32 s14, s21;
	s24 =	sshrl.u32 s23, $0x3;
	s26 =	sshrl.u32 s25, $0x3  }
0x20: {  	s21 =	sshrl.u32 s29, $0x3;
	s23 =	sadd.s32 s7, s19;
	s25 =	sadd.s32 s8, s19  }
0x21: {  	s29 =	sadd.s32 s9, s19;
	s7 =	sadd.s32 s7, s30;
	s8 =	sadd.s32 s8, s30  }
0x22: {  	s9 =	sadd.s32 s9, s30;
	[dreg:$0x11] =	wrdreg s20;
	s20 =	sadd.s32 s14, s24  }
0x23: {  	s24 =	sshrl.u32 s23, $0x3;
	s23 =	sadd.s32 s10, s19;
	s10 =	sadd.s32 s10, s30  }
0x24: {  	[dreg:$0x12] =	wrdreg s20;
	s20 =	sadd.s32 s14, s26;
	s26 =	sshrl.u32 s25, $0x3  }
0x25: {  	s25 =	sadd.s32 s11, s19;
	[dreg:$0x13] =	wrdreg s20;
	s20 =	sadd.s32 s14, s21  }
0x26: {  	s21 =	sshrl.u32 s29, $0x3;
	s29 =	sadd.s32 s12, s19;
	[dreg:$0x14] =	wrdreg s20  }
0x27: {  	s20 =	sadd.s32 s14, s24;
	s24 =	sshrl.u32 s23, $0x3;
	s23 =	sadd.s32 s13, s19  }
0x28: {  	[dreg:$0x15] =	wrdreg s20;
	s20 =	sadd.s32 s14, s26;
	s26 =	sshrl.u32 s25, $0x3  }
0x29: {  	s25 =	sadd.s32 s15, s19;
	[dreg:$0x16] =	wrdreg s20;
	s20 =	sadd.s32 s14, s21  }
0x2a: {  	s21 =	sshrl.u32 s29, $0x3;
	[dreg:$0x17] =	wrdreg s20;
	s20 =	sadd.s32 s14, s24  }
0x2b: {  	s29 =	sadd.s32 s16, s19;
	s24 =	sshrl.u32 s23, $0x3;
	[dreg:$0x18] =	wrdreg s20  }
0x2c: {  	s20 =	sadd.s32 s14, s26;
	s26 =	sshrl.u32 s25, $0x3;
	s25 =	rddreg [dreg:$0x0]  }
0x2d: {  	s23 =	sadd.s32 s17, s19;
	[dreg:$0x19] =	wrdreg s20;
	s20 =	sadd.s32 s14, s21  }
0x2e: {  	s19 =	sadd.s32 s18, s19;
	[dreg:$0x1a] =	wrdreg s20;
	s20 =	sadd.s32 s14, s24  }
0x2f: {  	s21 =	sshrl.u32 s29, $0x3;
	[dreg:$0x1b] =	wrdreg s20;
	s20 =	sadd.s32 s14, s26  }
0x30: {  	s24 =	sshrl.u32 s23, $0x3;
	[dreg:$0x1c] =	wrdreg s20;
	s20 =	sadd.s32 s14, s21  }
0x31: {  	s19 =	sshrl.u32 s19, $0x3;
	[dreg:$0x1d] =	wrdreg s20;
	s20 =	sadd.s32 s14, s24  }
0x32: {  	s11 =	sadd.s32 s11, s30;
	s14 =	sadd.s32 s14, s19;
	[dreg:$0x1e] =	wrdreg s20  }
0x33: {  	s12 =	sadd.s32 s12, s30;
	s13 =	sadd.s32 s13, s30;
	[dreg:$0x1f] =	wrdreg s14  }
0x34: {  	s15 =	sadd.s32 s15, s30;
	_ =	strace $0x80000047;
	[smem:$0x7EE] =	sst s7  }
0x35: {  	s29 =	smul.u32 $0x62000, s0;
	s23 =	smax.u32 s3, $0x1;
	[smem:$0x7EF] =	sst s8  }
0x36: {  	s3 =	simm.s32 $0x3800;
	s26 =	smul.u32 $0x3100, s22;
	[smem:$0x7F0] =	sst s9  }
0x37: {  	s22 =	sadd.s32 s18, s30;
	s18 =	sadd.s32 $0x32200, s2;
	[smem:$0x7F1] =	sst s10  }
0x38: {  	s21 =	sadd.s32 s17, s30;
	s0 =	sadd.s32 s25, s26;
	[smem:$0x7F2] =	sst s11  }
0x39: {  	s19 =	sadd.s32 s29, s2;
	s24 =	sadd.s32 s5, s30;
	[smem:$0x7F3] =	sst s12  }
0x3a: {  	s25 =	sadd.s32 s6, s30;
	s5 =	simm.s32 $0x4000;
	[smem:$0x7F4] =	sst s13  }
0x3b: {  	s6 =	simm.s32 $0x1;
	s20 =	sadd.s32 s16, s30;
	[smem:$0x7F5] =	sst s15  }
0x3c: {  	s14 =	sadd.s32 s26, s2;
	s26 =	sadd.s32 s4, s30;
	[smem:$0x7F6] =	sst s20  }
0x3d: {  	s17 =	sadd.s32 $0x1200, s19;
	s29 =	sadd.s32 $0x30C0, s0;
	[smem:$0x7F7] =	sst s21  }
0x3e: {  	s19 =	simm.s32 $0x680;
	s2 =	simm.s32 $0x700;
	[smem:$0x7F8] =	sst s22  }
0x3f: {  	s4 =	simm.s32 $0x780;
	s16 =	sadd.s32 $0x94200, s14;
	[smem:$0x7F9] =	sst s23  }
.Ltmp0:
0x40: {  	[smem:$0x7FA] =	sst s29;
	s20 =	simm.s32 $0x800;
	(pc) =	sbr.rel .LBB2_1-.Ltmp0, $4  }
0x41: {  	s21 =	simm.s32 $0x4;
	s23 =	simm.s32 $0x80;
	s15 =	simm.s32 $0x2000  }
0x42: {  	s10 =	simm.s32 $0x600;
	s22 =	simm.s32 $0x3000;
	[smem:$0x7FB] =	sst s26  }
0x43: {  	s7 =	simm.s32 $0x100;
	s8 =	simm.s32 $0x180;
	[smem:$0x7FC] =	sst s24  }
0x44: {  	v0 =	vimm.f32 $0.0e+00;
	v1 =	vimm.f32 $1.000000000e+00;
	s9 =	simm.s32 $0x2;
	s11 =	simm.s32 $0x0;
	[smem:$0x7FD] =	sst s25  }
.LBB2_17:
0x45: {  	s13 =	sadd.s32 $0x30C0, s15;
	[sflag:s21] =	ssyncadd.s32 $0xFFFFF800  }
0x46: {  	[tilespmem:s28], [sflag:$0x4] =	stream.linear.gather [hbm4b:s13+s1], $0x200, $0x38;
	[tilespmem:$0x1D000] =	vst v63  }
0x47: {  	_ =	swait.ge [sflag:s21], $0x200  }
0x48: {  	[sflag:s21] =	ssyncset.done $0x0  }
0x49: {  	[sflag:s21] =	ssyncadd.s32 $0xFFFFFE00  }
0x4a: {  	[spmem:s30] =	stream.indirect.scatter.add.f32 [tilespmem:s20], [sflag:$0x4], $0x10, s1, s23, $0xb8;
	[tilespmem:$0x1D000] =	vst v63  }
0x4b: {  	_ =	swait.ge [sflag:s21], $0x800  }
0x4c: {  	[sflag:s21] =	ssyncset.done $0x0  }
0x4d: {  	[sflag:s21] =	ssyncadd.s32 $0xFFFFF800  }
0x4e: {  	[spmem:s30] =	stream.indirect.scatter.add.f32 [tilespmem:s20], [sflag:$0x4], $0x10, s23, s23, $0xb8;
	[tilespmem:$0x1D000] =	vst v63  }
0x4f: {  	_ =	swait.ge [sflag:s21], $0x800  }
0x50: {  	[sflag:s21] =	ssyncset.done $0x0  }
0x51: {  	[sflag:s21] =	ssyncadd.s32 $0xFFFFF800  }
0x52: {  	[spmem:s30] =	stream.indirect.scatter.add.f32 [tilespmem:s20], [sflag:$0x4], $0x10, s7, s23, $0xb8;
	[tilespmem:$0x1D000] =	vst v63  }
0x53: {  	_ =	swait.ge [sflag:s21], $0x800  }
0x54: {  	[sflag:s21] =	ssyncset.done $0x0  }
0x55: {  	[sflag:s21] =	ssyncadd.s32 $0xFFFFF800  }
0x56: {  	[spmem:s30] =	stream.indirect.scatter.add.f32 [tilespmem:s20], [sflag:$0x4], $0x10, s8, s23, $0xb8;
	[tilespmem:$0x1D000] =	vst v63  }
0x57: {  	_ =	swait.ge [sflag:s21], $0x800  }
0x58: {  	[sflag:s21] =	ssyncset.done $0x0  }
0x59: {  	s25 =	sadd.s32 $0x3100, s15;
	[sflag:s21] =	ssyncadd.s32 $0xFFFFF800  }
0x5a: {  	[tilespmem:s1], [sflag:$0x4] =	stream.linear.gather [hbm4b:s25+s1], $0x200, $0x38;
	[tilespmem:$0x1D000] =	vst v63  }
0x5b: {  	_ =	swait.ge [sflag:s21], $0x200  }
0x5c: {  	[sflag:s21] =	ssyncset.done $0x0  }
0x5d: {  	[sflag:s21] =	ssyncadd.s32 $0xFFFFFE00  }
0x5e: {  	[spmem:s30] =	stream.indirect.scatter.add.f32 [tilespmem:s31], [sflag:$0x4], $0x10, s28, s23, $0xb8;
	[tilespmem:$0x1D000] =	vst v63  }
0x5f: {  	_ =	swait.ge [sflag:s21], $0x800  }
0x60: {  	[sflag:s21] =	ssyncset.done $0x0  }
0x61: {  	[sflag:s21] =	ssyncadd.s32 $0xFFFFF800  }
0x62: {  	[spmem:s30] =	stream.indirect.scatter.add.f32 [tilespmem:s31], [sflag:$0x4], $0x10, s10, s23, $0xb8;
	[tilespmem:$0x1D000] =	vst v63  }
0x63: {  	_ =	swait.ge [sflag:s21], $0x800  }
0x64: {  	[sflag:s21] =	ssyncset.done $0x0  }
0x65: {  	[sflag:s21] =	ssyncadd.s32 $0xFFFFF800  }
0x66: {  	[spmem:s30] =	stream.indirect.scatter.add.f32 [tilespmem:s31], [sflag:$0x4], $0x10, s11, s23, $0xb8;
	[tilespmem:$0x1D000] =	vst v63  }
0x67: {  	_ =	swait.ge [sflag:s21], $0x800  }
0x68: {  	[sflag:s21] =	ssyncset.done $0x0  }
0x69: {  	[sflag:s21] =	ssyncadd.s32 $0xFFFFF800  }
0x6a: {  	[spmem:s30] =	stream.indirect.scatter.add.f32 [tilespmem:s31], [sflag:$0x4], $0x10, s12, s23, $0xb8;
	[tilespmem:$0x1D000] =	vst v63  }
0x6b: {  	_ =	swait.ge [sflag:s21], $0x800  }
0x6c: {  	s29 =	sld [smem:$0x7FA]  }
0x6d: {  	[sflag:s21] =	ssyncset.done $0x0  }
0x6e: {  	[sflag:s21] =	ssyncadd.s32 $0xFFFFF800  }
0x6f: {  	[tilespmem:s28], [sflag:$0x4] =	stream.linear.gather [hbm4b:s29+s1], $0x200, $0x38;
	[tilespmem:$0x1D000] =	vst v63  }
0x70: {  	_ =	swait.ge [sflag:s21], $0x200  }
0x71: {  	[sflag:s21] =	ssyncset.done $0x0  }
0x72: {  	[sflag:s21] =	ssyncadd.s32 $0xFFFFFE00  }
0x73: {  	[spmem:s30] =	stream.indirect.scatter.add.f32 [tilespmem:s20], [sflag:$0x4], $0x10, s1, s23, $0xb8;
	[tilespmem:$0x1D000] =	vst v63  }
0x74: {  	_ =	swait.ge [sflag:s21], $0x800  }
0x75: {  	[sflag:s21] =	ssyncset.done $0x0  }
0x76: {  	[sflag:s21] =	ssyncadd.s32 $0xFFFFF800  }
0x77: {  	[spmem:s30] =	stream.indirect.scatter.add.f32 [tilespmem:s20], [sflag:$0x4], $0x10, s23, s23, $0xb8;
	[tilespmem:$0x1D000] =	vst v63  }
0x78: {  	_ =	swait.ge [sflag:s21], $0x800  }
0x79: {  	[sflag:s21] =	ssyncset.done $0x0  }
0x7a: {  	[sflag:s21] =	ssyncadd.s32 $0xFFFFF800  }
0x7b: {  	[spmem:s30] =	stream.indirect.scatter.add.f32 [tilespmem:s20], [sflag:$0x4], $0x10, s7, s23, $0xb8;
	[tilespmem:$0x1D000] =	vst v63  }
0x7c: {  	_ =	swait.ge [sflag:s21], $0x800  }
0x7d: {  	[sflag:s21] =	ssyncset.done $0x0  }
0x7e: {  	[sflag:s21] =	ssyncadd.s32 $0xFFFFF800  }
0x7f: {  	[spmem:s30] =	stream.indirect.scatter.add.f32 [tilespmem:s20], [sflag:$0x4], $0x10, s8, s23, $0xb8;
	[tilespmem:$0x1D000] =	vst v63  }
0x80: {  	_ =	swait.ge [sflag:s21], $0x800  }
0x81: {  	[sflag:s21] =	ssyncset.done $0x0  }
0x82: {  	[sflag:s21] =	ssyncadd.s32 $0xFFFFF800  }
0x83: {  	[spmem:s30] =	stream.indirect.scatter.add.f32 [tilespmem:s31], [sflag:$0x4], $0x10, s28, s23, $0xb8;
	[tilespmem:$0x1D000] =	vst v63  }
0x84: {  	_ =	swait.ge [sflag:s21], $0x800  }
0x85: {  	[sflag:s21] =	ssyncset.done $0x0  }
0x86: {  	[sflag:s21] =	ssyncadd.s32 $0xFFFFF800  }
0x87: {  	[spmem:s30] =	stream.indirect.scatter.add.f32 [tilespmem:s31], [sflag:$0x4], $0x10, s10, s23, $0xb8;
	[tilespmem:$0x1D000] =	vst v63  }
0x88: {  	_ =	swait.ge [sflag:s21], $0x800  }
0x89: {  	[sflag:s21] =	ssyncset.done $0x0  }
0x8a: {  	[sflag:s21] =	ssyncadd.s32 $0xFFFFF800  }
0x8b: {  	[spmem:s30] =	stream.indirect.scatter.add.f32 [tilespmem:s31], [sflag:$0x4], $0x10, s11, s23, $0xb8;
	[tilespmem:$0x1D000] =	vst v63  }
0x8c: {  	_ =	swait.ge [sflag:s21], $0x800  }
0x8d: {  	[sflag:s21] =	ssyncset.done $0x0  }
0x8e: {  	[sflag:s21] =	ssyncadd.s32 $0xFFFFF800  }
0x8f: {  	[spmem:s30] =	stream.indirect.scatter.add.f32 [tilespmem:s31], [sflag:$0x4], $0x10, s12, s23, $0xb8;
	[tilespmem:$0x1D000] =	vst v63  }
0x90: {  	_ =	swait.ge [sflag:s21], $0x800  }
0x91: {  	[sflag:s21] =	ssyncset.done $0x0  }
0x92: {  	s11 =	sld [smem:$0x7ED];
	[sflag:s21] =	ssyncadd.s32 $0xFFFFF800  }
.LBB2_18:
0x93: {  	[bflag:$0x0] =	sbarrier.arrive $0xFFFF  }
0x94: {  	[tilespmem:s20], [sflag:$0x4] =	stream.linear.gather [spmem:s26], $0x1C00, $0x38;
	[tilespmem:$0x1D000] =	vst v63  }
0x95: {  	_ =	swait.ge [sflag:s21], $0x1C00  }
0x96: {  	[sflag:s21] =	ssyncset.done $0x0;
	s13 =	rddreg [dreg:$0x12]  }
0x97: {  	s24 =	sld [smem:$0x7FC];
	[sflag:s21] =	ssyncadd.s32 $0xFFFFE400  }
0x98: {  	[hbm4b:s13+s1] =	stream.linear.scatter [tilespmem:s20], [sflag:$0x3], $0x1C00, $0x38;
	[tilespmem:$0x1D000] =	vst v63  }
0x99: {  	_ = 	snop  }
0x9a: {  	[tilespmem:s31], [sflag:$0x4] =	stream.linear.gather [spmem:s24], $0x1C00, $0x38;
	[tilespmem:$0x1D000] =	vst v63  }
0x9b: {  	_ =	swait.ge [sflag:s21], $0x1C00  }
0x9c: {  	[sflag:s21] =	ssyncset.done $0x0  }
0x9d: {  	s10 =	rddreg [dreg:$0x13];
	[sflag:s21] =	ssyncadd.s32 $0xFFFFE400  }
0x9e: {  	[hbm4b:s10+s1] =	stream.linear.scatter [tilespmem:s31], [sflag:$0x3], $0x1C00, $0x38;
	[tilespmem:$0x1D000] =	vst v63  }
0x9f: {  	s10 =	simm.s32 $0x3  }
0xa0: {  	_ =	swait.ge [sflag:s10], $0x1C00  }
0xa1: {  	s25 =	sld [smem:$0x7FD]  }
0xa2: {  	[sflag:s10] =	ssyncset.done $0x0  }
0xa3: {  	[sflag:s10] =	ssyncadd.s32 $0xFFFFE400  }
0xa4: {  	[tilespmem:s20], [sflag:$0x4] =	stream.linear.gather [spmem:s25], $0x1C00, $0x38;
	[tilespmem:$0x1D000] =	vst v63  }
0xa5: {  	_ =	swait.ge [sflag:s21], $0x1C00  }
0xa6: {  	[sflag:s21] =	ssyncset.done $0x0  }
0xa7: {  	s12 =	rddreg [dreg:$0x14];
	[sflag:s21] =	ssyncadd.s32 $0xFFFFE400  }
0xa8: {  	[hbm4b:s12+s1] =	stream.linear.scatter [tilespmem:s20], [sflag:$0x3], $0x1C00, $0x38;
	[tilespmem:$0x1D000] =	vst v63  }
0xa9: {  	_ =	swait.ge [sflag:s10], $0x1C00  }
0xaa: {  	s14 =	sld [smem:$0x7EE]  }
0xab: {  	[sflag:s10] =	ssyncset.done $0x0  }
0xac: {  	[sflag:s10] =	ssyncadd.s32 $0xFFFFE400  }
0xad: {  	[tilespmem:s31], [sflag:$0x4] =	stream.linear.gather [spmem:s14], $0x1C00, $0x38;
	[tilespmem:$0x1D000] =	vst v63  }
0xae: {  	_ =	swait.ge [sflag:s21], $0x1C00  }
0xaf: {  	[sflag:s21] =	ssyncset.done $0x0  }
0xb0: {  	s15 =	rddreg [dreg:$0x15];
	[sflag:s21] =	ssyncadd.s32 $0xFFFFE400  }
0xb1: {  	[hbm4b:s15+s1] =	stream.linear.scatter [tilespmem:s31], [sflag:$0x3], $0x1C00, $0x38;
	[tilespmem:$0x1D000] =	vst v63  }
0xb2: {  	_ =	swait.ge [sflag:s10], $0x1C00  }
0xb3: {  	s29 =	sld [smem:$0x7EF]  }
0xb4: {  	[sflag:s10] =	ssyncset.done $0x0  }
0xb5: {  	[sflag:s10] =	ssyncadd.s32 $0xFFFFE400  }
0xb6: {  	[tilespmem:s20], [sflag:$0x4] =	stream.linear.gather [spmem:s29], $0x1C00, $0x38;
	[tilespmem:$0x1D000] =	vst v63  }
0xb7: {  	_ =	swait.ge [sflag:s21], $0x1C00  }
0xb8: {  	[sflag:s21] =	ssyncset.done $0x0  }
0xb9: {  	s12 =	rddreg [dreg:$0x16];
	[sflag:s21] =	ssyncadd.s32 $0xFFFFE400  }
0xba: {  	[hbm4b:s12+s1] =	stream.linear.scatter [tilespmem:s20], [sflag:$0x3], $0x1C00, $0x38;
	[tilespmem:$0x1D000] =	vst v63  }
0xbb: {  	_ =	swait.ge [sflag:s10], $0x1C00  }
0xbc: {  	s14 =	sld [smem:$0x7F0]  }
0xbd: {  	[sflag:s10] =	ssyncset.done $0x0  }
0xbe: {  	[sflag:s10] =	ssyncadd.s32 $0xFFFFE400  }
0xbf: {  	[tilespmem:s31], [sflag:$0x4] =	stream.linear.gather [spmem:s14], $0x1C00, $0x38;
	[tilespmem:$0x1D000] =	vst v63  }
0xc0: {  	_ =	swait.ge [sflag:s21], $0x1C00  }
0xc1: {  	[sflag:s21] =	ssyncset.done $0x0  }
0xc2: {  	s15 =	rddreg [dreg:$0x17];
	[sflag:s21] =	ssyncadd.s32 $0xFFFFE400  }
0xc3: {  	[hbm4b:s15+s1] =	stream.linear.scatter [tilespmem:s31], [sflag:$0x3], $0x1C00, $0x38;
	[tilespmem:$0x1D000] =	vst v63  }
0xc4: {  	_ =	swait.ge [sflag:s10], $0x1C00  }
0xc5: {  	s29 =	sld [smem:$0x7F1]  }
0xc6: {  	[sflag:s10] =	ssyncset.done $0x0  }
0xc7: {  	[sflag:s10] =	ssyncadd.s32 $0xFFFFE400  }
0xc8: {  	[tilespmem:s20], [sflag:$0x4] =	stream.linear.gather [spmem:s29], $0x1C00, $0x38;
	[tilespmem:$0x1D000] =	vst v63  }
0xc9: {  	_ =	swait.ge [sflag:s21], $0x1C00  }
0xca: {  	[sflag:s21] =	ssyncset.done $0x0  }
0xcb: {  	s12 =	rddreg [dreg:$0x18];
	[sflag:s21] =	ssyncadd.s32 $0xFFFFE400  }
0xcc: {  	[hbm4b:s12+s1] =	stream.linear.scatter [tilespmem:s20], [sflag:$0x3], $0x1C00, $0x38;
	[tilespmem:$0x1D000] =	vst v63  }
0xcd: {  	_ =	swait.ge [sflag:s10], $0x1C00  }
0xce: {  	s14 =	sld [smem:$0x7F2]  }
0xcf: {  	[sflag:s10] =	ssyncset.done $0x0  }
0xd0: {  	[sflag:s10] =	ssyncadd.s32 $0xFFFFE400  }
0xd1: {  	[tilespmem:s31], [sflag:$0x4] =	stream.linear.gather [spmem:s14], $0x1C00, $0x38;
	[tilespmem:$0x1D000] =	vst v63  }
0xd2: {  	_ =	swait.ge [sflag:s21], $0x1C00  }
0xd3: {  	[sflag:s21] =	ssyncset.done $0x0  }
0xd4: {  	s15 =	rddreg [dreg:$0x19];
	[sflag:s21] =	ssyncadd.s32 $0xFFFFE400  }
0xd5: {  	[hbm4b:s15+s1] =	stream.linear.scatter [tilespmem:s31], [sflag:$0x3], $0x1C00, $0x38;
	[tilespmem:$0x1D000] =	vst v63  }
0xd6: {  	_ =	swait.ge [sflag:s10], $0x1C00  }
0xd7: {  	s29 =	sld [smem:$0x7F3]  }
0xd8: {  	[sflag:s10] =	ssyncset.done $0x0  }
0xd9: {  	[sflag:s10] =	ssyncadd.s32 $0xFFFFE400  }
0xda: {  	[tilespmem:s20], [sflag:$0x4] =	stream.linear.gather [spmem:s29], $0x1C00, $0x38;
	[tilespmem:$0x1D000] =	vst v63  }
0xdb: {  	_ =	swait.ge [sflag:s21], $0x1C00  }
0xdc: {  	[sflag:s21] =	ssyncset.done $0x0  }
0xdd: {  	s12 =	rddreg [dreg:$0x1a];
	[sflag:s21] =	ssyncadd.s32 $0xFFFFE400  }
0xde: {  	[hbm4b:s12+s1] =	stream.linear.scatter [tilespmem:s20], [sflag:$0x3], $0x1C00, $0x38;
	[tilespmem:$0x1D000] =	vst v63  }
0xdf: {  	_ =	swait.ge [sflag:s10], $0x1C00  }
0xe0: {  	s14 =	sld [smem:$0x7F4]  }
0xe1: {  	[sflag:s10] =	ssyncset.done $0x0  }
0xe2: {  	[sflag:s10] =	ssyncadd.s32 $0xFFFFE400  }
0xe3: {  	[tilespmem:s31], [sflag:$0x4] =	stream.linear.gather [spmem:s14], $0x1C00, $0x38;
	[tilespmem:$0x1D000] =	vst v63  }
0xe4: {  	_ =	swait.ge [sflag:s21], $0x1C00  }
0xe5: {  	[sflag:s21] =	ssyncset.done $0x0  }
0xe6: {  	s15 =	rddreg [dreg:$0x1b];
	[sflag:s21] =	ssyncadd.s32 $0xFFFFE400  }
0xe7: {  	[hbm4b:s15+s1] =	stream.linear.scatter [tilespmem:s31], [sflag:$0x3], $0x1C00, $0x38;
	[tilespmem:$0x1D000] =	vst v63  }
0xe8: {  	_ =	swait.ge [sflag:s10], $0x1C00  }
0xe9: {  	s29 =	sld [smem:$0x7F5]  }
0xea: {  	[sflag:s10] =	ssyncset.done $0x0  }
0xeb: {  	[sflag:s10] =	ssyncadd.s32 $0xFFFFE400  }
0xec: {  	[tilespmem:s20], [sflag:$0x4] =	stream.linear.gather [spmem:s29], $0x1C00, $0x38;
	[tilespmem:$0x1D000] =	vst v63  }
0xed: {  	_ =	swait.ge [sflag:s21], $0x1C00  }
0xee: {  	[sflag:s21] =	ssyncset.done $0x0  }
0xef: {  	s12 =	rddreg [dreg:$0x1c];
	[sflag:s21] =	ssyncadd.s32 $0xFFFFE400  }
0xf0: {  	[hbm4b:s12+s1] =	stream.linear.scatter [tilespmem:s20], [sflag:$0x3], $0x1C00, $0x38;
	[tilespmem:$0x1D000] =	vst v63  }
0xf1: {  	_ =	swait.ge [sflag:s10], $0x1C00  }
0xf2: {  	s14 =	sld [smem:$0x7F6]  }
0xf3: {  	[sflag:s10] =	ssyncset.done $0x0  }
0xf4: {  	[sflag:s10] =	ssyncadd.s32 $0xFFFFE400  }
0xf5: {  	[tilespmem:s31], [sflag:$0x4] =	stream.linear.gather [spmem:s14], $0x1C00, $0x38;
	[tilespmem:$0x1D000] =	vst v63  }
0xf6: {  	_ =	swait.ge [sflag:s21], $0x1C00  }
0xf7: {  	[sflag:s21] =	ssyncset.done $0x0  }
0xf8: {  	s15 =	rddreg [dreg:$0x1d];
	[sflag:s21] =	ssyncadd.s32 $0xFFFFE400  }
0xf9: {  	[hbm4b:s15+s1] =	stream.linear.scatter [tilespmem:s31], [sflag:$0x3], $0x1C00, $0x38;
	[tilespmem:$0x1D000] =	vst v63  }
0xfa: {  	_ =	swait.ge [sflag:s10], $0x1C00  }
0xfb: {  	s29 =	sld [smem:$0x7F7]  }
0xfc: {  	[sflag:s10] =	ssyncset.done $0x0  }
0xfd: {  	[sflag:s10] =	ssyncadd.s32 $0xFFFFE400  }
0xfe: {  	[tilespmem:s20], [sflag:$0x4] =	stream.linear.gather [spmem:s29], $0x1C00, $0x38;
	[tilespmem:$0x1D000] =	vst v63  }
0xff: {  	_ =	swait.ge [sflag:s21], $0x1C00  }
0x100: {  	[sflag:s21] =	ssyncset.done $0x0  }
0x101: {  	s12 =	rddreg [dreg:$0x1e];
	[sflag:s21] =	ssyncadd.s32 $0xFFFFE400  }
0x102: {  	[hbm4b:s12+s1] =	stream.linear.scatter [tilespmem:s20], [sflag:$0x3], $0x1C00, $0x38;
	[tilespmem:$0x1D000] =	vst v63  }
0x103: {  	_ =	swait.ge [sflag:s10], $0x1C00  }
0x104: {  	s14 =	sld [smem:$0x7F8]  }
0x105: {  	[sflag:s10] =	ssyncset.done $0x0  }
0x106: {  	[sflag:s10] =	ssyncadd.s32 $0xFFFFE400  }
0x107: {  	[tilespmem:s31], [sflag:$0x4] =	stream.linear.gather [spmem:s14], $0x1C00, $0x38;
	[tilespmem:$0x1D000] =	vst v63  }
0x108: {  	_ =	swait.ge [sflag:s21], $0x1C00  }
0x109: {  	[sflag:s21] =	ssyncset.done $0x0  }
0x10a: {  	s15 =	rddreg [dreg:$0x1f];
	[sflag:s21] =	ssyncadd.s32 $0xFFFFE400  }
0x10b: {  	[hbm4b:s15+s1] =	stream.linear.scatter [tilespmem:s31], [sflag:$0x3], $0x1C00, $0x38;
	[tilespmem:$0x1D000] =	vst v63  }
0x10c: {  	_ =	swait.ge [sflag:s10], $0x1C00  }
0x10d: {  	[sflag:s10] =	ssyncset.done $0x0  }
0x10e: {  	[sflag:s10] =	ssyncadd.s32 $0xFFFFE400  }
0x10f: {  	_ =	swait.ge [sflag:s10], $0x1C00  }
0x110: {  	s29 =	sld [smem:$0x7F9];
	_ =	sdelay $0x1  }
0x111: {  	s11 =	sadd.s32 $0x1, s11  }
0x112: {  	p1 =	sne.s32 s11, s29  }
.Ltmp1:
0x113: {  	_ = 	snop;
	(pc) =	sbr.rel @!p1 .LBB2_19-.Ltmp1, $3  }
0x114: {  	_ =	sdelay $0x1  }
0x115: {  	[sflag:s10] =	ssyncset.done $0x0  }
0x116: {  	s15 =	simm.s32 $0x2000;
	[sflag:s10] =	ssyncadd.s32 $0xFFFFE400;
	s10 =	simm.s32 $0x600  }
.LBB2_1:
0x117: {  	[smem:$0x7ED] =	sst s11;
	s13 =	simm.s32 $0x40;
	s14 =	simm.s32 $0x0  }
.LBB2_2:
0x118: {  	p1 =	sne.s32 s13, $0x6FC0;
	[tilespmem:s14+$0x800] =	vst v0;
	s14 =	smov.u32 s13;
	s13 =	sadd.s32 $0x40, s13  }
.Ltmp2:
0x119: {  	(pc) =	sbr.rel @p1 .LBB2_2-.Ltmp2, $2  }
0x11a: {  	_ =	sdelay $0x2  }
0x11b: {  	s14 =	sshra.s32 s14, $0x2  }
0x11c: {  	[tilespmem:s14+$0x800] =	vst v0  }
0x11d: {  	[spmem:s26] =	stream.linear.scatter [tilespmem:s20], [sflag:$0x4], $0x1C00, $0x38;
	[tilespmem:$0x1D000] =	vst v63  }
0x11e: {  	_ =	swait.ge [sflag:s21], $0x1C00  }
0x11f: {  	[sflag:s21] =	ssyncset.done $0x0  }
0x120: {  	[sflag:s21] =	ssyncadd.s32 $0xFFFFE400  }
0x121: {  	[spmem:s24] =	stream.linear.scatter [tilespmem:s20], [sflag:$0x4], $0x1C00, $0x38;
	[tilespmem:$0x1D000] =	vst v63  }
0x122: {  	_ =	swait.ge [sflag:s21], $0x1C00  }
0x123: {  	[sflag:s21] =	ssyncset.done $0x0  }
0x124: {  	[sflag:s21] =	ssyncadd.s32 $0xFFFFE400  }
0x125: {  	[spmem:s25] =	stream.linear.scatter [tilespmem:s20], [sflag:$0x4], $0x1C00, $0x38;
	[tilespmem:$0x1D000] =	vst v63  }
0x126: {  	_ =	swait.ge [sflag:s21], $0x1C00  }
0x127: {  	s13 =	sld [smem:$0x7EE]  }
0x128: {  	[sflag:s21] =	ssyncset.done $0x0  }
0x129: {  	[sflag:s21] =	ssyncadd.s32 $0xFFFFE400  }
0x12a: {  	[spmem:s13] =	stream.linear.scatter [tilespmem:s20], [sflag:$0x4], $0x1C00, $0x38;
	[tilespmem:$0x1D000] =	vst v63  }
0x12b: {  	_ =	swait.ge [sflag:s21], $0x1C00  }
0x12c: {  	s26 =	sld [smem:$0x7EF]  }
0x12d: {  	[sflag:s21] =	ssyncset.done $0x0  }
0x12e: {  	[sflag:s21] =	ssyncadd.s32 $0xFFFFE400  }
0x12f: {  	[spmem:s26] =	stream.linear.scatter [tilespmem:s20], [sflag:$0x4], $0x1C00, $0x38;
	[tilespmem:$0x1D000] =	vst v63  }
0x130: {  	_ =	swait.ge [sflag:s21], $0x1C00  }
0x131: {  	s11 =	sld [smem:$0x7F0]  }
0x132: {  	[sflag:s21] =	ssyncset.done $0x0  }
0x133: {  	[sflag:s21] =	ssyncadd.s32 $0xFFFFE400  }
0x134: {  	[spmem:s11] =	stream.linear.scatter [tilespmem:s20], [sflag:$0x4], $0x1C00, $0x38;
	[tilespmem:$0x1D000] =	vst v63  }
0x135: {  	_ =	swait.ge [sflag:s21], $0x1C00  }
0x136: {  	s12 =	sld [smem:$0x7F1]  }
0x137: {  	[sflag:s21] =	ssyncset.done $0x0  }
0x138: {  	[sflag:s21] =	ssyncadd.s32 $0xFFFFE400  }
0x139: {  	[spmem:s12] =	stream.linear.scatter [tilespmem:s20], [sflag:$0x4], $0x1C00, $0x38;
	[tilespmem:$0x1D000] =	vst v63  }
0x13a: {  	_ =	swait.ge [sflag:s21], $0x1C00  }
0x13b: {  	s14 =	sld [smem:$0x7F2]  }
0x13c: {  	[sflag:s21] =	ssyncset.done $0x0  }
0x13d: {  	[sflag:s21] =	ssyncadd.s32 $0xFFFFE400  }
0x13e: {  	[spmem:s14] =	stream.linear.scatter [tilespmem:s20], [sflag:$0x4], $0x1C00, $0x38;
	[tilespmem:$0x1D000] =	vst v63  }
0x13f: {  	_ =	swait.ge [sflag:s21], $0x1C00  }
0x140: {  	s24 =	sld [smem:$0x7F3]  }
0x141: {  	[sflag:s21] =	ssyncset.done $0x0  }
0x142: {  	[sflag:s21] =	ssyncadd.s32 $0xFFFFE400  }
0x143: {  	[spmem:s24] =	stream.linear.scatter [tilespmem:s20], [sflag:$0x4], $0x1C00, $0x38;
	[tilespmem:$0x1D000] =	vst v63  }
0x144: {  	_ =	swait.ge [sflag:s21], $0x1C00  }
0x145: {  	s25 =	sld [smem:$0x7F4]  }
0x146: {  	[sflag:s21] =	ssyncset.done $0x0  }
0x147: {  	[sflag:s21] =	ssyncadd.s32 $0xFFFFE400  }
0x148: {  	[spmem:s25] =	stream.linear.scatter [tilespmem:s20], [sflag:$0x4], $0x1C00, $0x38;
	[tilespmem:$0x1D000] =	vst v63  }
0x149: {  	_ =	swait.ge [sflag:s21], $0x1C00  }
0x14a: {  	s26 =	sld [smem:$0x7F5]  }
0x14b: {  	[sflag:s21] =	ssyncset.done $0x0  }
0x14c: {  	[sflag:s21] =	ssyncadd.s32 $0xFFFFE400  }
0x14d: {  	[spmem:s26] =	stream.linear.scatter [tilespmem:s20], [sflag:$0x4], $0x1C00, $0x38;
	[tilespmem:$0x1D000] =	vst v63  }
0x14e: {  	_ =	swait.ge [sflag:s21], $0x1C00  }
0x14f: {  	s11 =	sld [smem:$0x7F6]  }
0x150: {  	[sflag:s21] =	ssyncset.done $0x0  }
0x151: {  	[sflag:s21] =	ssyncadd.s32 $0xFFFFE400  }
0x152: {  	[spmem:s11] =	stream.linear.scatter [tilespmem:s20], [sflag:$0x4], $0x1C00, $0x38;
	[tilespmem:$0x1D000] =	vst v63  }
0x153: {  	_ =	swait.ge [sflag:s21], $0x1C00  }
0x154: {  	s12 =	sld [smem:$0x7F7]  }
0x155: {  	[sflag:s21] =	ssyncset.done $0x0  }
0x156: {  	[sflag:s21] =	ssyncadd.s32 $0xFFFFE400  }
0x157: {  	[spmem:s12] =	stream.linear.scatter [tilespmem:s20], [sflag:$0x4], $0x1C00, $0x38;
	[tilespmem:$0x1D000] =	vst v63  }
0x158: {  	_ =	swait.ge [sflag:s21], $0x1C00  }
0x159: {  	s14 =	sld [smem:$0x7F8]  }
0x15a: {  	[sflag:s21] =	ssyncset.done $0x0  }
0x15b: {  	[sflag:s21] =	ssyncadd.s32 $0xFFFFE400  }
0x15c: {  	[spmem:s14] =	stream.linear.scatter [tilespmem:s20], [sflag:$0x4], $0x1C00, $0x38;
	[tilespmem:$0x1D000] =	vst v63  }
0x15d: {  	_ =	swait.ge [sflag:s21], $0x1C00  }
0x15e: {  	[sflag:s21] =	ssyncset.done $0x0  }
0x15f: {  	[sflag:s21] =	ssyncadd.s32 $0xFFFFE400  }
0x160: {  	s24 =	simm.s32 $0x0;
	[bflag:$0x0] =	sbarrier.arrive $0xFFFF  }
0x161: {  	[tilespmem:s24], [sflag:$0x4] =	stream.linear.gather [hbm4b:s0+s24], $0x200, $0x38;
	[tilespmem:$0x1D000] =	vst v63  }
0x162: {  	_ =	swait.ge [sflag:s21], $0x200  }
0x163: {  	[sflag:s21] =	ssyncset.done $0x0  }
0x164: {  	s25 =	simm.s32 $0x400;
	[sflag:s21] =	ssyncadd.s32 $0xFFFFFE00  }
0x165: {  	[tilespmem:s25], [sflag:$0x4] =	stream.linear.gather [hbm4b:s16+s24], $0x200, $0x38;
	[tilespmem:$0x1D000] =	vst v63  }
0x166: {  	_ =	swait.ge [sflag:s21], $0x200  }
0x167: {  	[sflag:s21] =	ssyncset.done $0x0  }
0x168: {  	[sflag:s21] =	ssyncadd.s32 $0xFFFFFE00  }
0x169: {  	[tilespmem:s20], [sflag:$0x1] =	stream.indirect.gather [hbm4b:s17+s23], $0x10, s25, s23, $0xb8;
	[tilespmem:$0x1D000] =	vst v63  }
0x16a: {  	s26 =	simm.s32 $0x480;
	s25 =	simm.s32 $0x1000  }
0x16b: {  	[tilespmem:s25], [sflag:$0x1] =	stream.indirect.gather [hbm4b:s17+s23], $0x10, s26, s23, $0xb8;
	[tilespmem:$0x1D000] =	vst v63  }
0x16c: {  	s11 =	simm.s32 $0x500;
	s26 =	simm.s32 $0x1800  }
0x16d: {  	[tilespmem:s26], [sflag:$0x1] =	stream.indirect.gather [hbm4b:s17+s23], $0x10, s11, s23, $0xb8;
	[tilespmem:$0x1D000] =	vst v63  }
0x16e: {  	s12 =	simm.s32 $0x580;
	s14 =	sadd.s32 $0x0, s0  }
0x16f: {  	[tilespmem:s15], [sflag:$0x1] =	stream.indirect.gather [hbm4b:s17+s23], $0x10, s12, s23, $0xb8;
	[tilespmem:$0x1D000] =	vst v63  }
0x170: {  	s13 =	sadd.s32 $0x40, s14  }
0x171: {  	[tilespmem:s28], [sflag:$0x4] =	stream.linear.gather [hbm4b:s13+s1], $0x200, $0x38;
	[tilespmem:$0x1D000] =	vst v63  }
0x172: {  	_ =	swait.ge [sflag:s21], $0x200  }
0x173: {  	s24 =	sadd.s32 $0x0, s16;
	[sflag:s21] =	ssyncset.done $0x0  }
0x174: {  	s13 =	sadd.s32 $0x40, s24;
	[sflag:s21] =	ssyncadd.s32 $0xFFFFFE00  }
0x175: {  	[tilespmem:s10], [sflag:$0x4] =	stream.linear.gather [hbm4b:s13+s1], $0x200, $0x38;
	[tilespmem:$0x1D000] =	vst v63  }
0x176: {  	_ =	swait.ge [sflag:s21], $0x200  }
0x177: {  	[sflag:s21] =	ssyncset.done $0x0  }
0x178: {  	[sflag:s21] =	ssyncadd.s32 $0xFFFFFE00  }
0x179: {  	[tilespmem:s31], [sflag:$0x2] =	stream.indirect.gather [hbm4b:s17+s23], $0x10, s10, s23, $0xb8;
	[tilespmem:$0x1D000] =	vst v63  }
0x17a: {  	_ = 	snop  }
0x17b: {  	[tilespmem:s22], [sflag:$0x2] =	stream.indirect.gather [hbm4b:s17+s23], $0x10, s19, s23, $0xb8;
	[tilespmem:$0x1D000] =	vst v63  }
0x17c: {  	_ = 	snop  }
0x17d: {  	[tilespmem:s3], [sflag:$0x2] =	stream.indirect.gather [hbm4b:s17+s23], $0x10, s2, s23, $0xb8;
	[tilespmem:$0x1D000] =	vst v63  }
0x17e: {  	_ = 	snop  }
0x17f: {  	[tilespmem:s5], [sflag:$0x2] =	stream.indirect.gather [hbm4b:s17+s23], $0x10, s4, s23, $0xb8;
	[tilespmem:$0x1D000] =	vst v63  }
0x180: {  	_ =	swait.ge [sflag:s6], $0x800  }
0x181: {  	[sflag:s6] =	ssyncset.done $0x0  }
0x182: {  	[sflag:s6] =	ssyncadd.s32 $0xFFFFF800  }
0x183: {  	_ =	swait.ge [sflag:s6], $0x800  }
0x184: {  	[sflag:s6] =	ssyncset.done $0x0  }
0x185: {  	[sflag:s6] =	ssyncadd.s32 $0xFFFFF800  }
0x186: {  	_ =	swait.ge [sflag:s6], $0x800  }
0x187: {  	[sflag:s6] =	ssyncset.done $0x0  }
0x188: {  	[sflag:s6] =	ssyncadd.s32 $0xFFFFF800  }
0x189: {  	_ =	swait.ge [sflag:s6], $0x800  }
0x18a: {  	[sflag:s6] =	ssyncset.done $0x0  }
0x18b: {  	[sflag:s6] =	ssyncadd.s32 $0xFFFFF800  }
0x18c: {  	[spmem:s30] =	stream.indirect.scatter.add.f32 [tilespmem:s20], [sflag:$0x4], $0x10, s1, s23, $0xb8;
	[tilespmem:$0x1D000] =	vst v63  }
0x18d: {  	_ =	swait.ge [sflag:s21], $0x800  }
0x18e: {  	[sflag:s21] =	ssyncset.done $0x0  }
0x18f: {  	[sflag:s21] =	ssyncadd.s32 $0xFFFFF800  }
0x190: {  	[spmem:s30] =	stream.indirect.scatter.add.f32 [tilespmem:s25], [sflag:$0x4], $0x10, s23, s23, $0xb8;
	[tilespmem:$0x1D000] =	vst v63  }
0x191: {  	_ =	swait.ge [sflag:s21], $0x800  }
0x192: {  	[sflag:s21] =	ssyncset.done $0x0  }
0x193: {  	[sflag:s21] =	ssyncadd.s32 $0xFFFFF800  }
0x194: {  	[spmem:s30] =	stream.indirect.scatter.add.f32 [tilespmem:s26], [sflag:$0x4], $0x10, s7, s23, $0xb8;
	[tilespmem:$0x1D000] =	vst v63  }
0x195: {  	_ =	swait.ge [sflag:s21], $0x800  }
0x196: {  	[sflag:s21] =	ssyncset.done $0x0  }
0x197: {  	[sflag:s21] =	ssyncadd.s32 $0xFFFFF800  }
0x198: {  	[spmem:s30] =	stream.indirect.scatter.add.f32 [tilespmem:s15], [sflag:$0x4], $0x10, s8, s23, $0xb8;
	[tilespmem:$0x1D000] =	vst v63  }
0x199: {  	p1 =	por $0x0, $0x0;
	_ =	swait.ge [sflag:s21], $0x800  }
0x19a: {  	s14 =	simm.s32 @!p1 $0x4;
	s13 =	sadd.s32 @!p1 $0x0, s0;
	[sflag:s21] =	ssyncset.done $0x0  }
0x19b: {  	s13 =	sadd.s32 @!p1 $0x80, s13;
	s15 =	simm.s32 @!p1 $0x0;
	[sflag:s21] =	ssyncadd.s32 $0xFFFFF800  }
0x19c: {  	[tilespmem:s15], [sflag:$0x4] =	stream.linear.gather @!p1 [hbm4b:s13+s15], $0x200, $0x38;
	[tilespmem:$0x1D000] =	vst v63  }
0x19d: {  	_ =	swait.ge @!p1 [sflag:s14], $0x200  }
0x19e: {  	s13 =	sadd.s32 @!p1 $0x0, s16;
	[sflag:s14] =	ssyncset.done @!p1 $0x0  }
0x19f: {  	s24 =	simm.s32 @!p1 $0x400;
	s13 =	sadd.s32 @!p1 $0x80, s13;
	[sflag:s14] =	ssyncadd.s32 @!p1 $0xFFFFFE00  }
0x1a0: {  	[tilespmem:s24], [sflag:$0x4] =	stream.linear.gather @!p1 [hbm4b:s13+s15], $0x200, $0x38;
	[tilespmem:$0x1D000] =	vst v63  }
0x1a1: {  	_ =	swait.ge @!p1 [sflag:s14], $0x200  }
0x1a2: {  	[sflag:s14] =	ssyncset.done @!p1 $0x0  }
0x1a3: {  	s13 =	simm.s32 @!p1 $0x80;
	[sflag:s14] =	ssyncadd.s32 @!p1 $0xFFFFFE00;
	s14 =	simm.s32 @!p1 $0x800  }
0x1a4: {  	[tilespmem:s14], [sflag:$0x1] =	stream.indirect.gather @!p1 [hbm4b:s17+s13], $0x10, s24, s13, $0xb8;
	[tilespmem:$0x1D000] =	vst v63  }
0x1a5: {  	s15 =	simm.s32 @!p1 $0x1000;
	s14 =	simm.s32 @!p1 $0x480  }
0x1a6: {  	[tilespmem:s15], [sflag:$0x1] =	stream.indirect.gather @!p1 [hbm4b:s17+s13], $0x10, s14, s13, $0xb8;
	[tilespmem:$0x1D000] =	vst v63  }
0x1a7: {  	s14 =	simm.s32 @!p1 $0x500;
	s15 =	simm.s32 @!p1 $0x1800  }
0x1a8: {  	[tilespmem:s15], [sflag:$0x1] =	stream.indirect.gather @!p1 [hbm4b:s17+s13], $0x10, s14, s13, $0xb8;
	[tilespmem:$0x1D000] =	vst v63  }
0x1a9: {  	s14 =	simm.s32 @!p1 $0x580;
	s15 =	simm.s32 @!p1 $0x2000  }
0x1aa: {  	[tilespmem:s15], [sflag:$0x1] =	stream.indirect.gather @!p1 [hbm4b:s17+s13], $0x10, s14, s13, $0xb8;
	[tilespmem:$0x1D000] =	vst v63  }
0x1ab: {  	_ =	swait.ge [sflag:s9], $0x800  }
0x1ac: {  	[sflag:s9] =	ssyncset.done $0x0  }
0x1ad: {  	[sflag:s9] =	ssyncadd.s32 $0xFFFFF800  }
0x1ae: {  	_ =	swait.ge [sflag:s9], $0x800  }
0x1af: {  	[sflag:s9] =	ssyncset.done $0x0  }
0x1b0: {  	[sflag:s9] =	ssyncadd.s32 $0xFFFFF800  }
0x1b1: {  	_ =	swait.ge [sflag:s9], $0x800  }
0x1b2: {  	[sflag:s9] =	ssyncset.done $0x0  }
0x1b3: {  	[sflag:s9] =	ssyncadd.s32 $0xFFFFF800  }
0x1b4: {  	_ =	swait.ge [sflag:s9], $0x800  }
0x1b5: {  	[sflag:s9] =	ssyncset.done $0x0  }
0x1b6: {  	s11 =	simm.s32 $0x200;
	[sflag:s9] =	ssyncadd.s32 $0xFFFFF800  }
0x1b7: {  	[spmem:s30] =	stream.indirect.scatter.add.f32 [tilespmem:s31], [sflag:$0x4], $0x10, s11, s23, $0xb8;
	[tilespmem:$0x1D000] =	vst v63  }
0x1b8: {  	_ =	swait.ge [sflag:s21], $0x800  }
0x1b9: {  	[sflag:s21] =	ssyncset.done $0x0  }
0x1ba: {  	s12 =	simm.s32 $0x280;
	s3 =	simm.s32 $0x3000;
	[sflag:s21] =	ssyncadd.s32 $0xFFFFF800  }
0x1bb: {  	[spmem:s30] =	stream.indirect.scatter.add.f32 [tilespmem:s3], [sflag:$0x4], $0x10, s12, s23, $0xb8;
	[tilespmem:$0x1D000] =	vst v63  }
0x1bc: {  	s29 =	simm.s32 $0x380;
	_ =	swait.ge [sflag:s21], $0x800  }
0x1bd: {  	s28 =	simm.s32 $0x800;
	s10 =	simm.s32 $0x180;
	[sflag:s21] =	ssyncset.done $0x0  }
0x1be: {  	s5 =	simm.s32 $0x3800;
	s12 =	simm.s32 $0x300;
	[sflag:s21] =	ssyncadd.s32 $0xFFFFF800  }
0x1bf: {  	[spmem:s30] =	stream.indirect.scatter.add.f32 [tilespmem:s5], [sflag:$0x4], $0x10, s12, s23, $0xb8;
	[tilespmem:$0x1D000] =	vst v63  }
0x1c0: {  	s22 =	simm.s32 $0x600;
	s19 =	simm.s32 $0x2000;
	_ =	swait.ge [sflag:s21], $0x800  }
0x1c1: {  	s2 =	simm.s32 $0x680;
	s4 =	simm.s32 $0x700;
	[sflag:s21] =	ssyncset.done $0x0  }
0x1c2: {  	s20 =	simm.s32 $0x4000;
	s7 =	simm.s32 $0x780;
	[sflag:s21] =	ssyncadd.s32 $0xFFFFF800  }
0x1c3: {  	[spmem:s30] =	stream.indirect.scatter.add.f32 [tilespmem:s20], [sflag:$0x4], $0x10, s29, s23, $0xb8;
	[tilespmem:$0x1D000] =	vst v63  }
0x1c4: {  	s8 =	simm.s32 $0x100;
	s15 =	simm.s32 $0x80;
	_ =	swait.ge [sflag:s21], $0x800  }
0x1c5: {  	s14 =	simm.s32 $0x100;
	s13 =	sadd.s32 $0x80, s0;
	[sflag:s21] =	ssyncset.done $0x0  }
.LBB2_4:
0x1c6: {  	s24 =	sadd.s32 $0x40, s13  }
0x1c7: {  	[sflag:s21] =	ssyncadd.s32 $0xFFFFF800;
	s13 =	smov.u32 s14;
	s14 =	sadd.s32 $0x80, s14  }
0x1c8: {  	[tilespmem:s11], [sflag:$0x4] =	stream.linear.gather [hbm4b:s24+s1], $0x200, $0x38;
	[tilespmem:$0x1D000] =	vst v63  }
0x1c9: {  	p1 =	sne.s32 s14, $0x3100;
	_ =	swait.ge [sflag:s21], $0x200  }
0x1ca: {  	s24 =	sadd.s32 s15, s16;
	[sflag:s21] =	ssyncset.done $0x0  }
0x1cb: {  	s24 =	sadd.s32 $0x40, s24;
	[sflag:s21] =	ssyncadd.s32 $0xFFFFFE00  }
0x1cc: {  	[tilespmem:s22], [sflag:$0x4] =	stream.linear.gather [hbm4b:s24+s1], $0x200, $0x38;
	[tilespmem:$0x1D000] =	vst v63  }
0x1cd: {  	_ =	swait.ge [sflag:s21], $0x200  }
0x1ce: {  	[sflag:s21] =	ssyncset.done $0x0  }
0x1cf: {  	[sflag:s21] =	ssyncadd.s32 $0xFFFFFE00  }
0x1d0: {  	[tilespmem:s31], [sflag:$0x2] =	stream.indirect.gather [hbm4b:s17+s23], $0x10, s22, s23, $0xb8;
	[tilespmem:$0x1D000] =	vst v63  }
0x1d1: {  	_ = 	snop  }
0x1d2: {  	[tilespmem:s3], [sflag:$0x2] =	stream.indirect.gather [hbm4b:s17+s23], $0x10, s2, s23, $0xb8;
	[tilespmem:$0x1D000] =	vst v63  }
0x1d3: {  	_ = 	snop  }
0x1d4: {  	[tilespmem:s5], [sflag:$0x2] =	stream.indirect.gather [hbm4b:s17+s23], $0x10, s4, s23, $0xb8;
	[tilespmem:$0x1D000] =	vst v63  }
0x1d5: {  	_ = 	snop  }
0x1d6: {  	[tilespmem:s20], [sflag:$0x2] =	stream.indirect.gather [hbm4b:s17+s23], $0x10, s7, s23, $0xb8;
	[tilespmem:$0x1D000] =	vst v63  }
0x1d7: {  	_ =	swait.ge [sflag:s6], $0x800  }
0x1d8: {  	[sflag:s6] =	ssyncset.done $0x0  }
0x1d9: {  	[sflag:s6] =	ssyncadd.s32 $0xFFFFF800  }
0x1da: {  	_ =	swait.ge [sflag:s6], $0x800  }
0x1db: {  	[sflag:s6] =	ssyncset.done $0x0  }
0x1dc: {  	[sflag:s6] =	ssyncadd.s32 $0xFFFFF800  }
0x1dd: {  	_ =	swait.ge [sflag:s6], $0x800  }
0x1de: {  	[sflag:s6] =	ssyncset.done $0x0  }
0x1df: {  	[sflag:s6] =	ssyncadd.s32 $0xFFFFF800  }
0x1e0: {  	_ =	swait.ge [sflag:s6], $0x800  }
0x1e1: {  	[sflag:s6] =	ssyncset.done $0x0  }
0x1e2: {  	[sflag:s6] =	ssyncadd.s32 $0xFFFFF800  }
0x1e3: {  	[spmem:s30] =	stream.indirect.scatter.add.f32 [tilespmem:s28], [sflag:$0x4], $0x10, s1, s23, $0xb8;
	[tilespmem:$0x1D000] =	vst v63  }
0x1e4: {  	_ =	swait.ge [sflag:s21], $0x800  }
0x1e5: {  	[sflag:s21] =	ssyncset.done $0x0  }
0x1e6: {  	[sflag:s21] =	ssyncadd.s32 $0xFFFFF800  }
0x1e7: {  	[spmem:s30] =	stream.indirect.scatter.add.f32 [tilespmem:s25], [sflag:$0x4], $0x10, s23, s23, $0xb8;
	[tilespmem:$0x1D000] =	vst v63  }
0x1e8: {  	_ =	swait.ge [sflag:s21], $0x800  }
0x1e9: {  	[sflag:s21] =	ssyncset.done $0x0  }
0x1ea: {  	[sflag:s21] =	ssyncadd.s32 $0xFFFFF800  }
0x1eb: {  	[spmem:s30] =	stream.indirect.scatter.add.f32 [tilespmem:s26], [sflag:$0x4], $0x10, s8, s23, $0xb8;
	[tilespmem:$0x1D000] =	vst v63  }
0x1ec: {  	_ =	swait.ge [sflag:s21], $0x800  }
0x1ed: {  	[sflag:s21] =	ssyncset.done $0x0  }
0x1ee: {  	[sflag:s21] =	ssyncadd.s32 $0xFFFFF800  }
0x1ef: {  	[spmem:s30] =	stream.indirect.scatter.add.f32 [tilespmem:s19], [sflag:$0x4], $0x10, s10, s23, $0xb8;
	[tilespmem:$0x1D000] =	vst v63  }
0x1f0: {  	p2 =	seq.s32 s15, $0x3080;
	_ =	swait.ge [sflag:s21], $0x800  }
0x1f1: {  	s24 =	sadd.s32 @!p2 s15, s0;
	s25 =	simm.s32 @!p2 $0x4;
	[sflag:s21] =	ssyncset.done $0x0  }
0x1f2: {  	s24 =	sadd.s32 @!p2 $0x80, s24;
	s26 =	simm.s32 @!p2 $0x0;
	[sflag:s21] =	ssyncadd.s32 $0xFFFFF800  }
0x1f3: {  	[tilespmem:s26], [sflag:$0x4] =	stream.linear.gather @!p2 [hbm4b:s24+s26], $0x200, $0x38;
	[tilespmem:$0x1D000] =	vst v63  }
0x1f4: {  	s24 =	sadd.s32 @!p2 s15, s16;
	s15 =	smov.u32 s13;
	_ =	swait.ge @!p2 [sflag:s25], $0x200  }
0x1f5: {  	s13 =	sadd.s32 @!p2 $0x80, s24;
	[sflag:s25] =	ssyncset.done @!p2 $0x0  }
0x1f6: {  	s24 =	simm.s32 @!p2 $0x400;
	[sflag:s25] =	ssyncadd.s32 @!p2 $0xFFFFFE00  }
0x1f7: {  	[tilespmem:s24], [sflag:$0x4] =	stream.linear.gather @!p2 [hbm4b:s13+s26], $0x200, $0x38;
	[tilespmem:$0x1D000] =	vst v63  }
0x1f8: {  	s26 =	simm.s32 $0x1800  }
0x1f9: {  	_ =	swait.ge @!p2 [sflag:s25], $0x200  }
0x1fa: {  	[sflag:s25] =	ssyncset.done @!p2 $0x0  }
0x1fb: {  	s13 =	simm.s32 @!p2 $0x80;
	[sflag:s25] =	ssyncadd.s32 @!p2 $0xFFFFFE00;
	s25 =	simm.s32 @!p2 $0x800  }
0x1fc: {  	[tilespmem:s25], [sflag:$0x1] =	stream.indirect.gather @!p2 [hbm4b:s17+s13], $0x10, s24, s13, $0xb8;
	[tilespmem:$0x1D000] =	vst v63  }
0x1fd: {  	s24 =	simm.s32 @!p2 $0x480;
	s25 =	simm.s32 @!p2 $0x1000  }
0x1fe: {  	[tilespmem:s25], [sflag:$0x1] =	stream.indirect.gather @!p2 [hbm4b:s17+s13], $0x10, s24, s13, $0xb8;
	[tilespmem:$0x1D000] =	vst v63  }
0x1ff: {  	s24 =	simm.s32 @!p2 $0x500;
	s25 =	simm.s32 @!p2 $0x1800  }
0x200: {  	[tilespmem:s25], [sflag:$0x1] =	stream.indirect.gather @!p2 [hbm4b:s17+s13], $0x10, s24, s13, $0xb8;
	[tilespmem:$0x1D000] =	vst v63  }
0x201: {  	s24 =	simm.s32 @!p2 $0x580;
	s25 =	simm.s32 @!p2 $0x2000  }
0x202: {  	[tilespmem:s25], [sflag:$0x1] =	stream.indirect.gather @!p2 [hbm4b:s17+s13], $0x10, s24, s13, $0xb8;
	[tilespmem:$0x1D000] =	vst v63  }
0x203: {  	s25 =	simm.s32 $0x1000  }
0x204: {  	_ =	swait.ge [sflag:s9], $0x800  }
0x205: {  	[sflag:s9] =	ssyncset.done $0x0  }
0x206: {  	[sflag:s9] =	ssyncadd.s32 $0xFFFFF800  }
0x207: {  	_ =	swait.ge [sflag:s9], $0x800  }
0x208: {  	[sflag:s9] =	ssyncset.done $0x0  }
0x209: {  	[sflag:s9] =	ssyncadd.s32 $0xFFFFF800  }
0x20a: {  	_ =	swait.ge [sflag:s9], $0x800  }
0x20b: {  	[sflag:s9] =	ssyncset.done $0x0  }
0x20c: {  	[sflag:s9] =	ssyncadd.s32 $0xFFFFF800  }
0x20d: {  	_ =	swait.ge [sflag:s9], $0x800  }
0x20e: {  	[sflag:s9] =	ssyncset.done $0x0  }
0x20f: {  	[sflag:s9] =	ssyncadd.s32 $0xFFFFF800  }
0x210: {  	[spmem:s30] =	stream.indirect.scatter.add.f32 [tilespmem:s31], [sflag:$0x4], $0x10, s11, s23, $0xb8;
	[tilespmem:$0x1D000] =	vst v63  }
0x211: {  	_ =	swait.ge [sflag:s21], $0x800  }
0x212: {  	[sflag:s21] =	ssyncset.done $0x0  }
0x213: {  	s13 =	simm.s32 $0x280;
	[sflag:s21] =	ssyncadd.s32 $0xFFFFF800  }
0x214: {  	[spmem:s30] =	stream.indirect.scatter.add.f32 [tilespmem:s3], [sflag:$0x4], $0x10, s13, s23, $0xb8;
	[tilespmem:$0x1D000] =	vst v63  }
0x215: {  	_ =	swait.ge [sflag:s21], $0x800  }
0x216: {  	[sflag:s21] =	ssyncset.done $0x0  }
0x217: {  	[sflag:s21] =	ssyncadd.s32 $0xFFFFF800  }
0x218: {  	[spmem:s30] =	stream.indirect.scatter.add.f32 [tilespmem:s5], [sflag:$0x4], $0x10, s12, s23, $0xb8;
	[tilespmem:$0x1D000] =	vst v63  }
0x219: {  	_ =	swait.ge [sflag:s21], $0x800  }
.Ltmp3:
0x21a: {  	[sflag:s21] =	ssyncset.done $0x0;
	(pc) =	sbr.rel @p1 .LBB2_4-.Ltmp3, $4  }
0x21b: {  	[sflag:s21] =	ssyncadd.s32 $0xFFFFF800  }
0x21c: {  	[spmem:s30] =	stream.indirect.scatter.add.f32 [tilespmem:s20], [sflag:$0x4], $0x10, s29, s23, $0xb8;
	[tilespmem:$0x1D000] =	vst v63  }
0x21d: {  	_ =	swait.ge [sflag:s21], $0x800  }
0x21e: {  	s13 =	sadd.s32 s15, s0;
	[sflag:s21] =	ssyncset.done $0x0  }
0x21f: {  	s13 =	sadd.s32 $0x40, s13;
	[sflag:s21] =	ssyncadd.s32 $0xFFFFF800  }
0x220: {  	[tilespmem:s11], [sflag:$0x4] =	stream.linear.gather [hbm4b:s13+s1], $0x200, $0x38;
	[tilespmem:$0x1D000] =	vst v63  }
0x221: {  	_ =	swait.ge [sflag:s21], $0x200  }
0x222: {  	s14 =	sadd.s32 s15, s16;
	[sflag:s21] =	ssyncset.done $0x0  }
0x223: {  	s13 =	sadd.s32 $0x40, s14;
	[sflag:s21] =	ssyncadd.s32 $0xFFFFFE00  }
0x224: {  	[tilespmem:s22], [sflag:$0x4] =	stream.linear.gather [hbm4b:s13+s1], $0x200, $0x38;
	[tilespmem:$0x1D000] =	vst v63  }
0x225: {  	_ =	swait.ge [sflag:s21], $0x200  }
0x226: {  	[sflag:s21] =	ssyncset.done $0x0  }
0x227: {  	[sflag:s21] =	ssyncadd.s32 $0xFFFFFE00  }
0x228: {  	[tilespmem:s31], [sflag:$0x2] =	stream.indirect.gather [hbm4b:s17+s23], $0x10, s22, s23, $0xb8;
	[tilespmem:$0x1D000] =	vst v63  }
0x229: {  	_ = 	snop  }
0x22a: {  	[tilespmem:s3], [sflag:$0x2] =	stream.indirect.gather [hbm4b:s17+s23], $0x10, s2, s23, $0xb8;
	[tilespmem:$0x1D000] =	vst v63  }
0x22b: {  	_ = 	snop  }
0x22c: {  	[tilespmem:s5], [sflag:$0x2] =	stream.indirect.gather [hbm4b:s17+s23], $0x10, s4, s23, $0xb8;
	[tilespmem:$0x1D000] =	vst v63  }
0x22d: {  	_ = 	snop  }
0x22e: {  	[tilespmem:s20], [sflag:$0x2] =	stream.indirect.gather [hbm4b:s17+s23], $0x10, s7, s23, $0xb8;
	[tilespmem:$0x1D000] =	vst v63  }
0x22f: {  	_ =	swait.ge [sflag:s6], $0x800  }
0x230: {  	[sflag:s6] =	ssyncset.done $0x0  }
0x231: {  	[sflag:s6] =	ssyncadd.s32 $0xFFFFF800  }
0x232: {  	_ =	swait.ge [sflag:s6], $0x800  }
0x233: {  	[sflag:s6] =	ssyncset.done $0x0  }
0x234: {  	[sflag:s6] =	ssyncadd.s32 $0xFFFFF800  }
0x235: {  	_ =	swait.ge [sflag:s6], $0x800  }
0x236: {  	[sflag:s6] =	ssyncset.done $0x0  }
0x237: {  	[sflag:s6] =	ssyncadd.s32 $0xFFFFF800  }
0x238: {  	_ =	swait.ge [sflag:s6], $0x800  }
0x239: {  	[sflag:s6] =	ssyncset.done $0x0  }
0x23a: {  	s4 =	simm.s32 $0x800;
	[sflag:s6] =	ssyncadd.s32 $0xFFFFF800  }
0x23b: {  	[spmem:s30] =	stream.indirect.scatter.add.f32 [tilespmem:s4], [sflag:$0x4], $0x10, s1, s23, $0xb8;
	[tilespmem:$0x1D000] =	vst v63  }
0x23c: {  	_ =	swait.ge [sflag:s21], $0x800  }
0x23d: {  	[sflag:s21] =	ssyncset.done $0x0  }
0x23e: {  	[sflag:s21] =	ssyncadd.s32 $0xFFFFF800  }
0x23f: {  	[spmem:s30] =	stream.indirect.scatter.add.f32 [tilespmem:s25], [sflag:$0x4], $0x10, s23, s23, $0xb8;
	[tilespmem:$0x1D000] =	vst v63  }
0x240: {  	_ =	swait.ge [sflag:s21], $0x800  }
0x241: {  	[sflag:s21] =	ssyncset.done $0x0  }
0x242: {  	[sflag:s21] =	ssyncadd.s32 $0xFFFFF800  }
0x243: {  	[spmem:s30] =	stream.indirect.scatter.add.f32 [tilespmem:s26], [sflag:$0x4], $0x10, s8, s23, $0xb8;
	[tilespmem:$0x1D000] =	vst v63  }
0x244: {  	_ =	swait.ge [sflag:s21], $0x800  }
0x245: {  	[sflag:s21] =	ssyncset.done $0x0  }
0x246: {  	[sflag:s21] =	ssyncadd.s32 $0xFFFFF800  }
0x247: {  	[spmem:s30] =	stream.indirect.scatter.add.f32 [tilespmem:s19], [sflag:$0x4], $0x10, s10, s23, $0xb8;
	[tilespmem:$0x1D000] =	vst v63  }
0x248: {  	p1 =	seq.s32 s15, $0x3080;
	_ =	swait.ge [sflag:s21], $0x800  }
0x249: {  	s14 =	simm.s32 @!p1 $0x4;
	s13 =	sadd.s32 @!p1 s15, s0;
	[sflag:s21] =	ssyncset.done $0x0  }
0x24a: {  	s24 =	simm.s32 @!p1 $0x0;
	s13 =	sadd.s32 @!p1 $0x80, s13;
	[sflag:s21] =	ssyncadd.s32 $0xFFFFF800  }
0x24b: {  	[tilespmem:s24], [sflag:$0x4] =	stream.linear.gather @!p1 [hbm4b:s13+s24], $0x200, $0x38;
	[tilespmem:$0x1D000] =	vst v63  }
0x24c: {  	_ =	swait.ge @!p1 [sflag:s14], $0x200  }
0x24d: {  	s13 =	sadd.s32 @!p1 s15, s16;
	[sflag:s14] =	ssyncset.done @!p1 $0x0  }
0x24e: {  	s15 =	simm.s32 @!p1 $0x400;
	s13 =	sadd.s32 @!p1 $0x80, s13;
	[sflag:s14] =	ssyncadd.s32 @!p1 $0xFFFFFE00  }
0x24f: {  	[tilespmem:s15], [sflag:$0x4] =	stream.linear.gather @!p1 [hbm4b:s13+s24], $0x200, $0x38;
	[tilespmem:$0x1D000] =	vst v63  }
0x250: {  	_ =	swait.ge @!p1 [sflag:s14], $0x200  }
0x251: {  	[sflag:s14] =	ssyncset.done @!p1 $0x0  }
0x252: {  	s13 =	simm.s32 @!p1 $0x80;
	[sflag:s14] =	ssyncadd.s32 @!p1 $0xFFFFFE00;
	s14 =	simm.s32 @!p1 $0x800  }
0x253: {  	[tilespmem:s14], [sflag:$0x1] =	stream.indirect.gather @!p1 [hbm4b:s17+s13], $0x10, s15, s13, $0xb8;
	[tilespmem:$0x1D000] =	vst v63  }
0x254: {  	s14 =	simm.s32 @!p1 $0x480;
	s15 =	simm.s32 @!p1 $0x1000  }
0x255: {  	[tilespmem:s15], [sflag:$0x1] =	stream.indirect.gather @!p1 [hbm4b:s17+s13], $0x10, s14, s13, $0xb8;
	[tilespmem:$0x1D000] =	vst v63  }
0x256: {  	s14 =	simm.s32 @!p1 $0x500;
	s15 =	simm.s32 @!p1 $0x1800  }
0x257: {  	[tilespmem:s15], [sflag:$0x1] =	stream.indirect.gather @!p1 [hbm4b:s17+s13], $0x10, s14, s13, $0xb8;
	[tilespmem:$0x1D000] =	vst v63  }
0x258: {  	s14 =	simm.s32 @!p1 $0x580;
	s15 =	simm.s32 @!p1 $0x2000  }
0x259: {  	[tilespmem:s15], [sflag:$0x1] =	stream.indirect.gather @!p1 [hbm4b:s17+s13], $0x10, s14, s13, $0xb8;
	[tilespmem:$0x1D000] =	vst v63  }
0x25a: {  	_ =	swait.ge [sflag:s9], $0x800  }
0x25b: {  	[sflag:s9] =	ssyncset.done $0x0  }
0x25c: {  	[sflag:s9] =	ssyncadd.s32 $0xFFFFF800  }
0x25d: {  	_ =	swait.ge [sflag:s9], $0x800  }
0x25e: {  	[sflag:s9] =	ssyncset.done $0x0  }
0x25f: {  	[sflag:s9] =	ssyncadd.s32 $0xFFFFF800  }
0x260: {  	_ =	swait.ge [sflag:s9], $0x800  }
0x261: {  	[sflag:s9] =	ssyncset.done $0x0  }
0x262: {  	[sflag:s9] =	ssyncadd.s32 $0xFFFFF800  }
0x263: {  	_ =	swait.ge [sflag:s9], $0x800  }
0x264: {  	[sflag:s9] =	ssyncset.done $0x0  }
0x265: {  	[sflag:s9] =	ssyncadd.s32 $0xFFFFF800  }
0x266: {  	[spmem:s30] =	stream.indirect.scatter.add.f32 [tilespmem:s31], [sflag:$0x4], $0x10, s11, s23, $0xb8;
	[tilespmem:$0x1D000] =	vst v63  }
0x267: {  	_ =	swait.ge [sflag:s21], $0x800  }
0x268: {  	[sflag:s21] =	ssyncset.done $0x0  }
0x269: {  	s19 =	simm.s32 $0x280;
	[sflag:s21] =	ssyncadd.s32 $0xFFFFF800  }
0x26a: {  	[spmem:s30] =	stream.indirect.scatter.add.f32 [tilespmem:s3], [sflag:$0x4], $0x10, s19, s23, $0xb8;
	[tilespmem:$0x1D000] =	vst v63  }
0x26b: {  	_ =	swait.ge [sflag:s21], $0x800  }
0x26c: {  	[sflag:s21] =	ssyncset.done $0x0  }
0x26d: {  	[sflag:s21] =	ssyncadd.s32 $0xFFFFF800  }
0x26e: {  	[spmem:s30] =	stream.indirect.scatter.add.f32 [tilespmem:s5], [sflag:$0x4], $0x10, s12, s23, $0xb8;
	[tilespmem:$0x1D000] =	vst v63  }
0x26f: {  	_ =	swait.ge [sflag:s21], $0x800  }
0x270: {  	[sflag:s21] =	ssyncset.done $0x0  }
0x271: {  	[sflag:s21] =	ssyncadd.s32 $0xFFFFF800  }
0x272: {  	[spmem:s30] =	stream.indirect.scatter.add.f32 [tilespmem:s20], [sflag:$0x4], $0x10, s29, s23, $0xb8;
	[tilespmem:$0x1D000] =	vst v63  }
0x273: {  	_ =	swait.ge [sflag:s21], $0x800  }
0x274: {  	[sflag:s21] =	ssyncset.done $0x0  }
0x275: {  	[sflag:s21] =	ssyncadd.s32 $0xFFFFF800  }
0x276: {  	[bflag:$0x0] =	sbarrier.arrive $0xFFFF  }
0x277: {  	s26 =	sld [smem:$0x7FB];
	_ =	sdelay $0x2  }
0x278: {  	[tilespmem:s4], [sflag:$0x4] =	stream.linear.gather [spmem:s26], $0x1C00, $0x38;
	[tilespmem:$0x1D000] =	vst v63  }
0x279: {  	_ =	swait.ge [sflag:s21], $0x1C00  }
0x27a: {  	[sflag:s21] =	ssyncset.done $0x0;
	s22 =	rddreg [dreg:$0x4]  }
0x27b: {  	s14 =	simm.s32 $0x0;
	s15 =	sld [smem:$0x7FC];
	[sflag:s21] =	ssyncadd.s32 $0xFFFFE400  }
0x27c: {  	[hbm4b:s22+s14] =	stream.linear.scatter [tilespmem:s4], [sflag:$0x3], $0x1C00, $0x38;
	[tilespmem:$0x1D000] =	vst v63  }
0x27d: {  	_ = 	snop  }
0x27e: {  	[tilespmem:s31], [sflag:$0x4] =	stream.linear.gather [spmem:s15], $0x1C00, $0x38;
	[tilespmem:$0x1D000] =	vst v63  }
0x27f: {  	_ =	swait.ge [sflag:s21], $0x1C00  }
0x280: {  	[sflag:s21] =	ssyncset.done $0x0  }
0x281: {  	s2 =	simm.s32 $0x3;
	s24 =	rddreg [dreg:$0x5];
	[sflag:s21] =	ssyncadd.s32 $0xFFFFE400  }
0x282: {  	[hbm4b:s24+s14] =	stream.linear.scatter [tilespmem:s31], [sflag:$0x3], $0x1C00, $0x38;
	[tilespmem:$0x1D000] =	vst v63  }
0x283: {  	_ =	swait.ge [sflag:s2], $0x1C00  }
0x284: {  	s24 =	sld [smem:$0x7FD]  }
0x285: {  	[sflag:s2] =	ssyncset.done $0x0  }
0x286: {  	[sflag:s2] =	ssyncadd.s32 $0xFFFFE400  }
0x287: {  	[tilespmem:s4], [sflag:$0x4] =	stream.linear.gather [spmem:s24], $0x1C00, $0x38;
	[tilespmem:$0x1D000] =	vst v63  }
0x288: {  	_ =	swait.ge [sflag:s21], $0x1C00  }
0x289: {  	[sflag:s21] =	ssyncset.done $0x0  }
0x28a: {  	s29 =	rddreg [dreg:$0x6];
	[sflag:s21] =	ssyncadd.s32 $0xFFFFE400  }
0x28b: {  	[hbm4b:s29+s14] =	stream.linear.scatter [tilespmem:s4], [sflag:$0x3], $0x1C00, $0x38;
	[tilespmem:$0x1D000] =	vst v63  }
0x28c: {  	_ =	swait.ge [sflag:s2], $0x1C00  }
0x28d: {  	s3 =	sld [smem:$0x7EE]  }
0x28e: {  	[sflag:s2] =	ssyncset.done $0x0  }
0x28f: {  	[sflag:s2] =	ssyncadd.s32 $0xFFFFE400  }
0x290: {  	[tilespmem:s31], [sflag:$0x4] =	stream.linear.gather [spmem:s3], $0x1C00, $0x38;
	[tilespmem:$0x1D000] =	vst v63  }
0x291: {  	_ =	swait.ge [sflag:s21], $0x1C00  }
0x292: {  	[sflag:s21] =	ssyncset.done $0x0  }
0x293: {  	s5 =	rddreg [dreg:$0x7];
	[sflag:s21] =	ssyncadd.s32 $0xFFFFE400  }
0x294: {  	[hbm4b:s5+s14] =	stream.linear.scatter [tilespmem:s31], [sflag:$0x3], $0x1C00, $0x38;
	[tilespmem:$0x1D000] =	vst v63  }
0x295: {  	_ =	swait.ge [sflag:s2], $0x1C00  }
0x296: {  	s7 =	sld [smem:$0x7EF]  }
0x297: {  	[sflag:s2] =	ssyncset.done $0x0  }
0x298: {  	[sflag:s2] =	ssyncadd.s32 $0xFFFFE400  }
0x299: {  	[tilespmem:s4], [sflag:$0x4] =	stream.linear.gather [spmem:s7], $0x1C00, $0x38;
	[tilespmem:$0x1D000] =	vst v63  }
0x29a: {  	_ =	swait.ge [sflag:s21], $0x1C00  }
0x29b: {  	[sflag:s21] =	ssyncset.done $0x0  }
0x29c: {  	s8 =	rddreg [dreg:$0x8];
	[sflag:s21] =	ssyncadd.s32 $0xFFFFE400  }
0x29d: {  	[hbm4b:s8+s14] =	stream.linear.scatter [tilespmem:s4], [sflag:$0x3], $0x1C00, $0x38;
	[tilespmem:$0x1D000] =	vst v63  }
0x29e: {  	_ =	swait.ge [sflag:s2], $0x1C00  }
0x29f: {  	s10 =	sld [smem:$0x7F0]  }
0x2a0: {  	[sflag:s2] =	ssyncset.done $0x0  }
0x2a1: {  	[sflag:s2] =	ssyncadd.s32 $0xFFFFE400  }
0x2a2: {  	[tilespmem:s31], [sflag:$0x4] =	stream.linear.gather [spmem:s10], $0x1C00, $0x38;
	[tilespmem:$0x1D000] =	vst v63  }
0x2a3: {  	_ =	swait.ge [sflag:s21], $0x1C00  }
0x2a4: {  	[sflag:s21] =	ssyncset.done $0x0  }
0x2a5: {  	s11 =	rddreg [dreg:$0x9];
	[sflag:s21] =	ssyncadd.s32 $0xFFFFE400  }
0x2a6: {  	[hbm4b:s11+s14] =	stream.linear.scatter [tilespmem:s31], [sflag:$0x3], $0x1C00, $0x38;
	[tilespmem:$0x1D000] =	vst v63  }
0x2a7: {  	_ =	swait.ge [sflag:s2], $0x1C00  }
0x2a8: {  	s12 =	sld [smem:$0x7F1]  }
0x2a9: {  	[sflag:s2] =	ssyncset.done $0x0  }
0x2aa: {  	[sflag:s2] =	ssyncadd.s32 $0xFFFFE400  }
0x2ab: {  	[tilespmem:s4], [sflag:$0x4] =	stream.linear.gather [spmem:s12], $0x1C00, $0x38;
	[tilespmem:$0x1D000] =	vst v63  }
0x2ac: {  	_ =	swait.ge [sflag:s21], $0x1C00  }
0x2ad: {  	[sflag:s21] =	ssyncset.done $0x0  }
0x2ae: {  	s19 =	rddreg [dreg:$0xa];
	[sflag:s21] =	ssyncadd.s32 $0xFFFFE400  }
0x2af: {  	[hbm4b:s19+s14] =	stream.linear.scatter [tilespmem:s4], [sflag:$0x3], $0x1C00, $0x38;
	[tilespmem:$0x1D000] =	vst v63  }
0x2b0: {  	_ =	swait.ge [sflag:s2], $0x1C00  }
0x2b1: {  	s20 =	sld [smem:$0x7F2]  }
0x2b2: {  	[sflag:s2] =	ssyncset.done $0x0  }
0x2b3: {  	[sflag:s2] =	ssyncadd.s32 $0xFFFFE400  }
0x2b4: {  	[tilespmem:s31], [sflag:$0x4] =	stream.linear.gather [spmem:s20], $0x1C00, $0x38;
	[tilespmem:$0x1D000] =	vst v63  }
0x2b5: {  	_ =	swait.ge [sflag:s21], $0x1C00  }
0x2b6: {  	[sflag:s21] =	ssyncset.done $0x0  }
0x2b7: {  	s22 =	rddreg [dreg:$0xb];
	[sflag:s21] =	ssyncadd.s32 $0xFFFFE400  }
0x2b8: {  	[hbm4b:s22+s14] =	stream.linear.scatter [tilespmem:s31], [sflag:$0x3], $0x1C00, $0x38;
	[tilespmem:$0x1D000] =	vst v63  }
0x2b9: {  	_ =	swait.ge [sflag:s2], $0x1C00  }
0x2ba: {  	s29 =	sld [smem:$0x7F3]  }
0x2bb: {  	[sflag:s2] =	ssyncset.done $0x0  }
0x2bc: {  	[sflag:s2] =	ssyncadd.s32 $0xFFFFE400  }
0x2bd: {  	[tilespmem:s4], [sflag:$0x4] =	stream.linear.gather [spmem:s29], $0x1C00, $0x38;
	[tilespmem:$0x1D000] =	vst v63  }
0x2be: {  	_ =	swait.ge [sflag:s21], $0x1C00  }
0x2bf: {  	[sflag:s21] =	ssyncset.done $0x0  }
0x2c0: {  	s3 =	rddreg [dreg:$0xc];
	[sflag:s21] =	ssyncadd.s32 $0xFFFFE400  }
0x2c1: {  	[hbm4b:s3+s14] =	stream.linear.scatter [tilespmem:s4], [sflag:$0x3], $0x1C00, $0x38;
	[tilespmem:$0x1D000] =	vst v63  }
0x2c2: {  	_ =	swait.ge [sflag:s2], $0x1C00  }
0x2c3: {  	s5 =	sld [smem:$0x7F4]  }
0x2c4: {  	[sflag:s2] =	ssyncset.done $0x0  }
0x2c5: {  	[sflag:s2] =	ssyncadd.s32 $0xFFFFE400  }
0x2c6: {  	[tilespmem:s31], [sflag:$0x4] =	stream.linear.gather [spmem:s5], $0x1C00, $0x38;
	[tilespmem:$0x1D000] =	vst v63  }
0x2c7: {  	_ =	swait.ge [sflag:s21], $0x1C00  }
0x2c8: {  	[sflag:s21] =	ssyncset.done $0x0  }
0x2c9: {  	s7 =	rddreg [dreg:$0xd];
	[sflag:s21] =	ssyncadd.s32 $0xFFFFE400  }
0x2ca: {  	[hbm4b:s7+s14] =	stream.linear.scatter [tilespmem:s31], [sflag:$0x3], $0x1C00, $0x38;
	[tilespmem:$0x1D000] =	vst v63  }
0x2cb: {  	_ =	swait.ge [sflag:s2], $0x1C00  }
0x2cc: {  	s8 =	sld [smem:$0x7F5]  }
0x2cd: {  	[sflag:s2] =	ssyncset.done $0x0  }
0x2ce: {  	[sflag:s2] =	ssyncadd.s32 $0xFFFFE400  }
0x2cf: {  	[tilespmem:s4], [sflag:$0x4] =	stream.linear.gather [spmem:s8], $0x1C00, $0x38;
	[tilespmem:$0x1D000] =	vst v63  }
0x2d0: {  	_ =	swait.ge [sflag:s21], $0x1C00  }
0x2d1: {  	[sflag:s21] =	ssyncset.done $0x0  }
0x2d2: {  	s10 =	rddreg [dreg:$0xe];
	[sflag:s21] =	ssyncadd.s32 $0xFFFFE400  }
0x2d3: {  	[hbm4b:s10+s14] =	stream.linear.scatter [tilespmem:s4], [sflag:$0x3], $0x1C00, $0x38;
	[tilespmem:$0x1D000] =	vst v63  }
0x2d4: {  	_ =	swait.ge [sflag:s2], $0x1C00  }
0x2d5: {  	s11 =	sld [smem:$0x7F6]  }
0x2d6: {  	[sflag:s2] =	ssyncset.done $0x0  }
0x2d7: {  	[sflag:s2] =	ssyncadd.s32 $0xFFFFE400  }
0x2d8: {  	[tilespmem:s31], [sflag:$0x4] =	stream.linear.gather [spmem:s11], $0x1C00, $0x38;
	[tilespmem:$0x1D000] =	vst v63  }
0x2d9: {  	_ =	swait.ge [sflag:s21], $0x1C00  }
0x2da: {  	[sflag:s21] =	ssyncset.done $0x0  }
0x2db: {  	s12 =	rddreg [dreg:$0xf];
	[sflag:s21] =	ssyncadd.s32 $0xFFFFE400  }
0x2dc: {  	[hbm4b:s12+s14] =	stream.linear.scatter [tilespmem:s31], [sflag:$0x3], $0x1C00, $0x38;
	[tilespmem:$0x1D000] =	vst v63  }
0x2dd: {  	_ =	swait.ge [sflag:s2], $0x1C00  }
0x2de: {  	s19 =	sld [smem:$0x7F7]  }
0x2df: {  	[sflag:s2] =	ssyncset.done $0x0  }
0x2e0: {  	[sflag:s2] =	ssyncadd.s32 $0xFFFFE400  }
0x2e1: {  	[tilespmem:s4], [sflag:$0x4] =	stream.linear.gather [spmem:s19], $0x1C00, $0x38;
	[tilespmem:$0x1D000] =	vst v63  }
0x2e2: {  	_ =	swait.ge [sflag:s21], $0x1C00  }
0x2e3: {  	[sflag:s21] =	ssyncset.done $0x0  }
0x2e4: {  	s20 =	rddreg [dreg:$0x10];
	[sflag:s21] =	ssyncadd.s32 $0xFFFFE400  }
0x2e5: {  	[hbm4b:s20+s14] =	stream.linear.scatter [tilespmem:s4], [sflag:$0x3], $0x1C00, $0x38;
	[tilespmem:$0x1D000] =	vst v63  }
0x2e6: {  	_ =	swait.ge [sflag:s2], $0x1C00  }
0x2e7: {  	s22 =	sld [smem:$0x7F8]  }
0x2e8: {  	[sflag:s2] =	ssyncset.done $0x0  }
0x2e9: {  	[sflag:s2] =	ssyncadd.s32 $0xFFFFE400  }
0x2ea: {  	[tilespmem:s31], [sflag:$0x4] =	stream.linear.gather [spmem:s22], $0x1C00, $0x38;
	[tilespmem:$0x1D000] =	vst v63  }
0x2eb: {  	_ =	swait.ge [sflag:s21], $0x1C00  }
0x2ec: {  	s28 =	simm.s32 $0x200;
	[sflag:s21] =	ssyncset.done $0x0  }
0x2ed: {  	s13 =	simm.s32 $0x40;
	s29 =	rddreg [dreg:$0x11];
	[sflag:s21] =	ssyncadd.s32 $0xFFFFE400  }
0x2ee: {  	[hbm4b:s29+s14] =	stream.linear.scatter [tilespmem:s31], [sflag:$0x3], $0x1C00, $0x38;
	[tilespmem:$0x1D000] =	vst v63  }
0x2ef: {  	s3 =	simm.s32 $0x3800;
	s5 =	simm.s32 $0x4000;
	_ =	swait.ge [sflag:s2], $0x1C00  }
0x2f0: {  	s7 =	simm.s32 $0x100;
	s8 =	simm.s32 $0x180;
	[sflag:s2] =	ssyncset.done $0x0  }
0x2f1: {  	s10 =	simm.s32 $0x280;
	s11 =	simm.s32 $0x300;
	[sflag:s2] =	ssyncadd.s32 $0xFFFFE400  }
0x2f2: {  	s12 =	simm.s32 $0x380;
	s4 =	simm.s32 $0x780;
	_ =	swait.ge [sflag:s2], $0x1C00  }
0x2f3: {  	s20 =	simm.s32 $0x800;
	s22 =	simm.s32 $0x3000;
	[sflag:s2] =	ssyncset.done $0x0  }
0x2f4: {  	s14 =	simm.s32 $0x0;
	[sflag:s2] =	ssyncadd.s32 $0xFFFFE400;
	s2 =	simm.s32 $0x700  }
.LBB2_6:
0x2f5: {  	p1 =	sne.s32 s13, $0x6FC0;
	[tilespmem:s14+$0x800] =	vst v0;
	s14 =	smov.u32 s13;
	s13 =	sadd.s32 $0x40, s13  }
.Ltmp4:
0x2f6: {  	(pc) =	sbr.rel @p1 .LBB2_6-.Ltmp4, $2  }
0x2f7: {  	_ =	sdelay $0x2  }
0x2f8: {  	s14 =	sshra.s32 s14, $0x2  }
0x2f9: {  	[tilespmem:s14+$0x800] =	vst v0  }
0x2fa: {  	[spmem:s26] =	stream.linear.scatter [tilespmem:s20], [sflag:$0x4], $0x1C00, $0x38;
	[tilespmem:$0x1D000] =	vst v63  }
0x2fb: {  	_ =	swait.ge [sflag:s21], $0x1C00  }
0x2fc: {  	[sflag:s21] =	ssyncset.done $0x0  }
0x2fd: {  	[sflag:s21] =	ssyncadd.s32 $0xFFFFE400  }
0x2fe: {  	[spmem:s15] =	stream.linear.scatter [tilespmem:s20], [sflag:$0x4], $0x1C00, $0x38;
	[tilespmem:$0x1D000] =	vst v63  }
0x2ff: {  	_ =	swait.ge [sflag:s21], $0x1C00  }
0x300: {  	[sflag:s21] =	ssyncset.done $0x0  }
0x301: {  	[sflag:s21] =	ssyncadd.s32 $0xFFFFE400  }
0x302: {  	[spmem:s24] =	stream.linear.scatter [tilespmem:s20], [sflag:$0x4], $0x1C00, $0x38;
	[tilespmem:$0x1D000] =	vst v63  }
0x303: {  	_ =	swait.ge [sflag:s21], $0x1C00  }
0x304: {  	s13 =	sld [smem:$0x7EE]  }
0x305: {  	[sflag:s21] =	ssyncset.done $0x0  }
0x306: {  	[sflag:s21] =	ssyncadd.s32 $0xFFFFE400  }
0x307: {  	[spmem:s13] =	stream.linear.scatter [tilespmem:s20], [sflag:$0x4], $0x1C00, $0x38;
	[tilespmem:$0x1D000] =	vst v63  }
0x308: {  	_ =	swait.ge [sflag:s21], $0x1C00  }
0x309: {  	s14 =	sld [smem:$0x7EF]  }
0x30a: {  	[sflag:s21] =	ssyncset.done $0x0  }
0x30b: {  	[sflag:s21] =	ssyncadd.s32 $0xFFFFE400  }
0x30c: {  	[spmem:s14] =	stream.linear.scatter [tilespmem:s20], [sflag:$0x4], $0x1C00, $0x38;
	[tilespmem:$0x1D000] =	vst v63  }
0x30d: {  	_ =	swait.ge [sflag:s21], $0x1C00  }
0x30e: {  	s15 =	sld [smem:$0x7F0]  }
0x30f: {  	[sflag:s21] =	ssyncset.done $0x0  }
0x310: {  	[sflag:s21] =	ssyncadd.s32 $0xFFFFE400  }
0x311: {  	[spmem:s15] =	stream.linear.scatter [tilespmem:s20], [sflag:$0x4], $0x1C00, $0x38;
	[tilespmem:$0x1D000] =	vst v63  }
0x312: {  	_ =	swait.ge [sflag:s21], $0x1C00  }
0x313: {  	s19 =	sld [smem:$0x7F1]  }
0x314: {  	[sflag:s21] =	ssyncset.done $0x0  }
0x315: {  	[sflag:s21] =	ssyncadd.s32 $0xFFFFE400  }
0x316: {  	[spmem:s19] =	stream.linear.scatter [tilespmem:s20], [sflag:$0x4], $0x1C00, $0x38;
	[tilespmem:$0x1D000] =	vst v63  }
0x317: {  	_ =	swait.ge [sflag:s21], $0x1C00  }
0x318: {  	s24 =	sld [smem:$0x7F2]  }
0x319: {  	[sflag:s21] =	ssyncset.done $0x0  }
0x31a: {  	[sflag:s21] =	ssyncadd.s32 $0xFFFFE400  }
0x31b: {  	[spmem:s24] =	stream.linear.scatter [tilespmem:s20], [sflag:$0x4], $0x1C00, $0x38;
	[tilespmem:$0x1D000] =	vst v63  }
0x31c: {  	_ =	swait.ge [sflag:s21], $0x1C00  }
0x31d: {  	s29 =	sld [smem:$0x7F3]  }
0x31e: {  	[sflag:s21] =	ssyncset.done $0x0  }
0x31f: {  	[sflag:s21] =	ssyncadd.s32 $0xFFFFE400  }
0x320: {  	[spmem:s29] =	stream.linear.scatter [tilespmem:s20], [sflag:$0x4], $0x1C00, $0x38;
	[tilespmem:$0x1D000] =	vst v63  }
0x321: {  	_ =	swait.ge [sflag:s21], $0x1C00  }
0x322: {  	s14 =	sld [smem:$0x7F4]  }
0x323: {  	[sflag:s21] =	ssyncset.done $0x0  }
0x324: {  	[sflag:s21] =	ssyncadd.s32 $0xFFFFE400  }
0x325: {  	[spmem:s14] =	stream.linear.scatter [tilespmem:s20], [sflag:$0x4], $0x1C00, $0x38;
	[tilespmem:$0x1D000] =	vst v63  }
0x326: {  	_ =	swait.ge [sflag:s21], $0x1C00  }
0x327: {  	s15 =	sld [smem:$0x7F5]  }
0x328: {  	[sflag:s21] =	ssyncset.done $0x0  }
0x329: {  	[sflag:s21] =	ssyncadd.s32 $0xFFFFE400  }
0x32a: {  	[spmem:s15] =	stream.linear.scatter [tilespmem:s20], [sflag:$0x4], $0x1C00, $0x38;
	[tilespmem:$0x1D000] =	vst v63  }
0x32b: {  	_ =	swait.ge [sflag:s21], $0x1C00  }
0x32c: {  	s19 =	sld [smem:$0x7F6]  }
0x32d: {  	[sflag:s21] =	ssyncset.done $0x0  }
0x32e: {  	[sflag:s21] =	ssyncadd.s32 $0xFFFFE400  }
0x32f: {  	[spmem:s19] =	stream.linear.scatter [tilespmem:s20], [sflag:$0x4], $0x1C00, $0x38;
	[tilespmem:$0x1D000] =	vst v63  }
0x330: {  	_ =	swait.ge [sflag:s21], $0x1C00  }
0x331: {  	s24 =	sld [smem:$0x7F7]  }
0x332: {  	[sflag:s21] =	ssyncset.done $0x0  }
0x333: {  	[sflag:s21] =	ssyncadd.s32 $0xFFFFE400  }
0x334: {  	[spmem:s24] =	stream.linear.scatter [tilespmem:s20], [sflag:$0x4], $0x1C00, $0x38;
	[tilespmem:$0x1D000] =	vst v63  }
0x335: {  	_ =	swait.ge [sflag:s21], $0x1C00  }
0x336: {  	s29 =	sld [smem:$0x7F8]  }
0x337: {  	[sflag:s21] =	ssyncset.done $0x0  }
.Ltmp5:
0x338: {  	[sflag:s21] =	ssyncadd.s32 $0xFFFFE400;
	(pc) =	sbr.rel @p0 .LBB2_11-.Ltmp5, $4  }
0x339: {  	[spmem:s29] =	stream.linear.scatter [tilespmem:s20], [sflag:$0x4], $0x1C00, $0x38;
	[tilespmem:$0x1D000] =	vst v63  }
0x33a: {  	_ =	swait.ge [sflag:s21], $0x1C00  }
0x33b: {  	[sflag:s21] =	ssyncset.done $0x0  }
0x33c: {  	s13 =	simm.s32 $0x0;
	[sflag:s21] =	ssyncadd.s32 $0xFFFFE400  }
0x33d: {  	[bflag:$0x0] =	sbarrier.arrive $0xFFFF  }
0x33e: {  	[tilespmem:s13], [sflag:$0x4] =	stream.linear.gather [hbm4b:s0+s13], $0x200, $0x38;
	[tilespmem:$0x1D000] =	vst v63  }
0x33f: {  	_ =	swait.ge [sflag:s21], $0x200  }
0x340: {  	[sflag:s21] =	ssyncset.done $0x0  }
0x341: {  	s14 =	simm.s32 $0x400;
	[sflag:s21] =	ssyncadd.s32 $0xFFFFFE00  }
0x342: {  	[tilespmem:s14], [sflag:$0x4] =	stream.linear.gather [hbm4b:s16+s13], $0x200, $0x38;
	[tilespmem:$0x1D000] =	vst v63  }
0x343: {  	_ =	swait.ge [sflag:s21], $0x200  }
0x344: {  	[sflag:s21] =	ssyncset.done $0x0  }
0x345: {  	[sflag:s21] =	ssyncadd.s32 $0xFFFFFE00  }
0x346: {  	[tilespmem:s20], [sflag:$0x1] =	stream.indirect.gather [hbm4b:s18+s23], $0x10, s14, s23, $0xb8;
	[tilespmem:$0x1D000] =	vst v63  }
0x347: {  	s8 =	simm.s32 $0x480  }
0x348: {  	[tilespmem:s25], [sflag:$0x1] =	stream.indirect.gather [hbm4b:s18+s23], $0x10, s8, s23, $0xb8;
	[tilespmem:$0x1D000] =	vst v63  }
0x349: {  	s10 =	simm.s32 $0x500;
	s26 =	simm.s32 $0x1800  }
0x34a: {  	[tilespmem:s26], [sflag:$0x1] =	stream.indirect.gather [hbm4b:s18+s23], $0x10, s10, s23, $0xb8;
	[tilespmem:$0x1D000] =	vst v63  }
0x34b: {  	s11 =	simm.s32 $0x580;
	s12 =	simm.s32 $0x2000;
	s15 =	sadd.s32 $0x0, s0  }
0x34c: {  	[tilespmem:s12], [sflag:$0x1] =	stream.indirect.gather [hbm4b:s18+s23], $0x10, s11, s23, $0xb8;
	[tilespmem:$0x1D000] =	vst v63  }
0x34d: {  	s13 =	sadd.s32 $0x40, s15  }
0x34e: {  	[tilespmem:s28], [sflag:$0x4] =	stream.linear.gather [hbm4b:s13+s1], $0x200, $0x38;
	[tilespmem:$0x1D000] =	vst v63  }
0x34f: {  	_ =	swait.ge [sflag:s21], $0x200  }
0x350: {  	s19 =	sadd.s32 $0x0, s16;
	[sflag:s21] =	ssyncset.done $0x0  }
0x351: {  	s4 =	simm.s32 $0x600;
	s13 =	sadd.s32 $0x40, s19;
	[sflag:s21] =	ssyncadd.s32 $0xFFFFFE00  }
0x352: {  	[tilespmem:s4], [sflag:$0x4] =	stream.linear.gather [hbm4b:s13+s1], $0x200, $0x38;
	[tilespmem:$0x1D000] =	vst v63  }
0x353: {  	_ =	swait.ge [sflag:s21], $0x200  }
0x354: {  	[sflag:s21] =	ssyncset.done $0x0  }
0x355: {  	[sflag:s21] =	ssyncadd.s32 $0xFFFFFE00  }
0x356: {  	[tilespmem:s31], [sflag:$0x2] =	stream.indirect.gather [hbm4b:s18+s23], $0x10, s4, s23, $0xb8;
	[tilespmem:$0x1D000] =	vst v63  }
0x357: {  	s2 =	simm.s32 $0x680  }
0x358: {  	[tilespmem:s22], [sflag:$0x2] =	stream.indirect.gather [hbm4b:s18+s23], $0x10, s2, s23, $0xb8;
	[tilespmem:$0x1D000] =	vst v63  }
0x359: {  	s24 =	simm.s32 $0x700  }
0x35a: {  	[tilespmem:s3], [sflag:$0x2] =	stream.indirect.gather [hbm4b:s18+s23], $0x10, s24, s23, $0xb8;
	[tilespmem:$0x1D000] =	vst v63  }
0x35b: {  	s7 =	simm.s32 $0x780  }
0x35c: {  	[tilespmem:s5], [sflag:$0x2] =	stream.indirect.gather [hbm4b:s18+s23], $0x10, s7, s23, $0xb8;
	[tilespmem:$0x1D000] =	vst v63  }
0x35d: {  	_ =	swait.ge [sflag:s6], $0x800  }
0x35e: {  	[sflag:s6] =	ssyncset.done $0x0  }
0x35f: {  	[sflag:s6] =	ssyncadd.s32 $0xFFFFF800  }
0x360: {  	_ =	swait.ge [sflag:s6], $0x800  }
0x361: {  	[sflag:s6] =	ssyncset.done $0x0  }
0x362: {  	[sflag:s6] =	ssyncadd.s32 $0xFFFFF800  }
0x363: {  	_ =	swait.ge [sflag:s6], $0x800  }
0x364: {  	[sflag:s6] =	ssyncset.done $0x0  }
0x365: {  	[sflag:s6] =	ssyncadd.s32 $0xFFFFF800  }
0x366: {  	_ =	swait.ge [sflag:s6], $0x800  }
0x367: {  	[sflag:s6] =	ssyncset.done $0x0  }
0x368: {  	[sflag:s6] =	ssyncadd.s32 $0xFFFFF800  }
0x369: {  	[spmem:s30] =	stream.indirect.scatter.add.f32 [tilespmem:s20], [sflag:$0x4], $0x10, s1, s23, $0xb8;
	[tilespmem:$0x1D000] =	vst v63  }
0x36a: {  	_ =	swait.ge [sflag:s21], $0x800  }
0x36b: {  	[sflag:s21] =	ssyncset.done $0x0  }
0x36c: {  	[sflag:s21] =	ssyncadd.s32 $0xFFFFF800  }
0x36d: {  	[spmem:s30] =	stream.indirect.scatter.add.f32 [tilespmem:s25], [sflag:$0x4], $0x10, s23, s23, $0xb8;
	[tilespmem:$0x1D000] =	vst v63  }
0x36e: {  	_ =	swait.ge [sflag:s21], $0x800  }
0x36f: {  	[sflag:s21] =	ssyncset.done $0x0  }
0x370: {  	s8 =	simm.s32 $0x100;
	[sflag:s21] =	ssyncadd.s32 $0xFFFFF800  }
0x371: {  	[spmem:s30] =	stream.indirect.scatter.add.f32 [tilespmem:s26], [sflag:$0x4], $0x10, s8, s23, $0xb8;
	[tilespmem:$0x1D000] =	vst v63  }
0x372: {  	_ =	swait.ge [sflag:s21], $0x800  }
0x373: {  	[sflag:s21] =	ssyncset.done $0x0  }
0x374: {  	s10 =	simm.s32 $0x180;
	[sflag:s21] =	ssyncadd.s32 $0xFFFFF800  }
0x375: {  	[spmem:s30] =	stream.indirect.scatter.add.f32 [tilespmem:s12], [sflag:$0x4], $0x10, s10, s23, $0xb8;
	[tilespmem:$0x1D000] =	vst v63  }
0x376: {  	p1 =	por $0x0, $0x0;
	_ =	swait.ge [sflag:s21], $0x800  }
0x377: {  	s15 =	simm.s32 @!p1 $0x0;
	s13 =	sadd.s32 @!p1 $0x0, s0;
	[sflag:s21] =	ssyncset.done $0x0  }
0x378: {  	s14 =	simm.s32 @!p1 $0x4;
	s13 =	sadd.s32 @!p1 $0x80, s13;
	[sflag:s21] =	ssyncadd.s32 $0xFFFFF800  }
0x379: {  	[tilespmem:s15], [sflag:$0x4] =	stream.linear.gather @!p1 [hbm4b:s13+s15], $0x200, $0x38;
	[tilespmem:$0x1D000] =	vst v63  }
0x37a: {  	_ =	swait.ge @!p1 [sflag:s14], $0x200  }
0x37b: {  	s13 =	sadd.s32 @!p1 $0x0, s16;
	[sflag:s14] =	ssyncset.done @!p1 $0x0  }
0x37c: {  	s24 =	simm.s32 @!p1 $0x400;
	s13 =	sadd.s32 @!p1 $0x80, s13;
	[sflag:s14] =	ssyncadd.s32 @!p1 $0xFFFFFE00  }
0x37d: {  	[tilespmem:s24], [sflag:$0x4] =	stream.linear.gather @!p1 [hbm4b:s13+s15], $0x200, $0x38;
	[tilespmem:$0x1D000] =	vst v63  }
0x37e: {  	_ =	swait.ge @!p1 [sflag:s14], $0x200  }
0x37f: {  	[sflag:s14] =	ssyncset.done @!p1 $0x0  }
0x380: {  	s13 =	simm.s32 @!p1 $0x80;
	[sflag:s14] =	ssyncadd.s32 @!p1 $0xFFFFFE00;
	s14 =	simm.s32 @!p1 $0x800  }
0x381: {  	[tilespmem:s14], [sflag:$0x1] =	stream.indirect.gather @!p1 [hbm4b:s18+s13], $0x10, s24, s13, $0xb8;
	[tilespmem:$0x1D000] =	vst v63  }
0x382: {  	s15 =	simm.s32 @!p1 $0x1000;
	s14 =	simm.s32 @!p1 $0x480  }
0x383: {  	[tilespmem:s15], [sflag:$0x1] =	stream.indirect.gather @!p1 [hbm4b:s18+s13], $0x10, s14, s13, $0xb8;
	[tilespmem:$0x1D000] =	vst v63  }
0x384: {  	s14 =	simm.s32 @!p1 $0x500;
	s15 =	simm.s32 @!p1 $0x1800  }
0x385: {  	[tilespmem:s15], [sflag:$0x1] =	stream.indirect.gather @!p1 [hbm4b:s18+s13], $0x10, s14, s13, $0xb8;
	[tilespmem:$0x1D000] =	vst v63  }
0x386: {  	s14 =	simm.s32 @!p1 $0x580;
	s15 =	simm.s32 @!p1 $0x2000  }
0x387: {  	[tilespmem:s15], [sflag:$0x1] =	stream.indirect.gather @!p1 [hbm4b:s18+s13], $0x10, s14, s13, $0xb8;
	[tilespmem:$0x1D000] =	vst v63  }
0x388: {  	_ =	swait.ge [sflag:s9], $0x800  }
0x389: {  	[sflag:s9] =	ssyncset.done $0x0  }
0x38a: {  	[sflag:s9] =	ssyncadd.s32 $0xFFFFF800  }
0x38b: {  	_ =	swait.ge [sflag:s9], $0x800  }
0x38c: {  	[sflag:s9] =	ssyncset.done $0x0  }
0x38d: {  	[sflag:s9] =	ssyncadd.s32 $0xFFFFF800  }
0x38e: {  	_ =	swait.ge [sflag:s9], $0x800  }
0x38f: {  	[sflag:s9] =	ssyncset.done $0x0  }
0x390: {  	[sflag:s9] =	ssyncadd.s32 $0xFFFFF800  }
0x391: {  	_ =	swait.ge [sflag:s9], $0x800  }
0x392: {  	[sflag:s9] =	ssyncset.done $0x0  }
0x393: {  	[sflag:s9] =	ssyncadd.s32 $0xFFFFF800  }
0x394: {  	[spmem:s30] =	stream.indirect.scatter.add.f32 [tilespmem:s31], [sflag:$0x4], $0x10, s28, s23, $0xb8;
	[tilespmem:$0x1D000] =	vst v63  }
0x395: {  	_ =	swait.ge [sflag:s21], $0x800  }
0x396: {  	[sflag:s21] =	ssyncset.done $0x0  }
0x397: {  	s11 =	simm.s32 $0x280;
	[sflag:s21] =	ssyncadd.s32 $0xFFFFF800  }
0x398: {  	[spmem:s30] =	stream.indirect.scatter.add.f32 [tilespmem:s22], [sflag:$0x4], $0x10, s11, s23, $0xb8;
	[tilespmem:$0x1D000] =	vst v63  }
0x399: {  	_ =	swait.ge [sflag:s21], $0x800  }
0x39a: {  	[sflag:s21] =	ssyncset.done $0x0  }
0x39b: {  	s12 =	simm.s32 $0x300;
	[sflag:s21] =	ssyncadd.s32 $0xFFFFF800  }
0x39c: {  	[spmem:s30] =	stream.indirect.scatter.add.f32 [tilespmem:s3], [sflag:$0x4], $0x10, s12, s23, $0xb8;
	[tilespmem:$0x1D000] =	vst v63  }
0x39d: {  	_ =	swait.ge [sflag:s21], $0x800  }
0x39e: {  	[sflag:s21] =	ssyncset.done $0x0  }
0x39f: {  	s29 =	simm.s32 $0x380;
	s19 =	simm.s32 $0x2000;
	[sflag:s21] =	ssyncadd.s32 $0xFFFFF800  }
0x3a0: {  	[spmem:s30] =	stream.indirect.scatter.add.f32 [tilespmem:s5], [sflag:$0x4], $0x10, s29, s23, $0xb8;
	[tilespmem:$0x1D000] =	vst v63  }
0x3a1: {  	s2 =	simm.s32 $0x680;
	s15 =	simm.s32 $0x80;
	_ =	swait.ge [sflag:s21], $0x800  }
0x3a2: {  	s14 =	simm.s32 $0x100;
	s13 =	sadd.s32 $0x80, s0;
	[sflag:s21] =	ssyncset.done $0x0  }
.LBB2_9:
0x3a3: {  	s24 =	sadd.s32 $0x40, s13  }
0x3a4: {  	[sflag:s21] =	ssyncadd.s32 $0xFFFFF800;
	s13 =	smov.u32 s14;
	s14 =	sadd.s32 $0x80, s14  }
0x3a5: {  	[tilespmem:s28], [sflag:$0x4] =	stream.linear.gather [hbm4b:s24+s1], $0x200, $0x38;
	[tilespmem:$0x1D000] =	vst v63  }
0x3a6: {  	p1 =	seq.s32 s14, $0x3100;
	_ =	swait.ge [sflag:s21], $0x200  }
0x3a7: {  	s24 =	sadd.s32 s15, s16;
	[sflag:s21] =	ssyncset.done $0x0  }
0x3a8: {  	s24 =	sadd.s32 $0x40, s24;
	[sflag:s21] =	ssyncadd.s32 $0xFFFFFE00  }
0x3a9: {  	[tilespmem:s4], [sflag:$0x4] =	stream.linear.gather [hbm4b:s24+s1], $0x200, $0x38;
	[tilespmem:$0x1D000] =	vst v63  }
0x3aa: {  	_ =	swait.ge [sflag:s21], $0x200  }
0x3ab: {  	[sflag:s21] =	ssyncset.done $0x0  }
0x3ac: {  	[sflag:s21] =	ssyncadd.s32 $0xFFFFFE00  }
0x3ad: {  	[tilespmem:s31], [sflag:$0x2] =	stream.indirect.gather [hbm4b:s18+s23], $0x10, s4, s23, $0xb8;
	[tilespmem:$0x1D000] =	vst v63  }
0x3ae: {  	_ = 	snop  }
0x3af: {  	[tilespmem:s22], [sflag:$0x2] =	stream.indirect.gather [hbm4b:s18+s23], $0x10, s2, s23, $0xb8;
	[tilespmem:$0x1D000] =	vst v63  }
0x3b0: {  	s24 =	simm.s32 $0x700  }
0x3b1: {  	[tilespmem:s3], [sflag:$0x2] =	stream.indirect.gather [hbm4b:s18+s23], $0x10, s24, s23, $0xb8;
	[tilespmem:$0x1D000] =	vst v63  }
0x3b2: {  	_ = 	snop  }
0x3b3: {  	[tilespmem:s5], [sflag:$0x2] =	stream.indirect.gather [hbm4b:s18+s23], $0x10, s7, s23, $0xb8;
	[tilespmem:$0x1D000] =	vst v63  }
0x3b4: {  	_ =	swait.ge [sflag:s6], $0x800  }
0x3b5: {  	[sflag:s6] =	ssyncset.done $0x0  }
0x3b6: {  	[sflag:s6] =	ssyncadd.s32 $0xFFFFF800  }
0x3b7: {  	_ =	swait.ge [sflag:s6], $0x800  }
0x3b8: {  	[sflag:s6] =	ssyncset.done $0x0  }
0x3b9: {  	[sflag:s6] =	ssyncadd.s32 $0xFFFFF800  }
0x3ba: {  	_ =	swait.ge [sflag:s6], $0x800  }
0x3bb: {  	[sflag:s6] =	ssyncset.done $0x0  }
0x3bc: {  	[sflag:s6] =	ssyncadd.s32 $0xFFFFF800  }
0x3bd: {  	_ =	swait.ge [sflag:s6], $0x800  }
0x3be: {  	[sflag:s6] =	ssyncset.done $0x0  }
0x3bf: {  	[sflag:s6] =	ssyncadd.s32 $0xFFFFF800  }
0x3c0: {  	[spmem:s30] =	stream.indirect.scatter.add.f32 [tilespmem:s20], [sflag:$0x4], $0x10, s1, s23, $0xb8;
	[tilespmem:$0x1D000] =	vst v63  }
0x3c1: {  	_ =	swait.ge [sflag:s21], $0x800  }
0x3c2: {  	[sflag:s21] =	ssyncset.done $0x0  }
0x3c3: {  	[sflag:s21] =	ssyncadd.s32 $0xFFFFF800  }
0x3c4: {  	[spmem:s30] =	stream.indirect.scatter.add.f32 [tilespmem:s25], [sflag:$0x4], $0x10, s23, s23, $0xb8;
	[tilespmem:$0x1D000] =	vst v63  }
0x3c5: {  	_ =	swait.ge [sflag:s21], $0x800  }
0x3c6: {  	[sflag:s21] =	ssyncset.done $0x0  }
0x3c7: {  	[sflag:s21] =	ssyncadd.s32 $0xFFFFF800  }
0x3c8: {  	[spmem:s30] =	stream.indirect.scatter.add.f32 [tilespmem:s26], [sflag:$0x4], $0x10, s8, s23, $0xb8;
	[tilespmem:$0x1D000] =	vst v63  }
0x3c9: {  	_ =	swait.ge [sflag:s21], $0x800  }
0x3ca: {  	[sflag:s21] =	ssyncset.done $0x0  }
0x3cb: {  	[sflag:s21] =	ssyncadd.s32 $0xFFFFF800  }
0x3cc: {  	[spmem:s30] =	stream.indirect.scatter.add.f32 [tilespmem:s19], [sflag:$0x4], $0x10, s10, s23, $0xb8;
	[tilespmem:$0x1D000] =	vst v63  }
0x3cd: {  	p2 =	seq.s32 s15, $0x3080;
	_ =	swait.ge [sflag:s21], $0x800  }
0x3ce: {  	s24 =	sadd.s32 @!p2 s15, s0;
	s25 =	simm.s32 @!p2 $0x4;
	[sflag:s21] =	ssyncset.done $0x0  }
0x3cf: {  	s24 =	sadd.s32 @!p2 $0x80, s24;
	s26 =	simm.s32 @!p2 $0x0;
	[sflag:s21] =	ssyncadd.s32 $0xFFFFF800  }
0x3d0: {  	[tilespmem:s26], [sflag:$0x4] =	stream.linear.gather @!p2 [hbm4b:s24+s26], $0x200, $0x38;
	[tilespmem:$0x1D000] =	vst v63  }
0x3d1: {  	s24 =	sadd.s32 @!p2 s15, s16;
	s15 =	smov.u32 s13;
	_ =	swait.ge @!p2 [sflag:s25], $0x200  }
0x3d2: {  	s13 =	sadd.s32 @!p2 $0x80, s24;
	[sflag:s25] =	ssyncset.done @!p2 $0x0  }
0x3d3: {  	s24 =	simm.s32 @!p2 $0x400;
	[sflag:s25] =	ssyncadd.s32 @!p2 $0xFFFFFE00  }
0x3d4: {  	[tilespmem:s24], [sflag:$0x4] =	stream.linear.gather @!p2 [hbm4b:s13+s26], $0x200, $0x38;
	[tilespmem:$0x1D000] =	vst v63  }
0x3d5: {  	s26 =	simm.s32 $0x1800  }
0x3d6: {  	_ =	swait.ge @!p2 [sflag:s25], $0x200  }
0x3d7: {  	[sflag:s25] =	ssyncset.done @!p2 $0x0  }
0x3d8: {  	s13 =	simm.s32 @!p2 $0x80;
	[sflag:s25] =	ssyncadd.s32 @!p2 $0xFFFFFE00;
	s25 =	simm.s32 @!p2 $0x800  }
0x3d9: {  	[tilespmem:s25], [sflag:$0x1] =	stream.indirect.gather @!p2 [hbm4b:s18+s13], $0x10, s24, s13, $0xb8;
	[tilespmem:$0x1D000] =	vst v63  }
0x3da: {  	s24 =	simm.s32 @!p2 $0x480;
	s25 =	simm.s32 @!p2 $0x1000  }
0x3db: {  	[tilespmem:s25], [sflag:$0x1] =	stream.indirect.gather @!p2 [hbm4b:s18+s13], $0x10, s24, s13, $0xb8;
	[tilespmem:$0x1D000] =	vst v63  }
0x3dc: {  	s24 =	simm.s32 @!p2 $0x500;
	s25 =	simm.s32 @!p2 $0x1800  }
0x3dd: {  	[tilespmem:s25], [sflag:$0x1] =	stream.indirect.gather @!p2 [hbm4b:s18+s13], $0x10, s24, s13, $0xb8;
	[tilespmem:$0x1D000] =	vst v63  }
0x3de: {  	s24 =	simm.s32 @!p2 $0x580;
	s25 =	simm.s32 @!p2 $0x2000  }
0x3df: {  	[tilespmem:s25], [sflag:$0x1] =	stream.indirect.gather @!p2 [hbm4b:s18+s13], $0x10, s24, s13, $0xb8;
	[tilespmem:$0x1D000] =	vst v63  }
0x3e0: {  	s25 =	simm.s32 $0x1000  }
0x3e1: {  	_ =	swait.ge [sflag:s9], $0x800  }
0x3e2: {  	[sflag:s9] =	ssyncset.done $0x0  }
0x3e3: {  	[sflag:s9] =	ssyncadd.s32 $0xFFFFF800  }
0x3e4: {  	_ =	swait.ge [sflag:s9], $0x800  }
0x3e5: {  	[sflag:s9] =	ssyncset.done $0x0  }
0x3e6: {  	[sflag:s9] =	ssyncadd.s32 $0xFFFFF800  }
0x3e7: {  	_ =	swait.ge [sflag:s9], $0x800  }
0x3e8: {  	[sflag:s9] =	ssyncset.done $0x0  }
0x3e9: {  	[sflag:s9] =	ssyncadd.s32 $0xFFFFF800  }
0x3ea: {  	_ =	swait.ge [sflag:s9], $0x800  }
0x3eb: {  	[sflag:s9] =	ssyncset.done $0x0  }
0x3ec: {  	[sflag:s9] =	ssyncadd.s32 $0xFFFFF800  }
0x3ed: {  	[spmem:s30] =	stream.indirect.scatter.add.f32 [tilespmem:s31], [sflag:$0x4], $0x10, s28, s23, $0xb8;
	[tilespmem:$0x1D000] =	vst v63  }
0x3ee: {  	_ =	swait.ge [sflag:s21], $0x800  }
0x3ef: {  	[sflag:s21] =	ssyncset.done $0x0  }
0x3f0: {  	[sflag:s21] =	ssyncadd.s32 $0xFFFFF800  }
0x3f1: {  	[spmem:s30] =	stream.indirect.scatter.add.f32 [tilespmem:s22], [sflag:$0x4], $0x10, s11, s23, $0xb8;
	[tilespmem:$0x1D000] =	vst v63  }
0x3f2: {  	_ =	swait.ge [sflag:s21], $0x800  }
0x3f3: {  	[sflag:s21] =	ssyncset.done $0x0  }
0x3f4: {  	[sflag:s21] =	ssyncadd.s32 $0xFFFFF800  }
0x3f5: {  	[spmem:s30] =	stream.indirect.scatter.add.f32 [tilespmem:s3], [sflag:$0x4], $0x10, s12, s23, $0xb8;
	[tilespmem:$0x1D000] =	vst v63  }
0x3f6: {  	_ =	swait.ge [sflag:s21], $0x800  }
.Ltmp6:
0x3f7: {  	[sflag:s21] =	ssyncset.done $0x0;
	(pc) =	sbr.rel @!p1 .LBB2_9-.Ltmp6, $4  }
0x3f8: {  	[sflag:s21] =	ssyncadd.s32 $0xFFFFF800  }
0x3f9: {  	[spmem:s30] =	stream.indirect.scatter.add.f32 [tilespmem:s5], [sflag:$0x4], $0x10, s29, s23, $0xb8;
	[tilespmem:$0x1D000] =	vst v63  }
0x3fa: {  	_ =	swait.ge [sflag:s21], $0x800  }
0x3fb: {  	s13 =	sadd.s32 s15, s0;
	[sflag:s21] =	ssyncset.done $0x0  }
0x3fc: {  	s13 =	sadd.s32 $0x40, s13;
	[sflag:s21] =	ssyncadd.s32 $0xFFFFF800  }
0x3fd: {  	[tilespmem:s28], [sflag:$0x4] =	stream.linear.gather [hbm4b:s13+s1], $0x200, $0x38;
	[tilespmem:$0x1D000] =	vst v63  }
0x3fe: {  	_ =	swait.ge [sflag:s21], $0x200  }
0x3ff: {  	s14 =	sadd.s32 s15, s16;
	[sflag:s21] =	ssyncset.done $0x0  }
0x400: {  	s13 =	sadd.s32 $0x40, s14;
	[sflag:s21] =	ssyncadd.s32 $0xFFFFFE00  }
0x401: {  	[tilespmem:s4], [sflag:$0x4] =	stream.linear.gather [hbm4b:s13+s1], $0x200, $0x38;
	[tilespmem:$0x1D000] =	vst v63  }
0x402: {  	_ =	swait.ge [sflag:s21], $0x200  }
0x403: {  	[sflag:s21] =	ssyncset.done $0x0  }
0x404: {  	[sflag:s21] =	ssyncadd.s32 $0xFFFFFE00  }
0x405: {  	[tilespmem:s31], [sflag:$0x2] =	stream.indirect.gather [hbm4b:s18+s23], $0x10, s4, s23, $0xb8;
	[tilespmem:$0x1D000] =	vst v63  }
0x406: {  	_ = 	snop  }
0x407: {  	[tilespmem:s22], [sflag:$0x2] =	stream.indirect.gather [hbm4b:s18+s23], $0x10, s2, s23, $0xb8;
	[tilespmem:$0x1D000] =	vst v63  }
0x408: {  	s24 =	simm.s32 $0x700  }
0x409: {  	[tilespmem:s3], [sflag:$0x2] =	stream.indirect.gather [hbm4b:s18+s23], $0x10, s24, s23, $0xb8;
	[tilespmem:$0x1D000] =	vst v63  }
0x40a: {  	_ = 	snop  }
0x40b: {  	[tilespmem:s5], [sflag:$0x2] =	stream.indirect.gather [hbm4b:s18+s23], $0x10, s7, s23, $0xb8;
	[tilespmem:$0x1D000] =	vst v63  }
0x40c: {  	_ =	swait.ge [sflag:s6], $0x800  }
0x40d: {  	[sflag:s6] =	ssyncset.done $0x0  }
0x40e: {  	[sflag:s6] =	ssyncadd.s32 $0xFFFFF800  }
0x40f: {  	_ =	swait.ge [sflag:s6], $0x800  }
0x410: {  	[sflag:s6] =	ssyncset.done $0x0  }
0x411: {  	[sflag:s6] =	ssyncadd.s32 $0xFFFFF800  }
0x412: {  	_ =	swait.ge [sflag:s6], $0x800  }
0x413: {  	[sflag:s6] =	ssyncset.done $0x0  }
0x414: {  	[sflag:s6] =	ssyncadd.s32 $0xFFFFF800  }
0x415: {  	_ =	swait.ge [sflag:s6], $0x800  }
0x416: {  	[sflag:s6] =	ssyncset.done $0x0  }
0x417: {  	[sflag:s6] =	ssyncadd.s32 $0xFFFFF800  }
0x418: {  	[spmem:s30] =	stream.indirect.scatter.add.f32 [tilespmem:s20], [sflag:$0x4], $0x10, s1, s23, $0xb8;
	[tilespmem:$0x1D000] =	vst v63  }
0x419: {  	_ =	swait.ge [sflag:s21], $0x800  }
0x41a: {  	[sflag:s21] =	ssyncset.done $0x0  }
0x41b: {  	[sflag:s21] =	ssyncadd.s32 $0xFFFFF800  }
0x41c: {  	[spmem:s30] =	stream.indirect.scatter.add.f32 [tilespmem:s25], [sflag:$0x4], $0x10, s23, s23, $0xb8;
	[tilespmem:$0x1D000] =	vst v63  }
0x41d: {  	_ =	swait.ge [sflag:s21], $0x800  }
0x41e: {  	[sflag:s21] =	ssyncset.done $0x0  }
0x41f: {  	[sflag:s21] =	ssyncadd.s32 $0xFFFFF800  }
0x420: {  	[spmem:s30] =	stream.indirect.scatter.add.f32 [tilespmem:s26], [sflag:$0x4], $0x10, s8, s23, $0xb8;
	[tilespmem:$0x1D000] =	vst v63  }
0x421: {  	_ =	swait.ge [sflag:s21], $0x800  }
0x422: {  	[sflag:s21] =	ssyncset.done $0x0  }
0x423: {  	[sflag:s21] =	ssyncadd.s32 $0xFFFFF800  }
0x424: {  	[spmem:s30] =	stream.indirect.scatter.add.f32 [tilespmem:s19], [sflag:$0x4], $0x10, s10, s23, $0xb8;
	[tilespmem:$0x1D000] =	vst v63  }
0x425: {  	p1 =	seq.s32 s15, $0x3080;
	_ =	swait.ge [sflag:s21], $0x800  }
0x426: {  	s14 =	simm.s32 @!p1 $0x4;
	s13 =	sadd.s32 @!p1 s15, s0;
	[sflag:s21] =	ssyncset.done $0x0  }
0x427: {  	s13 =	sadd.s32 @!p1 $0x80, s13;
	s24 =	simm.s32 @!p1 $0x0;
	[sflag:s21] =	ssyncadd.s32 $0xFFFFF800  }
0x428: {  	[tilespmem:s24], [sflag:$0x4] =	stream.linear.gather @!p1 [hbm4b:s13+s24], $0x200, $0x38;
	[tilespmem:$0x1D000] =	vst v63  }
0x429: {  	_ =	swait.ge @!p1 [sflag:s14], $0x200  }
0x42a: {  	s13 =	sadd.s32 @!p1 s15, s16;
	[sflag:s14] =	ssyncset.done @!p1 $0x0  }
0x42b: {  	s15 =	simm.s32 @!p1 $0x400;
	s13 =	sadd.s32 @!p1 $0x80, s13;
	[sflag:s14] =	ssyncadd.s32 @!p1 $0xFFFFFE00  }
0x42c: {  	[tilespmem:s15], [sflag:$0x4] =	stream.linear.gather @!p1 [hbm4b:s13+s24], $0x200, $0x38;
	[tilespmem:$0x1D000] =	vst v63  }
0x42d: {  	_ =	swait.ge @!p1 [sflag:s14], $0x200  }
0x42e: {  	[sflag:s14] =	ssyncset.done @!p1 $0x0  }
0x42f: {  	s13 =	simm.s32 @!p1 $0x80;
	[sflag:s14] =	ssyncadd.s32 @!p1 $0xFFFFFE00;
	s14 =	simm.s32 @!p1 $0x800  }
0x430: {  	[tilespmem:s14], [sflag:$0x1] =	stream.indirect.gather @!p1 [hbm4b:s18+s13], $0x10, s15, s13, $0xb8;
	[tilespmem:$0x1D000] =	vst v63  }
0x431: {  	s14 =	simm.s32 @!p1 $0x480;
	s15 =	simm.s32 @!p1 $0x1000  }
0x432: {  	[tilespmem:s15], [sflag:$0x1] =	stream.indirect.gather @!p1 [hbm4b:s18+s13], $0x10, s14, s13, $0xb8;
	[tilespmem:$0x1D000] =	vst v63  }
0x433: {  	s14 =	simm.s32 @!p1 $0x500;
	s15 =	simm.s32 @!p1 $0x1800  }
0x434: {  	[tilespmem:s15], [sflag:$0x1] =	stream.indirect.gather @!p1 [hbm4b:s18+s13], $0x10, s14, s13, $0xb8;
	[tilespmem:$0x1D000] =	vst v63  }
0x435: {  	s14 =	simm.s32 @!p1 $0x580;
	s15 =	simm.s32 @!p1 $0x2000  }
0x436: {  	[tilespmem:s15], [sflag:$0x1] =	stream.indirect.gather @!p1 [hbm4b:s18+s13], $0x10, s14, s13, $0xb8;
	[tilespmem:$0x1D000] =	vst v63  }
0x437: {  	_ =	swait.ge [sflag:s9], $0x800  }
0x438: {  	[sflag:s9] =	ssyncset.done $0x0  }
0x439: {  	[sflag:s9] =	ssyncadd.s32 $0xFFFFF800  }
0x43a: {  	_ =	swait.ge [sflag:s9], $0x800  }
0x43b: {  	[sflag:s9] =	ssyncset.done $0x0  }
0x43c: {  	[sflag:s9] =	ssyncadd.s32 $0xFFFFF800  }
0x43d: {  	_ =	swait.ge [sflag:s9], $0x800  }
0x43e: {  	[sflag:s9] =	ssyncset.done $0x0  }
0x43f: {  	[sflag:s9] =	ssyncadd.s32 $0xFFFFF800  }
0x440: {  	_ =	swait.ge [sflag:s9], $0x800  }
0x441: {  	[sflag:s9] =	ssyncset.done $0x0  }
0x442: {  	[sflag:s9] =	ssyncadd.s32 $0xFFFFF800  }
0x443: {  	[spmem:s30] =	stream.indirect.scatter.add.f32 [tilespmem:s31], [sflag:$0x4], $0x10, s28, s23, $0xb8;
	[tilespmem:$0x1D000] =	vst v63  }
0x444: {  	_ =	swait.ge [sflag:s21], $0x800  }
0x445: {  	[sflag:s21] =	ssyncset.done $0x0  }
0x446: {  	[sflag:s21] =	ssyncadd.s32 $0xFFFFF800  }
0x447: {  	[spmem:s30] =	stream.indirect.scatter.add.f32 [tilespmem:s22], [sflag:$0x4], $0x10, s11, s23, $0xb8;
	[tilespmem:$0x1D000] =	vst v63  }
0x448: {  	_ =	swait.ge [sflag:s21], $0x800  }
0x449: {  	[sflag:s21] =	ssyncset.done $0x0  }
0x44a: {  	[sflag:s21] =	ssyncadd.s32 $0xFFFFF800  }
0x44b: {  	[spmem:s30] =	stream.indirect.scatter.add.f32 [tilespmem:s3], [sflag:$0x4], $0x10, s12, s23, $0xb8;
	[tilespmem:$0x1D000] =	vst v63  }
0x44c: {  	_ =	swait.ge [sflag:s21], $0x800  }
0x44d: {  	[sflag:s21] =	ssyncset.done $0x0  }
.Ltmp7:
0x44e: {  	s4 =	simm.s32 $0x780;
	[sflag:s21] =	ssyncadd.s32 $0xFFFFF800;
	(pc) =	sbr.rel .LBB2_18-.Ltmp7, $4  }
0x44f: {  	[spmem:s30] =	stream.indirect.scatter.add.f32 [tilespmem:s5], [sflag:$0x4], $0x10, s29, s23, $0xb8;
	[tilespmem:$0x1D000] =	vst v63  }
0x450: {  	s2 =	simm.s32 $0x700;
	s7 =	simm.s32 $0x100;
	_ =	swait.ge [sflag:s21], $0x800  }
0x451: {  	s8 =	simm.s32 $0x180;
	[sflag:s21] =	ssyncset.done $0x0;
	s26 =	sld [smem:$0x7FB]  }
0x452: {  	s19 =	simm.s32 $0x680;
	s11 =	sld [smem:$0x7ED];
	[sflag:s21] =	ssyncadd.s32 $0xFFFFF800  }
.LBB2_11:
0x453: {  	s13 =	simm.s32 $0x40;
	s14 =	simm.s32 $0x0;
	s19 =	simm.s32 $0x680  }
.LBB2_12:
0x454: {  	p1 =	sne.s32 s13, $0x1FC0;
	[tilespmem:s14+$0x800] =	vst v1;
	s14 =	smov.u32 s13;
	s13 =	sadd.s32 $0x40, s13  }
.Ltmp8:
0x455: {  	(pc) =	sbr.rel @p1 .LBB2_12-.Ltmp8, $2  }
0x456: {  	_ =	sdelay $0x2  }
0x457: {  	s14 =	sshra.s32 s14, $0x2  }
0x458: {  	[tilespmem:s14+$0x800] =	vst v1;
	s13 =	simm.s32 $0x40;
	s14 =	simm.s32 $0x0  }
.LBB2_14:
0x459: {  	p1 =	sne.s32 s13, $0x1FC0;
	[tilespmem:s14+$0x2800] =	vst v1;
	s14 =	smov.u32 s13;
	s13 =	sadd.s32 $0x40, s13  }
.Ltmp9:
0x45a: {  	(pc) =	sbr.rel @p1 .LBB2_14-.Ltmp9, $2  }
0x45b: {  	_ =	sdelay $0x2  }
0x45c: {  	s14 =	sshra.s32 s14, $0x2  }
0x45d: {  	[tilespmem:s14+$0x2800] =	vst v1  }
0x45e: {  	[bflag:$0x0] =	sbarrier.arrive $0xFFFF  }
0x45f: {  	[tilespmem:s1], [sflag:$0x4] =	stream.linear.gather [hbm4b:s0+s1], $0x200, $0x38;
	[tilespmem:$0x1D000] =	vst v63  }
0x460: {  	_ =	swait.ge [sflag:s21], $0x200  }
0x461: {  	s13 =	sadd.s32 $0xFFFFCF80, s0;
	[sflag:s21] =	ssyncset.done $0x0  }
0x462: {  	s29 =	sadd.s32 $0x30C0, s13;
	[sflag:s21] =	ssyncadd.s32 $0xFFFFFE00  }
0x463: {  	[tilespmem:s28], [sflag:$0x4] =	stream.linear.gather [hbm4b:s29+s1], $0x200, $0x38;
	[tilespmem:$0x1D000] =	vst v63  }
0x464: {  	_ =	swait.ge [sflag:s21], $0x200  }
0x465: {  	[sflag:s21] =	ssyncset.done $0x0  }
0x466: {  	[sflag:s21] =	ssyncadd.s32 $0xFFFFFE00  }
0x467: {  	[spmem:s30] =	stream.indirect.scatter.add.f32 [tilespmem:s20], [sflag:$0x4], $0x10, s1, s23, $0xb8;
	[tilespmem:$0x1D000] =	vst v63  }
0x468: {  	_ =	swait.ge [sflag:s21], $0x800  }
0x469: {  	[sflag:s21] =	ssyncset.done $0x0  }
0x46a: {  	[sflag:s21] =	ssyncadd.s32 $0xFFFFF800  }
0x46b: {  	[spmem:s30] =	stream.indirect.scatter.add.f32 [tilespmem:s20], [sflag:$0x4], $0x10, s23, s23, $0xb8;
	[tilespmem:$0x1D000] =	vst v63  }
0x46c: {  	_ =	swait.ge [sflag:s21], $0x800  }
0x46d: {  	[sflag:s21] =	ssyncset.done $0x0  }
0x46e: {  	[sflag:s21] =	ssyncadd.s32 $0xFFFFF800  }
0x46f: {  	[spmem:s30] =	stream.indirect.scatter.add.f32 [tilespmem:s20], [sflag:$0x4], $0x10, s7, s23, $0xb8;
	[tilespmem:$0x1D000] =	vst v63  }
0x470: {  	_ =	swait.ge [sflag:s21], $0x800  }
0x471: {  	[sflag:s21] =	ssyncset.done $0x0  }
0x472: {  	[sflag:s21] =	ssyncadd.s32 $0xFFFFF800  }
0x473: {  	[spmem:s30] =	stream.indirect.scatter.add.f32 [tilespmem:s20], [sflag:$0x4], $0x10, s8, s23, $0xb8;
	[tilespmem:$0x1D000] =	vst v63  }
0x474: {  	_ =	swait.ge [sflag:s21], $0x800  }
0x475: {  	[sflag:s21] =	ssyncset.done $0x0  }
0x476: {  	s13 =	sadd.s32 $0x3100, s13;
	[sflag:s21] =	ssyncadd.s32 $0xFFFFF800  }
0x477: {  	[tilespmem:s1], [sflag:$0x4] =	stream.linear.gather [hbm4b:s13+s1], $0x200, $0x38;
	[tilespmem:$0x1D000] =	vst v63  }
0x478: {  	_ =	swait.ge [sflag:s21], $0x200  }
0x479: {  	[sflag:s21] =	ssyncset.done $0x0  }
0x47a: {  	[sflag:s21] =	ssyncadd.s32 $0xFFFFFE00  }
0x47b: {  	[spmem:s30] =	stream.indirect.scatter.add.f32 [tilespmem:s31], [sflag:$0x4], $0x10, s28, s23, $0xb8;
	[tilespmem:$0x1D000] =	vst v63  }
0x47c: {  	_ =	swait.ge [sflag:s21], $0x800  }
0x47d: {  	[sflag:s21] =	ssyncset.done $0x0  }
0x47e: {  	[sflag:s21] =	ssyncadd.s32 $0xFFFFF800  }
0x47f: {  	[spmem:s30] =	stream.indirect.scatter.add.f32 [tilespmem:s31], [sflag:$0x4], $0x10, s10, s23, $0xb8;
	[tilespmem:$0x1D000] =	vst v63  }
0x480: {  	_ =	swait.ge [sflag:s21], $0x800  }
0x481: {  	[sflag:s21] =	ssyncset.done $0x0  }
0x482: {  	[sflag:s21] =	ssyncadd.s32 $0xFFFFF800  }
0x483: {  	[spmem:s30] =	stream.indirect.scatter.add.f32 [tilespmem:s31], [sflag:$0x4], $0x10, s11, s23, $0xb8;
	[tilespmem:$0x1D000] =	vst v63  }
0x484: {  	_ =	swait.ge [sflag:s21], $0x800  }
0x485: {  	[sflag:s21] =	ssyncset.done $0x0  }
0x486: {  	[sflag:s21] =	ssyncadd.s32 $0xFFFFF800  }
0x487: {  	[spmem:s30] =	stream.indirect.scatter.add.f32 [tilespmem:s31], [sflag:$0x4], $0x10, s12, s23, $0xb8;
	[tilespmem:$0x1D000] =	vst v63  }
0x488: {  	_ =	swait.ge [sflag:s21], $0x800  }
0x489: {  	s15 =	sadd.s32 $0xFFFFD000, s0;
	s13 =	simm.s32 $0xFFFFD080;
	[sflag:s21] =	ssyncset.done $0x0  }
.LBB2_16:
0x48a: {  	s25 =	sadd.s32 $0x30C0, s15  }
0x48b: {  	[sflag:s21] =	ssyncadd.s32 $0xFFFFF800;
	s14 =	smov.u32 s13;
	s24 =	sadd.s32 $0x80, s13  }
0x48c: {  	[tilespmem:s28], [sflag:$0x4] =	stream.linear.gather [hbm4b:s25+s1], $0x200, $0x38;
	[tilespmem:$0x1D000] =	vst v63  }
0x48d: {  	p1 =	sne.s32 s13, $0xFFFFFF80;
	_ =	swait.ge [sflag:s21], $0x200  }
0x48e: {  	[sflag:s21] =	ssyncset.done $0x0  }
0x48f: {  	[sflag:s21] =	ssyncadd.s32 $0xFFFFFE00  }
0x490: {  	[spmem:s30] =	stream.indirect.scatter.add.f32 [tilespmem:s20], [sflag:$0x4], $0x10, s1, s23, $0xb8;
	[tilespmem:$0x1D000] =	vst v63  }
0x491: {  	_ =	swait.ge [sflag:s21], $0x800  }
0x492: {  	[sflag:s21] =	ssyncset.done $0x0  }
0x493: {  	[sflag:s21] =	ssyncadd.s32 $0xFFFFF800  }
0x494: {  	[spmem:s30] =	stream.indirect.scatter.add.f32 [tilespmem:s20], [sflag:$0x4], $0x10, s23, s23, $0xb8;
	[tilespmem:$0x1D000] =	vst v63  }
0x495: {  	_ =	swait.ge [sflag:s21], $0x800  }
0x496: {  	[sflag:s21] =	ssyncset.done $0x0  }
0x497: {  	[sflag:s21] =	ssyncadd.s32 $0xFFFFF800  }
0x498: {  	[spmem:s30] =	stream.indirect.scatter.add.f32 [tilespmem:s20], [sflag:$0x4], $0x10, s7, s23, $0xb8;
	[tilespmem:$0x1D000] =	vst v63  }
0x499: {  	_ =	swait.ge [sflag:s21], $0x800  }
0x49a: {  	[sflag:s21] =	ssyncset.done $0x0  }
0x49b: {  	[sflag:s21] =	ssyncadd.s32 $0xFFFFF800  }
0x49c: {  	[spmem:s30] =	stream.indirect.scatter.add.f32 [tilespmem:s20], [sflag:$0x4], $0x10, s8, s23, $0xb8;
	[tilespmem:$0x1D000] =	vst v63  }
0x49d: {  	_ =	swait.ge [sflag:s21], $0x800  }
0x49e: {  	[sflag:s21] =	ssyncset.done $0x0  }
0x49f: {  	s13 =	sadd.s32 $0x3100, s15;
	[sflag:s21] =	ssyncadd.s32 $0xFFFFF800  }
0x4a0: {  	[tilespmem:s1], [sflag:$0x4] =	stream.linear.gather [hbm4b:s13+s1], $0x200, $0x38;
	[tilespmem:$0x1D000] =	vst v63  }
0x4a1: {  	_ =	swait.ge [sflag:s21], $0x200  }
0x4a2: {  	[sflag:s21] =	ssyncset.done $0x0  }
0x4a3: {  	[sflag:s21] =	ssyncadd.s32 $0xFFFFFE00  }
0x4a4: {  	[spmem:s30] =	stream.indirect.scatter.add.f32 [tilespmem:s31], [sflag:$0x4], $0x10, s28, s23, $0xb8;
	[tilespmem:$0x1D000] =	vst v63  }
0x4a5: {  	_ =	swait.ge [sflag:s21], $0x800  }
0x4a6: {  	[sflag:s21] =	ssyncset.done $0x0  }
0x4a7: {  	[sflag:s21] =	ssyncadd.s32 $0xFFFFF800  }
0x4a8: {  	[spmem:s30] =	stream.indirect.scatter.add.f32 [tilespmem:s31], [sflag:$0x4], $0x10, s10, s23, $0xb8;
	[tilespmem:$0x1D000] =	vst v63  }
0x4a9: {  	_ =	swait.ge [sflag:s21], $0x800  }
0x4aa: {  	[sflag:s21] =	ssyncset.done $0x0  }
0x4ab: {  	[sflag:s21] =	ssyncadd.s32 $0xFFFFF800  }
0x4ac: {  	[spmem:s30] =	stream.indirect.scatter.add.f32 [tilespmem:s31], [sflag:$0x4], $0x10, s11, s23, $0xb8;
	[tilespmem:$0x1D000] =	vst v63  }
0x4ad: {  	_ =	swait.ge [sflag:s21], $0x800  }
.Ltmp10:
0x4ae: {  	[sflag:s21] =	ssyncset.done $0x0;
	(pc) =	sbr.rel @p1 .LBB2_16-.Ltmp10, $4  }
0x4af: {  	[sflag:s21] =	ssyncadd.s32 $0xFFFFF800  }
0x4b0: {  	[spmem:s30] =	stream.indirect.scatter.add.f32 [tilespmem:s31], [sflag:$0x4], $0x10, s12, s23, $0xb8;
	[tilespmem:$0x1D000] =	vst v63  }
0x4b1: {  	_ =	swait.ge [sflag:s21], $0x800  }
0x4b2: {  	s15 =	sadd.s32 s14, s0;
	s13 =	smov.u32 s24;
	[sflag:s21] =	ssyncset.done $0x0  }
.Ltmp11:
0x4b3: {  	_ = 	snop;
	(pc) =	sbr.rel .LBB2_17-.Ltmp11, $1  }
0x4b4: {  	_ =	sdelay $0x3  }
.LBB2_19:
0x4b5: {  	_ =	sfence.sel $0x180000  }
0x4b6: {  	[bflag:$0x0] =	sbarrier.arrive $0xFFFF  }
0x4b7: {  	_ =	strace $0x90000047  }
0x4b8: {  	s0 =	stileid.u32;
	[bflag:$0x2] =	sbarrier.arrive $0xFFFF  }
0x4b9: {  	p0 =	sne.s32 s0, $0x0;
	s0 =	rddreg [dreg:$0x3]  }
0x4ba: {  	s0 =	sadd.s32 @!p0 $0x100000, s0  }
0x4bb: {  	[sflag:s0] =	ssyncadd.tile.s32 @!p0 $0x1;
	_ =	shalt  }
.Lfunc_end2:
_tile_overlayer_lowered:
.L_overlay_start_2:
0x4bc: {  	(tag) =	ssettag $0x2  }
0x4bd: {  	s0 =	rddreg [dreg:$0x0];
	s2 =	stileid.u32  }
0x4be: {  	s1 =	rddreg [dreg:$0x1];
	p0 =	sne.s32 s2, $0x0  }
0x4bf: {  	s3 =	rddreg [dreg:$0x2];
	[bflag:$0x3] =	sbarrier.arrive $0xFFFF;
	s2 =	simm.s32 @!p0 $0x1C04  }
0x4c0: {  	[timem:s3], [sflag:s2] =	dma.local @!p0 [hbm:s0], s1  }
0x4c1: {  	s0 =	simm.s32 @!p0 $0x4  }
0x4c2: {  	_ =	swait.ge @!p0 [sflag:s0], s1  }
0x4c3: {  	s1 =	ssub.s32 @!p0 $0x0, s1;
	[sflag:s0] =	ssyncset.done @!p0 $0x0  }
0x4c4: {  	[sflag:s0] =	ssyncadd.s32 @!p0 s1  }
0x4c5: {  	[bflag:$0x3] =	sbarrier.arrive $0xFFFF  }
0x4c6: {  	_ =	shalt  }

</sc_bundles>
